<compile_context>
chip_gen: v7x
topology: tpu7x:2x2x1
jax: 0.10.2.dev20260603
libtpu: 0.0.44.dev20260713+nightly
codegen_flags: <defaults>
</compile_context>

<pallas_src>
import functools

import jax
import jax.numpy as jnp
from jax import lax
from jax.experimental import pallas as pl
from jax.experimental.pallas import tpu as pltpu
from jax.experimental.pallas import tpu_sc as plsc

_B, _N, _S, _K, _C = 4, 8192, 2048, 32, 64
_SB = 256
_SE = 256
_GB = 2048
_R = _B * _S
_BN = _B * _N
_RW = _N + 128
_DEPTH = 32
_OW = 48
_NWORK = 32
_RPW = _R // _NWORK


def _f2key(x):
    b = lax.bitcast_convert_type(x, jnp.int32)
    return b ^ ((b >> 31) & jnp.int32(0x7FFFFFFF))


def _gpre_body(x_ref, f_ref, w3_ref, w64_ref, b0_ref, g_ref):
    g = jax.lax.dot_general(x_ref[...], w3_ref[...], (((1,), (0,)), ((), ())),
                            preferred_element_type=jnp.float32)
    g += jax.lax.dot_general(f_ref[...], w64_ref[...], (((1,), (0,)), ((), ())),
                             preferred_element_type=jnp.float32)
    g_ref[:, 0:64] = g + b0_ref[...]
    g_ref[:, 64:128] = jnp.zeros((_GB, 64), jnp.float32)


def _dist_sel_body(q_ref, p_ref, w3_ref, out_ref, qp_ref):
    q = q_ref[...]
    p = p_ref[0]
    qn = jnp.sum(q * q, axis=-1)[:, None]
    pn = jnp.sum(p * p, axis=-1)[None, :]
    d = qn + pn - 2.0 * jax.lax.dot_general(
        q, p, (((1,), (1,)), ((), ())), preferred_element_type=jnp.float32)
    out_ref[:, 0:_N] = _f2key(d)
    t = jnp.min(d[:, 0:256], axis=-1)
    for g in range(1, 32):
        t = jnp.maximum(t, jnp.min(d[:, g * 256:(g + 1) * 256], axis=-1))
    tk = _f2key(t)[:, None]
    out_ref[:, _N:_N + 16] = jnp.broadcast_to(tk, (_SB, 16))
    out_ref[:, _N + 16:_RW] = jnp.zeros((_SB, _RW - _N - 16), jnp.int32)
    qp_ref[...] = jax.lax.dot_general(
        q, w3_ref[...], (((1,), (0,)), ((), ())),
        preferred_element_type=jnp.float32)


def _merge_step(lok, lov, hik, hiv, sk, sv):
    r = lax.rev(sk, (0,))
    rv = lax.rev(sv, (0,))
    c1 = hik <= r
    l1k = jnp.where(c1, hik, r)
    l1v = jnp.where(c1, hiv, rv)
    h1k, h1v = plsc.sort_key_val(l1k, l1v)
    rh = lax.rev(h1k, (0,))
    rhv = lax.rev(h1v, (0,))
    c2 = lok <= rh
    l2k = jnp.where(c2, lok, rh)
    l2v = jnp.where(c2, lov, rhv)
    u2k = jnp.where(c2, rh, lok)
    u2v = jnp.where(c2, rhv, lov)
    lok2, lov2 = plsc.sort_key_val(l2k, l2v)
    hik2, hiv2 = plsc.sort_key_val(u2k, u2v)
    return lok2, lov2, hik2, hiv2


def _select_body(du_hbm, g_hbm, gg_hbm, rb, ckey, cidx, oidx, rv,
                 rsem0, rsem1, gsem0, gsem1, osem0, osem1):
    wid = lax.axis_index("s") * 2 + lax.axis_index("c")
    maxsplat = jnp.full((16,), jnp.int32(0x7FFFFFFF))
    lane = lax.broadcasted_iota(jnp.int32, (16,), 0)
    dump = 2048 + lane
    rsems = (rsem0, rsem1)
    gsems = (gsem0, gsem1)
    osems = (osem0, osem1)

    def _pre(v, _):
        ckey[pl.ds(v * 16, 16)] = maxsplat
        return 0
    lax.fori_loop(0, (2048 + 16) // 16, _pre, 0)

    row0 = wid * _RPW
    pltpu.async_copy(du_hbm.at[row0], rb.at[pl.ds(0, _RW)], rsem0)

    def _one_row(jj, p):
        q = 1 - p
        j = jj * 2 + p
        base = row0 + j
        bofs = (base >> 11) << 13
        rbo = p * _RW
        glane = lane + bofs

        pltpu.make_async_copy(du_hbm.at[base], rb.at[pl.ds(rbo, _RW)],
                              rsems[p]).wait()
        bnext = jnp.minimum(base + 1, _R - 1)
        pltpu.async_copy(du_hbm.at[bnext], rb.at[pl.ds(q * _RW, _RW)],
                         rsems[q])
        t16 = rb[pl.ds(rbo + _N, 16)]

        @plsc.parallel_loop(
            0, _N // 64, unroll=2,
            carry=tuple(jnp.full((16,), u * 512, jnp.int32) for u in range(4)))
        def _scan(i, cnts):
            ncnts = []
            for u in range(4):
                off = i * 64 + u * 16
                cnt16 = cnts[u]
                d = rb[pl.ds(rbo + off, 16)]
                mask = d <= t16
                dest = jnp.where(mask, cnt16 | lane, dump)
                plsc.store_scatter(ckey, [dest], d)
                plsc.store_scatter(cidx, [dest], off + glane)
                ncnts.append(cnt16 + jnp.where(mask, 16, 0))
            return tuple(ncnts)
        cnt_end = _scan

        carry = (maxsplat, lane, maxsplat, lane)
        for u in range(4):
            nv = ((jnp.max(cnt_end[u]) - u * 512) >> 4) + 1

            def _mrg(v, c, _u=u):
                sk, sv = plsc.sort_key_val(ckey[pl.ds(_u * 512 + v * 16, 16)],
                                           cidx[pl.ds(_u * 512 + v * 16, 16)])
                ckey[pl.ds(_u * 512 + v * 16, 16)] = maxsplat
                return _merge_step(*c, sk, sv)
            carry = lax.fori_loop(0, nv, _mrg, carry)
        lok, lov, hik, hiv = carry

        oidx[pl.ds(p * _OW, 16)] = lov
        oidx[pl.ds(p * _OW + 16, 16)] = hiv

        def _flush_prev():
            pltpu.make_async_copy(g_hbm.at[oidx.at[pl.ds(q * _OW, _K)]],
                                  rv.at[pl.ds(q * _K, _K)], gsems[q]).wait()
            pltpu.async_copy(rv.at[pl.ds(q * _K, _K)],
                             gg_hbm.at[pl.ds((base - 1) * _K, _K)], osems[q])

        def _wait_own():
            pltpu.make_async_copy(rv.at[pl.ds(p * _K, _K)],
                                  gg_hbm.at[pl.ds(0, _K)], osems[p]).wait()

        if p == 0:
            @pl.when(jj >= 1)
            def _():
                _flush_prev()
                _wait_own()
        else:
            _flush_prev()

            @pl.when(jj >= 1)
            def _():
                _wait_own()

        pltpu.async_copy(g_hbm.at[oidx.at[pl.ds(p * _OW, _K)]],
                         rv.at[pl.ds(p * _K, _K)], gsems[p])

    def _pair(jj, _):
        _one_row(jj, 0)
        _one_row(jj, 1)
        return 0
    lax.fori_loop(0, _RPW // 2, _pair, 0)

    last = row0 + _RPW - 1
    pltpu.make_async_copy(g_hbm.at[oidx.at[pl.ds(_OW, _K)]],
                          rv.at[pl.ds(_K, _K)], gsem1).wait()
    pltpu.async_copy(rv.at[pl.ds(_K, _K)],
                     gg_hbm.at[pl.ds(last * _K, _K)], osem1)
    pltpu.make_async_copy(rv.at[pl.ds(0, _K)],
                          gg_hbm.at[pl.ds(0, _K)], osem0).wait()
    pltpu.make_async_copy(rv.at[pl.ds(_K, _K)],
                          gg_hbm.at[pl.ds(0, _K)], osem1).wait()
    pltpu.make_async_copy(du_hbm.at[last], rb.at[pl.ds(0, _RW)],
                          rsems[0]).wait()


def _mlp_body(gg_ref, qp_ref, w1_ref, b1_ref, w2_ref, b2_ref,
              v0_ref, c0_ref, out_ref):
    x = gg_ref[:, 0:64].reshape(_SE, _K, 64) - qp_ref[...][:, None, :]
    h = jnp.maximum(x.reshape(_SE * _K, 64), 0.0)
    h = jnp.maximum(
        jax.lax.dot_general(h, w1_ref[...], (((1,), (0,)), ((), ())),
                            preferred_element_type=jnp.float32) + b1_ref[...], 0.0)
    h = jnp.maximum(
        jax.lax.dot_general(h, w2_ref[...], (((1,), (0,)), ((), ())),
                            preferred_element_type=jnp.float32) + b2_ref[...], 0.0)
    m = jnp.max(h.reshape(_SE, _K, 128), axis=1)
    o = jnp.maximum(
        jax.lax.dot_general(m, v0_ref[...], (((1,), (0,)), ((), ())),
                            preferred_element_type=jnp.float32) + c0_ref[...], 0.0)
    out_ref[...] = o


def kernel(xyz, feature, sample_idx, W0, b0, W1, b1, W2, b2, V0, c0):
    si = sample_idx.astype(jnp.int32)
    new_xyz = jnp.take_along_axis(xyz, si[:, :, None], axis=1)
    w3 = W0[:, :3].T
    w64 = W0[:, 3:].T

    wspec = lambda shape: pl.BlockSpec(shape, lambda i: (0,) * len(shape))

    g = pl.pallas_call(
        _gpre_body,
        grid=(_BN // _GB,),
        in_specs=[
            pl.BlockSpec((_GB, 3), lambda i: (i, 0)),
            pl.BlockSpec((_GB, _C), lambda i: (i, 0)),
            wspec((3, 64)), wspec((_C, 64)), wspec((1, 64)),
        ],
        out_specs=pl.BlockSpec((_GB, 128), lambda i: (i, 0)),
        out_shape=jax.ShapeDtypeStruct((_BN, 128), jnp.float32),
    )(xyz.reshape(_BN, 3), feature.reshape(_BN, _C), w3, w64, b0[None, :])

    du, qproj = pl.pallas_call(
        _dist_sel_body,
        grid=(_R // _SB,),
        in_specs=[
            pl.BlockSpec((_SB, 3), lambda i: (i, 0)),
            pl.BlockSpec((1, _N, 3), lambda i: (i // (_S // _SB), 0, 0)),
            wspec((3, 64)),
        ],
        out_specs=[
            pl.BlockSpec((_SB, _RW), lambda i: (i, 0)),
            pl.BlockSpec((_SB, 64), lambda i: (i, 0)),
        ],
        out_shape=[
            jax.ShapeDtypeStruct((_R, _RW), jnp.int32),
            jax.ShapeDtypeStruct((_R, 64), jnp.float32),
        ],
    )(new_xyz.reshape(_R, 3), xyz, w3)

    select = functools.partial(
        pl.kernel,
        out_type=jax.ShapeDtypeStruct((_R * _K, 128), jnp.float32),
        mesh=plsc.VectorSubcoreMesh(core_axis_name="c", subcore_axis_name="s"),
        compiler_params=pltpu.CompilerParams(needs_layout_passes=False),
        scratch_types=[
            pltpu.VMEM((2 * _RW,), jnp.int32),
            pltpu.VMEM((2048 + 16,), jnp.int32),
            pltpu.VMEM((2048 + 16,), jnp.int32),
            pltpu.VMEM((2 * _OW,), jnp.int32),
            pltpu.VMEM((2 * _K, 128), jnp.float32),
            pltpu.SemaphoreType.DMA,
            pltpu.SemaphoreType.DMA,
            pltpu.SemaphoreType.DMA,
            pltpu.SemaphoreType.DMA,
            pltpu.SemaphoreType.DMA,
            pltpu.SemaphoreType.DMA,
        ],
    )(_select_body)
    gg = select(du, g)

    new_feature = pl.pallas_call(
        _mlp_body,
        grid=(_R // _SE,),
        in_specs=[
            pl.BlockSpec((_SE * _K, 128), lambda i: (i, 0)),
            pl.BlockSpec((_SE, 64), lambda i: (i, 0)),
            wspec((64, 64)), wspec((1, 64)),
            wspec((64, 128)), wspec((1, 128)),
            wspec((128, 128)), wspec((1, 128)),
        ],
        out_specs=pl.BlockSpec((_SE, 128), lambda i: (i, 0)),
        out_shape=jax.ShapeDtypeStruct((_R, 128), jnp.float32),
    )(gg, qproj, W1.T, b1[None, :], W2.T, b2[None, :], V0.T, c0[None, :])

    return (new_xyz, new_feature.reshape(_B, _S, 128), sample_idx)

# --- scband reference (transcript-rebuilt; emitter-appended) ---
"""Pipeline reference for scband-point-net-sa-module-23304492548690 (READ-ONLY COPY).

The authoritative reference and input builder live on the scoring server;
editing this copy changes nothing except your own understanding.
"""

import jax, jax.numpy as jnp
import numpy as np

B, N, S, K, C = 4, 8192, 2048, 32, 64
MLP = [64, 64, 128]
MLP2 = [128]


def setup_inputs(seed: int = 0) -> dict:
    key = jax.random.key(seed)
    ks = jax.random.split(key, 16)
    xyz = jax.random.normal(ks[0], (B, N, 3), dtype=jnp.float32)
    feature = jax.random.normal(ks[1], (B, N, C), dtype=jnp.float32)
    sample_idx = jax.random.randint(ks[2], (B, S), 0, N, dtype=jnp.int64 if jax.config.jax_enable_x64 else jnp.int32)
    # Conv2d 1x1 layers == per-point linear layers. in_channels = C + 3 for first mlp layer.
    dims = [C + 3] + MLP
    params = {}
    for i in range(len(MLP)):
        params[f"W{i}"] = jax.random.normal(ks[3 + i], (dims[i + 1], dims[i]), dtype=jnp.float32) * 0.05
        params[f"b{i}"] = jnp.zeros((dims[i + 1],), dtype=jnp.float32)
    dims2 = [MLP[-1]] + MLP2
    for i in range(len(MLP2)):
        params[f"V{i}"] = jax.random.normal(ks[8 + i], (dims2[i + 1], dims2[i]), dtype=jnp.float32) * 0.05
        params[f"c{i}"] = jnp.zeros((dims2[i + 1],), dtype=jnp.float32)
    inp = {"xyz": xyz, "feature": feature, "sample_idx": sample_idx}
    inp.update(params)
    return inp


def _square_distance(src, dst):
    # src: [B,S,3], dst: [B,N,3] -> [B,S,N]
    dist = -2.0 * jnp.einsum("bsc,bnc->bsn", src, dst)
    dist = dist + jnp.sum(src ** 2, axis=-1)[:, :, None]
    dist = dist + jnp.sum(dst ** 2, axis=-1)[:, None, :]
    return dist


def reference(xyz, feature, sample_idx, W0, b0, W1, b1, W2, b2, V0, c0):
    batch = jnp.arange(B)[:, None, None]
    # gather_operation: new_xyz = xyz[b, sample_idx]
    new_xyz = jnp.take_along_axis(xyz, sample_idx[:, :, None].astype(jnp.int32), axis=1)  # [B,S,3]
    # knn_point: brute-force kNN (largest=False -> top_k of negated distances)
    sqrdists = _square_distance(new_xyz, xyz)  # [B,S,N]
    _, idx = jax.lax.top_k(-sqrdists, K)  # [B,S,K]
    grouped_xyz = xyz[batch, idx]  # [B,S,K,3]
    xyz_diff = grouped_xyz - new_xyz[:, :, None, :]
    grouped_feature = feature[batch, idx]  # [B,S,K,C]
    new_points = jnp.concatenate([xyz_diff, grouped_feature], axis=-1)  # [B,S,K,C+3]
    # mlp convs (1x1 conv == linear) with ReLU, no BN
    x = new_points
    for W, bb in ((W0, b0), (W1, b1), (W2, b2)):
        x = jax.nn.relu(jnp.einsum("bskc,oc->bsko", x, W) + bb)
    # max pooling over neighbors (dim=2), keepdim
    x = jnp.max(x, axis=2, keepdims=True)  # [B,S,1,mlp[-1]]
    # mlp2 convs
    for W, bb in ((V0, c0),):
        x = jax.nn.relu(jnp.einsum("bskc,oc->bsko", x, W) + bb)
    new_feature = jnp.squeeze(x, axis=2)  # [B,S,mlp2[-1]]
    return (new_xyz, new_feature, sample_idx)

if __name__ == "__main__":
    import jax
    _d = setup_inputs()
    print(jax.jit(kernel)(*tuple(_d.values())))

</pallas_src>

<mosaic_0001>
#map = affine_map<(d0, d1) -> (0, 0)>
module attributes {stable_mosaic.version = 14 : i64} {
  func.func @_select_body(%arg0: i32, %arg1: i32, %arg2: memref<8192x8320xi32, #tpu.memory_space<hbm>>, %arg3: memref<32768x128xf32, #tpu.memory_space<hbm>>, %arg4: memref<262144x128xf32, #tpu.memory_space<hbm>>, %arg5: memref<16640xi32, #tpu.memory_space<vmem>>, %arg6: memref<2064xi32, #tpu.memory_space<vmem>>, %arg7: memref<2064xi32, #tpu.memory_space<vmem>>, %arg8: memref<96xi32, #tpu.memory_space<vmem>>, %arg9: memref<64x128xf32, #tpu.memory_space<vmem>>, %arg10: memref<!tpu.dma_semaphore, #tpu.memory_space<semaphore_mem>>, %arg11: memref<!tpu.dma_semaphore, #tpu.memory_space<semaphore_mem>>, %arg12: memref<!tpu.dma_semaphore, #tpu.memory_space<semaphore_mem>>, %arg13: memref<!tpu.dma_semaphore, #tpu.memory_space<semaphore_mem>>, %arg14: memref<!tpu.dma_semaphore, #tpu.memory_space<semaphore_mem>>, %arg15: memref<!tpu.dma_semaphore, #tpu.memory_space<semaphore_mem>>) attributes {dimension_semantics = [#tpu.dimension_semantics<core_parallel>, #tpu.dimension_semantics<subcore_parallel>], iteration_bounds = array<i64: 2, 16>, scalar_prefetch = 0 : i64, scratch_operands = 11 : i64, tpu.core_type = #tpu.core_type<sc_vector_subcore>, window_params = [{transform_indices = #map}, {transform_indices = #map}, {transform_indices = #map}]} {
    %mul3A = arith.constant 2 : i32
    %mul3A_0 = arith.muli %arg1, %mul3A : i32
    %add3A = arith.addi %mul3A_0, %arg0 : i32
    %broadcast_in_dim3A = arith.constant 2147483647 : i32
    %broadcast_in_dim3A_1 = vector.broadcast %broadcast_in_dim3A : i32 to vector<16xi32>
    %iota3A = tpu.iota {dimensions = array<i32: 0>} : vector<16xi32>
    %add3A_2 = arith.constant 2048 : i32
    %add3A_3 = vector.broadcast %add3A_2 : i32 to vector<16xi32>
    %add3A_4 = arith.addi %add3A_3, %iota3A : vector<16xi32>
    %scan3A = arith.constant 0 : i32
    %scan3A_5 = arith.constant 0 : i32
    %scan3A_6 = arith.constant 129 : i32
    %scan3A_7 = arith.addi %scan3A_5, %scan3A_6 : i32
    %scan3A_8 = arith.constant 1 : i32
    %scan3A_9 = scf.for %scan3A_85 = %scan3A_5 to %scan3A_7 step %scan3A_8 iter_args(%scan3A_86 = %scan3A) -> (i32)  : i32 {
      %mul3A_87 = arith.constant 16 : i32
      %mul3A_88 = arith.muli %scan3A_85, %mul3A_87 : i32
      %swap3A = arith.index_cast %mul3A_88 : i32 to index
      %swap3A_89 = tpu.vector_load %arg6[%swap3A] {strides = array<i32>} : memref<2064xi32, #tpu.memory_space<vmem>>, vector<16xi32>,
      tpu.vector_store %arg6[%swap3A], %broadcast_in_dim3A_1 {strides = array<i32>} : memref<2064xi32, #tpu.memory_space<vmem>>, vector<16xi32>,
      %scan3A_90 = arith.constant 0 : i32
      scf.yield %scan3A_90 : i32
    }
    %scan3A_10 = arith.constant 129 : i32
    %mul3A_11 = arith.constant 256 : i32
    %mul3A_12 = arith.muli %add3A, %mul3A_11 : i32
    %dma_start3A = arith.constant 0 : i32
    %dma_start3A_13 = tpu.memref_slice %arg5[%dma_start3A] : memref<16640xi32, #tpu.memory_space<vmem>> -> memref<8320xi32, #tpu.memory_space<vmem>>
    %dma_start3A_14 = arith.constant 0 : i32
    %dma_start3A_15 = tpu.memref_slice %arg2[%mul3A_12, %dma_start3A_14] : memref<8192x8320xi32, #tpu.memory_space<hbm>> -> memref<1x8320xi32, #tpu.memory_space<hbm>>
    %dma_start3A_16 = tpu.memref_squeeze %dma_start3A_15 : memref<1x8320xi32, #tpu.memory_space<hbm>> -> memref<8320xi32, #tpu.memory_space<hbm>>
    %dma_start3A_17 = arith.constant 0 : i32
    %dma_start3A_18 = tpu.memref_slice %arg5[%dma_start3A_17] : memref<16640xi32, #tpu.memory_space<vmem>> -> memref<8320xi32, #tpu.memory_space<vmem>>
    %dma_start3A_19 = arith.constant 0 : i32
    %dma_start3A_20 = tpu.memref_slice %arg2[%mul3A_12, %dma_start3A_19] : memref<8192x8320xi32, #tpu.memory_space<hbm>> -> memref<1x8320xi32, #tpu.memory_space<hbm>>
    %dma_start3A_21 = tpu.memref_squeeze %dma_start3A_20 : memref<1x8320xi32, #tpu.memory_space<hbm>> -> memref<8320xi32, #tpu.memory_space<hbm>>
    tpu.enqueue_dma source(%dma_start3A_21 : memref<8320xi32, #tpu.memory_space<hbm>>) target(%dma_start3A_18 : memref<8320xi32, #tpu.memory_space<vmem>>) target_semaphore(%arg10 : memref<!tpu.dma_semaphore, #tpu.memory_space<semaphore_mem>>)
    %scan3A_22 = arith.constant 0 : i32
    %scan3A_23 = arith.constant 0 : i32
    %scan3A_24 = arith.constant 128 : i32
    %scan3A_25 = arith.addi %scan3A_23, %scan3A_24 : i32
    %scan3A_26 = arith.constant 1 : i32
    %scan3A_27 = scf.for %scan3A_85 = %scan3A_23 to %scan3A_25 step %scan3A_26 iter_args(%scan3A_86 = %scan3A_22) -> (i32)  : i32 {
      %mul3A_87 = arith.constant 2 : i32
      %mul3A_88 = arith.muli %scan3A_85, %mul3A_87 : i32
      %add3A_89 = arith.constant 0 : i32
      %add3A_90 = arith.addi %mul3A_88, %add3A_89 : i32
      %add3A_91 = arith.addi %mul3A_12, %add3A_90 : i32
      %shift_right_arithmetic3A = arith.constant 11 : i32
      %shift_right_arithmetic3A_92 = arith.shrsi %add3A_91, %shift_right_arithmetic3A : i32
      %shift_left3A = arith.constant 13 : i32
      %shift_left3A_93 = arith.shli %shift_right_arithmetic3A_92, %shift_left3A : i32
      %add3A_94 = vector.broadcast %shift_left3A_93 : i32 to vector<16xi32>
      %add3A_95 = arith.addi %iota3A, %add3A_94 : vector<16xi32>
      %dma_wait3A_96 = arith.constant 0 : i32
      %dma_wait3A_97 = tpu.memref_slice %arg5[%dma_wait3A_96] : memref<16640xi32, #tpu.memory_space<vmem>> -> memref<8320xi32, #tpu.memory_space<vmem>>
      %dma_wait3A_98 = arith.constant 0 : i32
      %dma_wait3A_99 = tpu.memref_slice %arg2[%add3A_91, %dma_wait3A_98] : memref<8192x8320xi32, #tpu.memory_space<hbm>> -> memref<1x8320xi32, #tpu.memory_space<hbm>>
      %dma_wait3A_100 = tpu.memref_squeeze %dma_wait3A_99 : memref<1x8320xi32, #tpu.memory_space<hbm>> -> memref<8320xi32, #tpu.memory_space<hbm>>
      %dma_wait3A_101 = arith.constant 0 : i32
      %dma_wait3A_102 = tpu.memref_slice %arg5[%dma_wait3A_101] : memref<16640xi32, #tpu.memory_space<vmem>> -> memref<8320xi32, #tpu.memory_space<vmem>>
      %dma_wait3A_103 = arith.constant 0 : i32
      %dma_wait3A_104 = tpu.memref_slice %arg2[%add3A_91, %dma_wait3A_103] : memref<8192x8320xi32, #tpu.memory_space<hbm>> -> memref<1x8320xi32, #tpu.memory_space<hbm>>
      %dma_wait3A_105 = tpu.memref_squeeze %dma_wait3A_104 : memref<1x8320xi32, #tpu.memory_space<hbm>> -> memref<8320xi32, #tpu.memory_space<hbm>>
      tpu.wait_dma2 semaphore(%arg10 : memref<!tpu.dma_semaphore, #tpu.memory_space<semaphore_mem>>) src(%dma_wait3A_105 : memref<8320xi32, #tpu.memory_space<hbm>>) dst(%dma_wait3A_102 : memref<8320xi32, #tpu.memory_space<vmem>>)
      %add3A_106 = arith.constant 1 : i32
      %add3A_107 = arith.addi %add3A_91, %add3A_106 : i32
      %min3A = arith.constant 8191 : i32
      %min3A_108 = arith.minsi %add3A_107, %min3A : i32
      %dma_start3A_109 = arith.constant 8320 : i32
      %dma_start3A_110 = tpu.memref_slice %arg5[%dma_start3A_109] : memref<16640xi32, #tpu.memory_space<vmem>> -> memref<8320xi32, #tpu.memory_space<vmem>>
      %dma_start3A_111 = arith.constant 0 : i32
      %dma_start3A_112 = tpu.memref_slice %arg2[%min3A_108, %dma_start3A_111] : memref<8192x8320xi32, #tpu.memory_space<hbm>> -> memref<1x8320xi32, #tpu.memory_space<hbm>>
      %dma_start3A_113 = tpu.memref_squeeze %dma_start3A_112 : memref<1x8320xi32, #tpu.memory_space<hbm>> -> memref<8320xi32, #tpu.memory_space<hbm>>
      %dma_start3A_114 = arith.constant 8320 : i32
      %dma_start3A_115 = tpu.memref_slice %arg5[%dma_start3A_114] : memref<16640xi32, #tpu.memory_space<vmem>> -> memref<8320xi32, #tpu.memory_space<vmem>>
      %dma_start3A_116 = arith.constant 0 : i32
      %dma_start3A_117 = tpu.memref_slice %arg2[%min3A_108, %dma_start3A_116] : memref<8192x8320xi32, #tpu.memory_space<hbm>> -> memref<1x8320xi32, #tpu.memory_space<hbm>>
      %dma_start3A_118 = tpu.memref_squeeze %dma_start3A_117 : memref<1x8320xi32, #tpu.memory_space<hbm>> -> memref<8320xi32, #tpu.memory_space<hbm>>
      tpu.enqueue_dma source(%dma_start3A_118 : memref<8320xi32, #tpu.memory_space<hbm>>) target(%dma_start3A_115 : memref<8320xi32, #tpu.memory_space<vmem>>) target_semaphore(%arg11 : memref<!tpu.dma_semaphore, #tpu.memory_space<semaphore_mem>>)
      %get3A = arith.constant 8192 : index
      %get3A_119 = tpu.vector_load %arg5[%get3A] {strides = array<i32>} : memref<16640xi32, #tpu.memory_space<vmem>>, vector<16xi32>,
      %broadcast_in_dim3A_120 = arith.constant 0 : i32
      %broadcast_in_dim3A_121 = vector.broadcast %broadcast_in_dim3A_120 : i32 to vector<16xi32>
      %broadcast_in_dim3A_122 = arith.constant 512 : i32
      %broadcast_in_dim3A_123 = vector.broadcast %broadcast_in_dim3A_122 : i32 to vector<16xi32>
      %broadcast_in_dim3A_124 = arith.constant 1024 : i32
      %broadcast_in_dim3A_125 = vector.broadcast %broadcast_in_dim3A_124 : i32 to vector<16xi32>
      %broadcast_in_dim3A_126 = arith.constant 1536 : i32
      %broadcast_in_dim3A_127 = vector.broadcast %broadcast_in_dim3A_126 : i32 to vector<16xi32>
      %parallel_loop3A = arith.constant 0 : i32
      %parallel_loop3A_128 = arith.constant 128 : i32
      %parallel_loop3A_129 = arith.constant 1 : i32
      %parallel_loop3A_130:4 = scf.for %parallel_loop3A_431 = %parallel_loop3A to %parallel_loop3A_128 step %parallel_loop3A_129 iter_args(%parallel_loop3A_432 = %broadcast_in_dim3A_121, %parallel_loop3A_433 = %broadcast_in_dim3A_123, %parallel_loop3A_434 = %broadcast_in_dim3A_125, %parallel_loop3A_435 = %broadcast_in_dim3A_127) -> (vector<16xi32>, vector<16xi32>, vector<16xi32>, vector<16xi32>)  : i32 {
        %parallel_loop3A_436 = arith.constant 64 : i32
        %parallel_loop3A_437 = arith.muli %parallel_loop3A_431, %parallel_loop3A_436 : i32
        %parallel_loop3A_438 = arith.constant 0 : i32
        %parallel_loop3A_439 = arith.addi %parallel_loop3A_437, %parallel_loop3A_438 : i32
        %parallel_loop3A_440 = arith.constant 0 : i32
        %parallel_loop3A_441 = arith.addi %parallel_loop3A_440, %parallel_loop3A_439 : i32
        %parallel_loop3A_442 = arith.index_cast %parallel_loop3A_441 : i32 to index
        %parallel_loop3A_443 = tpu.vector_load %arg5[%parallel_loop3A_442] {strides = array<i32>} : memref<16640xi32, #tpu.memory_space<vmem>>, vector<16xi32>,
        %parallel_loop3A_444 = arith.cmpi sle, %parallel_loop3A_443, %get3A_119 : vector<16xi32>
        %parallel_loop3A_445 = arith.ori %parallel_loop3A_432, %iota3A : vector<16xi32>
        %parallel_loop3A_446 = arith.select %parallel_loop3A_444, %parallel_loop3A_445, %add3A_4 : vector<16xi1>, vector<16xi32>
        tpu.vector_store_idx %arg6[%parallel_loop3A_446], %parallel_loop3A_443 : memref<2064xi32, #tpu.memory_space<vmem>>[vector<16xi32>], vector<16xi32>,
        %parallel_loop3A_447 = vector.broadcast %parallel_loop3A_439 : i32 to vector<16xi32>
        %parallel_loop3A_448 = arith.addi %parallel_loop3A_447, %add3A_95 : vector<16xi32>
        tpu.vector_store_idx %arg7[%parallel_loop3A_446], %parallel_loop3A_448 : memref<2064xi32, #tpu.memory_space<vmem>>[vector<16xi32>], vector<16xi32>,
        %parallel_loop3A_449 = arith.constant 16 : i32
        %parallel_loop3A_450 = arith.constant 0 : i32
        %parallel_loop3A_451 = vector.broadcast %parallel_loop3A_449 : i32 to vector<16xi32>
        %parallel_loop3A_452 = vector.broadcast %parallel_loop3A_450 : i32 to vector<16xi32>
        %parallel_loop3A_453 = arith.select %parallel_loop3A_444, %parallel_loop3A_451, %parallel_loop3A_452 : vector<16xi1>, vector<16xi32>
        %parallel_loop3A_454 = arith.addi %parallel_loop3A_432, %parallel_loop3A_453 : vector<16xi32>
        %parallel_loop3A_455 = arith.constant 64 : i32
        %parallel_loop3A_456 = arith.muli %parallel_loop3A_431, %parallel_loop3A_455 : i32
        %parallel_loop3A_457 = arith.constant 16 : i32
        %parallel_loop3A_458 = arith.addi %parallel_loop3A_456, %parallel_loop3A_457 : i32
        %parallel_loop3A_459 = arith.constant 0 : i32
        %parallel_loop3A_460 = arith.addi %parallel_loop3A_459, %parallel_loop3A_458 : i32
        %parallel_loop3A_461 = arith.index_cast %parallel_loop3A_460 : i32 to index
        %parallel_loop3A_462 = tpu.vector_load %arg5[%parallel_loop3A_461] {strides = array<i32>} : memref<16640xi32, #tpu.memory_space<vmem>>, vector<16xi32>,
        %parallel_loop3A_463 = arith.cmpi sle, %parallel_loop3A_462, %get3A_119 : vector<16xi32>
        %parallel_loop3A_464 = arith.ori %parallel_loop3A_433, %iota3A : vector<16xi32>
        %parallel_loop3A_465 = arith.select %parallel_loop3A_463, %parallel_loop3A_464, %add3A_4 : vector<16xi1>, vector<16xi32>
        tpu.vector_store_idx %arg6[%parallel_loop3A_465], %parallel_loop3A_462 : memref<2064xi32, #tpu.memory_space<vmem>>[vector<16xi32>], vector<16xi32>,
        %parallel_loop3A_466 = vector.broadcast %parallel_loop3A_458 : i32 to vector<16xi32>
        %parallel_loop3A_467 = arith.addi %parallel_loop3A_466, %add3A_95 : vector<16xi32>
        tpu.vector_store_idx %arg7[%parallel_loop3A_465], %parallel_loop3A_467 : memref<2064xi32, #tpu.memory_space<vmem>>[vector<16xi32>], vector<16xi32>,
        %parallel_loop3A_468 = arith.constant 16 : i32
        %parallel_loop3A_469 = arith.constant 0 : i32
        %parallel_loop3A_470 = vector.broadcast %parallel_loop3A_468 : i32 to vector<16xi32>
        %parallel_loop3A_471 = vector.broadcast %parallel_loop3A_469 : i32 to vector<16xi32>
        %parallel_loop3A_472 = arith.select %parallel_loop3A_463, %parallel_loop3A_470, %parallel_loop3A_471 : vector<16xi1>, vector<16xi32>
        %parallel_loop3A_473 = arith.addi %parallel_loop3A_433, %parallel_loop3A_472 : vector<16xi32>
        %parallel_loop3A_474 = arith.constant 64 : i32
        %parallel_loop3A_475 = arith.muli %parallel_loop3A_431, %parallel_loop3A_474 : i32
        %parallel_loop3A_476 = arith.constant 32 : i32
        %parallel_loop3A_477 = arith.addi %parallel_loop3A_475, %parallel_loop3A_476 : i32
        %parallel_loop3A_478 = arith.constant 0 : i32
        %parallel_loop3A_479 = arith.addi %parallel_loop3A_478, %parallel_loop3A_477 : i32
        %parallel_loop3A_480 = arith.index_cast %parallel_loop3A_479 : i32 to index
        %parallel_loop3A_481 = tpu.vector_load %arg5[%parallel_loop3A_480] {strides = array<i32>} : memref<16640xi32, #tpu.memory_space<vmem>>, vector<16xi32>,
        %parallel_loop3A_482 = arith.cmpi sle, %parallel_loop3A_481, %get3A_119 : vector<16xi32>
        %parallel_loop3A_483 = arith.ori %parallel_loop3A_434, %iota3A : vector<16xi32>
        %parallel_loop3A_484 = arith.select %parallel_loop3A_482, %parallel_loop3A_483, %add3A_4 : vector<16xi1>, vector<16xi32>
        tpu.vector_store_idx %arg6[%parallel_loop3A_484], %parallel_loop3A_481 : memref<2064xi32, #tpu.memory_space<vmem>>[vector<16xi32>], vector<16xi32>,
        %parallel_loop3A_485 = vector.broadcast %parallel_loop3A_477 : i32 to vector<16xi32>
        %parallel_loop3A_486 = arith.addi %parallel_loop3A_485, %add3A_95 : vector<16xi32>
        tpu.vector_store_idx %arg7[%parallel_loop3A_484], %parallel_loop3A_486 : memref<2064xi32, #tpu.memory_space<vmem>>[vector<16xi32>], vector<16xi32>,
        %parallel_loop3A_487 = arith.constant 16 : i32
        %parallel_loop3A_488 = arith.constant 0 : i32
        %parallel_loop3A_489 = vector.broadcast %parallel_loop3A_487 : i32 to vector<16xi32>
        %parallel_loop3A_490 = vector.broadcast %parallel_loop3A_488 : i32 to vector<16xi32>
        %parallel_loop3A_491 = arith.select %parallel_loop3A_482, %parallel_loop3A_489, %parallel_loop3A_490 : vector<16xi1>, vector<16xi32>
        %parallel_loop3A_492 = arith.addi %parallel_loop3A_434, %parallel_loop3A_491 : vector<16xi32>
        %parallel_loop3A_493 = arith.constant 64 : i32
        %parallel_loop3A_494 = arith.muli %parallel_loop3A_431, %parallel_loop3A_493 : i32
        %parallel_loop3A_495 = arith.constant 48 : i32
        %parallel_loop3A_496 = arith.addi %parallel_loop3A_494, %parallel_loop3A_495 : i32
        %parallel_loop3A_497 = arith.constant 0 : i32
        %parallel_loop3A_498 = arith.addi %parallel_loop3A_497, %parallel_loop3A_496 : i32
        %parallel_loop3A_499 = arith.index_cast %parallel_loop3A_498 : i32 to index
        %parallel_loop3A_500 = tpu.vector_load %arg5[%parallel_loop3A_499] {strides = array<i32>} : memref<16640xi32, #tpu.memory_space<vmem>>, vector<16xi32>,
        %parallel_loop3A_501 = arith.cmpi sle, %parallel_loop3A_500, %get3A_119 : vector<16xi32>
        %parallel_loop3A_502 = arith.ori %parallel_loop3A_435, %iota3A : vector<16xi32>
        %parallel_loop3A_503 = arith.select %parallel_loop3A_501, %parallel_loop3A_502, %add3A_4 : vector<16xi1>, vector<16xi32>
        tpu.vector_store_idx %arg6[%parallel_loop3A_503], %parallel_loop3A_500 : memref<2064xi32, #tpu.memory_space<vmem>>[vector<16xi32>], vector<16xi32>,
        %parallel_loop3A_504 = vector.broadcast %parallel_loop3A_496 : i32 to vector<16xi32>
        %parallel_loop3A_505 = arith.addi %parallel_loop3A_504, %add3A_95 : vector<16xi32>
        tpu.vector_store_idx %arg7[%parallel_loop3A_503], %parallel_loop3A_505 : memref<2064xi32, #tpu.memory_space<vmem>>[vector<16xi32>], vector<16xi32>,
        %parallel_loop3A_506 = arith.constant 16 : i32
        %parallel_loop3A_507 = arith.constant 0 : i32
        %parallel_loop3A_508 = vector.broadcast %parallel_loop3A_506 : i32 to vector<16xi32>
        %parallel_loop3A_509 = vector.broadcast %parallel_loop3A_507 : i32 to vector<16xi32>
        %parallel_loop3A_510 = arith.select %parallel_loop3A_501, %parallel_loop3A_508, %parallel_loop3A_509 : vector<16xi1>, vector<16xi32>
        %parallel_loop3A_511 = arith.addi %parallel_loop3A_435, %parallel_loop3A_510 : vector<16xi32>
        scf.yield %parallel_loop3A_454, %parallel_loop3A_473, %parallel_loop3A_492, %parallel_loop3A_511 : vector<16xi32>, vector<16xi32>, vector<16xi32>, vector<16xi32>
      } {sc.loop_unroll_factor = 2 : i64, sc.parallel_access}
      %reduce_max3A = arith.constant true
      %reduce_max3A_131 = vector.broadcast %reduce_max3A : i1 to vector<16xi1>
      %reduce_max3A_132 = arith.constant -2147483648 : i32
      %reduce_max3A_133 = vector.broadcast %reduce_max3A_132 : i32 to vector<16xi32>
      %reduce_max3A_134 = arith.xori %parallel_loop3A_130#0, %reduce_max3A_133 : vector<16xi32>
      %reduce_max3A_135 = tpu.scan <max>, %reduce_max3A_134 masked %reduce_max3A_131 : vector<16xi32>, vector<16xi1> -> vector<16xi32>
      %reduce_max3A_136 = arith.xori %reduce_max3A_135, %reduce_max3A_133 : vector<16xi32>
      %reduce_max3A_137 = vector.extract %reduce_max3A_136[15] : i32 from vector<16xi32>
      %sub3A_138 = arith.constant 0 : i32
      %sub3A_139 = arith.subi %reduce_max3A_137, %sub3A_138 : i32
      %shift_right_arithmetic3A_140 = arith.constant 4 : i32
      %shift_right_arithmetic3A_141 = arith.shrsi %sub3A_139, %shift_right_arithmetic3A_140 : i32
      %add3A_142 = arith.constant 1 : i32
      %add3A_143 = arith.addi %shift_right_arithmetic3A_141, %add3A_142 : i32
      %while3A = arith.constant 0 : i32
      %while3A_144 = arith.subi %add3A_143, %while3A : i32
      %while3A_145 = arith.addi %while3A, %while3A_144 : i32
      %while3A_146 = arith.constant 1 : i32
      %while3A_147 = arith.divsi %while3A_144, %while3A_146 : i32
      %while3A_148 = arith.muli %while3A_147, %while3A_146 : i32
      %while3A_149 = arith.addi %while3A, %while3A_148 : i32
      %while3A_150 = arith.constant 1 : i32
      %while3A_151:4 = scf.for %while3A_431 = %while3A to %while3A_149 step %while3A_150 iter_args(%while3A_432 = %broadcast_in_dim3A_1, %while3A_433 = %iota3A, %while3A_434 = %broadcast_in_dim3A_1, %while3A_435 = %iota3A) -> (vector<16xi32>, vector<16xi32>, vector<16xi32>, vector<16xi32>)  : i32 {
        %mul3A_436 = arith.constant 16 : i32
        %mul3A_437 = arith.muli %while3A_431, %mul3A_436 : i32
        %add3A_438 = arith.constant 0 : i32
        %add3A_439 = arith.addi %add3A_438, %mul3A_437 : i32
        %get3A_440 = arith.index_cast %add3A_439 : i32 to index
        %get3A_441 = tpu.vector_load %arg6[%get3A_440] {strides = array<i32>} : memref<2064xi32, #tpu.memory_space<vmem>>, vector<16xi32>,
        %mul3A_442 = arith.constant 16 : i32
        %mul3A_443 = arith.muli %while3A_431, %mul3A_442 : i32
        %add3A_444 = arith.constant 0 : i32
        %add3A_445 = arith.addi %add3A_444, %mul3A_443 : i32
        %get3A_446 = arith.index_cast %add3A_445 : i32 to index
        %get3A_447 = tpu.vector_load %arg7[%get3A_446] {strides = array<i32>} : memref<2064xi32, #tpu.memory_space<vmem>>, vector<16xi32>,
        %masked_sort3A = arith.constant dense<true> : vector<16xi1>
        %masked_sort3A_448 = arith.constant -2147483648 : i32
        %masked_sort3A_449 = vector.broadcast %masked_sort3A_448 : i32 to vector<16xi32>
        %masked_sort3A_450 = arith.xori %get3A_441, %masked_sort3A_449 : vector<16xi32>
        %masked_sort3A_451, %masked_sort3A_452, %masked_sort3A_453 = tpu.sort %masked_sort3A_450, %get3A_447 masked %masked_sort3A : (vector<16xi32>, vector<16xi32>, vector<16xi1>) -> (vector<16xi1>, vector<16xi32>, vector<16xi32>)
        %masked_sort3A_454 = arith.xori %masked_sort3A_452, %masked_sort3A_449 : vector<16xi32>
        %mul3A_455 = arith.constant 16 : i32
        %mul3A_456 = arith.muli %while3A_431, %mul3A_455 : i32
        %add3A_457 = arith.constant 0 : i32
        %add3A_458 = arith.addi %add3A_457, %mul3A_456 : i32
        %swap3A_459 = arith.index_cast %add3A_458 : i32 to index
        %swap3A_460 = tpu.vector_load %arg6[%swap3A_459] {strides = array<i32>} : memref<2064xi32, #tpu.memory_space<vmem>>, vector<16xi32>,
        tpu.vector_store %arg6[%swap3A_459], %broadcast_in_dim3A_1 {strides = array<i32>} : memref<2064xi32, #tpu.memory_space<vmem>>, vector<16xi32>,
        %rev3A = arith.constant 15 : i32
        %rev3A_461 = vector.broadcast %rev3A : i32 to vector<16xi32>
        %rev3A_462 = tpu.iota {dimensions = array<i32: 0>} : vector<16xi32>
        %rev3A_463 = arith.subi %rev3A_461, %rev3A_462 : vector<16xi32>
        %rev3A_464 = tpu.dynamic_gather %masked_sort3A_454[%rev3A_463] in [0] : vector<16xi32>, vector<16xi32> -> vector<16xi32>
        %rev3A_465 = arith.constant 15 : i32
        %rev3A_466 = vector.broadcast %rev3A_465 : i32 to vector<16xi32>
        %rev3A_467 = tpu.iota {dimensions = array<i32: 0>} : vector<16xi32>
        %rev3A_468 = arith.subi %rev3A_466, %rev3A_467 : vector<16xi32>
        %rev3A_469 = tpu.dynamic_gather %masked_sort3A_453[%rev3A_468] in [0] : vector<16xi32>, vector<16xi32> -> vector<16xi32>
        %le3A = arith.cmpi sle, %while3A_434, %rev3A_464 : vector<16xi32>
        %select_n3A = arith.select %le3A, %while3A_434, %rev3A_464 : vector<16xi1>, vector<16xi32>
        %select_n3A_470 = arith.select %le3A, %while3A_435, %rev3A_469 : vector<16xi1>, vector<16xi32>
        %masked_sort3A_471 = arith.constant dense<true> : vector<16xi1>
        %masked_sort3A_472 = arith.constant -2147483648 : i32
        %masked_sort3A_473 = vector.broadcast %masked_sort3A_472 : i32 to vector<16xi32>
        %masked_sort3A_474 = arith.xori %select_n3A, %masked_sort3A_473 : vector<16xi32>
        %masked_sort3A_475, %masked_sort3A_476, %masked_sort3A_477 = tpu.sort %masked_sort3A_474, %select_n3A_470 masked %masked_sort3A_471 : (vector<16xi32>, vector<16xi32>, vector<16xi1>) -> (vector<16xi1>, vector<16xi32>, vector<16xi32>)
        %masked_sort3A_478 = arith.xori %masked_sort3A_476, %masked_sort3A_473 : vector<16xi32>
        %rev3A_479 = arith.constant 15 : i32
        %rev3A_480 = vector.broadcast %rev3A_479 : i32 to vector<16xi32>
        %rev3A_481 = tpu.iota {dimensions = array<i32: 0>} : vector<16xi32>
        %rev3A_482 = arith.subi %rev3A_480, %rev3A_481 : vector<16xi32>
        %rev3A_483 = tpu.dynamic_gather %masked_sort3A_478[%rev3A_482] in [0] : vector<16xi32>, vector<16xi32> -> vector<16xi32>
        %rev3A_484 = arith.constant 15 : i32
        %rev3A_485 = vector.broadcast %rev3A_484 : i32 to vector<16xi32>
        %rev3A_486 = tpu.iota {dimensions = array<i32: 0>} : vector<16xi32>
        %rev3A_487 = arith.subi %rev3A_485, %rev3A_486 : vector<16xi32>
        %rev3A_488 = tpu.dynamic_gather %masked_sort3A_477[%rev3A_487] in [0] : vector<16xi32>, vector<16xi32> -> vector<16xi32>
        %le3A_489 = arith.cmpi sle, %while3A_432, %rev3A_483 : vector<16xi32>
        %select_n3A_490 = arith.select %le3A_489, %while3A_432, %rev3A_483 : vector<16xi1>, vector<16xi32>
        %select_n3A_491 = arith.select %le3A_489, %while3A_433, %rev3A_488 : vector<16xi1>, vector<16xi32>
        %select_n3A_492 = arith.select %le3A_489, %rev3A_483, %while3A_432 : vector<16xi1>, vector<16xi32>
        %select_n3A_493 = arith.select %le3A_489, %rev3A_488, %while3A_433 : vector<16xi1>, vector<16xi32>
        %masked_sort3A_494 = arith.constant dense<true> : vector<16xi1>
        %masked_sort3A_495 = arith.constant -2147483648 : i32
        %masked_sort3A_496 = vector.broadcast %masked_sort3A_495 : i32 to vector<16xi32>
        %masked_sort3A_497 = arith.xori %select_n3A_490, %masked_sort3A_496 : vector<16xi32>
        %masked_sort3A_498, %masked_sort3A_499, %masked_sort3A_500 = tpu.sort %masked_sort3A_497, %select_n3A_491 masked %masked_sort3A_494 : (vector<16xi32>, vector<16xi32>, vector<16xi1>) -> (vector<16xi1>, vector<16xi32>, vector<16xi32>)
        %masked_sort3A_501 = arith.xori %masked_sort3A_499, %masked_sort3A_496 : vector<16xi32>
        %masked_sort3A_502 = arith.constant dense<true> : vector<16xi1>
        %masked_sort3A_503 = arith.constant -2147483648 : i32
        %masked_sort3A_504 = vector.broadcast %masked_sort3A_503 : i32 to vector<16xi32>
        %masked_sort3A_505 = arith.xori %select_n3A_492, %masked_sort3A_504 : vector<16xi32>
        %masked_sort3A_506, %masked_sort3A_507, %masked_sort3A_508 = tpu.sort %masked_sort3A_505, %select_n3A_493 masked %masked_sort3A_502 : (vector<16xi32>, vector<16xi32>, vector<16xi1>) -> (vector<16xi1>, vector<16xi32>, vector<16xi32>)
        %masked_sort3A_509 = arith.xori %masked_sort3A_507, %masked_sort3A_504 : vector<16xi32>
        scf.yield %masked_sort3A_501, %masked_sort3A_500, %masked_sort3A_509, %masked_sort3A_508 : vector<16xi32>, vector<16xi32>, vector<16xi32>, vector<16xi32>
      }
      %while3A_152 = arith.constant 1 : i32
      %while3A_153:4 = scf.for %while3A_431 = %while3A_149 to %while3A_145 step %while3A_152 iter_args(%while3A_432 = %while3A_151#0, %while3A_433 = %while3A_151#1, %while3A_434 = %while3A_151#2, %while3A_435 = %while3A_151#3) -> (vector<16xi32>, vector<16xi32>, vector<16xi32>, vector<16xi32>)  : i32 {
        %mul3A_436 = arith.constant 16 : i32
        %mul3A_437 = arith.muli %while3A_431, %mul3A_436 : i32
        %add3A_438 = arith.constant 0 : i32
        %add3A_439 = arith.addi %add3A_438, %mul3A_437 : i32
        %get3A_440 = arith.index_cast %add3A_439 : i32 to index
        %get3A_441 = tpu.vector_load %arg6[%get3A_440] {strides = array<i32>} : memref<2064xi32, #tpu.memory_space<vmem>>, vector<16xi32>,
        %mul3A_442 = arith.constant 16 : i32
        %mul3A_443 = arith.muli %while3A_431, %mul3A_442 : i32
        %add3A_444 = arith.constant 0 : i32
        %add3A_445 = arith.addi %add3A_444, %mul3A_443 : i32
        %get3A_446 = arith.index_cast %add3A_445 : i32 to index
        %get3A_447 = tpu.vector_load %arg7[%get3A_446] {strides = array<i32>} : memref<2064xi32, #tpu.memory_space<vmem>>, vector<16xi32>,
        %masked_sort3A = arith.constant dense<true> : vector<16xi1>
        %masked_sort3A_448 = arith.constant -2147483648 : i32
        %masked_sort3A_449 = vector.broadcast %masked_sort3A_448 : i32 to vector<16xi32>
        %masked_sort3A_450 = arith.xori %get3A_441, %masked_sort3A_449 : vector<16xi32>
        %masked_sort3A_451, %masked_sort3A_452, %masked_sort3A_453 = tpu.sort %masked_sort3A_450, %get3A_447 masked %masked_sort3A : (vector<16xi32>, vector<16xi32>, vector<16xi1>) -> (vector<16xi1>, vector<16xi32>, vector<16xi32>)
        %masked_sort3A_454 = arith.xori %masked_sort3A_452, %masked_sort3A_449 : vector<16xi32>
        %mul3A_455 = arith.constant 16 : i32
        %mul3A_456 = arith.muli %while3A_431, %mul3A_455 : i32
        %add3A_457 = arith.constant 0 : i32
        %add3A_458 = arith.addi %add3A_457, %mul3A_456 : i32
        %swap3A_459 = arith.index_cast %add3A_458 : i32 to index
        %swap3A_460 = tpu.vector_load %arg6[%swap3A_459] {strides = array<i32>} : memref<2064xi32, #tpu.memory_space<vmem>>, vector<16xi32>,
        tpu.vector_store %arg6[%swap3A_459], %broadcast_in_dim3A_1 {strides = array<i32>} : memref<2064xi32, #tpu.memory_space<vmem>>, vector<16xi32>,
        %rev3A = arith.constant 15 : i32
        %rev3A_461 = vector.broadcast %rev3A : i32 to vector<16xi32>
        %rev3A_462 = tpu.iota {dimensions = array<i32: 0>} : vector<16xi32>
        %rev3A_463 = arith.subi %rev3A_461, %rev3A_462 : vector<16xi32>
        %rev3A_464 = tpu.dynamic_gather %masked_sort3A_454[%rev3A_463] in [0] : vector<16xi32>, vector<16xi32> -> vector<16xi32>
        %rev3A_465 = arith.constant 15 : i32
        %rev3A_466 = vector.broadcast %rev3A_465 : i32 to vector<16xi32>
        %rev3A_467 = tpu.iota {dimensions = array<i32: 0>} : vector<16xi32>
        %rev3A_468 = arith.subi %rev3A_466, %rev3A_467 : vector<16xi32>
        %rev3A_469 = tpu.dynamic_gather %masked_sort3A_453[%rev3A_468] in [0] : vector<16xi32>, vector<16xi32> -> vector<16xi32>
        %le3A = arith.cmpi sle, %while3A_434, %rev3A_464 : vector<16xi32>
        %select_n3A = arith.select %le3A, %while3A_434, %rev3A_464 : vector<16xi1>, vector<16xi32>
        %select_n3A_470 = arith.select %le3A, %while3A_435, %rev3A_469 : vector<16xi1>, vector<16xi32>
        %masked_sort3A_471 = arith.constant dense<true> : vector<16xi1>
        %masked_sort3A_472 = arith.constant -2147483648 : i32
        %masked_sort3A_473 = vector.broadcast %masked_sort3A_472 : i32 to vector<16xi32>
        %masked_sort3A_474 = arith.xori %select_n3A, %masked_sort3A_473 : vector<16xi32>
        %masked_sort3A_475, %masked_sort3A_476, %masked_sort3A_477 = tpu.sort %masked_sort3A_474, %select_n3A_470 masked %masked_sort3A_471 : (vector<16xi32>, vector<16xi32>, vector<16xi1>) -> (vector<16xi1>, vector<16xi32>, vector<16xi32>)
        %masked_sort3A_478 = arith.xori %masked_sort3A_476, %masked_sort3A_473 : vector<16xi32>
        %rev3A_479 = arith.constant 15 : i32
        %rev3A_480 = vector.broadcast %rev3A_479 : i32 to vector<16xi32>
        %rev3A_481 = tpu.iota {dimensions = array<i32: 0>} : vector<16xi32>
        %rev3A_482 = arith.subi %rev3A_480, %rev3A_481 : vector<16xi32>
        %rev3A_483 = tpu.dynamic_gather %masked_sort3A_478[%rev3A_482] in [0] : vector<16xi32>, vector<16xi32> -> vector<16xi32>
        %rev3A_484 = arith.constant 15 : i32
        %rev3A_485 = vector.broadcast %rev3A_484 : i32 to vector<16xi32>
        %rev3A_486 = tpu.iota {dimensions = array<i32: 0>} : vector<16xi32>
        %rev3A_487 = arith.subi %rev3A_485, %rev3A_486 : vector<16xi32>
        %rev3A_488 = tpu.dynamic_gather %masked_sort3A_477[%rev3A_487] in [0] : vector<16xi32>, vector<16xi32> -> vector<16xi32>
        %le3A_489 = arith.cmpi sle, %while3A_432, %rev3A_483 : vector<16xi32>
        %select_n3A_490 = arith.select %le3A_489, %while3A_432, %rev3A_483 : vector<16xi1>, vector<16xi32>
        %select_n3A_491 = arith.select %le3A_489, %while3A_433, %rev3A_488 : vector<16xi1>, vector<16xi32>
        %select_n3A_492 = arith.select %le3A_489, %rev3A_483, %while3A_432 : vector<16xi1>, vector<16xi32>
        %select_n3A_493 = arith.select %le3A_489, %rev3A_488, %while3A_433 : vector<16xi1>, vector<16xi32>
        %masked_sort3A_494 = arith.constant dense<true> : vector<16xi1>
        %masked_sort3A_495 = arith.constant -2147483648 : i32
        %masked_sort3A_496 = vector.broadcast %masked_sort3A_495 : i32 to vector<16xi32>
        %masked_sort3A_497 = arith.xori %select_n3A_490, %masked_sort3A_496 : vector<16xi32>
        %masked_sort3A_498, %masked_sort3A_499, %masked_sort3A_500 = tpu.sort %masked_sort3A_497, %select_n3A_491 masked %masked_sort3A_494 : (vector<16xi32>, vector<16xi32>, vector<16xi1>) -> (vector<16xi1>, vector<16xi32>, vector<16xi32>)
        %masked_sort3A_501 = arith.xori %masked_sort3A_499, %masked_sort3A_496 : vector<16xi32>
        %masked_sort3A_502 = arith.constant dense<true> : vector<16xi1>
        %masked_sort3A_503 = arith.constant -2147483648 : i32
        %masked_sort3A_504 = vector.broadcast %masked_sort3A_503 : i32 to vector<16xi32>
        %masked_sort3A_505 = arith.xori %select_n3A_492, %masked_sort3A_504 : vector<16xi32>
        %masked_sort3A_506, %masked_sort3A_507, %masked_sort3A_508 = tpu.sort %masked_sort3A_505, %select_n3A_493 masked %masked_sort3A_502 : (vector<16xi32>, vector<16xi32>, vector<16xi1>) -> (vector<16xi1>, vector<16xi32>, vector<16xi32>)
        %masked_sort3A_509 = arith.xori %masked_sort3A_507, %masked_sort3A_504 : vector<16xi32>
        scf.yield %masked_sort3A_501, %masked_sort3A_500, %masked_sort3A_509, %masked_sort3A_508 : vector<16xi32>, vector<16xi32>, vector<16xi32>, vector<16xi32>
      }
      %reduce_max3A_154 = arith.constant true
      %reduce_max3A_155 = vector.broadcast %reduce_max3A_154 : i1 to vector<16xi1>
      %reduce_max3A_156 = arith.constant -2147483648 : i32
      %reduce_max3A_157 = vector.broadcast %reduce_max3A_156 : i32 to vector<16xi32>
      %reduce_max3A_158 = arith.xori %parallel_loop3A_130#1, %reduce_max3A_157 : vector<16xi32>
      %reduce_max3A_159 = tpu.scan <max>, %reduce_max3A_158 masked %reduce_max3A_155 : vector<16xi32>, vector<16xi1> -> vector<16xi32>
      %reduce_max3A_160 = arith.xori %reduce_max3A_159, %reduce_max3A_157 : vector<16xi32>
      %reduce_max3A_161 = vector.extract %reduce_max3A_160[15] : i32 from vector<16xi32>
      %sub3A_162 = arith.constant 512 : i32
      %sub3A_163 = arith.subi %reduce_max3A_161, %sub3A_162 : i32
      %shift_right_arithmetic3A_164 = arith.constant 4 : i32
      %shift_right_arithmetic3A_165 = arith.shrsi %sub3A_163, %shift_right_arithmetic3A_164 : i32
      %add3A_166 = arith.constant 1 : i32
      %add3A_167 = arith.addi %shift_right_arithmetic3A_165, %add3A_166 : i32
      %while3A_168 = arith.constant 0 : i32
      %while3A_169 = arith.subi %add3A_167, %while3A_168 : i32
      %while3A_170 = arith.addi %while3A_168, %while3A_169 : i32
      %while3A_171 = arith.constant 1 : i32
      %while3A_172 = arith.divsi %while3A_169, %while3A_171 : i32
      %while3A_173 = arith.muli %while3A_172, %while3A_171 : i32
      %while3A_174 = arith.addi %while3A_168, %while3A_173 : i32
      %while3A_175 = arith.constant 1 : i32
      %while3A_176:4 = scf.for %while3A_431 = %while3A_168 to %while3A_174 step %while3A_175 iter_args(%while3A_432 = %while3A_153#0, %while3A_433 = %while3A_153#1, %while3A_434 = %while3A_153#2, %while3A_435 = %while3A_153#3) -> (vector<16xi32>, vector<16xi32>, vector<16xi32>, vector<16xi32>)  : i32 {
        %mul3A_436 = arith.constant 16 : i32
        %mul3A_437 = arith.muli %while3A_431, %mul3A_436 : i32
        %add3A_438 = arith.constant 512 : i32
        %add3A_439 = arith.addi %add3A_438, %mul3A_437 : i32
        %get3A_440 = arith.index_cast %add3A_439 : i32 to index
        %get3A_441 = tpu.vector_load %arg6[%get3A_440] {strides = array<i32>} : memref<2064xi32, #tpu.memory_space<vmem>>, vector<16xi32>,
        %mul3A_442 = arith.constant 16 : i32
        %mul3A_443 = arith.muli %while3A_431, %mul3A_442 : i32
        %add3A_444 = arith.constant 512 : i32
        %add3A_445 = arith.addi %add3A_444, %mul3A_443 : i32
        %get3A_446 = arith.index_cast %add3A_445 : i32 to index
        %get3A_447 = tpu.vector_load %arg7[%get3A_446] {strides = array<i32>} : memref<2064xi32, #tpu.memory_space<vmem>>, vector<16xi32>,
        %masked_sort3A = arith.constant dense<true> : vector<16xi1>
        %masked_sort3A_448 = arith.constant -2147483648 : i32
        %masked_sort3A_449 = vector.broadcast %masked_sort3A_448 : i32 to vector<16xi32>
        %masked_sort3A_450 = arith.xori %get3A_441, %masked_sort3A_449 : vector<16xi32>
        %masked_sort3A_451, %masked_sort3A_452, %masked_sort3A_453 = tpu.sort %masked_sort3A_450, %get3A_447 masked %masked_sort3A : (vector<16xi32>, vector<16xi32>, vector<16xi1>) -> (vector<16xi1>, vector<16xi32>, vector<16xi32>)
        %masked_sort3A_454 = arith.xori %masked_sort3A_452, %masked_sort3A_449 : vector<16xi32>
        %mul3A_455 = arith.constant 16 : i32
        %mul3A_456 = arith.muli %while3A_431, %mul3A_455 : i32
        %add3A_457 = arith.constant 512 : i32
        %add3A_458 = arith.addi %add3A_457, %mul3A_456 : i32
        %swap3A_459 = arith.index_cast %add3A_458 : i32 to index
        %swap3A_460 = tpu.vector_load %arg6[%swap3A_459] {strides = array<i32>} : memref<2064xi32, #tpu.memory_space<vmem>>, vector<16xi32>,
        tpu.vector_store %arg6[%swap3A_459], %broadcast_in_dim3A_1 {strides = array<i32>} : memref<2064xi32, #tpu.memory_space<vmem>>, vector<16xi32>,
        %rev3A = arith.constant 15 : i32
        %rev3A_461 = vector.broadcast %rev3A : i32 to vector<16xi32>
        %rev3A_462 = tpu.iota {dimensions = array<i32: 0>} : vector<16xi32>
        %rev3A_463 = arith.subi %rev3A_461, %rev3A_462 : vector<16xi32>
        %rev3A_464 = tpu.dynamic_gather %masked_sort3A_454[%rev3A_463] in [0] : vector<16xi32>, vector<16xi32> -> vector<16xi32>
        %rev3A_465 = arith.constant 15 : i32
        %rev3A_466 = vector.broadcast %rev3A_465 : i32 to vector<16xi32>
        %rev3A_467 = tpu.iota {dimensions = array<i32: 0>} : vector<16xi32>
        %rev3A_468 = arith.subi %rev3A_466, %rev3A_467 : vector<16xi32>
        %rev3A_469 = tpu.dynamic_gather %masked_sort3A_453[%rev3A_468] in [0] : vector<16xi32>, vector<16xi32> -> vector<16xi32>
        %le3A = arith.cmpi sle, %while3A_434, %rev3A_464 : vector<16xi32>
        %select_n3A = arith.select %le3A, %while3A_434, %rev3A_464 : vector<16xi1>, vector<16xi32>
        %select_n3A_470 = arith.select %le3A, %while3A_435, %rev3A_469 : vector<16xi1>, vector<16xi32>
        %masked_sort3A_471 = arith.constant dense<true> : vector<16xi1>
        %masked_sort3A_472 = arith.constant -2147483648 : i32
        %masked_sort3A_473 = vector.broadcast %masked_sort3A_472 : i32 to vector<16xi32>
        %masked_sort3A_474 = arith.xori %select_n3A, %masked_sort3A_473 : vector<16xi32>
        %masked_sort3A_475, %masked_sort3A_476, %masked_sort3A_477 = tpu.sort %masked_sort3A_474, %select_n3A_470 masked %masked_sort3A_471 : (vector<16xi32>, vector<16xi32>, vector<16xi1>) -> (vector<16xi1>, vector<16xi32>, vector<16xi32>)
        %masked_sort3A_478 = arith.xori %masked_sort3A_476, %masked_sort3A_473 : vector<16xi32>
        %rev3A_479 = arith.constant 15 : i32
        %rev3A_480 = vector.broadcast %rev3A_479 : i32 to vector<16xi32>
        %rev3A_481 = tpu.iota {dimensions = array<i32: 0>} : vector<16xi32>
        %rev3A_482 = arith.subi %rev3A_480, %rev3A_481 : vector<16xi32>
        %rev3A_483 = tpu.dynamic_gather %masked_sort3A_478[%rev3A_482] in [0] : vector<16xi32>, vector<16xi32> -> vector<16xi32>
        %rev3A_484 = arith.constant 15 : i32
        %rev3A_485 = vector.broadcast %rev3A_484 : i32 to vector<16xi32>
        %rev3A_486 = tpu.iota {dimensions = array<i32: 0>} : vector<16xi32>
        %rev3A_487 = arith.subi %rev3A_485, %rev3A_486 : vector<16xi32>
        %rev3A_488 = tpu.dynamic_gather %masked_sort3A_477[%rev3A_487] in [0] : vector<16xi32>, vector<16xi32> -> vector<16xi32>
        %le3A_489 = arith.cmpi sle, %while3A_432, %rev3A_483 : vector<16xi32>
        %select_n3A_490 = arith.select %le3A_489, %while3A_432, %rev3A_483 : vector<16xi1>, vector<16xi32>
        %select_n3A_491 = arith.select %le3A_489, %while3A_433, %rev3A_488 : vector<16xi1>, vector<16xi32>
        %select_n3A_492 = arith.select %le3A_489, %rev3A_483, %while3A_432 : vector<16xi1>, vector<16xi32>
        %select_n3A_493 = arith.select %le3A_489, %rev3A_488, %while3A_433 : vector<16xi1>, vector<16xi32>
        %masked_sort3A_494 = arith.constant dense<true> : vector<16xi1>
        %masked_sort3A_495 = arith.constant -2147483648 : i32
        %masked_sort3A_496 = vector.broadcast %masked_sort3A_495 : i32 to vector<16xi32>
        %masked_sort3A_497 = arith.xori %select_n3A_490, %masked_sort3A_496 : vector<16xi32>
        %masked_sort3A_498, %masked_sort3A_499, %masked_sort3A_500 = tpu.sort %masked_sort3A_497, %select_n3A_491 masked %masked_sort3A_494 : (vector<16xi32>, vector<16xi32>, vector<16xi1>) -> (vector<16xi1>, vector<16xi32>, vector<16xi32>)
        %masked_sort3A_501 = arith.xori %masked_sort3A_499, %masked_sort3A_496 : vector<16xi32>
        %masked_sort3A_502 = arith.constant dense<true> : vector<16xi1>
        %masked_sort3A_503 = arith.constant -2147483648 : i32
        %masked_sort3A_504 = vector.broadcast %masked_sort3A_503 : i32 to vector<16xi32>
        %masked_sort3A_505 = arith.xori %select_n3A_492, %masked_sort3A_504 : vector<16xi32>
        %masked_sort3A_506, %masked_sort3A_507, %masked_sort3A_508 = tpu.sort %masked_sort3A_505, %select_n3A_493 masked %masked_sort3A_502 : (vector<16xi32>, vector<16xi32>, vector<16xi1>) -> (vector<16xi1>, vector<16xi32>, vector<16xi32>)
        %masked_sort3A_509 = arith.xori %masked_sort3A_507, %masked_sort3A_504 : vector<16xi32>
        scf.yield %masked_sort3A_501, %masked_sort3A_500, %masked_sort3A_509, %masked_sort3A_508 : vector<16xi32>, vector<16xi32>, vector<16xi32>, vector<16xi32>
      }
      %while3A_177 = arith.constant 1 : i32
      %while3A_178:4 = scf.for %while3A_431 = %while3A_174 to %while3A_170 step %while3A_177 iter_args(%while3A_432 = %while3A_176#0, %while3A_433 = %while3A_176#1, %while3A_434 = %while3A_176#2, %while3A_435 = %while3A_176#3) -> (vector<16xi32>, vector<16xi32>, vector<16xi32>, vector<16xi32>)  : i32 {
        %mul3A_436 = arith.constant 16 : i32
        %mul3A_437 = arith.muli %while3A_431, %mul3A_436 : i32
        %add3A_438 = arith.constant 512 : i32
        %add3A_439 = arith.addi %add3A_438, %mul3A_437 : i32
        %get3A_440 = arith.index_cast %add3A_439 : i32 to index
        %get3A_441 = tpu.vector_load %arg6[%get3A_440] {strides = array<i32>} : memref<2064xi32, #tpu.memory_space<vmem>>, vector<16xi32>,
        %mul3A_442 = arith.constant 16 : i32
        %mul3A_443 = arith.muli %while3A_431, %mul3A_442 : i32
        %add3A_444 = arith.constant 512 : i32
        %add3A_445 = arith.addi %add3A_444, %mul3A_443 : i32
        %get3A_446 = arith.index_cast %add3A_445 : i32 to index
        %get3A_447 = tpu.vector_load %arg7[%get3A_446] {strides = array<i32>} : memref<2064xi32, #tpu.memory_space<vmem>>, vector<16xi32>,
        %masked_sort3A = arith.constant dense<true> : vector<16xi1>
        %masked_sort3A_448 = arith.constant -2147483648 : i32
        %masked_sort3A_449 = vector.broadcast %masked_sort3A_448 : i32 to vector<16xi32>
        %masked_sort3A_450 = arith.xori %get3A_441, %masked_sort3A_449 : vector<16xi32>
        %masked_sort3A_451, %masked_sort3A_452, %masked_sort3A_453 = tpu.sort %masked_sort3A_450, %get3A_447 masked %masked_sort3A : (vector<16xi32>, vector<16xi32>, vector<16xi1>) -> (vector<16xi1>, vector<16xi32>, vector<16xi32>)
        %masked_sort3A_454 = arith.xori %masked_sort3A_452, %masked_sort3A_449 : vector<16xi32>
        %mul3A_455 = arith.constant 16 : i32
        %mul3A_456 = arith.muli %while3A_431, %mul3A_455 : i32
        %add3A_457 = arith.constant 512 : i32
        %add3A_458 = arith.addi %add3A_457, %mul3A_456 : i32
        %swap3A_459 = arith.index_cast %add3A_458 : i32 to index
        %swap3A_460 = tpu.vector_load %arg6[%swap3A_459] {strides = array<i32>} : memref<2064xi32, #tpu.memory_space<vmem>>, vector<16xi32>,
        tpu.vector_store %arg6[%swap3A_459], %broadcast_in_dim3A_1 {strides = array<i32>} : memref<2064xi32, #tpu.memory_space<vmem>>, vector<16xi32>,
        %rev3A = arith.constant 15 : i32
        %rev3A_461 = vector.broadcast %rev3A : i32 to vector<16xi32>
        %rev3A_462 = tpu.iota {dimensions = array<i32: 0>} : vector<16xi32>
        %rev3A_463 = arith.subi %rev3A_461, %rev3A_462 : vector<16xi32>
        %rev3A_464 = tpu.dynamic_gather %masked_sort3A_454[%rev3A_463] in [0] : vector<16xi32>, vector<16xi32> -> vector<16xi32>
        %rev3A_465 = arith.constant 15 : i32
        %rev3A_466 = vector.broadcast %rev3A_465 : i32 to vector<16xi32>
        %rev3A_467 = tpu.iota {dimensions = array<i32: 0>} : vector<16xi32>
        %rev3A_468 = arith.subi %rev3A_466, %rev3A_467 : vector<16xi32>
        %rev3A_469 = tpu.dynamic_gather %masked_sort3A_453[%rev3A_468] in [0] : vector<16xi32>, vector<16xi32> -> vector<16xi32>
        %le3A = arith.cmpi sle, %while3A_434, %rev3A_464 : vector<16xi32>
        %select_n3A = arith.select %le3A, %while3A_434, %rev3A_464 : vector<16xi1>, vector<16xi32>
        %select_n3A_470 = arith.select %le3A, %while3A_435, %rev3A_469 : vector<16xi1>, vector<16xi32>
        %masked_sort3A_471 = arith.constant dense<true> : vector<16xi1>
        %masked_sort3A_472 = arith.constant -2147483648 : i32
        %masked_sort3A_473 = vector.broadcast %masked_sort3A_472 : i32 to vector<16xi32>
        %masked_sort3A_474 = arith.xori %select_n3A, %masked_sort3A_473 : vector<16xi32>
        %masked_sort3A_475, %masked_sort3A_476, %masked_sort3A_477 = tpu.sort %masked_sort3A_474, %select_n3A_470 masked %masked_sort3A_471 : (vector<16xi32>, vector<16xi32>, vector<16xi1>) -> (vector<16xi1>, vector<16xi32>, vector<16xi32>)
        %masked_sort3A_478 = arith.xori %masked_sort3A_476, %masked_sort3A_473 : vector<16xi32>
        %rev3A_479 = arith.constant 15 : i32
        %rev3A_480 = vector.broadcast %rev3A_479 : i32 to vector<16xi32>
        %rev3A_481 = tpu.iota {dimensions = array<i32: 0>} : vector<16xi32>
        %rev3A_482 = arith.subi %rev3A_480, %rev3A_481 : vector<16xi32>
        %rev3A_483 = tpu.dynamic_gather %masked_sort3A_478[%rev3A_482] in [0] : vector<16xi32>, vector<16xi32> -> vector<16xi32>
        %rev3A_484 = arith.constant 15 : i32
        %rev3A_485 = vector.broadcast %rev3A_484 : i32 to vector<16xi32>
        %rev3A_486 = tpu.iota {dimensions = array<i32: 0>} : vector<16xi32>
        %rev3A_487 = arith.subi %rev3A_485, %rev3A_486 : vector<16xi32>
        %rev3A_488 = tpu.dynamic_gather %masked_sort3A_477[%rev3A_487] in [0] : vector<16xi32>, vector<16xi32> -> vector<16xi32>
        %le3A_489 = arith.cmpi sle, %while3A_432, %rev3A_483 : vector<16xi32>
        %select_n3A_490 = arith.select %le3A_489, %while3A_432, %rev3A_483 : vector<16xi1>, vector<16xi32>
        %select_n3A_491 = arith.select %le3A_489, %while3A_433, %rev3A_488 : vector<16xi1>, vector<16xi32>
        %select_n3A_492 = arith.select %le3A_489, %rev3A_483, %while3A_432 : vector<16xi1>, vector<16xi32>
        %select_n3A_493 = arith.select %le3A_489, %rev3A_488, %while3A_433 : vector<16xi1>, vector<16xi32>
        %masked_sort3A_494 = arith.constant dense<true> : vector<16xi1>
        %masked_sort3A_495 = arith.constant -2147483648 : i32
        %masked_sort3A_496 = vector.broadcast %masked_sort3A_495 : i32 to vector<16xi32>
        %masked_sort3A_497 = arith.xori %select_n3A_490, %masked_sort3A_496 : vector<16xi32>
        %masked_sort3A_498, %masked_sort3A_499, %masked_sort3A_500 = tpu.sort %masked_sort3A_497, %select_n3A_491 masked %masked_sort3A_494 : (vector<16xi32>, vector<16xi32>, vector<16xi1>) -> (vector<16xi1>, vector<16xi32>, vector<16xi32>)
        %masked_sort3A_501 = arith.xori %masked_sort3A_499, %masked_sort3A_496 : vector<16xi32>
        %masked_sort3A_502 = arith.constant dense<true> : vector<16xi1>
        %masked_sort3A_503 = arith.constant -2147483648 : i32
        %masked_sort3A_504 = vector.broadcast %masked_sort3A_503 : i32 to vector<16xi32>
        %masked_sort3A_505 = arith.xori %select_n3A_492, %masked_sort3A_504 : vector<16xi32>
        %masked_sort3A_506, %masked_sort3A_507, %masked_sort3A_508 = tpu.sort %masked_sort3A_505, %select_n3A_493 masked %masked_sort3A_502 : (vector<16xi32>, vector<16xi32>, vector<16xi1>) -> (vector<16xi1>, vector<16xi32>, vector<16xi32>)
        %masked_sort3A_509 = arith.xori %masked_sort3A_507, %masked_sort3A_504 : vector<16xi32>
        scf.yield %masked_sort3A_501, %masked_sort3A_500, %masked_sort3A_509, %masked_sort3A_508 : vector<16xi32>, vector<16xi32>, vector<16xi32>, vector<16xi32>
      }
      %reduce_max3A_179 = arith.constant true
      %reduce_max3A_180 = vector.broadcast %reduce_max3A_179 : i1 to vector<16xi1>
      %reduce_max3A_181 = arith.constant -2147483648 : i32
      %reduce_max3A_182 = vector.broadcast %reduce_max3A_181 : i32 to vector<16xi32>
      %reduce_max3A_183 = arith.xori %parallel_loop3A_130#2, %reduce_max3A_182 : vector<16xi32>
      %reduce_max3A_184 = tpu.scan <max>, %reduce_max3A_183 masked %reduce_max3A_180 : vector<16xi32>, vector<16xi1> -> vector<16xi32>
      %reduce_max3A_185 = arith.xori %reduce_max3A_184, %reduce_max3A_182 : vector<16xi32>
      %reduce_max3A_186 = vector.extract %reduce_max3A_185[15] : i32 from vector<16xi32>
      %sub3A_187 = arith.constant 1024 : i32
      %sub3A_188 = arith.subi %reduce_max3A_186, %sub3A_187 : i32
      %shift_right_arithmetic3A_189 = arith.constant 4 : i32
      %shift_right_arithmetic3A_190 = arith.shrsi %sub3A_188, %shift_right_arithmetic3A_189 : i32
      %add3A_191 = arith.constant 1 : i32
      %add3A_192 = arith.addi %shift_right_arithmetic3A_190, %add3A_191 : i32
      %while3A_193 = arith.constant 0 : i32
      %while3A_194 = arith.subi %add3A_192, %while3A_193 : i32
      %while3A_195 = arith.addi %while3A_193, %while3A_194 : i32
      %while3A_196 = arith.constant 1 : i32
      %while3A_197 = arith.divsi %while3A_194, %while3A_196 : i32
      %while3A_198 = arith.muli %while3A_197, %while3A_196 : i32
      %while3A_199 = arith.addi %while3A_193, %while3A_198 : i32
      %while3A_200 = arith.constant 1 : i32
      %while3A_201:4 = scf.for %while3A_431 = %while3A_193 to %while3A_199 step %while3A_200 iter_args(%while3A_432 = %while3A_178#0, %while3A_433 = %while3A_178#1, %while3A_434 = %while3A_178#2, %while3A_435 = %while3A_178#3) -> (vector<16xi32>, vector<16xi32>, vector<16xi32>, vector<16xi32>)  : i32 {
        %mul3A_436 = arith.constant 16 : i32
        %mul3A_437 = arith.muli %while3A_431, %mul3A_436 : i32
        %add3A_438 = arith.constant 1024 : i32
        %add3A_439 = arith.addi %add3A_438, %mul3A_437 : i32
        %get3A_440 = arith.index_cast %add3A_439 : i32 to index
        %get3A_441 = tpu.vector_load %arg6[%get3A_440] {strides = array<i32>} : memref<2064xi32, #tpu.memory_space<vmem>>, vector<16xi32>,
        %mul3A_442 = arith.constant 16 : i32
        %mul3A_443 = arith.muli %while3A_431, %mul3A_442 : i32
        %add3A_444 = arith.constant 1024 : i32
        %add3A_445 = arith.addi %add3A_444, %mul3A_443 : i32
        %get3A_446 = arith.index_cast %add3A_445 : i32 to index
        %get3A_447 = tpu.vector_load %arg7[%get3A_446] {strides = array<i32>} : memref<2064xi32, #tpu.memory_space<vmem>>, vector<16xi32>,
        %masked_sort3A = arith.constant dense<true> : vector<16xi1>
        %masked_sort3A_448 = arith.constant -2147483648 : i32
        %masked_sort3A_449 = vector.broadcast %masked_sort3A_448 : i32 to vector<16xi32>
        %masked_sort3A_450 = arith.xori %get3A_441, %masked_sort3A_449 : vector<16xi32>
        %masked_sort3A_451, %masked_sort3A_452, %masked_sort3A_453 = tpu.sort %masked_sort3A_450, %get3A_447 masked %masked_sort3A : (vector<16xi32>, vector<16xi32>, vector<16xi1>) -> (vector<16xi1>, vector<16xi32>, vector<16xi32>)
        %masked_sort3A_454 = arith.xori %masked_sort3A_452, %masked_sort3A_449 : vector<16xi32>
        %mul3A_455 = arith.constant 16 : i32
        %mul3A_456 = arith.muli %while3A_431, %mul3A_455 : i32
        %add3A_457 = arith.constant 1024 : i32
        %add3A_458 = arith.addi %add3A_457, %mul3A_456 : i32
        %swap3A_459 = arith.index_cast %add3A_458 : i32 to index
        %swap3A_460 = tpu.vector_load %arg6[%swap3A_459] {strides = array<i32>} : memref<2064xi32, #tpu.memory_space<vmem>>, vector<16xi32>,
        tpu.vector_store %arg6[%swap3A_459], %broadcast_in_dim3A_1 {strides = array<i32>} : memref<2064xi32, #tpu.memory_space<vmem>>, vector<16xi32>,
        %rev3A = arith.constant 15 : i32
        %rev3A_461 = vector.broadcast %rev3A : i32 to vector<16xi32>
        %rev3A_462 = tpu.iota {dimensions = array<i32: 0>} : vector<16xi32>
        %rev3A_463 = arith.subi %rev3A_461, %rev3A_462 : vector<16xi32>
        %rev3A_464 = tpu.dynamic_gather %masked_sort3A_454[%rev3A_463] in [0] : vector<16xi32>, vector<16xi32> -> vector<16xi32>
        %rev3A_465 = arith.constant 15 : i32
        %rev3A_466 = vector.broadcast %rev3A_465 : i32 to vector<16xi32>
        %rev3A_467 = tpu.iota {dimensions = array<i32: 0>} : vector<16xi32>
        %rev3A_468 = arith.subi %rev3A_466, %rev3A_467 : vector<16xi32>
        %rev3A_469 = tpu.dynamic_gather %masked_sort3A_453[%rev3A_468] in [0] : vector<16xi32>, vector<16xi32> -> vector<16xi32>
        %le3A = arith.cmpi sle, %while3A_434, %rev3A_464 : vector<16xi32>
        %select_n3A = arith.select %le3A, %while3A_434, %rev3A_464 : vector<16xi1>, vector<16xi32>
        %select_n3A_470 = arith.select %le3A, %while3A_435, %rev3A_469 : vector<16xi1>, vector<16xi32>
        %masked_sort3A_471 = arith.constant dense<true> : vector<16xi1>
        %masked_sort3A_472 = arith.constant -2147483648 : i32
        %masked_sort3A_473 = vector.broadcast %masked_sort3A_472 : i32 to vector<16xi32>
        %masked_sort3A_474 = arith.xori %select_n3A, %masked_sort3A_473 : vector<16xi32>
        %masked_sort3A_475, %masked_sort3A_476, %masked_sort3A_477 = tpu.sort %masked_sort3A_474, %select_n3A_470 masked %masked_sort3A_471 : (vector<16xi32>, vector<16xi32>, vector<16xi1>) -> (vector<16xi1>, vector<16xi32>, vector<16xi32>)
        %masked_sort3A_478 = arith.xori %masked_sort3A_476, %masked_sort3A_473 : vector<16xi32>
        %rev3A_479 = arith.constant 15 : i32
        %rev3A_480 = vector.broadcast %rev3A_479 : i32 to vector<16xi32>
        %rev3A_481 = tpu.iota {dimensions = array<i32: 0>} : vector<16xi32>
        %rev3A_482 = arith.subi %rev3A_480, %rev3A_481 : vector<16xi32>
        %rev3A_483 = tpu.dynamic_gather %masked_sort3A_478[%rev3A_482] in [0] : vector<16xi32>, vector<16xi32> -> vector<16xi32>
        %rev3A_484 = arith.constant 15 : i32
        %rev3A_485 = vector.broadcast %rev3A_484 : i32 to vector<16xi32>
        %rev3A_486 = tpu.iota {dimensions = array<i32: 0>} : vector<16xi32>
        %rev3A_487 = arith.subi %rev3A_485, %rev3A_486 : vector<16xi32>
        %rev3A_488 = tpu.dynamic_gather %masked_sort3A_477[%rev3A_487] in [0] : vector<16xi32>, vector<16xi32> -> vector<16xi32>
        %le3A_489 = arith.cmpi sle, %while3A_432, %rev3A_483 : vector<16xi32>
        %select_n3A_490 = arith.select %le3A_489, %while3A_432, %rev3A_483 : vector<16xi1>, vector<16xi32>
        %select_n3A_491 = arith.select %le3A_489, %while3A_433, %rev3A_488 : vector<16xi1>, vector<16xi32>
        %select_n3A_492 = arith.select %le3A_489, %rev3A_483, %while3A_432 : vector<16xi1>, vector<16xi32>
        %select_n3A_493 = arith.select %le3A_489, %rev3A_488, %while3A_433 : vector<16xi1>, vector<16xi32>
        %masked_sort3A_494 = arith.constant dense<true> : vector<16xi1>
        %masked_sort3A_495 = arith.constant -2147483648 : i32
        %masked_sort3A_496 = vector.broadcast %masked_sort3A_495 : i32 to vector<16xi32>
        %masked_sort3A_497 = arith.xori %select_n3A_490, %masked_sort3A_496 : vector<16xi32>
        %masked_sort3A_498, %masked_sort3A_499, %masked_sort3A_500 = tpu.sort %masked_sort3A_497, %select_n3A_491 masked %masked_sort3A_494 : (vector<16xi32>, vector<16xi32>, vector<16xi1>) -> (vector<16xi1>, vector<16xi32>, vector<16xi32>)
        %masked_sort3A_501 = arith.xori %masked_sort3A_499, %masked_sort3A_496 : vector<16xi32>
        %masked_sort3A_502 = arith.constant dense<true> : vector<16xi1>
        %masked_sort3A_503 = arith.constant -2147483648 : i32
        %masked_sort3A_504 = vector.broadcast %masked_sort3A_503 : i32 to vector<16xi32>
        %masked_sort3A_505 = arith.xori %select_n3A_492, %masked_sort3A_504 : vector<16xi32>
        %masked_sort3A_506, %masked_sort3A_507, %masked_sort3A_508 = tpu.sort %masked_sort3A_505, %select_n3A_493 masked %masked_sort3A_502 : (vector<16xi32>, vector<16xi32>, vector<16xi1>) -> (vector<16xi1>, vector<16xi32>, vector<16xi32>)
        %masked_sort3A_509 = arith.xori %masked_sort3A_507, %masked_sort3A_504 : vector<16xi32>
        scf.yield %masked_sort3A_501, %masked_sort3A_500, %masked_sort3A_509, %masked_sort3A_508 : vector<16xi32>, vector<16xi32>, vector<16xi32>, vector<16xi32>
      }
      %while3A_202 = arith.constant 1 : i32
      %while3A_203:4 = scf.for %while3A_431 = %while3A_199 to %while3A_195 step %while3A_202 iter_args(%while3A_432 = %while3A_201#0, %while3A_433 = %while3A_201#1, %while3A_434 = %while3A_201#2, %while3A_435 = %while3A_201#3) -> (vector<16xi32>, vector<16xi32>, vector<16xi32>, vector<16xi32>)  : i32 {
        %mul3A_436 = arith.constant 16 : i32
        %mul3A_437 = arith.muli %while3A_431, %mul3A_436 : i32
        %add3A_438 = arith.constant 1024 : i32
        %add3A_439 = arith.addi %add3A_438, %mul3A_437 : i32
        %get3A_440 = arith.index_cast %add3A_439 : i32 to index
        %get3A_441 = tpu.vector_load %arg6[%get3A_440] {strides = array<i32>} : memref<2064xi32, #tpu.memory_space<vmem>>, vector<16xi32>,
        %mul3A_442 = arith.constant 16 : i32
        %mul3A_443 = arith.muli %while3A_431, %mul3A_442 : i32
        %add3A_444 = arith.constant 1024 : i32
        %add3A_445 = arith.addi %add3A_444, %mul3A_443 : i32
        %get3A_446 = arith.index_cast %add3A_445 : i32 to index
        %get3A_447 = tpu.vector_load %arg7[%get3A_446] {strides = array<i32>} : memref<2064xi32, #tpu.memory_space<vmem>>, vector<16xi32>,
        %masked_sort3A = arith.constant dense<true> : vector<16xi1>
        %masked_sort3A_448 = arith.constant -2147483648 : i32
        %masked_sort3A_449 = vector.broadcast %masked_sort3A_448 : i32 to vector<16xi32>
        %masked_sort3A_450 = arith.xori %get3A_441, %masked_sort3A_449 : vector<16xi32>
        %masked_sort3A_451, %masked_sort3A_452, %masked_sort3A_453 = tpu.sort %masked_sort3A_450, %get3A_447 masked %masked_sort3A : (vector<16xi32>, vector<16xi32>, vector<16xi1>) -> (vector<16xi1>, vector<16xi32>, vector<16xi32>)
        %masked_sort3A_454 = arith.xori %masked_sort3A_452, %masked_sort3A_449 : vector<16xi32>
        %mul3A_455 = arith.constant 16 : i32
        %mul3A_456 = arith.muli %while3A_431, %mul3A_455 : i32
        %add3A_457 = arith.constant 1024 : i32
        %add3A_458 = arith.addi %add3A_457, %mul3A_456 : i32
        %swap3A_459 = arith.index_cast %add3A_458 : i32 to index
        %swap3A_460 = tpu.vector_load %arg6[%swap3A_459] {strides = array<i32>} : memref<2064xi32, #tpu.memory_space<vmem>>, vector<16xi32>,
        tpu.vector_store %arg6[%swap3A_459], %broadcast_in_dim3A_1 {strides = array<i32>} : memref<2064xi32, #tpu.memory_space<vmem>>, vector<16xi32>,
        %rev3A = arith.constant 15 : i32
        %rev3A_461 = vector.broadcast %rev3A : i32 to vector<16xi32>
        %rev3A_462 = tpu.iota {dimensions = array<i32: 0>} : vector<16xi32>
        %rev3A_463 = arith.subi %rev3A_461, %rev3A_462 : vector<16xi32>
        %rev3A_464 = tpu.dynamic_gather %masked_sort3A_454[%rev3A_463] in [0] : vector<16xi32>, vector<16xi32> -> vector<16xi32>
        %rev3A_465 = arith.constant 15 : i32
        %rev3A_466 = vector.broadcast %rev3A_465 : i32 to vector<16xi32>
        %rev3A_467 = tpu.iota {dimensions = array<i32: 0>} : vector<16xi32>
        %rev3A_468 = arith.subi %rev3A_466, %rev3A_467 : vector<16xi32>
        %rev3A_469 = tpu.dynamic_gather %masked_sort3A_453[%rev3A_468] in [0] : vector<16xi32>, vector<16xi32> -> vector<16xi32>
        %le3A = arith.cmpi sle, %while3A_434, %rev3A_464 : vector<16xi32>
        %select_n3A = arith.select %le3A, %while3A_434, %rev3A_464 : vector<16xi1>, vector<16xi32>
        %select_n3A_470 = arith.select %le3A, %while3A_435, %rev3A_469 : vector<16xi1>, vector<16xi32>
        %masked_sort3A_471 = arith.constant dense<true> : vector<16xi1>
        %masked_sort3A_472 = arith.constant -2147483648 : i32
        %masked_sort3A_473 = vector.broadcast %masked_sort3A_472 : i32 to vector<16xi32>
        %masked_sort3A_474 = arith.xori %select_n3A, %masked_sort3A_473 : vector<16xi32>
        %masked_sort3A_475, %masked_sort3A_476, %masked_sort3A_477 = tpu.sort %masked_sort3A_474, %select_n3A_470 masked %masked_sort3A_471 : (vector<16xi32>, vector<16xi32>, vector<16xi1>) -> (vector<16xi1>, vector<16xi32>, vector<16xi32>)
        %masked_sort3A_478 = arith.xori %masked_sort3A_476, %masked_sort3A_473 : vector<16xi32>
        %rev3A_479 = arith.constant 15 : i32
        %rev3A_480 = vector.broadcast %rev3A_479 : i32 to vector<16xi32>
        %rev3A_481 = tpu.iota {dimensions = array<i32: 0>} : vector<16xi32>
        %rev3A_482 = arith.subi %rev3A_480, %rev3A_481 : vector<16xi32>
        %rev3A_483 = tpu.dynamic_gather %masked_sort3A_478[%rev3A_482] in [0] : vector<16xi32>, vector<16xi32> -> vector<16xi32>
        %rev3A_484 = arith.constant 15 : i32
        %rev3A_485 = vector.broadcast %rev3A_484 : i32 to vector<16xi32>
        %rev3A_486 = tpu.iota {dimensions = array<i32: 0>} : vector<16xi32>
        %rev3A_487 = arith.subi %rev3A_485, %rev3A_486 : vector<16xi32>
        %rev3A_488 = tpu.dynamic_gather %masked_sort3A_477[%rev3A_487] in [0] : vector<16xi32>, vector<16xi32> -> vector<16xi32>
        %le3A_489 = arith.cmpi sle, %while3A_432, %rev3A_483 : vector<16xi32>
        %select_n3A_490 = arith.select %le3A_489, %while3A_432, %rev3A_483 : vector<16xi1>, vector<16xi32>
        %select_n3A_491 = arith.select %le3A_489, %while3A_433, %rev3A_488 : vector<16xi1>, vector<16xi32>
        %select_n3A_492 = arith.select %le3A_489, %rev3A_483, %while3A_432 : vector<16xi1>, vector<16xi32>
        %select_n3A_493 = arith.select %le3A_489, %rev3A_488, %while3A_433 : vector<16xi1>, vector<16xi32>
        %masked_sort3A_494 = arith.constant dense<true> : vector<16xi1>
        %masked_sort3A_495 = arith.constant -2147483648 : i32
        %masked_sort3A_496 = vector.broadcast %masked_sort3A_495 : i32 to vector<16xi32>
        %masked_sort3A_497 = arith.xori %select_n3A_490, %masked_sort3A_496 : vector<16xi32>
        %masked_sort3A_498, %masked_sort3A_499, %masked_sort3A_500 = tpu.sort %masked_sort3A_497, %select_n3A_491 masked %masked_sort3A_494 : (vector<16xi32>, vector<16xi32>, vector<16xi1>) -> (vector<16xi1>, vector<16xi32>, vector<16xi32>)
        %masked_sort3A_501 = arith.xori %masked_sort3A_499, %masked_sort3A_496 : vector<16xi32>
        %masked_sort3A_502 = arith.constant dense<true> : vector<16xi1>
        %masked_sort3A_503 = arith.constant -2147483648 : i32
        %masked_sort3A_504 = vector.broadcast %masked_sort3A_503 : i32 to vector<16xi32>
        %masked_sort3A_505 = arith.xori %select_n3A_492, %masked_sort3A_504 : vector<16xi32>
        %masked_sort3A_506, %masked_sort3A_507, %masked_sort3A_508 = tpu.sort %masked_sort3A_505, %select_n3A_493 masked %masked_sort3A_502 : (vector<16xi32>, vector<16xi32>, vector<16xi1>) -> (vector<16xi1>, vector<16xi32>, vector<16xi32>)
        %masked_sort3A_509 = arith.xori %masked_sort3A_507, %masked_sort3A_504 : vector<16xi32>
        scf.yield %masked_sort3A_501, %masked_sort3A_500, %masked_sort3A_509, %masked_sort3A_508 : vector<16xi32>, vector<16xi32>, vector<16xi32>, vector<16xi32>
      }
      %reduce_max3A_204 = arith.constant true
      %reduce_max3A_205 = vector.broadcast %reduce_max3A_204 : i1 to vector<16xi1>
      %reduce_max3A_206 = arith.constant -2147483648 : i32
      %reduce_max3A_207 = vector.broadcast %reduce_max3A_206 : i32 to vector<16xi32>
      %reduce_max3A_208 = arith.xori %parallel_loop3A_130#3, %reduce_max3A_207 : vector<16xi32>
      %reduce_max3A_209 = tpu.scan <max>, %reduce_max3A_208 masked %reduce_max3A_205 : vector<16xi32>, vector<16xi1> -> vector<16xi32>
      %reduce_max3A_210 = arith.xori %reduce_max3A_209, %reduce_max3A_207 : vector<16xi32>
      %reduce_max3A_211 = vector.extract %reduce_max3A_210[15] : i32 from vector<16xi32>
      %sub3A_212 = arith.constant 1536 : i32
      %sub3A_213 = arith.subi %reduce_max3A_211, %sub3A_212 : i32
      %shift_right_arithmetic3A_214 = arith.constant 4 : i32
      %shift_right_arithmetic3A_215 = arith.shrsi %sub3A_213, %shift_right_arithmetic3A_214 : i32
      %add3A_216 = arith.constant 1 : i32
      %add3A_217 = arith.addi %shift_right_arithmetic3A_215, %add3A_216 : i32
      %while3A_218 = arith.constant 0 : i32
      %while3A_219 = arith.subi %add3A_217, %while3A_218 : i32
      %while3A_220 = arith.addi %while3A_218, %while3A_219 : i32
      %while3A_221 = arith.constant 1 : i32
      %while3A_222 = arith.divsi %while3A_219, %while3A_221 : i32
      %while3A_223 = arith.muli %while3A_222, %while3A_221 : i32
      %while3A_224 = arith.addi %while3A_218, %while3A_223 : i32
      %while3A_225 = arith.constant 1 : i32
      %while3A_226:4 = scf.for %while3A_431 = %while3A_218 to %while3A_224 step %while3A_225 iter_args(%while3A_432 = %while3A_203#0, %while3A_433 = %while3A_203#1, %while3A_434 = %while3A_203#2, %while3A_435 = %while3A_203#3) -> (vector<16xi32>, vector<16xi32>, vector<16xi32>, vector<16xi32>)  : i32 {
        %mul3A_436 = arith.constant 16 : i32
        %mul3A_437 = arith.muli %while3A_431, %mul3A_436 : i32
        %add3A_438 = arith.constant 1536 : i32
        %add3A_439 = arith.addi %add3A_438, %mul3A_437 : i32
        %get3A_440 = arith.index_cast %add3A_439 : i32 to index
        %get3A_441 = tpu.vector_load %arg6[%get3A_440] {strides = array<i32>} : memref<2064xi32, #tpu.memory_space<vmem>>, vector<16xi32>,
        %mul3A_442 = arith.constant 16 : i32
        %mul3A_443 = arith.muli %while3A_431, %mul3A_442 : i32
        %add3A_444 = arith.constant 1536 : i32
        %add3A_445 = arith.addi %add3A_444, %mul3A_443 : i32
        %get3A_446 = arith.index_cast %add3A_445 : i32 to index
        %get3A_447 = tpu.vector_load %arg7[%get3A_446] {strides = array<i32>} : memref<2064xi32, #tpu.memory_space<vmem>>, vector<16xi32>,
        %masked_sort3A = arith.constant dense<true> : vector<16xi1>
        %masked_sort3A_448 = arith.constant -2147483648 : i32
        %masked_sort3A_449 = vector.broadcast %masked_sort3A_448 : i32 to vector<16xi32>
        %masked_sort3A_450 = arith.xori %get3A_441, %masked_sort3A_449 : vector<16xi32>
        %masked_sort3A_451, %masked_sort3A_452, %masked_sort3A_453 = tpu.sort %masked_sort3A_450, %get3A_447 masked %masked_sort3A : (vector<16xi32>, vector<16xi32>, vector<16xi1>) -> (vector<16xi1>, vector<16xi32>, vector<16xi32>)
        %masked_sort3A_454 = arith.xori %masked_sort3A_452, %masked_sort3A_449 : vector<16xi32>
        %mul3A_455 = arith.constant 16 : i32
        %mul3A_456 = arith.muli %while3A_431, %mul3A_455 : i32
        %add3A_457 = arith.constant 1536 : i32
        %add3A_458 = arith.addi %add3A_457, %mul3A_456 : i32
        %swap3A_459 = arith.index_cast %add3A_458 : i32 to index
        %swap3A_460 = tpu.vector_load %arg6[%swap3A_459] {strides = array<i32>} : memref<2064xi32, #tpu.memory_space<vmem>>, vector<16xi32>,
        tpu.vector_store %arg6[%swap3A_459], %broadcast_in_dim3A_1 {strides = array<i32>} : memref<2064xi32, #tpu.memory_space<vmem>>, vector<16xi32>,
        %rev3A = arith.constant 15 : i32
        %rev3A_461 = vector.broadcast %rev3A : i32 to vector<16xi32>
        %rev3A_462 = tpu.iota {dimensions = array<i32: 0>} : vector<16xi32>
        %rev3A_463 = arith.subi %rev3A_461, %rev3A_462 : vector<16xi32>
        %rev3A_464 = tpu.dynamic_gather %masked_sort3A_454[%rev3A_463] in [0] : vector<16xi32>, vector<16xi32> -> vector<16xi32>
        %rev3A_465 = arith.constant 15 : i32
        %rev3A_466 = vector.broadcast %rev3A_465 : i32 to vector<16xi32>
        %rev3A_467 = tpu.iota {dimensions = array<i32: 0>} : vector<16xi32>
        %rev3A_468 = arith.subi %rev3A_466, %rev3A_467 : vector<16xi32>
        %rev3A_469 = tpu.dynamic_gather %masked_sort3A_453[%rev3A_468] in [0] : vector<16xi32>, vector<16xi32> -> vector<16xi32>
        %le3A = arith.cmpi sle, %while3A_434, %rev3A_464 : vector<16xi32>
        %select_n3A = arith.select %le3A, %while3A_434, %rev3A_464 : vector<16xi1>, vector<16xi32>
        %select_n3A_470 = arith.select %le3A, %while3A_435, %rev3A_469 : vector<16xi1>, vector<16xi32>
        %masked_sort3A_471 = arith.constant dense<true> : vector<16xi1>
        %masked_sort3A_472 = arith.constant -2147483648 : i32
        %masked_sort3A_473 = vector.broadcast %masked_sort3A_472 : i32 to vector<16xi32>
        %masked_sort3A_474 = arith.xori %select_n3A, %masked_sort3A_473 : vector<16xi32>
        %masked_sort3A_475, %masked_sort3A_476, %masked_sort3A_477 = tpu.sort %masked_sort3A_474, %select_n3A_470 masked %masked_sort3A_471 : (vector<16xi32>, vector<16xi32>, vector<16xi1>) -> (vector<16xi1>, vector<16xi32>, vector<16xi32>)
        %masked_sort3A_478 = arith.xori %masked_sort3A_476, %masked_sort3A_473 : vector<16xi32>
        %rev3A_479 = arith.constant 15 : i32
        %rev3A_480 = vector.broadcast %rev3A_479 : i32 to vector<16xi32>
        %rev3A_481 = tpu.iota {dimensions = array<i32: 0>} : vector<16xi32>
        %rev3A_482 = arith.subi %rev3A_480, %rev3A_481 : vector<16xi32>
        %rev3A_483 = tpu.dynamic_gather %masked_sort3A_478[%rev3A_482] in [0] : vector<16xi32>, vector<16xi32> -> vector<16xi32>
        %rev3A_484 = arith.constant 15 : i32
        %rev3A_485 = vector.broadcast %rev3A_484 : i32 to vector<16xi32>
        %rev3A_486 = tpu.iota {dimensions = array<i32: 0>} : vector<16xi32>
        %rev3A_487 = arith.subi %rev3A_485, %rev3A_486 : vector<16xi32>
        %rev3A_488 = tpu.dynamic_gather %masked_sort3A_477[%rev3A_487] in [0] : vector<16xi32>, vector<16xi32> -> vector<16xi32>
        %le3A_489 = arith.cmpi sle, %while3A_432, %rev3A_483 : vector<16xi32>
        %select_n3A_490 = arith.select %le3A_489, %while3A_432, %rev3A_483 : vector<16xi1>, vector<16xi32>
        %select_n3A_491 = arith.select %le3A_489, %while3A_433, %rev3A_488 : vector<16xi1>, vector<16xi32>
        %select_n3A_492 = arith.select %le3A_489, %rev3A_483, %while3A_432 : vector<16xi1>, vector<16xi32>
        %select_n3A_493 = arith.select %le3A_489, %rev3A_488, %while3A_433 : vector<16xi1>, vector<16xi32>
        %masked_sort3A_494 = arith.constant dense<true> : vector<16xi1>
        %masked_sort3A_495 = arith.constant -2147483648 : i32
        %masked_sort3A_496 = vector.broadcast %masked_sort3A_495 : i32 to vector<16xi32>
        %masked_sort3A_497 = arith.xori %select_n3A_490, %masked_sort3A_496 : vector<16xi32>
        %masked_sort3A_498, %masked_sort3A_499, %masked_sort3A_500 = tpu.sort %masked_sort3A_497, %select_n3A_491 masked %masked_sort3A_494 : (vector<16xi32>, vector<16xi32>, vector<16xi1>) -> (vector<16xi1>, vector<16xi32>, vector<16xi32>)
        %masked_sort3A_501 = arith.xori %masked_sort3A_499, %masked_sort3A_496 : vector<16xi32>
        %masked_sort3A_502 = arith.constant dense<true> : vector<16xi1>
        %masked_sort3A_503 = arith.constant -2147483648 : i32
        %masked_sort3A_504 = vector.broadcast %masked_sort3A_503 : i32 to vector<16xi32>
        %masked_sort3A_505 = arith.xori %select_n3A_492, %masked_sort3A_504 : vector<16xi32>
        %masked_sort3A_506, %masked_sort3A_507, %masked_sort3A_508 = tpu.sort %masked_sort3A_505, %select_n3A_493 masked %masked_sort3A_502 : (vector<16xi32>, vector<16xi32>, vector<16xi1>) -> (vector<16xi1>, vector<16xi32>, vector<16xi32>)
        %masked_sort3A_509 = arith.xori %masked_sort3A_507, %masked_sort3A_504 : vector<16xi32>
        scf.yield %masked_sort3A_501, %masked_sort3A_500, %masked_sort3A_509, %masked_sort3A_508 : vector<16xi32>, vector<16xi32>, vector<16xi32>, vector<16xi32>
      }
      %while3A_227 = arith.constant 1 : i32
      %while3A_228:4 = scf.for %while3A_431 = %while3A_224 to %while3A_220 step %while3A_227 iter_args(%while3A_432 = %while3A_226#0, %while3A_433 = %while3A_226#1, %while3A_434 = %while3A_226#2, %while3A_435 = %while3A_226#3) -> (vector<16xi32>, vector<16xi32>, vector<16xi32>, vector<16xi32>)  : i32 {
        %mul3A_436 = arith.constant 16 : i32
        %mul3A_437 = arith.muli %while3A_431, %mul3A_436 : i32
        %add3A_438 = arith.constant 1536 : i32
        %add3A_439 = arith.addi %add3A_438, %mul3A_437 : i32
        %get3A_440 = arith.index_cast %add3A_439 : i32 to index
        %get3A_441 = tpu.vector_load %arg6[%get3A_440] {strides = array<i32>} : memref<2064xi32, #tpu.memory_space<vmem>>, vector<16xi32>,
        %mul3A_442 = arith.constant 16 : i32
        %mul3A_443 = arith.muli %while3A_431, %mul3A_442 : i32
        %add3A_444 = arith.constant 1536 : i32
        %add3A_445 = arith.addi %add3A_444, %mul3A_443 : i32
        %get3A_446 = arith.index_cast %add3A_445 : i32 to index
        %get3A_447 = tpu.vector_load %arg7[%get3A_446] {strides = array<i32>} : memref<2064xi32, #tpu.memory_space<vmem>>, vector<16xi32>,
        %masked_sort3A = arith.constant dense<true> : vector<16xi1>
        %masked_sort3A_448 = arith.constant -2147483648 : i32
        %masked_sort3A_449 = vector.broadcast %masked_sort3A_448 : i32 to vector<16xi32>
        %masked_sort3A_450 = arith.xori %get3A_441, %masked_sort3A_449 : vector<16xi32>
        %masked_sort3A_451, %masked_sort3A_452, %masked_sort3A_453 = tpu.sort %masked_sort3A_450, %get3A_447 masked %masked_sort3A : (vector<16xi32>, vector<16xi32>, vector<16xi1>) -> (vector<16xi1>, vector<16xi32>, vector<16xi32>)
        %masked_sort3A_454 = arith.xori %masked_sort3A_452, %masked_sort3A_449 : vector<16xi32>
        %mul3A_455 = arith.constant 16 : i32
        %mul3A_456 = arith.muli %while3A_431, %mul3A_455 : i32
        %add3A_457 = arith.constant 1536 : i32
        %add3A_458 = arith.addi %add3A_457, %mul3A_456 : i32
        %swap3A_459 = arith.index_cast %add3A_458 : i32 to index
        %swap3A_460 = tpu.vector_load %arg6[%swap3A_459] {strides = array<i32>} : memref<2064xi32, #tpu.memory_space<vmem>>, vector<16xi32>,
        tpu.vector_store %arg6[%swap3A_459], %broadcast_in_dim3A_1 {strides = array<i32>} : memref<2064xi32, #tpu.memory_space<vmem>>, vector<16xi32>,
        %rev3A = arith.constant 15 : i32
        %rev3A_461 = vector.broadcast %rev3A : i32 to vector<16xi32>
        %rev3A_462 = tpu.iota {dimensions = array<i32: 0>} : vector<16xi32>
        %rev3A_463 = arith.subi %rev3A_461, %rev3A_462 : vector<16xi32>
        %rev3A_464 = tpu.dynamic_gather %masked_sort3A_454[%rev3A_463] in [0] : vector<16xi32>, vector<16xi32> -> vector<16xi32>
        %rev3A_465 = arith.constant 15 : i32
        %rev3A_466 = vector.broadcast %rev3A_465 : i32 to vector<16xi32>
        %rev3A_467 = tpu.iota {dimensions = array<i32: 0>} : vector<16xi32>
        %rev3A_468 = arith.subi %rev3A_466, %rev3A_467 : vector<16xi32>
        %rev3A_469 = tpu.dynamic_gather %masked_sort3A_453[%rev3A_468] in [0] : vector<16xi32>, vector<16xi32> -> vector<16xi32>
        %le3A = arith.cmpi sle, %while3A_434, %rev3A_464 : vector<16xi32>
        %select_n3A = arith.select %le3A, %while3A_434, %rev3A_464 : vector<16xi1>, vector<16xi32>
        %select_n3A_470 = arith.select %le3A, %while3A_435, %rev3A_469 : vector<16xi1>, vector<16xi32>
        %masked_sort3A_471 = arith.constant dense<true> : vector<16xi1>
        %masked_sort3A_472 = arith.constant -2147483648 : i32
        %masked_sort3A_473 = vector.broadcast %masked_sort3A_472 : i32 to vector<16xi32>
        %masked_sort3A_474 = arith.xori %select_n3A, %masked_sort3A_473 : vector<16xi32>
        %masked_sort3A_475, %masked_sort3A_476, %masked_sort3A_477 = tpu.sort %masked_sort3A_474, %select_n3A_470 masked %masked_sort3A_471 : (vector<16xi32>, vector<16xi32>, vector<16xi1>) -> (vector<16xi1>, vector<16xi32>, vector<16xi32>)
        %masked_sort3A_478 = arith.xori %masked_sort3A_476, %masked_sort3A_473 : vector<16xi32>
        %rev3A_479 = arith.constant 15 : i32
        %rev3A_480 = vector.broadcast %rev3A_479 : i32 to vector<16xi32>
        %rev3A_481 = tpu.iota {dimensions = array<i32: 0>} : vector<16xi32>
        %rev3A_482 = arith.subi %rev3A_480, %rev3A_481 : vector<16xi32>
        %rev3A_483 = tpu.dynamic_gather %masked_sort3A_478[%rev3A_482] in [0] : vector<16xi32>, vector<16xi32> -> vector<16xi32>
        %rev3A_484 = arith.constant 15 : i32
        %rev3A_485 = vector.broadcast %rev3A_484 : i32 to vector<16xi32>
        %rev3A_486 = tpu.iota {dimensions = array<i32: 0>} : vector<16xi32>
        %rev3A_487 = arith.subi %rev3A_485, %rev3A_486 : vector<16xi32>
        %rev3A_488 = tpu.dynamic_gather %masked_sort3A_477[%rev3A_487] in [0] : vector<16xi32>, vector<16xi32> -> vector<16xi32>
        %le3A_489 = arith.cmpi sle, %while3A_432, %rev3A_483 : vector<16xi32>
        %select_n3A_490 = arith.select %le3A_489, %while3A_432, %rev3A_483 : vector<16xi1>, vector<16xi32>
        %select_n3A_491 = arith.select %le3A_489, %while3A_433, %rev3A_488 : vector<16xi1>, vector<16xi32>
        %select_n3A_492 = arith.select %le3A_489, %rev3A_483, %while3A_432 : vector<16xi1>, vector<16xi32>
        %select_n3A_493 = arith.select %le3A_489, %rev3A_488, %while3A_433 : vector<16xi1>, vector<16xi32>
        %masked_sort3A_494 = arith.constant dense<true> : vector<16xi1>
        %masked_sort3A_495 = arith.constant -2147483648 : i32
        %masked_sort3A_496 = vector.broadcast %masked_sort3A_495 : i32 to vector<16xi32>
        %masked_sort3A_497 = arith.xori %select_n3A_490, %masked_sort3A_496 : vector<16xi32>
        %masked_sort3A_498, %masked_sort3A_499, %masked_sort3A_500 = tpu.sort %masked_sort3A_497, %select_n3A_491 masked %masked_sort3A_494 : (vector<16xi32>, vector<16xi32>, vector<16xi1>) -> (vector<16xi1>, vector<16xi32>, vector<16xi32>)
        %masked_sort3A_501 = arith.xori %masked_sort3A_499, %masked_sort3A_496 : vector<16xi32>
        %masked_sort3A_502 = arith.constant dense<true> : vector<16xi1>
        %masked_sort3A_503 = arith.constant -2147483648 : i32
        %masked_sort3A_504 = vector.broadcast %masked_sort3A_503 : i32 to vector<16xi32>
        %masked_sort3A_505 = arith.xori %select_n3A_492, %masked_sort3A_504 : vector<16xi32>
        %masked_sort3A_506, %masked_sort3A_507, %masked_sort3A_508 = tpu.sort %masked_sort3A_505, %select_n3A_493 masked %masked_sort3A_502 : (vector<16xi32>, vector<16xi32>, vector<16xi1>) -> (vector<16xi1>, vector<16xi32>, vector<16xi32>)
        %masked_sort3A_509 = arith.xori %masked_sort3A_507, %masked_sort3A_504 : vector<16xi32>
        scf.yield %masked_sort3A_501, %masked_sort3A_500, %masked_sort3A_509, %masked_sort3A_508 : vector<16xi32>, vector<16xi32>, vector<16xi32>, vector<16xi32>
      }
      %swap3A = arith.constant 0 : index
      %swap3A_229 = tpu.vector_load %arg8[%swap3A] {strides = array<i32>} : memref<96xi32, #tpu.memory_space<vmem>>, vector<16xi32>,
      tpu.vector_store %arg8[%swap3A], %while3A_228#1 {strides = array<i32>} : memref<96xi32, #tpu.memory_space<vmem>>, vector<16xi32>,
      %swap3A_230 = arith.constant 16 : index
      %swap3A_231 = tpu.vector_load %arg8[%swap3A_230] {strides = array<i32>} : memref<96xi32, #tpu.memory_space<vmem>>, vector<16xi32>,
      tpu.vector_store %arg8[%swap3A_230], %while3A_228#3 {strides = array<i32>} : memref<96xi32, #tpu.memory_space<vmem>>, vector<16xi32>,
      %ge3A = arith.constant 1 : i32
      %ge3A_232 = arith.cmpi sge, %scan3A_85, %ge3A : i32
      %convert_element_type3A = arith.extui %ge3A_232 : i1 to i32
      %cond3A = arith.constant 0 : i32
      %cond3A_233 = arith.cmpi ne, %convert_element_type3A, %cond3A : i32
      scf.if %cond3A_233 {
        %dma_wait3A_431 = arith.constant 32 : i32
        %dma_wait3A_432 = arith.constant 0 : i32
        %dma_wait3A_433 = tpu.memref_slice %arg9[%dma_wait3A_431, %dma_wait3A_432] : memref<64x128xf32, #tpu.memory_space<vmem>> -> memref<32x128xf32, #tpu.memory_space<vmem>>
        %dma_wait3A_434 = arith.constant 48 : i32
        %dma_wait3A_435 = tpu.memref_slice %arg8[%dma_wait3A_434] : memref<96xi32, #tpu.memory_space<vmem>> -> memref<32xi32, #tpu.memory_space<vmem>>
        %dma_wait3A_436 = arith.constant 0 : i32
        %dma_wait3A_437 = arith.constant 0 : i32
        %dma_wait3A_438 = tpu.memref_slice %arg3[%dma_wait3A_436, %dma_wait3A_437] : memref<32768x128xf32, #tpu.memory_space<hbm>> -> memref<32768x128xf32, #tpu.memory_space<hbm>>
        tpu.wait_indirect_dma semaphore(%arg13 : memref<!tpu.dma_semaphore, #tpu.memory_space<semaphore_mem>>) src(%dma_wait3A_438 : memref<32768x128xf32, #tpu.memory_space<hbm>>) dst(%dma_wait3A_433 : memref<32x128xf32, #tpu.memory_space<vmem>>)
        %sub3A_439 = arith.constant 1 : i32
        %sub3A_440 = arith.subi %add3A_91, %sub3A_439 : i32
        %mul3A_441 = arith.constant 32 : i32
        %mul3A_442 = arith.muli %sub3A_440, %mul3A_441 : i32
        %dma_start3A_443 = arith.constant 32 : i32
        %dma_start3A_444 = arith.constant 0 : i32
        %dma_start3A_445 = tpu.memref_slice %arg9[%dma_start3A_443, %dma_start3A_444] : memref<64x128xf32, #tpu.memory_space<vmem>> -> memref<32x128xf32, #tpu.memory_space<vmem>>
        %dma_start3A_446 = arith.constant 0 : i32
        %dma_start3A_447 = tpu.memref_slice %arg4[%mul3A_442, %dma_start3A_446] : memref<262144x128xf32, #tpu.memory_space<hbm>> -> memref<32x128xf32, #tpu.memory_space<hbm>>
        %dma_start3A_448 = arith.constant 0 : i32
        %dma_start3A_449 = tpu.memref_slice %arg4[%mul3A_442, %dma_start3A_448] : memref<262144x128xf32, #tpu.memory_space<hbm>> -> memref<32x128xf32, #tpu.memory_space<hbm>>
        %dma_start3A_450 = arith.constant 32 : i32
        %dma_start3A_451 = arith.constant 0 : i32
        %dma_start3A_452 = tpu.memref_slice %arg9[%dma_start3A_450, %dma_start3A_451] : memref<64x128xf32, #tpu.memory_space<vmem>> -> memref<32x128xf32, #tpu.memory_space<vmem>>
        tpu.enqueue_dma source(%dma_start3A_452 : memref<32x128xf32, #tpu.memory_space<vmem>>) target(%dma_start3A_449 : memref<32x128xf32, #tpu.memory_space<hbm>>) target_semaphore(%arg15 : memref<!tpu.dma_semaphore, #tpu.memory_space<semaphore_mem>>)
        %dma_wait3A_453 = arith.constant 0 : i32
        %dma_wait3A_454 = arith.constant 0 : i32
        %dma_wait3A_455 = tpu.memref_slice %arg9[%dma_wait3A_453, %dma_wait3A_454] : memref<64x128xf32, #tpu.memory_space<vmem>> -> memref<32x128xf32, #tpu.memory_space<vmem>>
        %dma_wait3A_456 = arith.constant 0 : i32
        %dma_wait3A_457 = arith.constant 0 : i32
        %dma_wait3A_458 = tpu.memref_slice %arg4[%dma_wait3A_456, %dma_wait3A_457] : memref<262144x128xf32, #tpu.memory_space<hbm>> -> memref<32x128xf32, #tpu.memory_space<hbm>>
        %dma_wait3A_459 = arith.constant 0 : i32
        %dma_wait3A_460 = arith.constant 0 : i32
        %dma_wait3A_461 = tpu.memref_slice %arg4[%dma_wait3A_459, %dma_wait3A_460] : memref<262144x128xf32, #tpu.memory_space<hbm>> -> memref<32x128xf32, #tpu.memory_space<hbm>>
        %dma_wait3A_462 = arith.constant 0 : i32
        %dma_wait3A_463 = arith.constant 0 : i32
        %dma_wait3A_464 = tpu.memref_slice %arg9[%dma_wait3A_462, %dma_wait3A_463] : memref<64x128xf32, #tpu.memory_space<vmem>> -> memref<32x128xf32, #tpu.memory_space<vmem>>
        tpu.wait_dma2 semaphore(%arg14 : memref<!tpu.dma_semaphore, #tpu.memory_space<semaphore_mem>>) src(%dma_wait3A_464 : memref<32x128xf32, #tpu.memory_space<vmem>>) dst(%dma_wait3A_461 : memref<32x128xf32, #tpu.memory_space<hbm>>)
      } else {
      }
      %dma_start3A_234 = arith.constant 0 : i32
      %dma_start3A_235 = arith.constant 0 : i32
      %dma_start3A_236 = tpu.memref_slice %arg9[%dma_start3A_234, %dma_start3A_235] : memref<64x128xf32, #tpu.memory_space<vmem>> -> memref<32x128xf32, #tpu.memory_space<vmem>>
      %dma_start3A_237 = arith.constant 0 : i32
      %dma_start3A_238 = tpu.memref_slice %arg8[%dma_start3A_237] : memref<96xi32, #tpu.memory_space<vmem>> -> memref<32xi32, #tpu.memory_space<vmem>>
      %dma_start3A_239 = arith.constant 0 : i32
      %dma_start3A_240 = arith.constant 0 : i32
      %dma_start3A_241 = tpu.memref_slice %arg3[%dma_start3A_239, %dma_start3A_240] : memref<32768x128xf32, #tpu.memory_space<hbm>> -> memref<32768x128xf32, #tpu.memory_space<hbm>>
      tpu.enqueue_indirect_dma source(%dma_start3A_241 : memref<32768x128xf32, #tpu.memory_space<hbm>>) target(%dma_start3A_236 : memref<32x128xf32, #tpu.memory_space<vmem>>) offsets(%dma_start3A_238 : memref<32xi32, #tpu.memory_space<vmem>>) semaphore(%arg12 : memref<!tpu.dma_semaphore, #tpu.memory_space<semaphore_mem>>)
      %mul3A_242 = arith.constant 2 : i32
      %mul3A_243 = arith.muli %scan3A_85, %mul3A_242 : i32
      %add3A_244 = arith.constant 1 : i32
      %add3A_245 = arith.addi %mul3A_243, %add3A_244 : i32
      %add3A_246 = arith.addi %mul3A_12, %add3A_245 : i32
      %shift_right_arithmetic3A_247 = arith.constant 11 : i32
      %shift_right_arithmetic3A_248 = arith.shrsi %add3A_246, %shift_right_arithmetic3A_247 : i32
      %shift_left3A_249 = arith.constant 13 : i32
      %shift_left3A_250 = arith.shli %shift_right_arithmetic3A_248, %shift_left3A_249 : i32
      %add3A_251 = vector.broadcast %shift_left3A_250 : i32 to vector<16xi32>
      %add3A_252 = arith.addi %iota3A, %add3A_251 : vector<16xi32>
      %dma_wait3A_253 = arith.constant 8320 : i32
      %dma_wait3A_254 = tpu.memref_slice %arg5[%dma_wait3A_253] : memref<16640xi32, #tpu.memory_space<vmem>> -> memref<8320xi32, #tpu.memory_space<vmem>>
      %dma_wait3A_255 = arith.constant 0 : i32
      %dma_wait3A_256 = tpu.memref_slice %arg2[%add3A_246, %dma_wait3A_255] : memref<8192x8320xi32, #tpu.memory_space<hbm>> -> memref<1x8320xi32, #tpu.memory_space<hbm>>
      %dma_wait3A_257 = tpu.memref_squeeze %dma_wait3A_256 : memref<1x8320xi32, #tpu.memory_space<hbm>> -> memref<8320xi32, #tpu.memory_space<hbm>>
      %dma_wait3A_258 = arith.constant 8320 : i32
      %dma_wait3A_259 = tpu.memref_slice %arg5[%dma_wait3A_258] : memref<16640xi32, #tpu.memory_space<vmem>> -> memref<8320xi32, #tpu.memory_space<vmem>>
      %dma_wait3A_260 = arith.constant 0 : i32
      %dma_wait3A_261 = tpu.memref_slice %arg2[%add3A_246, %dma_wait3A_260] : memref<8192x8320xi32, #tpu.memory_space<hbm>> -> memref<1x8320xi32, #tpu.memory_space<hbm>>
      %dma_wait3A_262 = tpu.memref_squeeze %dma_wait3A_261 : memref<1x8320xi32, #tpu.memory_space<hbm>> -> memref<8320xi32, #tpu.memory_space<hbm>>
      tpu.wait_dma2 semaphore(%arg11 : memref<!tpu.dma_semaphore, #tpu.memory_space<semaphore_mem>>) src(%dma_wait3A_262 : memref<8320xi32, #tpu.memory_space<hbm>>) dst(%dma_wait3A_259 : memref<8320xi32, #tpu.memory_space<vmem>>)
      %add3A_263 = arith.constant 1 : i32
      %add3A_264 = arith.addi %add3A_246, %add3A_263 : i32
      %min3A_265 = arith.constant 8191 : i32
      %min3A_266 = arith.minsi %add3A_264, %min3A_265 : i32
      %dma_start3A_267 = arith.constant 0 : i32
      %dma_start3A_268 = tpu.memref_slice %arg5[%dma_start3A_267] : memref<16640xi32, #tpu.memory_space<vmem>> -> memref<8320xi32, #tpu.memory_space<vmem>>
      %dma_start3A_269 = arith.constant 0 : i32
      %dma_start3A_270 = tpu.memref_slice %arg2[%min3A_266, %dma_start3A_269] : memref<8192x8320xi32, #tpu.memory_space<hbm>> -> memref<1x8320xi32, #tpu.memory_space<hbm>>
      %dma_start3A_271 = tpu.memref_squeeze %dma_start3A_270 : memref<1x8320xi32, #tpu.memory_space<hbm>> -> memref<8320xi32, #tpu.memory_space<hbm>>
      %dma_start3A_272 = arith.constant 0 : i32
      %dma_start3A_273 = tpu.memref_slice %arg5[%dma_start3A_272] : memref<16640xi32, #tpu.memory_space<vmem>> -> memref<8320xi32, #tpu.memory_space<vmem>>
      %dma_start3A_274 = arith.constant 0 : i32
      %dma_start3A_275 = tpu.memref_slice %arg2[%min3A_266, %dma_start3A_274] : memref<8192x8320xi32, #tpu.memory_space<hbm>> -> memref<1x8320xi32, #tpu.memory_space<hbm>>
      %dma_start3A_276 = tpu.memref_squeeze %dma_start3A_275 : memref<1x8320xi32, #tpu.memory_space<hbm>> -> memref<8320xi32, #tpu.memory_space<hbm>>
      tpu.enqueue_dma source(%dma_start3A_276 : memref<8320xi32, #tpu.memory_space<hbm>>) target(%dma_start3A_273 : memref<8320xi32, #tpu.memory_space<vmem>>) target_semaphore(%arg10 : memref<!tpu.dma_semaphore, #tpu.memory_space<semaphore_mem>>)
      %get3A_277 = arith.constant 16512 : index
      %get3A_278 = tpu.vector_load %arg5[%get3A_277] {strides = array<i32>} : memref<16640xi32, #tpu.memory_space<vmem>>, vector<16xi32>,
      %broadcast_in_dim3A_279 = arith.constant 0 : i32
      %broadcast_in_dim3A_280 = vector.broadcast %broadcast_in_dim3A_279 : i32 to vector<16xi32>
      %broadcast_in_dim3A_281 = arith.constant 512 : i32
      %broadcast_in_dim3A_282 = vector.broadcast %broadcast_in_dim3A_281 : i32 to vector<16xi32>
      %broadcast_in_dim3A_283 = arith.constant 1024 : i32
      %broadcast_in_dim3A_284 = vector.broadcast %broadcast_in_dim3A_283 : i32 to vector<16xi32>
      %broadcast_in_dim3A_285 = arith.constant 1536 : i32
      %broadcast_in_dim3A_286 = vector.broadcast %broadcast_in_dim3A_285 : i32 to vector<16xi32>
      %parallel_loop3A_287 = arith.constant 0 : i32
      %parallel_loop3A_288 = arith.constant 128 : i32
      %parallel_loop3A_289 = arith.constant 1 : i32
      %parallel_loop3A_290:4 = scf.for %parallel_loop3A_431 = %parallel_loop3A_287 to %parallel_loop3A_288 step %parallel_loop3A_289 iter_args(%parallel_loop3A_432 = %broadcast_in_dim3A_280, %parallel_loop3A_433 = %broadcast_in_dim3A_282, %parallel_loop3A_434 = %broadcast_in_dim3A_284, %parallel_loop3A_435 = %broadcast_in_dim3A_286) -> (vector<16xi32>, vector<16xi32>, vector<16xi32>, vector<16xi32>)  : i32 {
        %parallel_loop3A_436 = arith.constant 64 : i32
        %parallel_loop3A_437 = arith.muli %parallel_loop3A_431, %parallel_loop3A_436 : i32
        %parallel_loop3A_438 = arith.constant 0 : i32
        %parallel_loop3A_439 = arith.addi %parallel_loop3A_437, %parallel_loop3A_438 : i32
        %parallel_loop3A_440 = arith.constant 8320 : i32
        %parallel_loop3A_441 = arith.addi %parallel_loop3A_440, %parallel_loop3A_439 : i32
        %parallel_loop3A_442 = arith.index_cast %parallel_loop3A_441 : i32 to index
        %parallel_loop3A_443 = tpu.vector_load %arg5[%parallel_loop3A_442] {strides = array<i32>} : memref<16640xi32, #tpu.memory_space<vmem>>, vector<16xi32>,
        %parallel_loop3A_444 = arith.cmpi sle, %parallel_loop3A_443, %get3A_278 : vector<16xi32>
        %parallel_loop3A_445 = arith.ori %parallel_loop3A_432, %iota3A : vector<16xi32>
        %parallel_loop3A_446 = arith.select %parallel_loop3A_444, %parallel_loop3A_445, %add3A_4 : vector<16xi1>, vector<16xi32>
        tpu.vector_store_idx %arg6[%parallel_loop3A_446], %parallel_loop3A_443 : memref<2064xi32, #tpu.memory_space<vmem>>[vector<16xi32>], vector<16xi32>,
        %parallel_loop3A_447 = vector.broadcast %parallel_loop3A_439 : i32 to vector<16xi32>
        %parallel_loop3A_448 = arith.addi %parallel_loop3A_447, %add3A_252 : vector<16xi32>
        tpu.vector_store_idx %arg7[%parallel_loop3A_446], %parallel_loop3A_448 : memref<2064xi32, #tpu.memory_space<vmem>>[vector<16xi32>], vector<16xi32>,
        %parallel_loop3A_449 = arith.constant 16 : i32
        %parallel_loop3A_450 = arith.constant 0 : i32
        %parallel_loop3A_451 = vector.broadcast %parallel_loop3A_449 : i32 to vector<16xi32>
        %parallel_loop3A_452 = vector.broadcast %parallel_loop3A_450 : i32 to vector<16xi32>
        %parallel_loop3A_453 = arith.select %parallel_loop3A_444, %parallel_loop3A_451, %parallel_loop3A_452 : vector<16xi1>, vector<16xi32>
        %parallel_loop3A_454 = arith.addi %parallel_loop3A_432, %parallel_loop3A_453 : vector<16xi32>
        %parallel_loop3A_455 = arith.constant 64 : i32
        %parallel_loop3A_456 = arith.muli %parallel_loop3A_431, %parallel_loop3A_455 : i32
        %parallel_loop3A_457 = arith.constant 16 : i32
        %parallel_loop3A_458 = arith.addi %parallel_loop3A_456, %parallel_loop3A_457 : i32
        %parallel_loop3A_459 = arith.constant 8320 : i32
        %parallel_loop3A_460 = arith.addi %parallel_loop3A_459, %parallel_loop3A_458 : i32
        %parallel_loop3A_461 = arith.index_cast %parallel_loop3A_460 : i32 to index
        %parallel_loop3A_462 = tpu.vector_load %arg5[%parallel_loop3A_461] {strides = array<i32>} : memref<16640xi32, #tpu.memory_space<vmem>>, vector<16xi32>,
        %parallel_loop3A_463 = arith.cmpi sle, %parallel_loop3A_462, %get3A_278 : vector<16xi32>
        %parallel_loop3A_464 = arith.ori %parallel_loop3A_433, %iota3A : vector<16xi32>
        %parallel_loop3A_465 = arith.select %parallel_loop3A_463, %parallel_loop3A_464, %add3A_4 : vector<16xi1>, vector<16xi32>
        tpu.vector_store_idx %arg6[%parallel_loop3A_465], %parallel_loop3A_462 : memref<2064xi32, #tpu.memory_space<vmem>>[vector<16xi32>], vector<16xi32>,
        %parallel_loop3A_466 = vector.broadcast %parallel_loop3A_458 : i32 to vector<16xi32>
        %parallel_loop3A_467 = arith.addi %parallel_loop3A_466, %add3A_252 : vector<16xi32>
        tpu.vector_store_idx %arg7[%parallel_loop3A_465], %parallel_loop3A_467 : memref<2064xi32, #tpu.memory_space<vmem>>[vector<16xi32>], vector<16xi32>,
        %parallel_loop3A_468 = arith.constant 16 : i32
        %parallel_loop3A_469 = arith.constant 0 : i32
        %parallel_loop3A_470 = vector.broadcast %parallel_loop3A_468 : i32 to vector<16xi32>
        %parallel_loop3A_471 = vector.broadcast %parallel_loop3A_469 : i32 to vector<16xi32>
        %parallel_loop3A_472 = arith.select %parallel_loop3A_463, %parallel_loop3A_470, %parallel_loop3A_471 : vector<16xi1>, vector<16xi32>
        %parallel_loop3A_473 = arith.addi %parallel_loop3A_433, %parallel_loop3A_472 : vector<16xi32>
        %parallel_loop3A_474 = arith.constant 64 : i32
        %parallel_loop3A_475 = arith.muli %parallel_loop3A_431, %parallel_loop3A_474 : i32
        %parallel_loop3A_476 = arith.constant 32 : i32
        %parallel_loop3A_477 = arith.addi %parallel_loop3A_475, %parallel_loop3A_476 : i32
        %parallel_loop3A_478 = arith.constant 8320 : i32
        %parallel_loop3A_479 = arith.addi %parallel_loop3A_478, %parallel_loop3A_477 : i32
        %parallel_loop3A_480 = arith.index_cast %parallel_loop3A_479 : i32 to index
        %parallel_loop3A_481 = tpu.vector_load %arg5[%parallel_loop3A_480] {strides = array<i32>} : memref<16640xi32, #tpu.memory_space<vmem>>, vector<16xi32>,
        %parallel_loop3A_482 = arith.cmpi sle, %parallel_loop3A_481, %get3A_278 : vector<16xi32>
        %parallel_loop3A_483 = arith.ori %parallel_loop3A_434, %iota3A : vector<16xi32>
        %parallel_loop3A_484 = arith.select %parallel_loop3A_482, %parallel_loop3A_483, %add3A_4 : vector<16xi1>, vector<16xi32>
        tpu.vector_store_idx %arg6[%parallel_loop3A_484], %parallel_loop3A_481 : memref<2064xi32, #tpu.memory_space<vmem>>[vector<16xi32>], vector<16xi32>,
        %parallel_loop3A_485 = vector.broadcast %parallel_loop3A_477 : i32 to vector<16xi32>
        %parallel_loop3A_486 = arith.addi %parallel_loop3A_485, %add3A_252 : vector<16xi32>
        tpu.vector_store_idx %arg7[%parallel_loop3A_484], %parallel_loop3A_486 : memref<2064xi32, #tpu.memory_space<vmem>>[vector<16xi32>], vector<16xi32>,
        %parallel_loop3A_487 = arith.constant 16 : i32
        %parallel_loop3A_488 = arith.constant 0 : i32
        %parallel_loop3A_489 = vector.broadcast %parallel_loop3A_487 : i32 to vector<16xi32>
        %parallel_loop3A_490 = vector.broadcast %parallel_loop3A_488 : i32 to vector<16xi32>
        %parallel_loop3A_491 = arith.select %parallel_loop3A_482, %parallel_loop3A_489, %parallel_loop3A_490 : vector<16xi1>, vector<16xi32>
        %parallel_loop3A_492 = arith.addi %parallel_loop3A_434, %parallel_loop3A_491 : vector<16xi32>
        %parallel_loop3A_493 = arith.constant 64 : i32
        %parallel_loop3A_494 = arith.muli %parallel_loop3A_431, %parallel_loop3A_493 : i32
        %parallel_loop3A_495 = arith.constant 48 : i32
        %parallel_loop3A_496 = arith.addi %parallel_loop3A_494, %parallel_loop3A_495 : i32
        %parallel_loop3A_497 = arith.constant 8320 : i32
        %parallel_loop3A_498 = arith.addi %parallel_loop3A_497, %parallel_loop3A_496 : i32
        %parallel_loop3A_499 = arith.index_cast %parallel_loop3A_498 : i32 to index
        %parallel_loop3A_500 = tpu.vector_load %arg5[%parallel_loop3A_499] {strides = array<i32>} : memref<16640xi32, #tpu.memory_space<vmem>>, vector<16xi32>,
        %parallel_loop3A_501 = arith.cmpi sle, %parallel_loop3A_500, %get3A_278 : vector<16xi32>
        %parallel_loop3A_502 = arith.ori %parallel_loop3A_435, %iota3A : vector<16xi32>
        %parallel_loop3A_503 = arith.select %parallel_loop3A_501, %parallel_loop3A_502, %add3A_4 : vector<16xi1>, vector<16xi32>
        tpu.vector_store_idx %arg6[%parallel_loop3A_503], %parallel_loop3A_500 : memref<2064xi32, #tpu.memory_space<vmem>>[vector<16xi32>], vector<16xi32>,
        %parallel_loop3A_504 = vector.broadcast %parallel_loop3A_496 : i32 to vector<16xi32>
        %parallel_loop3A_505 = arith.addi %parallel_loop3A_504, %add3A_252 : vector<16xi32>
        tpu.vector_store_idx %arg7[%parallel_loop3A_503], %parallel_loop3A_505 : memref<2064xi32, #tpu.memory_space<vmem>>[vector<16xi32>], vector<16xi32>,
        %parallel_loop3A_506 = arith.constant 16 : i32
        %parallel_loop3A_507 = arith.constant 0 : i32
        %parallel_loop3A_508 = vector.broadcast %parallel_loop3A_506 : i32 to vector<16xi32>
        %parallel_loop3A_509 = vector.broadcast %parallel_loop3A_507 : i32 to vector<16xi32>
        %parallel_loop3A_510 = arith.select %parallel_loop3A_501, %parallel_loop3A_508, %parallel_loop3A_509 : vector<16xi1>, vector<16xi32>
        %parallel_loop3A_511 = arith.addi %parallel_loop3A_435, %parallel_loop3A_510 : vector<16xi32>
        scf.yield %parallel_loop3A_454, %parallel_loop3A_473, %parallel_loop3A_492, %parallel_loop3A_511 : vector<16xi32>, vector<16xi32>, vector<16xi32>, vector<16xi32>
      } {sc.loop_unroll_factor = 2 : i64, sc.parallel_access}
      %reduce_max3A_291 = arith.constant true
      %reduce_max3A_292 = vector.broadcast %reduce_max3A_291 : i1 to vector<16xi1>
      %reduce_max3A_293 = arith.constant -2147483648 : i32
      %reduce_max3A_294 = vector.broadcast %reduce_max3A_293 : i32 to vector<16xi32>
      %reduce_max3A_295 = arith.xori %parallel_loop3A_290#0, %reduce_max3A_294 : vector<16xi32>
      %reduce_max3A_296 = tpu.scan <max>, %reduce_max3A_295 masked %reduce_max3A_292 : vector<16xi32>, vector<16xi1> -> vector<16xi32>
      %reduce_max3A_297 = arith.xori %reduce_max3A_296, %reduce_max3A_294 : vector<16xi32>
      %reduce_max3A_298 = vector.extract %reduce_max3A_297[15] : i32 from vector<16xi32>
      %sub3A_299 = arith.constant 0 : i32
      %sub3A_300 = arith.subi %reduce_max3A_298, %sub3A_299 : i32
      %shift_right_arithmetic3A_301 = arith.constant 4 : i32
      %shift_right_arithmetic3A_302 = arith.shrsi %sub3A_300, %shift_right_arithmetic3A_301 : i32
      %add3A_303 = arith.constant 1 : i32
      %add3A_304 = arith.addi %shift_right_arithmetic3A_302, %add3A_303 : i32
      %while3A_305 = arith.constant 0 : i32
      %while3A_306 = arith.subi %add3A_304, %while3A_305 : i32
      %while3A_307 = arith.addi %while3A_305, %while3A_306 : i32
      %while3A_308 = arith.constant 1 : i32
      %while3A_309 = arith.divsi %while3A_306, %while3A_308 : i32
      %while3A_310 = arith.muli %while3A_309, %while3A_308 : i32
      %while3A_311 = arith.addi %while3A_305, %while3A_310 : i32
      %while3A_312 = arith.constant 1 : i32
      %while3A_313:4 = scf.for %while3A_431 = %while3A_305 to %while3A_311 step %while3A_312 iter_args(%while3A_432 = %broadcast_in_dim3A_1, %while3A_433 = %iota3A, %while3A_434 = %broadcast_in_dim3A_1, %while3A_435 = %iota3A) -> (vector<16xi32>, vector<16xi32>, vector<16xi32>, vector<16xi32>)  : i32 {
        %mul3A_436 = arith.constant 16 : i32
        %mul3A_437 = arith.muli %while3A_431, %mul3A_436 : i32
        %add3A_438 = arith.constant 0 : i32
        %add3A_439 = arith.addi %add3A_438, %mul3A_437 : i32
        %get3A_440 = arith.index_cast %add3A_439 : i32 to index
        %get3A_441 = tpu.vector_load %arg6[%get3A_440] {strides = array<i32>} : memref<2064xi32, #tpu.memory_space<vmem>>, vector<16xi32>,
        %mul3A_442 = arith.constant 16 : i32
        %mul3A_443 = arith.muli %while3A_431, %mul3A_442 : i32
        %add3A_444 = arith.constant 0 : i32
        %add3A_445 = arith.addi %add3A_444, %mul3A_443 : i32
        %get3A_446 = arith.index_cast %add3A_445 : i32 to index
        %get3A_447 = tpu.vector_load %arg7[%get3A_446] {strides = array<i32>} : memref<2064xi32, #tpu.memory_space<vmem>>, vector<16xi32>,
        %masked_sort3A = arith.constant dense<true> : vector<16xi1>
        %masked_sort3A_448 = arith.constant -2147483648 : i32
        %masked_sort3A_449 = vector.broadcast %masked_sort3A_448 : i32 to vector<16xi32>
        %masked_sort3A_450 = arith.xori %get3A_441, %masked_sort3A_449 : vector<16xi32>
        %masked_sort3A_451, %masked_sort3A_452, %masked_sort3A_453 = tpu.sort %masked_sort3A_450, %get3A_447 masked %masked_sort3A : (vector<16xi32>, vector<16xi32>, vector<16xi1>) -> (vector<16xi1>, vector<16xi32>, vector<16xi32>)
        %masked_sort3A_454 = arith.xori %masked_sort3A_452, %masked_sort3A_449 : vector<16xi32>
        %mul3A_455 = arith.constant 16 : i32
        %mul3A_456 = arith.muli %while3A_431, %mul3A_455 : i32
        %add3A_457 = arith.constant 0 : i32
        %add3A_458 = arith.addi %add3A_457, %mul3A_456 : i32
        %swap3A_459 = arith.index_cast %add3A_458 : i32 to index
        %swap3A_460 = tpu.vector_load %arg6[%swap3A_459] {strides = array<i32>} : memref<2064xi32, #tpu.memory_space<vmem>>, vector<16xi32>,
        tpu.vector_store %arg6[%swap3A_459], %broadcast_in_dim3A_1 {strides = array<i32>} : memref<2064xi32, #tpu.memory_space<vmem>>, vector<16xi32>,
        %rev3A = arith.constant 15 : i32
        %rev3A_461 = vector.broadcast %rev3A : i32 to vector<16xi32>
        %rev3A_462 = tpu.iota {dimensions = array<i32: 0>} : vector<16xi32>
        %rev3A_463 = arith.subi %rev3A_461, %rev3A_462 : vector<16xi32>
        %rev3A_464 = tpu.dynamic_gather %masked_sort3A_454[%rev3A_463] in [0] : vector<16xi32>, vector<16xi32> -> vector<16xi32>
        %rev3A_465 = arith.constant 15 : i32
        %rev3A_466 = vector.broadcast %rev3A_465 : i32 to vector<16xi32>
        %rev3A_467 = tpu.iota {dimensions = array<i32: 0>} : vector<16xi32>
        %rev3A_468 = arith.subi %rev3A_466, %rev3A_467 : vector<16xi32>
        %rev3A_469 = tpu.dynamic_gather %masked_sort3A_453[%rev3A_468] in [0] : vector<16xi32>, vector<16xi32> -> vector<16xi32>
        %le3A = arith.cmpi sle, %while3A_434, %rev3A_464 : vector<16xi32>
        %select_n3A = arith.select %le3A, %while3A_434, %rev3A_464 : vector<16xi1>, vector<16xi32>
        %select_n3A_470 = arith.select %le3A, %while3A_435, %rev3A_469 : vector<16xi1>, vector<16xi32>
        %masked_sort3A_471 = arith.constant dense<true> : vector<16xi1>
        %masked_sort3A_472 = arith.constant -2147483648 : i32
        %masked_sort3A_473 = vector.broadcast %masked_sort3A_472 : i32 to vector<16xi32>
        %masked_sort3A_474 = arith.xori %select_n3A, %masked_sort3A_473 : vector<16xi32>
        %masked_sort3A_475, %masked_sort3A_476, %masked_sort3A_477 = tpu.sort %masked_sort3A_474, %select_n3A_470 masked %masked_sort3A_471 : (vector<16xi32>, vector<16xi32>, vector<16xi1>) -> (vector<16xi1>, vector<16xi32>, vector<16xi32>)
        %masked_sort3A_478 = arith.xori %masked_sort3A_476, %masked_sort3A_473 : vector<16xi32>
        %rev3A_479 = arith.constant 15 : i32
        %rev3A_480 = vector.broadcast %rev3A_479 : i32 to vector<16xi32>
        %rev3A_481 = tpu.iota {dimensions = array<i32: 0>} : vector<16xi32>
        %rev3A_482 = arith.subi %rev3A_480, %rev3A_481 : vector<16xi32>
        %rev3A_483 = tpu.dynamic_gather %masked_sort3A_478[%rev3A_482] in [0] : vector<16xi32>, vector<16xi32> -> vector<16xi32>
        %rev3A_484 = arith.constant 15 : i32
        %rev3A_485 = vector.broadcast %rev3A_484 : i32 to vector<16xi32>
        %rev3A_486 = tpu.iota {dimensions = array<i32: 0>} : vector<16xi32>
        %rev3A_487 = arith.subi %rev3A_485, %rev3A_486 : vector<16xi32>
        %rev3A_488 = tpu.dynamic_gather %masked_sort3A_477[%rev3A_487] in [0] : vector<16xi32>, vector<16xi32> -> vector<16xi32>
        %le3A_489 = arith.cmpi sle, %while3A_432, %rev3A_483 : vector<16xi32>
        %select_n3A_490 = arith.select %le3A_489, %while3A_432, %rev3A_483 : vector<16xi1>, vector<16xi32>
        %select_n3A_491 = arith.select %le3A_489, %while3A_433, %rev3A_488 : vector<16xi1>, vector<16xi32>
        %select_n3A_492 = arith.select %le3A_489, %rev3A_483, %while3A_432 : vector<16xi1>, vector<16xi32>
        %select_n3A_493 = arith.select %le3A_489, %rev3A_488, %while3A_433 : vector<16xi1>, vector<16xi32>
        %masked_sort3A_494 = arith.constant dense<true> : vector<16xi1>
        %masked_sort3A_495 = arith.constant -2147483648 : i32
        %masked_sort3A_496 = vector.broadcast %masked_sort3A_495 : i32 to vector<16xi32>
        %masked_sort3A_497 = arith.xori %select_n3A_490, %masked_sort3A_496 : vector<16xi32>
        %masked_sort3A_498, %masked_sort3A_499, %masked_sort3A_500 = tpu.sort %masked_sort3A_497, %select_n3A_491 masked %masked_sort3A_494 : (vector<16xi32>, vector<16xi32>, vector<16xi1>) -> (vector<16xi1>, vector<16xi32>, vector<16xi32>)
        %masked_sort3A_501 = arith.xori %masked_sort3A_499, %masked_sort3A_496 : vector<16xi32>
        %masked_sort3A_502 = arith.constant dense<true> : vector<16xi1>
        %masked_sort3A_503 = arith.constant -2147483648 : i32
        %masked_sort3A_504 = vector.broadcast %masked_sort3A_503 : i32 to vector<16xi32>
        %masked_sort3A_505 = arith.xori %select_n3A_492, %masked_sort3A_504 : vector<16xi32>
        %masked_sort3A_506, %masked_sort3A_507, %masked_sort3A_508 = tpu.sort %masked_sort3A_505, %select_n3A_493 masked %masked_sort3A_502 : (vector<16xi32>, vector<16xi32>, vector<16xi1>) -> (vector<16xi1>, vector<16xi32>, vector<16xi32>)
        %masked_sort3A_509 = arith.xori %masked_sort3A_507, %masked_sort3A_504 : vector<16xi32>
        scf.yield %masked_sort3A_501, %masked_sort3A_500, %masked_sort3A_509, %masked_sort3A_508 : vector<16xi32>, vector<16xi32>, vector<16xi32>, vector<16xi32>
      }
      %while3A_314 = arith.constant 1 : i32
      %while3A_315:4 = scf.for %while3A_431 = %while3A_311 to %while3A_307 step %while3A_314 iter_args(%while3A_432 = %while3A_313#0, %while3A_433 = %while3A_313#1, %while3A_434 = %while3A_313#2, %while3A_435 = %while3A_313#3) -> (vector<16xi32>, vector<16xi32>, vector<16xi32>, vector<16xi32>)  : i32 {
        %mul3A_436 = arith.constant 16 : i32
        %mul3A_437 = arith.muli %while3A_431, %mul3A_436 : i32
        %add3A_438 = arith.constant 0 : i32
        %add3A_439 = arith.addi %add3A_438, %mul3A_437 : i32
        %get3A_440 = arith.index_cast %add3A_439 : i32 to index
        %get3A_441 = tpu.vector_load %arg6[%get3A_440] {strides = array<i32>} : memref<2064xi32, #tpu.memory_space<vmem>>, vector<16xi32>,
        %mul3A_442 = arith.constant 16 : i32
        %mul3A_443 = arith.muli %while3A_431, %mul3A_442 : i32
        %add3A_444 = arith.constant 0 : i32
        %add3A_445 = arith.addi %add3A_444, %mul3A_443 : i32
        %get3A_446 = arith.index_cast %add3A_445 : i32 to index
        %get3A_447 = tpu.vector_load %arg7[%get3A_446] {strides = array<i32>} : memref<2064xi32, #tpu.memory_space<vmem>>, vector<16xi32>,
        %masked_sort3A = arith.constant dense<true> : vector<16xi1>
        %masked_sort3A_448 = arith.constant -2147483648 : i32
        %masked_sort3A_449 = vector.broadcast %masked_sort3A_448 : i32 to vector<16xi32>
        %masked_sort3A_450 = arith.xori %get3A_441, %masked_sort3A_449 : vector<16xi32>
        %masked_sort3A_451, %masked_sort3A_452, %masked_sort3A_453 = tpu.sort %masked_sort3A_450, %get3A_447 masked %masked_sort3A : (vector<16xi32>, vector<16xi32>, vector<16xi1>) -> (vector<16xi1>, vector<16xi32>, vector<16xi32>)
        %masked_sort3A_454 = arith.xori %masked_sort3A_452, %masked_sort3A_449 : vector<16xi32>
        %mul3A_455 = arith.constant 16 : i32
        %mul3A_456 = arith.muli %while3A_431, %mul3A_455 : i32
        %add3A_457 = arith.constant 0 : i32
        %add3A_458 = arith.addi %add3A_457, %mul3A_456 : i32
        %swap3A_459 = arith.index_cast %add3A_458 : i32 to index
        %swap3A_460 = tpu.vector_load %arg6[%swap3A_459] {strides = array<i32>} : memref<2064xi32, #tpu.memory_space<vmem>>, vector<16xi32>,
        tpu.vector_store %arg6[%swap3A_459], %broadcast_in_dim3A_1 {strides = array<i32>} : memref<2064xi32, #tpu.memory_space<vmem>>, vector<16xi32>,
        %rev3A = arith.constant 15 : i32
        %rev3A_461 = vector.broadcast %rev3A : i32 to vector<16xi32>
        %rev3A_462 = tpu.iota {dimensions = array<i32: 0>} : vector<16xi32>
        %rev3A_463 = arith.subi %rev3A_461, %rev3A_462 : vector<16xi32>
        %rev3A_464 = tpu.dynamic_gather %masked_sort3A_454[%rev3A_463] in [0] : vector<16xi32>, vector<16xi32> -> vector<16xi32>
        %rev3A_465 = arith.constant 15 : i32
        %rev3A_466 = vector.broadcast %rev3A_465 : i32 to vector<16xi32>
        %rev3A_467 = tpu.iota {dimensions = array<i32: 0>} : vector<16xi32>
        %rev3A_468 = arith.subi %rev3A_466, %rev3A_467 : vector<16xi32>
        %rev3A_469 = tpu.dynamic_gather %masked_sort3A_453[%rev3A_468] in [0] : vector<16xi32>, vector<16xi32> -> vector<16xi32>
        %le3A = arith.cmpi sle, %while3A_434, %rev3A_464 : vector<16xi32>
        %select_n3A = arith.select %le3A, %while3A_434, %rev3A_464 : vector<16xi1>, vector<16xi32>
        %select_n3A_470 = arith.select %le3A, %while3A_435, %rev3A_469 : vector<16xi1>, vector<16xi32>
        %masked_sort3A_471 = arith.constant dense<true> : vector<16xi1>
        %masked_sort3A_472 = arith.constant -2147483648 : i32
        %masked_sort3A_473 = vector.broadcast %masked_sort3A_472 : i32 to vector<16xi32>
        %masked_sort3A_474 = arith.xori %select_n3A, %masked_sort3A_473 : vector<16xi32>
        %masked_sort3A_475, %masked_sort3A_476, %masked_sort3A_477 = tpu.sort %masked_sort3A_474, %select_n3A_470 masked %masked_sort3A_471 : (vector<16xi32>, vector<16xi32>, vector<16xi1>) -> (vector<16xi1>, vector<16xi32>, vector<16xi32>)
        %masked_sort3A_478 = arith.xori %masked_sort3A_476, %masked_sort3A_473 : vector<16xi32>
        %rev3A_479 = arith.constant 15 : i32
        %rev3A_480 = vector.broadcast %rev3A_479 : i32 to vector<16xi32>
        %rev3A_481 = tpu.iota {dimensions = array<i32: 0>} : vector<16xi32>
        %rev3A_482 = arith.subi %rev3A_480, %rev3A_481 : vector<16xi32>
        %rev3A_483 = tpu.dynamic_gather %masked_sort3A_478[%rev3A_482] in [0] : vector<16xi32>, vector<16xi32> -> vector<16xi32>
        %rev3A_484 = arith.constant 15 : i32
        %rev3A_485 = vector.broadcast %rev3A_484 : i32 to vector<16xi32>
        %rev3A_486 = tpu.iota {dimensions = array<i32: 0>} : vector<16xi32>
        %rev3A_487 = arith.subi %rev3A_485, %rev3A_486 : vector<16xi32>
        %rev3A_488 = tpu.dynamic_gather %masked_sort3A_477[%rev3A_487] in [0] : vector<16xi32>, vector<16xi32> -> vector<16xi32>
        %le3A_489 = arith.cmpi sle, %while3A_432, %rev3A_483 : vector<16xi32>
        %select_n3A_490 = arith.select %le3A_489, %while3A_432, %rev3A_483 : vector<16xi1>, vector<16xi32>
        %select_n3A_491 = arith.select %le3A_489, %while3A_433, %rev3A_488 : vector<16xi1>, vector<16xi32>
        %select_n3A_492 = arith.select %le3A_489, %rev3A_483, %while3A_432 : vector<16xi1>, vector<16xi32>
        %select_n3A_493 = arith.select %le3A_489, %rev3A_488, %while3A_433 : vector<16xi1>, vector<16xi32>
        %masked_sort3A_494 = arith.constant dense<true> : vector<16xi1>
        %masked_sort3A_495 = arith.constant -2147483648 : i32
        %masked_sort3A_496 = vector.broadcast %masked_sort3A_495 : i32 to vector<16xi32>
        %masked_sort3A_497 = arith.xori %select_n3A_490, %masked_sort3A_496 : vector<16xi32>
        %masked_sort3A_498, %masked_sort3A_499, %masked_sort3A_500 = tpu.sort %masked_sort3A_497, %select_n3A_491 masked %masked_sort3A_494 : (vector<16xi32>, vector<16xi32>, vector<16xi1>) -> (vector<16xi1>, vector<16xi32>, vector<16xi32>)
        %masked_sort3A_501 = arith.xori %masked_sort3A_499, %masked_sort3A_496 : vector<16xi32>
        %masked_sort3A_502 = arith.constant dense<true> : vector<16xi1>
        %masked_sort3A_503 = arith.constant -2147483648 : i32
        %masked_sort3A_504 = vector.broadcast %masked_sort3A_503 : i32 to vector<16xi32>
        %masked_sort3A_505 = arith.xori %select_n3A_492, %masked_sort3A_504 : vector<16xi32>
        %masked_sort3A_506, %masked_sort3A_507, %masked_sort3A_508 = tpu.sort %masked_sort3A_505, %select_n3A_493 masked %masked_sort3A_502 : (vector<16xi32>, vector<16xi32>, vector<16xi1>) -> (vector<16xi1>, vector<16xi32>, vector<16xi32>)
        %masked_sort3A_509 = arith.xori %masked_sort3A_507, %masked_sort3A_504 : vector<16xi32>
        scf.yield %masked_sort3A_501, %masked_sort3A_500, %masked_sort3A_509, %masked_sort3A_508 : vector<16xi32>, vector<16xi32>, vector<16xi32>, vector<16xi32>
      }
      %reduce_max3A_316 = arith.constant true
      %reduce_max3A_317 = vector.broadcast %reduce_max3A_316 : i1 to vector<16xi1>
      %reduce_max3A_318 = arith.constant -2147483648 : i32
      %reduce_max3A_319 = vector.broadcast %reduce_max3A_318 : i32 to vector<16xi32>
      %reduce_max3A_320 = arith.xori %parallel_loop3A_290#1, %reduce_max3A_319 : vector<16xi32>
      %reduce_max3A_321 = tpu.scan <max>, %reduce_max3A_320 masked %reduce_max3A_317 : vector<16xi32>, vector<16xi1> -> vector<16xi32>
      %reduce_max3A_322 = arith.xori %reduce_max3A_321, %reduce_max3A_319 : vector<16xi32>
      %reduce_max3A_323 = vector.extract %reduce_max3A_322[15] : i32 from vector<16xi32>
      %sub3A_324 = arith.constant 512 : i32
      %sub3A_325 = arith.subi %reduce_max3A_323, %sub3A_324 : i32
      %shift_right_arithmetic3A_326 = arith.constant 4 : i32
      %shift_right_arithmetic3A_327 = arith.shrsi %sub3A_325, %shift_right_arithmetic3A_326 : i32
      %add3A_328 = arith.constant 1 : i32
      %add3A_329 = arith.addi %shift_right_arithmetic3A_327, %add3A_328 : i32
      %while3A_330 = arith.constant 0 : i32
      %while3A_331 = arith.subi %add3A_329, %while3A_330 : i32
      %while3A_332 = arith.addi %while3A_330, %while3A_331 : i32
      %while3A_333 = arith.constant 1 : i32
      %while3A_334 = arith.divsi %while3A_331, %while3A_333 : i32
      %while3A_335 = arith.muli %while3A_334, %while3A_333 : i32
      %while3A_336 = arith.addi %while3A_330, %while3A_335 : i32
      %while3A_337 = arith.constant 1 : i32
      %while3A_338:4 = scf.for %while3A_431 = %while3A_330 to %while3A_336 step %while3A_337 iter_args(%while3A_432 = %while3A_315#0, %while3A_433 = %while3A_315#1, %while3A_434 = %while3A_315#2, %while3A_435 = %while3A_315#3) -> (vector<16xi32>, vector<16xi32>, vector<16xi32>, vector<16xi32>)  : i32 {
        %mul3A_436 = arith.constant 16 : i32
        %mul3A_437 = arith.muli %while3A_431, %mul3A_436 : i32
        %add3A_438 = arith.constant 512 : i32
        %add3A_439 = arith.addi %add3A_438, %mul3A_437 : i32
        %get3A_440 = arith.index_cast %add3A_439 : i32 to index
        %get3A_441 = tpu.vector_load %arg6[%get3A_440] {strides = array<i32>} : memref<2064xi32, #tpu.memory_space<vmem>>, vector<16xi32>,
        %mul3A_442 = arith.constant 16 : i32
        %mul3A_443 = arith.muli %while3A_431, %mul3A_442 : i32
        %add3A_444 = arith.constant 512 : i32
        %add3A_445 = arith.addi %add3A_444, %mul3A_443 : i32
        %get3A_446 = arith.index_cast %add3A_445 : i32 to index
        %get3A_447 = tpu.vector_load %arg7[%get3A_446] {strides = array<i32>} : memref<2064xi32, #tpu.memory_space<vmem>>, vector<16xi32>,
        %masked_sort3A = arith.constant dense<true> : vector<16xi1>
        %masked_sort3A_448 = arith.constant -2147483648 : i32
        %masked_sort3A_449 = vector.broadcast %masked_sort3A_448 : i32 to vector<16xi32>
        %masked_sort3A_450 = arith.xori %get3A_441, %masked_sort3A_449 : vector<16xi32>
        %masked_sort3A_451, %masked_sort3A_452, %masked_sort3A_453 = tpu.sort %masked_sort3A_450, %get3A_447 masked %masked_sort3A : (vector<16xi32>, vector<16xi32>, vector<16xi1>) -> (vector<16xi1>, vector<16xi32>, vector<16xi32>)
        %masked_sort3A_454 = arith.xori %masked_sort3A_452, %masked_sort3A_449 : vector<16xi32>
        %mul3A_455 = arith.constant 16 : i32
        %mul3A_456 = arith.muli %while3A_431, %mul3A_455 : i32
        %add3A_457 = arith.constant 512 : i32
        %add3A_458 = arith.addi %add3A_457, %mul3A_456 : i32
        %swap3A_459 = arith.index_cast %add3A_458 : i32 to index
        %swap3A_460 = tpu.vector_load %arg6[%swap3A_459] {strides = array<i32>} : memref<2064xi32, #tpu.memory_space<vmem>>, vector<16xi32>,
        tpu.vector_store %arg6[%swap3A_459], %broadcast_in_dim3A_1 {strides = array<i32>} : memref<2064xi32, #tpu.memory_space<vmem>>, vector<16xi32>,
        %rev3A = arith.constant 15 : i32
        %rev3A_461 = vector.broadcast %rev3A : i32 to vector<16xi32>
        %rev3A_462 = tpu.iota {dimensions = array<i32: 0>} : vector<16xi32>
        %rev3A_463 = arith.subi %rev3A_461, %rev3A_462 : vector<16xi32>
        %rev3A_464 = tpu.dynamic_gather %masked_sort3A_454[%rev3A_463] in [0] : vector<16xi32>, vector<16xi32> -> vector<16xi32>
        %rev3A_465 = arith.constant 15 : i32
        %rev3A_466 = vector.broadcast %rev3A_465 : i32 to vector<16xi32>
        %rev3A_467 = tpu.iota {dimensions = array<i32: 0>} : vector<16xi32>
        %rev3A_468 = arith.subi %rev3A_466, %rev3A_467 : vector<16xi32>
        %rev3A_469 = tpu.dynamic_gather %masked_sort3A_453[%rev3A_468] in [0] : vector<16xi32>, vector<16xi32> -> vector<16xi32>
        %le3A = arith.cmpi sle, %while3A_434, %rev3A_464 : vector<16xi32>
        %select_n3A = arith.select %le3A, %while3A_434, %rev3A_464 : vector<16xi1>, vector<16xi32>
        %select_n3A_470 = arith.select %le3A, %while3A_435, %rev3A_469 : vector<16xi1>, vector<16xi32>
        %masked_sort3A_471 = arith.constant dense<true> : vector<16xi1>
        %masked_sort3A_472 = arith.constant -2147483648 : i32
        %masked_sort3A_473 = vector.broadcast %masked_sort3A_472 : i32 to vector<16xi32>
        %masked_sort3A_474 = arith.xori %select_n3A, %masked_sort3A_473 : vector<16xi32>
        %masked_sort3A_475, %masked_sort3A_476, %masked_sort3A_477 = tpu.sort %masked_sort3A_474, %select_n3A_470 masked %masked_sort3A_471 : (vector<16xi32>, vector<16xi32>, vector<16xi1>) -> (vector<16xi1>, vector<16xi32>, vector<16xi32>)
        %masked_sort3A_478 = arith.xori %masked_sort3A_476, %masked_sort3A_473 : vector<16xi32>
        %rev3A_479 = arith.constant 15 : i32
        %rev3A_480 = vector.broadcast %rev3A_479 : i32 to vector<16xi32>
        %rev3A_481 = tpu.iota {dimensions = array<i32: 0>} : vector<16xi32>
        %rev3A_482 = arith.subi %rev3A_480, %rev3A_481 : vector<16xi32>
        %rev3A_483 = tpu.dynamic_gather %masked_sort3A_478[%rev3A_482] in [0] : vector<16xi32>, vector<16xi32> -> vector<16xi32>
        %rev3A_484 = arith.constant 15 : i32
        %rev3A_485 = vector.broadcast %rev3A_484 : i32 to vector<16xi32>
        %rev3A_486 = tpu.iota {dimensions = array<i32: 0>} : vector<16xi32>
        %rev3A_487 = arith.subi %rev3A_485, %rev3A_486 : vector<16xi32>
        %rev3A_488 = tpu.dynamic_gather %masked_sort3A_477[%rev3A_487] in [0] : vector<16xi32>, vector<16xi32> -> vector<16xi32>
        %le3A_489 = arith.cmpi sle, %while3A_432, %rev3A_483 : vector<16xi32>
        %select_n3A_490 = arith.select %le3A_489, %while3A_432, %rev3A_483 : vector<16xi1>, vector<16xi32>
        %select_n3A_491 = arith.select %le3A_489, %while3A_433, %rev3A_488 : vector<16xi1>, vector<16xi32>
        %select_n3A_492 = arith.select %le3A_489, %rev3A_483, %while3A_432 : vector<16xi1>, vector<16xi32>
        %select_n3A_493 = arith.select %le3A_489, %rev3A_488, %while3A_433 : vector<16xi1>, vector<16xi32>
        %masked_sort3A_494 = arith.constant dense<true> : vector<16xi1>
        %masked_sort3A_495 = arith.constant -2147483648 : i32
        %masked_sort3A_496 = vector.broadcast %masked_sort3A_495 : i32 to vector<16xi32>
        %masked_sort3A_497 = arith.xori %select_n3A_490, %masked_sort3A_496 : vector<16xi32>
        %masked_sort3A_498, %masked_sort3A_499, %masked_sort3A_500 = tpu.sort %masked_sort3A_497, %select_n3A_491 masked %masked_sort3A_494 : (vector<16xi32>, vector<16xi32>, vector<16xi1>) -> (vector<16xi1>, vector<16xi32>, vector<16xi32>)
        %masked_sort3A_501 = arith.xori %masked_sort3A_499, %masked_sort3A_496 : vector<16xi32>
        %masked_sort3A_502 = arith.constant dense<true> : vector<16xi1>
        %masked_sort3A_503 = arith.constant -2147483648 : i32
        %masked_sort3A_504 = vector.broadcast %masked_sort3A_503 : i32 to vector<16xi32>
        %masked_sort3A_505 = arith.xori %select_n3A_492, %masked_sort3A_504 : vector<16xi32>
        %masked_sort3A_506, %masked_sort3A_507, %masked_sort3A_508 = tpu.sort %masked_sort3A_505, %select_n3A_493 masked %masked_sort3A_502 : (vector<16xi32>, vector<16xi32>, vector<16xi1>) -> (vector<16xi1>, vector<16xi32>, vector<16xi32>)
        %masked_sort3A_509 = arith.xori %masked_sort3A_507, %masked_sort3A_504 : vector<16xi32>
        scf.yield %masked_sort3A_501, %masked_sort3A_500, %masked_sort3A_509, %masked_sort3A_508 : vector<16xi32>, vector<16xi32>, vector<16xi32>, vector<16xi32>
      }
      %while3A_339 = arith.constant 1 : i32
      %while3A_340:4 = scf.for %while3A_431 = %while3A_336 to %while3A_332 step %while3A_339 iter_args(%while3A_432 = %while3A_338#0, %while3A_433 = %while3A_338#1, %while3A_434 = %while3A_338#2, %while3A_435 = %while3A_338#3) -> (vector<16xi32>, vector<16xi32>, vector<16xi32>, vector<16xi32>)  : i32 {
        %mul3A_436 = arith.constant 16 : i32
        %mul3A_437 = arith.muli %while3A_431, %mul3A_436 : i32
        %add3A_438 = arith.constant 512 : i32
        %add3A_439 = arith.addi %add3A_438, %mul3A_437 : i32
        %get3A_440 = arith.index_cast %add3A_439 : i32 to index
        %get3A_441 = tpu.vector_load %arg6[%get3A_440] {strides = array<i32>} : memref<2064xi32, #tpu.memory_space<vmem>>, vector<16xi32>,
        %mul3A_442 = arith.constant 16 : i32
        %mul3A_443 = arith.muli %while3A_431, %mul3A_442 : i32
        %add3A_444 = arith.constant 512 : i32
        %add3A_445 = arith.addi %add3A_444, %mul3A_443 : i32
        %get3A_446 = arith.index_cast %add3A_445 : i32 to index
        %get3A_447 = tpu.vector_load %arg7[%get3A_446] {strides = array<i32>} : memref<2064xi32, #tpu.memory_space<vmem>>, vector<16xi32>,
        %masked_sort3A = arith.constant dense<true> : vector<16xi1>
        %masked_sort3A_448 = arith.constant -2147483648 : i32
        %masked_sort3A_449 = vector.broadcast %masked_sort3A_448 : i32 to vector<16xi32>
        %masked_sort3A_450 = arith.xori %get3A_441, %masked_sort3A_449 : vector<16xi32>
        %masked_sort3A_451, %masked_sort3A_452, %masked_sort3A_453 = tpu.sort %masked_sort3A_450, %get3A_447 masked %masked_sort3A : (vector<16xi32>, vector<16xi32>, vector<16xi1>) -> (vector<16xi1>, vector<16xi32>, vector<16xi32>)
        %masked_sort3A_454 = arith.xori %masked_sort3A_452, %masked_sort3A_449 : vector<16xi32>
        %mul3A_455 = arith.constant 16 : i32
        %mul3A_456 = arith.muli %while3A_431, %mul3A_455 : i32
        %add3A_457 = arith.constant 512 : i32
        %add3A_458 = arith.addi %add3A_457, %mul3A_456 : i32
        %swap3A_459 = arith.index_cast %add3A_458 : i32 to index
        %swap3A_460 = tpu.vector_load %arg6[%swap3A_459] {strides = array<i32>} : memref<2064xi32, #tpu.memory_space<vmem>>, vector<16xi32>,
        tpu.vector_store %arg6[%swap3A_459], %broadcast_in_dim3A_1 {strides = array<i32>} : memref<2064xi32, #tpu.memory_space<vmem>>, vector<16xi32>,
        %rev3A = arith.constant 15 : i32
        %rev3A_461 = vector.broadcast %rev3A : i32 to vector<16xi32>
        %rev3A_462 = tpu.iota {dimensions = array<i32: 0>} : vector<16xi32>
        %rev3A_463 = arith.subi %rev3A_461, %rev3A_462 : vector<16xi32>
        %rev3A_464 = tpu.dynamic_gather %masked_sort3A_454[%rev3A_463] in [0] : vector<16xi32>, vector<16xi32> -> vector<16xi32>
        %rev3A_465 = arith.constant 15 : i32
        %rev3A_466 = vector.broadcast %rev3A_465 : i32 to vector<16xi32>
        %rev3A_467 = tpu.iota {dimensions = array<i32: 0>} : vector<16xi32>
        %rev3A_468 = arith.subi %rev3A_466, %rev3A_467 : vector<16xi32>
        %rev3A_469 = tpu.dynamic_gather %masked_sort3A_453[%rev3A_468] in [0] : vector<16xi32>, vector<16xi32> -> vector<16xi32>
        %le3A = arith.cmpi sle, %while3A_434, %rev3A_464 : vector<16xi32>
        %select_n3A = arith.select %le3A, %while3A_434, %rev3A_464 : vector<16xi1>, vector<16xi32>
        %select_n3A_470 = arith.select %le3A, %while3A_435, %rev3A_469 : vector<16xi1>, vector<16xi32>
        %masked_sort3A_471 = arith.constant dense<true> : vector<16xi1>
        %masked_sort3A_472 = arith.constant -2147483648 : i32
        %masked_sort3A_473 = vector.broadcast %masked_sort3A_472 : i32 to vector<16xi32>
        %masked_sort3A_474 = arith.xori %select_n3A, %masked_sort3A_473 : vector<16xi32>
        %masked_sort3A_475, %masked_sort3A_476, %masked_sort3A_477 = tpu.sort %masked_sort3A_474, %select_n3A_470 masked %masked_sort3A_471 : (vector<16xi32>, vector<16xi32>, vector<16xi1>) -> (vector<16xi1>, vector<16xi32>, vector<16xi32>)
        %masked_sort3A_478 = arith.xori %masked_sort3A_476, %masked_sort3A_473 : vector<16xi32>
        %rev3A_479 = arith.constant 15 : i32
        %rev3A_480 = vector.broadcast %rev3A_479 : i32 to vector<16xi32>
        %rev3A_481 = tpu.iota {dimensions = array<i32: 0>} : vector<16xi32>
        %rev3A_482 = arith.subi %rev3A_480, %rev3A_481 : vector<16xi32>
        %rev3A_483 = tpu.dynamic_gather %masked_sort3A_478[%rev3A_482] in [0] : vector<16xi32>, vector<16xi32> -> vector<16xi32>
        %rev3A_484 = arith.constant 15 : i32
        %rev3A_485 = vector.broadcast %rev3A_484 : i32 to vector<16xi32>
        %rev3A_486 = tpu.iota {dimensions = array<i32: 0>} : vector<16xi32>
        %rev3A_487 = arith.subi %rev3A_485, %rev3A_486 : vector<16xi32>
        %rev3A_488 = tpu.dynamic_gather %masked_sort3A_477[%rev3A_487] in [0] : vector<16xi32>, vector<16xi32> -> vector<16xi32>
        %le3A_489 = arith.cmpi sle, %while3A_432, %rev3A_483 : vector<16xi32>
        %select_n3A_490 = arith.select %le3A_489, %while3A_432, %rev3A_483 : vector<16xi1>, vector<16xi32>
        %select_n3A_491 = arith.select %le3A_489, %while3A_433, %rev3A_488 : vector<16xi1>, vector<16xi32>
        %select_n3A_492 = arith.select %le3A_489, %rev3A_483, %while3A_432 : vector<16xi1>, vector<16xi32>
        %select_n3A_493 = arith.select %le3A_489, %rev3A_488, %while3A_433 : vector<16xi1>, vector<16xi32>
        %masked_sort3A_494 = arith.constant dense<true> : vector<16xi1>
        %masked_sort3A_495 = arith.constant -2147483648 : i32
        %masked_sort3A_496 = vector.broadcast %masked_sort3A_495 : i32 to vector<16xi32>
        %masked_sort3A_497 = arith.xori %select_n3A_490, %masked_sort3A_496 : vector<16xi32>
        %masked_sort3A_498, %masked_sort3A_499, %masked_sort3A_500 = tpu.sort %masked_sort3A_497, %select_n3A_491 masked %masked_sort3A_494 : (vector<16xi32>, vector<16xi32>, vector<16xi1>) -> (vector<16xi1>, vector<16xi32>, vector<16xi32>)
        %masked_sort3A_501 = arith.xori %masked_sort3A_499, %masked_sort3A_496 : vector<16xi32>
        %masked_sort3A_502 = arith.constant dense<true> : vector<16xi1>
        %masked_sort3A_503 = arith.constant -2147483648 : i32
        %masked_sort3A_504 = vector.broadcast %masked_sort3A_503 : i32 to vector<16xi32>
        %masked_sort3A_505 = arith.xori %select_n3A_492, %masked_sort3A_504 : vector<16xi32>
        %masked_sort3A_506, %masked_sort3A_507, %masked_sort3A_508 = tpu.sort %masked_sort3A_505, %select_n3A_493 masked %masked_sort3A_502 : (vector<16xi32>, vector<16xi32>, vector<16xi1>) -> (vector<16xi1>, vector<16xi32>, vector<16xi32>)
        %masked_sort3A_509 = arith.xori %masked_sort3A_507, %masked_sort3A_504 : vector<16xi32>
        scf.yield %masked_sort3A_501, %masked_sort3A_500, %masked_sort3A_509, %masked_sort3A_508 : vector<16xi32>, vector<16xi32>, vector<16xi32>, vector<16xi32>
      }
      %reduce_max3A_341 = arith.constant true
      %reduce_max3A_342 = vector.broadcast %reduce_max3A_341 : i1 to vector<16xi1>
      %reduce_max3A_343 = arith.constant -2147483648 : i32
      %reduce_max3A_344 = vector.broadcast %reduce_max3A_343 : i32 to vector<16xi32>
      %reduce_max3A_345 = arith.xori %parallel_loop3A_290#2, %reduce_max3A_344 : vector<16xi32>
      %reduce_max3A_346 = tpu.scan <max>, %reduce_max3A_345 masked %reduce_max3A_342 : vector<16xi32>, vector<16xi1> -> vector<16xi32>
      %reduce_max3A_347 = arith.xori %reduce_max3A_346, %reduce_max3A_344 : vector<16xi32>
      %reduce_max3A_348 = vector.extract %reduce_max3A_347[15] : i32 from vector<16xi32>
      %sub3A_349 = arith.constant 1024 : i32
      %sub3A_350 = arith.subi %reduce_max3A_348, %sub3A_349 : i32
      %shift_right_arithmetic3A_351 = arith.constant 4 : i32
      %shift_right_arithmetic3A_352 = arith.shrsi %sub3A_350, %shift_right_arithmetic3A_351 : i32
      %add3A_353 = arith.constant 1 : i32
      %add3A_354 = arith.addi %shift_right_arithmetic3A_352, %add3A_353 : i32
      %while3A_355 = arith.constant 0 : i32
      %while3A_356 = arith.subi %add3A_354, %while3A_355 : i32
      %while3A_357 = arith.addi %while3A_355, %while3A_356 : i32
      %while3A_358 = arith.constant 1 : i32
      %while3A_359 = arith.divsi %while3A_356, %while3A_358 : i32
      %while3A_360 = arith.muli %while3A_359, %while3A_358 : i32
      %while3A_361 = arith.addi %while3A_355, %while3A_360 : i32
      %while3A_362 = arith.constant 1 : i32
      %while3A_363:4 = scf.for %while3A_431 = %while3A_355 to %while3A_361 step %while3A_362 iter_args(%while3A_432 = %while3A_340#0, %while3A_433 = %while3A_340#1, %while3A_434 = %while3A_340#2, %while3A_435 = %while3A_340#3) -> (vector<16xi32>, vector<16xi32>, vector<16xi32>, vector<16xi32>)  : i32 {
        %mul3A_436 = arith.constant 16 : i32
        %mul3A_437 = arith.muli %while3A_431, %mul3A_436 : i32
        %add3A_438 = arith.constant 1024 : i32
        %add3A_439 = arith.addi %add3A_438, %mul3A_437 : i32
        %get3A_440 = arith.index_cast %add3A_439 : i32 to index
        %get3A_441 = tpu.vector_load %arg6[%get3A_440] {strides = array<i32>} : memref<2064xi32, #tpu.memory_space<vmem>>, vector<16xi32>,
        %mul3A_442 = arith.constant 16 : i32
        %mul3A_443 = arith.muli %while3A_431, %mul3A_442 : i32
        %add3A_444 = arith.constant 1024 : i32
        %add3A_445 = arith.addi %add3A_444, %mul3A_443 : i32
        %get3A_446 = arith.index_cast %add3A_445 : i32 to index
        %get3A_447 = tpu.vector_load %arg7[%get3A_446] {strides = array<i32>} : memref<2064xi32, #tpu.memory_space<vmem>>, vector<16xi32>,
        %masked_sort3A = arith.constant dense<true> : vector<16xi1>
        %masked_sort3A_448 = arith.constant -2147483648 : i32
        %masked_sort3A_449 = vector.broadcast %masked_sort3A_448 : i32 to vector<16xi32>
        %masked_sort3A_450 = arith.xori %get3A_441, %masked_sort3A_449 : vector<16xi32>
        %masked_sort3A_451, %masked_sort3A_452, %masked_sort3A_453 = tpu.sort %masked_sort3A_450, %get3A_447 masked %masked_sort3A : (vector<16xi32>, vector<16xi32>, vector<16xi1>) -> (vector<16xi1>, vector<16xi32>, vector<16xi32>)
        %masked_sort3A_454 = arith.xori %masked_sort3A_452, %masked_sort3A_449 : vector<16xi32>
        %mul3A_455 = arith.constant 16 : i32
        %mul3A_456 = arith.muli %while3A_431, %mul3A_455 : i32
        %add3A_457 = arith.constant 1024 : i32
        %add3A_458 = arith.addi %add3A_457, %mul3A_456 : i32
        %swap3A_459 = arith.index_cast %add3A_458 : i32 to index
        %swap3A_460 = tpu.vector_load %arg6[%swap3A_459] {strides = array<i32>} : memref<2064xi32, #tpu.memory_space<vmem>>, vector<16xi32>,
        tpu.vector_store %arg6[%swap3A_459], %broadcast_in_dim3A_1 {strides = array<i32>} : memref<2064xi32, #tpu.memory_space<vmem>>, vector<16xi32>,
        %rev3A = arith.constant 15 : i32
        %rev3A_461 = vector.broadcast %rev3A : i32 to vector<16xi32>
        %rev3A_462 = tpu.iota {dimensions = array<i32: 0>} : vector<16xi32>
        %rev3A_463 = arith.subi %rev3A_461, %rev3A_462 : vector<16xi32>
        %rev3A_464 = tpu.dynamic_gather %masked_sort3A_454[%rev3A_463] in [0] : vector<16xi32>, vector<16xi32> -> vector<16xi32>
        %rev3A_465 = arith.constant 15 : i32
        %rev3A_466 = vector.broadcast %rev3A_465 : i32 to vector<16xi32>
        %rev3A_467 = tpu.iota {dimensions = array<i32: 0>} : vector<16xi32>
        %rev3A_468 = arith.subi %rev3A_466, %rev3A_467 : vector<16xi32>
        %rev3A_469 = tpu.dynamic_gather %masked_sort3A_453[%rev3A_468] in [0] : vector<16xi32>, vector<16xi32> -> vector<16xi32>
        %le3A = arith.cmpi sle, %while3A_434, %rev3A_464 : vector<16xi32>
        %select_n3A = arith.select %le3A, %while3A_434, %rev3A_464 : vector<16xi1>, vector<16xi32>
        %select_n3A_470 = arith.select %le3A, %while3A_435, %rev3A_469 : vector<16xi1>, vector<16xi32>
        %masked_sort3A_471 = arith.constant dense<true> : vector<16xi1>
        %masked_sort3A_472 = arith.constant -2147483648 : i32
        %masked_sort3A_473 = vector.broadcast %masked_sort3A_472 : i32 to vector<16xi32>
        %masked_sort3A_474 = arith.xori %select_n3A, %masked_sort3A_473 : vector<16xi32>
        %masked_sort3A_475, %masked_sort3A_476, %masked_sort3A_477 = tpu.sort %masked_sort3A_474, %select_n3A_470 masked %masked_sort3A_471 : (vector<16xi32>, vector<16xi32>, vector<16xi1>) -> (vector<16xi1>, vector<16xi32>, vector<16xi32>)
        %masked_sort3A_478 = arith.xori %masked_sort3A_476, %masked_sort3A_473 : vector<16xi32>
        %rev3A_479 = arith.constant 15 : i32
        %rev3A_480 = vector.broadcast %rev3A_479 : i32 to vector<16xi32>
        %rev3A_481 = tpu.iota {dimensions = array<i32: 0>} : vector<16xi32>
        %rev3A_482 = arith.subi %rev3A_480, %rev3A_481 : vector<16xi32>
        %rev3A_483 = tpu.dynamic_gather %masked_sort3A_478[%rev3A_482] in [0] : vector<16xi32>, vector<16xi32> -> vector<16xi32>
        %rev3A_484 = arith.constant 15 : i32
        %rev3A_485 = vector.broadcast %rev3A_484 : i32 to vector<16xi32>
        %rev3A_486 = tpu.iota {dimensions = array<i32: 0>} : vector<16xi32>
        %rev3A_487 = arith.subi %rev3A_485, %rev3A_486 : vector<16xi32>
        %rev3A_488 = tpu.dynamic_gather %masked_sort3A_477[%rev3A_487] in [0] : vector<16xi32>, vector<16xi32> -> vector<16xi32>
        %le3A_489 = arith.cmpi sle, %while3A_432, %rev3A_483 : vector<16xi32>
        %select_n3A_490 = arith.select %le3A_489, %while3A_432, %rev3A_483 : vector<16xi1>, vector<16xi32>
        %select_n3A_491 = arith.select %le3A_489, %while3A_433, %rev3A_488 : vector<16xi1>, vector<16xi32>
        %select_n3A_492 = arith.select %le3A_489, %rev3A_483, %while3A_432 : vector<16xi1>, vector<16xi32>
        %select_n3A_493 = arith.select %le3A_489, %rev3A_488, %while3A_433 : vector<16xi1>, vector<16xi32>
        %masked_sort3A_494 = arith.constant dense<true> : vector<16xi1>
        %masked_sort3A_495 = arith.constant -2147483648 : i32
        %masked_sort3A_496 = vector.broadcast %masked_sort3A_495 : i32 to vector<16xi32>
        %masked_sort3A_497 = arith.xori %select_n3A_490, %masked_sort3A_496 : vector<16xi32>
        %masked_sort3A_498, %masked_sort3A_499, %masked_sort3A_500 = tpu.sort %masked_sort3A_497, %select_n3A_491 masked %masked_sort3A_494 : (vector<16xi32>, vector<16xi32>, vector<16xi1>) -> (vector<16xi1>, vector<16xi32>, vector<16xi32>)
        %masked_sort3A_501 = arith.xori %masked_sort3A_499, %masked_sort3A_496 : vector<16xi32>
        %masked_sort3A_502 = arith.constant dense<true> : vector<16xi1>
        %masked_sort3A_503 = arith.constant -2147483648 : i32
        %masked_sort3A_504 = vector.broadcast %masked_sort3A_503 : i32 to vector<16xi32>
        %masked_sort3A_505 = arith.xori %select_n3A_492, %masked_sort3A_504 : vector<16xi32>
        %masked_sort3A_506, %masked_sort3A_507, %masked_sort3A_508 = tpu.sort %masked_sort3A_505, %select_n3A_493 masked %masked_sort3A_502 : (vector<16xi32>, vector<16xi32>, vector<16xi1>) -> (vector<16xi1>, vector<16xi32>, vector<16xi32>)
        %masked_sort3A_509 = arith.xori %masked_sort3A_507, %masked_sort3A_504 : vector<16xi32>
        scf.yield %masked_sort3A_501, %masked_sort3A_500, %masked_sort3A_509, %masked_sort3A_508 : vector<16xi32>, vector<16xi32>, vector<16xi32>, vector<16xi32>
      }
      %while3A_364 = arith.constant 1 : i32
      %while3A_365:4 = scf.for %while3A_431 = %while3A_361 to %while3A_357 step %while3A_364 iter_args(%while3A_432 = %while3A_363#0, %while3A_433 = %while3A_363#1, %while3A_434 = %while3A_363#2, %while3A_435 = %while3A_363#3) -> (vector<16xi32>, vector<16xi32>, vector<16xi32>, vector<16xi32>)  : i32 {
        %mul3A_436 = arith.constant 16 : i32
        %mul3A_437 = arith.muli %while3A_431, %mul3A_436 : i32
        %add3A_438 = arith.constant 1024 : i32
        %add3A_439 = arith.addi %add3A_438, %mul3A_437 : i32
        %get3A_440 = arith.index_cast %add3A_439 : i32 to index
        %get3A_441 = tpu.vector_load %arg6[%get3A_440] {strides = array<i32>} : memref<2064xi32, #tpu.memory_space<vmem>>, vector<16xi32>,
        %mul3A_442 = arith.constant 16 : i32
        %mul3A_443 = arith.muli %while3A_431, %mul3A_442 : i32
        %add3A_444 = arith.constant 1024 : i32
        %add3A_445 = arith.addi %add3A_444, %mul3A_443 : i32
        %get3A_446 = arith.index_cast %add3A_445 : i32 to index
        %get3A_447 = tpu.vector_load %arg7[%get3A_446] {strides = array<i32>} : memref<2064xi32, #tpu.memory_space<vmem>>, vector<16xi32>,
        %masked_sort3A = arith.constant dense<true> : vector<16xi1>
        %masked_sort3A_448 = arith.constant -2147483648 : i32
        %masked_sort3A_449 = vector.broadcast %masked_sort3A_448 : i32 to vector<16xi32>
        %masked_sort3A_450 = arith.xori %get3A_441, %masked_sort3A_449 : vector<16xi32>
        %masked_sort3A_451, %masked_sort3A_452, %masked_sort3A_453 = tpu.sort %masked_sort3A_450, %get3A_447 masked %masked_sort3A : (vector<16xi32>, vector<16xi32>, vector<16xi1>) -> (vector<16xi1>, vector<16xi32>, vector<16xi32>)
        %masked_sort3A_454 = arith.xori %masked_sort3A_452, %masked_sort3A_449 : vector<16xi32>
        %mul3A_455 = arith.constant 16 : i32
        %mul3A_456 = arith.muli %while3A_431, %mul3A_455 : i32
        %add3A_457 = arith.constant 1024 : i32
        %add3A_458 = arith.addi %add3A_457, %mul3A_456 : i32
        %swap3A_459 = arith.index_cast %add3A_458 : i32 to index
        %swap3A_460 = tpu.vector_load %arg6[%swap3A_459] {strides = array<i32>} : memref<2064xi32, #tpu.memory_space<vmem>>, vector<16xi32>,
        tpu.vector_store %arg6[%swap3A_459], %broadcast_in_dim3A_1 {strides = array<i32>} : memref<2064xi32, #tpu.memory_space<vmem>>, vector<16xi32>,
        %rev3A = arith.constant 15 : i32
        %rev3A_461 = vector.broadcast %rev3A : i32 to vector<16xi32>
        %rev3A_462 = tpu.iota {dimensions = array<i32: 0>} : vector<16xi32>
        %rev3A_463 = arith.subi %rev3A_461, %rev3A_462 : vector<16xi32>
        %rev3A_464 = tpu.dynamic_gather %masked_sort3A_454[%rev3A_463] in [0] : vector<16xi32>, vector<16xi32> -> vector<16xi32>
        %rev3A_465 = arith.constant 15 : i32
        %rev3A_466 = vector.broadcast %rev3A_465 : i32 to vector<16xi32>
        %rev3A_467 = tpu.iota {dimensions = array<i32: 0>} : vector<16xi32>
        %rev3A_468 = arith.subi %rev3A_466, %rev3A_467 : vector<16xi32>
        %rev3A_469 = tpu.dynamic_gather %masked_sort3A_453[%rev3A_468] in [0] : vector<16xi32>, vector<16xi32> -> vector<16xi32>
        %le3A = arith.cmpi sle, %while3A_434, %rev3A_464 : vector<16xi32>
        %select_n3A = arith.select %le3A, %while3A_434, %rev3A_464 : vector<16xi1>, vector<16xi32>
        %select_n3A_470 = arith.select %le3A, %while3A_435, %rev3A_469 : vector<16xi1>, vector<16xi32>
        %masked_sort3A_471 = arith.constant dense<true> : vector<16xi1>
        %masked_sort3A_472 = arith.constant -2147483648 : i32
        %masked_sort3A_473 = vector.broadcast %masked_sort3A_472 : i32 to vector<16xi32>
        %masked_sort3A_474 = arith.xori %select_n3A, %masked_sort3A_473 : vector<16xi32>
        %masked_sort3A_475, %masked_sort3A_476, %masked_sort3A_477 = tpu.sort %masked_sort3A_474, %select_n3A_470 masked %masked_sort3A_471 : (vector<16xi32>, vector<16xi32>, vector<16xi1>) -> (vector<16xi1>, vector<16xi32>, vector<16xi32>)
        %masked_sort3A_478 = arith.xori %masked_sort3A_476, %masked_sort3A_473 : vector<16xi32>
        %rev3A_479 = arith.constant 15 : i32
        %rev3A_480 = vector.broadcast %rev3A_479 : i32 to vector<16xi32>
        %rev3A_481 = tpu.iota {dimensions = array<i32: 0>} : vector<16xi32>
        %rev3A_482 = arith.subi %rev3A_480, %rev3A_481 : vector<16xi32>
        %rev3A_483 = tpu.dynamic_gather %masked_sort3A_478[%rev3A_482] in [0] : vector<16xi32>, vector<16xi32> -> vector<16xi32>
        %rev3A_484 = arith.constant 15 : i32
        %rev3A_485 = vector.broadcast %rev3A_484 : i32 to vector<16xi32>
        %rev3A_486 = tpu.iota {dimensions = array<i32: 0>} : vector<16xi32>
        %rev3A_487 = arith.subi %rev3A_485, %rev3A_486 : vector<16xi32>
        %rev3A_488 = tpu.dynamic_gather %masked_sort3A_477[%rev3A_487] in [0] : vector<16xi32>, vector<16xi32> -> vector<16xi32>
        %le3A_489 = arith.cmpi sle, %while3A_432, %rev3A_483 : vector<16xi32>
        %select_n3A_490 = arith.select %le3A_489, %while3A_432, %rev3A_483 : vector<16xi1>, vector<16xi32>
        %select_n3A_491 = arith.select %le3A_489, %while3A_433, %rev3A_488 : vector<16xi1>, vector<16xi32>
        %select_n3A_492 = arith.select %le3A_489, %rev3A_483, %while3A_432 : vector<16xi1>, vector<16xi32>
        %select_n3A_493 = arith.select %le3A_489, %rev3A_488, %while3A_433 : vector<16xi1>, vector<16xi32>
        %masked_sort3A_494 = arith.constant dense<true> : vector<16xi1>
        %masked_sort3A_495 = arith.constant -2147483648 : i32
        %masked_sort3A_496 = vector.broadcast %masked_sort3A_495 : i32 to vector<16xi32>
        %masked_sort3A_497 = arith.xori %select_n3A_490, %masked_sort3A_496 : vector<16xi32>
        %masked_sort3A_498, %masked_sort3A_499, %masked_sort3A_500 = tpu.sort %masked_sort3A_497, %select_n3A_491 masked %masked_sort3A_494 : (vector<16xi32>, vector<16xi32>, vector<16xi1>) -> (vector<16xi1>, vector<16xi32>, vector<16xi32>)
        %masked_sort3A_501 = arith.xori %masked_sort3A_499, %masked_sort3A_496 : vector<16xi32>
        %masked_sort3A_502 = arith.constant dense<true> : vector<16xi1>
        %masked_sort3A_503 = arith.constant -2147483648 : i32
        %masked_sort3A_504 = vector.broadcast %masked_sort3A_503 : i32 to vector<16xi32>
        %masked_sort3A_505 = arith.xori %select_n3A_492, %masked_sort3A_504 : vector<16xi32>
        %masked_sort3A_506, %masked_sort3A_507, %masked_sort3A_508 = tpu.sort %masked_sort3A_505, %select_n3A_493 masked %masked_sort3A_502 : (vector<16xi32>, vector<16xi32>, vector<16xi1>) -> (vector<16xi1>, vector<16xi32>, vector<16xi32>)
        %masked_sort3A_509 = arith.xori %masked_sort3A_507, %masked_sort3A_504 : vector<16xi32>
        scf.yield %masked_sort3A_501, %masked_sort3A_500, %masked_sort3A_509, %masked_sort3A_508 : vector<16xi32>, vector<16xi32>, vector<16xi32>, vector<16xi32>
      }
      %reduce_max3A_366 = arith.constant true
      %reduce_max3A_367 = vector.broadcast %reduce_max3A_366 : i1 to vector<16xi1>
      %reduce_max3A_368 = arith.constant -2147483648 : i32
      %reduce_max3A_369 = vector.broadcast %reduce_max3A_368 : i32 to vector<16xi32>
      %reduce_max3A_370 = arith.xori %parallel_loop3A_290#3, %reduce_max3A_369 : vector<16xi32>
      %reduce_max3A_371 = tpu.scan <max>, %reduce_max3A_370 masked %reduce_max3A_367 : vector<16xi32>, vector<16xi1> -> vector<16xi32>
      %reduce_max3A_372 = arith.xori %reduce_max3A_371, %reduce_max3A_369 : vector<16xi32>
      %reduce_max3A_373 = vector.extract %reduce_max3A_372[15] : i32 from vector<16xi32>
      %sub3A_374 = arith.constant 1536 : i32
      %sub3A_375 = arith.subi %reduce_max3A_373, %sub3A_374 : i32
      %shift_right_arithmetic3A_376 = arith.constant 4 : i32
      %shift_right_arithmetic3A_377 = arith.shrsi %sub3A_375, %shift_right_arithmetic3A_376 : i32
      %add3A_378 = arith.constant 1 : i32
      %add3A_379 = arith.addi %shift_right_arithmetic3A_377, %add3A_378 : i32
      %while3A_380 = arith.constant 0 : i32
      %while3A_381 = arith.subi %add3A_379, %while3A_380 : i32
      %while3A_382 = arith.addi %while3A_380, %while3A_381 : i32
      %while3A_383 = arith.constant 1 : i32
      %while3A_384 = arith.divsi %while3A_381, %while3A_383 : i32
      %while3A_385 = arith.muli %while3A_384, %while3A_383 : i32
      %while3A_386 = arith.addi %while3A_380, %while3A_385 : i32
      %while3A_387 = arith.constant 1 : i32
      %while3A_388:4 = scf.for %while3A_431 = %while3A_380 to %while3A_386 step %while3A_387 iter_args(%while3A_432 = %while3A_365#0, %while3A_433 = %while3A_365#1, %while3A_434 = %while3A_365#2, %while3A_435 = %while3A_365#3) -> (vector<16xi32>, vector<16xi32>, vector<16xi32>, vector<16xi32>)  : i32 {
        %mul3A_436 = arith.constant 16 : i32
        %mul3A_437 = arith.muli %while3A_431, %mul3A_436 : i32
        %add3A_438 = arith.constant 1536 : i32
        %add3A_439 = arith.addi %add3A_438, %mul3A_437 : i32
        %get3A_440 = arith.index_cast %add3A_439 : i32 to index
        %get3A_441 = tpu.vector_load %arg6[%get3A_440] {strides = array<i32>} : memref<2064xi32, #tpu.memory_space<vmem>>, vector<16xi32>,
        %mul3A_442 = arith.constant 16 : i32
        %mul3A_443 = arith.muli %while3A_431, %mul3A_442 : i32
        %add3A_444 = arith.constant 1536 : i32
        %add3A_445 = arith.addi %add3A_444, %mul3A_443 : i32
        %get3A_446 = arith.index_cast %add3A_445 : i32 to index
        %get3A_447 = tpu.vector_load %arg7[%get3A_446] {strides = array<i32>} : memref<2064xi32, #tpu.memory_space<vmem>>, vector<16xi32>,
        %masked_sort3A = arith.constant dense<true> : vector<16xi1>
        %masked_sort3A_448 = arith.constant -2147483648 : i32
        %masked_sort3A_449 = vector.broadcast %masked_sort3A_448 : i32 to vector<16xi32>
        %masked_sort3A_450 = arith.xori %get3A_441, %masked_sort3A_449 : vector<16xi32>
        %masked_sort3A_451, %masked_sort3A_452, %masked_sort3A_453 = tpu.sort %masked_sort3A_450, %get3A_447 masked %masked_sort3A : (vector<16xi32>, vector<16xi32>, vector<16xi1>) -> (vector<16xi1>, vector<16xi32>, vector<16xi32>)
        %masked_sort3A_454 = arith.xori %masked_sort3A_452, %masked_sort3A_449 : vector<16xi32>
        %mul3A_455 = arith.constant 16 : i32
        %mul3A_456 = arith.muli %while3A_431, %mul3A_455 : i32
        %add3A_457 = arith.constant 1536 : i32
        %add3A_458 = arith.addi %add3A_457, %mul3A_456 : i32
        %swap3A_459 = arith.index_cast %add3A_458 : i32 to index
        %swap3A_460 = tpu.vector_load %arg6[%swap3A_459] {strides = array<i32>} : memref<2064xi32, #tpu.memory_space<vmem>>, vector<16xi32>,
        tpu.vector_store %arg6[%swap3A_459], %broadcast_in_dim3A_1 {strides = array<i32>} : memref<2064xi32, #tpu.memory_space<vmem>>, vector<16xi32>,
        %rev3A = arith.constant 15 : i32
        %rev3A_461 = vector.broadcast %rev3A : i32 to vector<16xi32>
        %rev3A_462 = tpu.iota {dimensions = array<i32: 0>} : vector<16xi32>
        %rev3A_463 = arith.subi %rev3A_461, %rev3A_462 : vector<16xi32>
        %rev3A_464 = tpu.dynamic_gather %masked_sort3A_454[%rev3A_463] in [0] : vector<16xi32>, vector<16xi32> -> vector<16xi32>
        %rev3A_465 = arith.constant 15 : i32
        %rev3A_466 = vector.broadcast %rev3A_465 : i32 to vector<16xi32>
        %rev3A_467 = tpu.iota {dimensions = array<i32: 0>} : vector<16xi32>
        %rev3A_468 = arith.subi %rev3A_466, %rev3A_467 : vector<16xi32>
        %rev3A_469 = tpu.dynamic_gather %masked_sort3A_453[%rev3A_468] in [0] : vector<16xi32>, vector<16xi32> -> vector<16xi32>
        %le3A = arith.cmpi sle, %while3A_434, %rev3A_464 : vector<16xi32>
        %select_n3A = arith.select %le3A, %while3A_434, %rev3A_464 : vector<16xi1>, vector<16xi32>
        %select_n3A_470 = arith.select %le3A, %while3A_435, %rev3A_469 : vector<16xi1>, vector<16xi32>
        %masked_sort3A_471 = arith.constant dense<true> : vector<16xi1>
        %masked_sort3A_472 = arith.constant -2147483648 : i32
        %masked_sort3A_473 = vector.broadcast %masked_sort3A_472 : i32 to vector<16xi32>
        %masked_sort3A_474 = arith.xori %select_n3A, %masked_sort3A_473 : vector<16xi32>
        %masked_sort3A_475, %masked_sort3A_476, %masked_sort3A_477 = tpu.sort %masked_sort3A_474, %select_n3A_470 masked %masked_sort3A_471 : (vector<16xi32>, vector<16xi32>, vector<16xi1>) -> (vector<16xi1>, vector<16xi32>, vector<16xi32>)
        %masked_sort3A_478 = arith.xori %masked_sort3A_476, %masked_sort3A_473 : vector<16xi32>
        %rev3A_479 = arith.constant 15 : i32
        %rev3A_480 = vector.broadcast %rev3A_479 : i32 to vector<16xi32>
        %rev3A_481 = tpu.iota {dimensions = array<i32: 0>} : vector<16xi32>
        %rev3A_482 = arith.subi %rev3A_480, %rev3A_481 : vector<16xi32>
        %rev3A_483 = tpu.dynamic_gather %masked_sort3A_478[%rev3A_482] in [0] : vector<16xi32>, vector<16xi32> -> vector<16xi32>
        %rev3A_484 = arith.constant 15 : i32
        %rev3A_485 = vector.broadcast %rev3A_484 : i32 to vector<16xi32>
        %rev3A_486 = tpu.iota {dimensions = array<i32: 0>} : vector<16xi32>
        %rev3A_487 = arith.subi %rev3A_485, %rev3A_486 : vector<16xi32>
        %rev3A_488 = tpu.dynamic_gather %masked_sort3A_477[%rev3A_487] in [0] : vector<16xi32>, vector<16xi32> -> vector<16xi32>
        %le3A_489 = arith.cmpi sle, %while3A_432, %rev3A_483 : vector<16xi32>
        %select_n3A_490 = arith.select %le3A_489, %while3A_432, %rev3A_483 : vector<16xi1>, vector<16xi32>
        %select_n3A_491 = arith.select %le3A_489, %while3A_433, %rev3A_488 : vector<16xi1>, vector<16xi32>
        %select_n3A_492 = arith.select %le3A_489, %rev3A_483, %while3A_432 : vector<16xi1>, vector<16xi32>
        %select_n3A_493 = arith.select %le3A_489, %rev3A_488, %while3A_433 : vector<16xi1>, vector<16xi32>
        %masked_sort3A_494 = arith.constant dense<true> : vector<16xi1>
        %masked_sort3A_495 = arith.constant -2147483648 : i32
        %masked_sort3A_496 = vector.broadcast %masked_sort3A_495 : i32 to vector<16xi32>
        %masked_sort3A_497 = arith.xori %select_n3A_490, %masked_sort3A_496 : vector<16xi32>
        %masked_sort3A_498, %masked_sort3A_499, %masked_sort3A_500 = tpu.sort %masked_sort3A_497, %select_n3A_491 masked %masked_sort3A_494 : (vector<16xi32>, vector<16xi32>, vector<16xi1>) -> (vector<16xi1>, vector<16xi32>, vector<16xi32>)
        %masked_sort3A_501 = arith.xori %masked_sort3A_499, %masked_sort3A_496 : vector<16xi32>
        %masked_sort3A_502 = arith.constant dense<true> : vector<16xi1>
        %masked_sort3A_503 = arith.constant -2147483648 : i32
        %masked_sort3A_504 = vector.broadcast %masked_sort3A_503 : i32 to vector<16xi32>
        %masked_sort3A_505 = arith.xori %select_n3A_492, %masked_sort3A_504 : vector<16xi32>
        %masked_sort3A_506, %masked_sort3A_507, %masked_sort3A_508 = tpu.sort %masked_sort3A_505, %select_n3A_493 masked %masked_sort3A_502 : (vector<16xi32>, vector<16xi32>, vector<16xi1>) -> (vector<16xi1>, vector<16xi32>, vector<16xi32>)
        %masked_sort3A_509 = arith.xori %masked_sort3A_507, %masked_sort3A_504 : vector<16xi32>
        scf.yield %masked_sort3A_501, %masked_sort3A_500, %masked_sort3A_509, %masked_sort3A_508 : vector<16xi32>, vector<16xi32>, vector<16xi32>, vector<16xi32>
      }
      %while3A_389 = arith.constant 1 : i32
      %while3A_390:4 = scf.for %while3A_431 = %while3A_386 to %while3A_382 step %while3A_389 iter_args(%while3A_432 = %while3A_388#0, %while3A_433 = %while3A_388#1, %while3A_434 = %while3A_388#2, %while3A_435 = %while3A_388#3) -> (vector<16xi32>, vector<16xi32>, vector<16xi32>, vector<16xi32>)  : i32 {
        %mul3A_436 = arith.constant 16 : i32
        %mul3A_437 = arith.muli %while3A_431, %mul3A_436 : i32
        %add3A_438 = arith.constant 1536 : i32
        %add3A_439 = arith.addi %add3A_438, %mul3A_437 : i32
        %get3A_440 = arith.index_cast %add3A_439 : i32 to index
        %get3A_441 = tpu.vector_load %arg6[%get3A_440] {strides = array<i32>} : memref<2064xi32, #tpu.memory_space<vmem>>, vector<16xi32>,
        %mul3A_442 = arith.constant 16 : i32
        %mul3A_443 = arith.muli %while3A_431, %mul3A_442 : i32
        %add3A_444 = arith.constant 1536 : i32
        %add3A_445 = arith.addi %add3A_444, %mul3A_443 : i32
        %get3A_446 = arith.index_cast %add3A_445 : i32 to index
        %get3A_447 = tpu.vector_load %arg7[%get3A_446] {strides = array<i32>} : memref<2064xi32, #tpu.memory_space<vmem>>, vector<16xi32>,
        %masked_sort3A = arith.constant dense<true> : vector<16xi1>
        %masked_sort3A_448 = arith.constant -2147483648 : i32
        %masked_sort3A_449 = vector.broadcast %masked_sort3A_448 : i32 to vector<16xi32>
        %masked_sort3A_450 = arith.xori %get3A_441, %masked_sort3A_449 : vector<16xi32>
        %masked_sort3A_451, %masked_sort3A_452, %masked_sort3A_453 = tpu.sort %masked_sort3A_450, %get3A_447 masked %masked_sort3A : (vector<16xi32>, vector<16xi32>, vector<16xi1>) -> (vector<16xi1>, vector<16xi32>, vector<16xi32>)
        %masked_sort3A_454 = arith.xori %masked_sort3A_452, %masked_sort3A_449 : vector<16xi32>
        %mul3A_455 = arith.constant 16 : i32
        %mul3A_456 = arith.muli %while3A_431, %mul3A_455 : i32
        %add3A_457 = arith.constant 1536 : i32
        %add3A_458 = arith.addi %add3A_457, %mul3A_456 : i32
        %swap3A_459 = arith.index_cast %add3A_458 : i32 to index
        %swap3A_460 = tpu.vector_load %arg6[%swap3A_459] {strides = array<i32>} : memref<2064xi32, #tpu.memory_space<vmem>>, vector<16xi32>,
        tpu.vector_store %arg6[%swap3A_459], %broadcast_in_dim3A_1 {strides = array<i32>} : memref<2064xi32, #tpu.memory_space<vmem>>, vector<16xi32>,
        %rev3A = arith.constant 15 : i32
        %rev3A_461 = vector.broadcast %rev3A : i32 to vector<16xi32>
        %rev3A_462 = tpu.iota {dimensions = array<i32: 0>} : vector<16xi32>
        %rev3A_463 = arith.subi %rev3A_461, %rev3A_462 : vector<16xi32>
        %rev3A_464 = tpu.dynamic_gather %masked_sort3A_454[%rev3A_463] in [0] : vector<16xi32>, vector<16xi32> -> vector<16xi32>
        %rev3A_465 = arith.constant 15 : i32
        %rev3A_466 = vector.broadcast %rev3A_465 : i32 to vector<16xi32>
        %rev3A_467 = tpu.iota {dimensions = array<i32: 0>} : vector<16xi32>
        %rev3A_468 = arith.subi %rev3A_466, %rev3A_467 : vector<16xi32>
        %rev3A_469 = tpu.dynamic_gather %masked_sort3A_453[%rev3A_468] in [0] : vector<16xi32>, vector<16xi32> -> vector<16xi32>
        %le3A = arith.cmpi sle, %while3A_434, %rev3A_464 : vector<16xi32>
        %select_n3A = arith.select %le3A, %while3A_434, %rev3A_464 : vector<16xi1>, vector<16xi32>
        %select_n3A_470 = arith.select %le3A, %while3A_435, %rev3A_469 : vector<16xi1>, vector<16xi32>
        %masked_sort3A_471 = arith.constant dense<true> : vector<16xi1>
        %masked_sort3A_472 = arith.constant -2147483648 : i32
        %masked_sort3A_473 = vector.broadcast %masked_sort3A_472 : i32 to vector<16xi32>
        %masked_sort3A_474 = arith.xori %select_n3A, %masked_sort3A_473 : vector<16xi32>
        %masked_sort3A_475, %masked_sort3A_476, %masked_sort3A_477 = tpu.sort %masked_sort3A_474, %select_n3A_470 masked %masked_sort3A_471 : (vector<16xi32>, vector<16xi32>, vector<16xi1>) -> (vector<16xi1>, vector<16xi32>, vector<16xi32>)
        %masked_sort3A_478 = arith.xori %masked_sort3A_476, %masked_sort3A_473 : vector<16xi32>
        %rev3A_479 = arith.constant 15 : i32
        %rev3A_480 = vector.broadcast %rev3A_479 : i32 to vector<16xi32>
        %rev3A_481 = tpu.iota {dimensions = array<i32: 0>} : vector<16xi32>
        %rev3A_482 = arith.subi %rev3A_480, %rev3A_481 : vector<16xi32>
        %rev3A_483 = tpu.dynamic_gather %masked_sort3A_478[%rev3A_482] in [0] : vector<16xi32>, vector<16xi32> -> vector<16xi32>
        %rev3A_484 = arith.constant 15 : i32
        %rev3A_485 = vector.broadcast %rev3A_484 : i32 to vector<16xi32>
        %rev3A_486 = tpu.iota {dimensions = array<i32: 0>} : vector<16xi32>
        %rev3A_487 = arith.subi %rev3A_485, %rev3A_486 : vector<16xi32>
        %rev3A_488 = tpu.dynamic_gather %masked_sort3A_477[%rev3A_487] in [0] : vector<16xi32>, vector<16xi32> -> vector<16xi32>
        %le3A_489 = arith.cmpi sle, %while3A_432, %rev3A_483 : vector<16xi32>
        %select_n3A_490 = arith.select %le3A_489, %while3A_432, %rev3A_483 : vector<16xi1>, vector<16xi32>
        %select_n3A_491 = arith.select %le3A_489, %while3A_433, %rev3A_488 : vector<16xi1>, vector<16xi32>
        %select_n3A_492 = arith.select %le3A_489, %rev3A_483, %while3A_432 : vector<16xi1>, vector<16xi32>
        %select_n3A_493 = arith.select %le3A_489, %rev3A_488, %while3A_433 : vector<16xi1>, vector<16xi32>
        %masked_sort3A_494 = arith.constant dense<true> : vector<16xi1>
        %masked_sort3A_495 = arith.constant -2147483648 : i32
        %masked_sort3A_496 = vector.broadcast %masked_sort3A_495 : i32 to vector<16xi32>
        %masked_sort3A_497 = arith.xori %select_n3A_490, %masked_sort3A_496 : vector<16xi32>
        %masked_sort3A_498, %masked_sort3A_499, %masked_sort3A_500 = tpu.sort %masked_sort3A_497, %select_n3A_491 masked %masked_sort3A_494 : (vector<16xi32>, vector<16xi32>, vector<16xi1>) -> (vector<16xi1>, vector<16xi32>, vector<16xi32>)
        %masked_sort3A_501 = arith.xori %masked_sort3A_499, %masked_sort3A_496 : vector<16xi32>
        %masked_sort3A_502 = arith.constant dense<true> : vector<16xi1>
        %masked_sort3A_503 = arith.constant -2147483648 : i32
        %masked_sort3A_504 = vector.broadcast %masked_sort3A_503 : i32 to vector<16xi32>
        %masked_sort3A_505 = arith.xori %select_n3A_492, %masked_sort3A_504 : vector<16xi32>
        %masked_sort3A_506, %masked_sort3A_507, %masked_sort3A_508 = tpu.sort %masked_sort3A_505, %select_n3A_493 masked %masked_sort3A_502 : (vector<16xi32>, vector<16xi32>, vector<16xi1>) -> (vector<16xi1>, vector<16xi32>, vector<16xi32>)
        %masked_sort3A_509 = arith.xori %masked_sort3A_507, %masked_sort3A_504 : vector<16xi32>
        scf.yield %masked_sort3A_501, %masked_sort3A_500, %masked_sort3A_509, %masked_sort3A_508 : vector<16xi32>, vector<16xi32>, vector<16xi32>, vector<16xi32>
      }
      %swap3A_391 = arith.constant 48 : index
      %swap3A_392 = tpu.vector_load %arg8[%swap3A_391] {strides = array<i32>} : memref<96xi32, #tpu.memory_space<vmem>>, vector<16xi32>,
      tpu.vector_store %arg8[%swap3A_391], %while3A_390#1 {strides = array<i32>} : memref<96xi32, #tpu.memory_space<vmem>>, vector<16xi32>,
      %swap3A_393 = arith.constant 64 : index
      %swap3A_394 = tpu.vector_load %arg8[%swap3A_393] {strides = array<i32>} : memref<96xi32, #tpu.memory_space<vmem>>, vector<16xi32>,
      tpu.vector_store %arg8[%swap3A_393], %while3A_390#3 {strides = array<i32>} : memref<96xi32, #tpu.memory_space<vmem>>, vector<16xi32>,
      %dma_wait3A_395 = arith.constant 0 : i32
      %dma_wait3A_396 = arith.constant 0 : i32
      %dma_wait3A_397 = tpu.memref_slice %arg9[%dma_wait3A_395, %dma_wait3A_396] : memref<64x128xf32, #tpu.memory_space<vmem>> -> memref<32x128xf32, #tpu.memory_space<vmem>>
      %dma_wait3A_398 = arith.constant 0 : i32
      %dma_wait3A_399 = tpu.memref_slice %arg8[%dma_wait3A_398] : memref<96xi32, #tpu.memory_space<vmem>> -> memref<32xi32, #tpu.memory_space<vmem>>
      %dma_wait3A_400 = arith.constant 0 : i32
      %dma_wait3A_401 = arith.constant 0 : i32
      %dma_wait3A_402 = tpu.memref_slice %arg3[%dma_wait3A_400, %dma_wait3A_401] : memref<32768x128xf32, #tpu.memory_space<hbm>> -> memref<32768x128xf32, #tpu.memory_space<hbm>>
      tpu.wait_indirect_dma semaphore(%arg12 : memref<!tpu.dma_semaphore, #tpu.memory_space<semaphore_mem>>) src(%dma_wait3A_402 : memref<32768x128xf32, #tpu.memory_space<hbm>>) dst(%dma_wait3A_397 : memref<32x128xf32, #tpu.memory_space<vmem>>)
      %sub3A_403 = arith.constant 1 : i32
      %sub3A_404 = arith.subi %add3A_246, %sub3A_403 : i32
      %mul3A_405 = arith.constant 32 : i32
      %mul3A_406 = arith.muli %sub3A_404, %mul3A_405 : i32
      %dma_start3A_407 = arith.constant 0 : i32
      %dma_start3A_408 = arith.constant 0 : i32
      %dma_start3A_409 = tpu.memref_slice %arg9[%dma_start3A_407, %dma_start3A_408] : memref<64x128xf32, #tpu.memory_space<vmem>> -> memref<32x128xf32, #tpu.memory_space<vmem>>
      %dma_start3A_410 = arith.constant 0 : i32
      %dma_start3A_411 = tpu.memref_slice %arg4[%mul3A_406, %dma_start3A_410] : memref<262144x128xf32, #tpu.memory_space<hbm>> -> memref<32x128xf32, #tpu.memory_space<hbm>>
      %dma_start3A_412 = arith.constant 0 : i32
      %dma_start3A_413 = tpu.memref_slice %arg4[%mul3A_406, %dma_start3A_412] : memref<262144x128xf32, #tpu.memory_space<hbm>> -> memref<32x128xf32, #tpu.memory_space<hbm>>
      %dma_start3A_414 = arith.constant 0 : i32
      %dma_start3A_415 = arith.constant 0 : i32
      %dma_start3A_416 = tpu.memref_slice %arg9[%dma_start3A_414, %dma_start3A_415] : memref<64x128xf32, #tpu.memory_space<vmem>> -> memref<32x128xf32, #tpu.memory_space<vmem>>
      tpu.enqueue_dma source(%dma_start3A_416 : memref<32x128xf32, #tpu.memory_space<vmem>>) target(%dma_start3A_413 : memref<32x128xf32, #tpu.memory_space<hbm>>) target_semaphore(%arg14 : memref<!tpu.dma_semaphore, #tpu.memory_space<semaphore_mem>>)
      %ge3A_417 = arith.constant 1 : i32
      %ge3A_418 = arith.cmpi sge, %scan3A_85, %ge3A_417 : i32
      %convert_element_type3A_419 = arith.extui %ge3A_418 : i1 to i32
      %cond3A_420 = arith.constant 0 : i32
      %cond3A_421 = arith.cmpi ne, %convert_element_type3A_419, %cond3A_420 : i32
      scf.if %cond3A_421 {
        %dma_wait3A_431 = arith.constant 32 : i32
        %dma_wait3A_432 = arith.constant 0 : i32
        %dma_wait3A_433 = tpu.memref_slice %arg9[%dma_wait3A_431, %dma_wait3A_432] : memref<64x128xf32, #tpu.memory_space<vmem>> -> memref<32x128xf32, #tpu.memory_space<vmem>>
        %dma_wait3A_434 = arith.constant 0 : i32
        %dma_wait3A_435 = arith.constant 0 : i32
        %dma_wait3A_436 = tpu.memref_slice %arg4[%dma_wait3A_434, %dma_wait3A_435] : memref<262144x128xf32, #tpu.memory_space<hbm>> -> memref<32x128xf32, #tpu.memory_space<hbm>>
        %dma_wait3A_437 = arith.constant 0 : i32
        %dma_wait3A_438 = arith.constant 0 : i32
        %dma_wait3A_439 = tpu.memref_slice %arg4[%dma_wait3A_437, %dma_wait3A_438] : memref<262144x128xf32, #tpu.memory_space<hbm>> -> memref<32x128xf32, #tpu.memory_space<hbm>>
        %dma_wait3A_440 = arith.constant 32 : i32
        %dma_wait3A_441 = arith.constant 0 : i32
        %dma_wait3A_442 = tpu.memref_slice %arg9[%dma_wait3A_440, %dma_wait3A_441] : memref<64x128xf32, #tpu.memory_space<vmem>> -> memref<32x128xf32, #tpu.memory_space<vmem>>
        tpu.wait_dma2 semaphore(%arg15 : memref<!tpu.dma_semaphore, #tpu.memory_space<semaphore_mem>>) src(%dma_wait3A_442 : memref<32x128xf32, #tpu.memory_space<vmem>>) dst(%dma_wait3A_439 : memref<32x128xf32, #tpu.memory_space<hbm>>)
      } else {
      }
      %dma_start3A_422 = arith.constant 32 : i32
      %dma_start3A_423 = arith.constant 0 : i32
      %dma_start3A_424 = tpu.memref_slice %arg9[%dma_start3A_422, %dma_start3A_423] : memref<64x128xf32, #tpu.memory_space<vmem>> -> memref<32x128xf32, #tpu.memory_space<vmem>>
      %dma_start3A_425 = arith.constant 48 : i32
      %dma_start3A_426 = tpu.memref_slice %arg8[%dma_start3A_425] : memref<96xi32, #tpu.memory_space<vmem>> -> memref<32xi32, #tpu.memory_space<vmem>>
      %dma_start3A_427 = arith.constant 0 : i32
      %dma_start3A_428 = arith.constant 0 : i32
      %dma_start3A_429 = tpu.memref_slice %arg3[%dma_start3A_427, %dma_start3A_428] : memref<32768x128xf32, #tpu.memory_space<hbm>> -> memref<32768x128xf32, #tpu.memory_space<hbm>>
      tpu.enqueue_indirect_dma source(%dma_start3A_429 : memref<32768x128xf32, #tpu.memory_space<hbm>>) target(%dma_start3A_424 : memref<32x128xf32, #tpu.memory_space<vmem>>) offsets(%dma_start3A_426 : memref<32xi32, #tpu.memory_space<vmem>>) semaphore(%arg13 : memref<!tpu.dma_semaphore, #tpu.memory_space<semaphore_mem>>)
      %scan3A_430 = arith.constant 0 : i32
      scf.yield %scan3A_430 : i32
    }
    %scan3A_28 = arith.constant 128 : i32
    %add3A_29 = arith.constant 256 : i32
    %add3A_30 = arith.addi %mul3A_12, %add3A_29 : i32
    %sub3A = arith.constant 1 : i32
    %sub3A_31 = arith.subi %add3A_30, %sub3A : i32
    %dma_wait3A = arith.constant 32 : i32
    %dma_wait3A_32 = arith.constant 0 : i32
    %dma_wait3A_33 = tpu.memref_slice %arg9[%dma_wait3A, %dma_wait3A_32] : memref<64x128xf32, #tpu.memory_space<vmem>> -> memref<32x128xf32, #tpu.memory_space<vmem>>
    %dma_wait3A_34 = arith.constant 48 : i32
    %dma_wait3A_35 = tpu.memref_slice %arg8[%dma_wait3A_34] : memref<96xi32, #tpu.memory_space<vmem>> -> memref<32xi32, #tpu.memory_space<vmem>>
    %dma_wait3A_36 = arith.constant 0 : i32
    %dma_wait3A_37 = arith.constant 0 : i32
    %dma_wait3A_38 = tpu.memref_slice %arg3[%dma_wait3A_36, %dma_wait3A_37] : memref<32768x128xf32, #tpu.memory_space<hbm>> -> memref<32768x128xf32, #tpu.memory_space<hbm>>
    tpu.wait_indirect_dma semaphore(%arg13 : memref<!tpu.dma_semaphore, #tpu.memory_space<semaphore_mem>>) src(%dma_wait3A_38 : memref<32768x128xf32, #tpu.memory_space<hbm>>) dst(%dma_wait3A_33 : memref<32x128xf32, #tpu.memory_space<vmem>>)
    %mul3A_39 = arith.constant 32 : i32
    %mul3A_40 = arith.muli %sub3A_31, %mul3A_39 : i32
    %dma_start3A_41 = arith.constant 32 : i32
    %dma_start3A_42 = arith.constant 0 : i32
    %dma_start3A_43 = tpu.memref_slice %arg9[%dma_start3A_41, %dma_start3A_42] : memref<64x128xf32, #tpu.memory_space<vmem>> -> memref<32x128xf32, #tpu.memory_space<vmem>>
    %dma_start3A_44 = arith.constant 0 : i32
    %dma_start3A_45 = tpu.memref_slice %arg4[%mul3A_40, %dma_start3A_44] : memref<262144x128xf32, #tpu.memory_space<hbm>> -> memref<32x128xf32, #tpu.memory_space<hbm>>
    %dma_start3A_46 = arith.constant 0 : i32
    %dma_start3A_47 = tpu.memref_slice %arg4[%mul3A_40, %dma_start3A_46] : memref<262144x128xf32, #tpu.memory_space<hbm>> -> memref<32x128xf32, #tpu.memory_space<hbm>>
    %dma_start3A_48 = arith.constant 32 : i32
    %dma_start3A_49 = arith.constant 0 : i32
    %dma_start3A_50 = tpu.memref_slice %arg9[%dma_start3A_48, %dma_start3A_49] : memref<64x128xf32, #tpu.memory_space<vmem>> -> memref<32x128xf32, #tpu.memory_space<vmem>>
    tpu.enqueue_dma source(%dma_start3A_50 : memref<32x128xf32, #tpu.memory_space<vmem>>) target(%dma_start3A_47 : memref<32x128xf32, #tpu.memory_space<hbm>>) target_semaphore(%arg15 : memref<!tpu.dma_semaphore, #tpu.memory_space<semaphore_mem>>)
    %dma_wait3A_51 = arith.constant 0 : i32
    %dma_wait3A_52 = arith.constant 0 : i32
    %dma_wait3A_53 = tpu.memref_slice %arg9[%dma_wait3A_51, %dma_wait3A_52] : memref<64x128xf32, #tpu.memory_space<vmem>> -> memref<32x128xf32, #tpu.memory_space<vmem>>
    %dma_wait3A_54 = arith.constant 0 : i32
    %dma_wait3A_55 = arith.constant 0 : i32
    %dma_wait3A_56 = tpu.memref_slice %arg4[%dma_wait3A_54, %dma_wait3A_55] : memref<262144x128xf32, #tpu.memory_space<hbm>> -> memref<32x128xf32, #tpu.memory_space<hbm>>
    %dma_wait3A_57 = arith.constant 0 : i32
    %dma_wait3A_58 = arith.constant 0 : i32
    %dma_wait3A_59 = tpu.memref_slice %arg4[%dma_wait3A_57, %dma_wait3A_58] : memref<262144x128xf32, #tpu.memory_space<hbm>> -> memref<32x128xf32, #tpu.memory_space<hbm>>
    %dma_wait3A_60 = arith.constant 0 : i32
    %dma_wait3A_61 = arith.constant 0 : i32
    %dma_wait3A_62 = tpu.memref_slice %arg9[%dma_wait3A_60, %dma_wait3A_61] : memref<64x128xf32, #tpu.memory_space<vmem>> -> memref<32x128xf32, #tpu.memory_space<vmem>>
    tpu.wait_dma2 semaphore(%arg14 : memref<!tpu.dma_semaphore, #tpu.memory_space<semaphore_mem>>) src(%dma_wait3A_62 : memref<32x128xf32, #tpu.memory_space<vmem>>) dst(%dma_wait3A_59 : memref<32x128xf32, #tpu.memory_space<hbm>>)
    %dma_wait3A_63 = arith.constant 32 : i32
    %dma_wait3A_64 = arith.constant 0 : i32
    %dma_wait3A_65 = tpu.memref_slice %arg9[%dma_wait3A_63, %dma_wait3A_64] : memref<64x128xf32, #tpu.memory_space<vmem>> -> memref<32x128xf32, #tpu.memory_space<vmem>>
    %dma_wait3A_66 = arith.constant 0 : i32
    %dma_wait3A_67 = arith.constant 0 : i32
    %dma_wait3A_68 = tpu.memref_slice %arg4[%dma_wait3A_66, %dma_wait3A_67] : memref<262144x128xf32, #tpu.memory_space<hbm>> -> memref<32x128xf32, #tpu.memory_space<hbm>>
    %dma_wait3A_69 = arith.constant 0 : i32
    %dma_wait3A_70 = arith.constant 0 : i32
    %dma_wait3A_71 = tpu.memref_slice %arg4[%dma_wait3A_69, %dma_wait3A_70] : memref<262144x128xf32, #tpu.memory_space<hbm>> -> memref<32x128xf32, #tpu.memory_space<hbm>>
    %dma_wait3A_72 = arith.constant 32 : i32
    %dma_wait3A_73 = arith.constant 0 : i32
    %dma_wait3A_74 = tpu.memref_slice %arg9[%dma_wait3A_72, %dma_wait3A_73] : memref<64x128xf32, #tpu.memory_space<vmem>> -> memref<32x128xf32, #tpu.memory_space<vmem>>
    tpu.wait_dma2 semaphore(%arg15 : memref<!tpu.dma_semaphore, #tpu.memory_space<semaphore_mem>>) src(%dma_wait3A_74 : memref<32x128xf32, #tpu.memory_space<vmem>>) dst(%dma_wait3A_71 : memref<32x128xf32, #tpu.memory_space<hbm>>)
    %dma_wait3A_75 = arith.constant 0 : i32
    %dma_wait3A_76 = tpu.memref_slice %arg5[%dma_wait3A_75] : memref<16640xi32, #tpu.memory_space<vmem>> -> memref<8320xi32, #tpu.memory_space<vmem>>
    %dma_wait3A_77 = arith.constant 0 : i32
    %dma_wait3A_78 = tpu.memref_slice %arg2[%sub3A_31, %dma_wait3A_77] : memref<8192x8320xi32, #tpu.memory_space<hbm>> -> memref<1x8320xi32, #tpu.memory_space<hbm>>
    %dma_wait3A_79 = tpu.memref_squeeze %dma_wait3A_78 : memref<1x8320xi32, #tpu.memory_space<hbm>> -> memref<8320xi32, #tpu.memory_space<hbm>>
    %dma_wait3A_80 = arith.constant 0 : i32
    %dma_wait3A_81 = tpu.memref_slice %arg5[%dma_wait3A_80] : memref<16640xi32, #tpu.memory_space<vmem>> -> memref<8320xi32, #tpu.memory_space<vmem>>
    %dma_wait3A_82 = arith.constant 0 : i32
    %dma_wait3A_83 = tpu.memref_slice %arg2[%sub3A_31, %dma_wait3A_82] : memref<8192x8320xi32, #tpu.memory_space<hbm>> -> memref<1x8320xi32, #tpu.memory_space<hbm>>
    %dma_wait3A_84 = tpu.memref_squeeze %dma_wait3A_83 : memref<1x8320xi32, #tpu.memory_space<hbm>> -> memref<8320xi32, #tpu.memory_space<hbm>>
    tpu.wait_dma2 semaphore(%arg10 : memref<!tpu.dma_semaphore, #tpu.memory_space<semaphore_mem>>) src(%dma_wait3A_84 : memref<8320xi32, #tpu.memory_space<hbm>>) dst(%dma_wait3A_81 : memref<8320xi32, #tpu.memory_space<vmem>>)
    return
  }
}

module attributes {stable_mosaic.version = 14 : i64} {
  func.func @_gpre_body(%arg0: i32, %arg1: memref<2048x3xf32, #tpu.memory_space<vmem>>, %arg2: memref<2048x64xf32, #tpu.memory_space<vmem>>, %arg3: memref<3x64xf32, #tpu.memory_space<vmem>>, %arg4: memref<64x64xf32, #tpu.memory_space<vmem>>, %arg5: memref<1x64xf32, #tpu.memory_space<vmem>>, %arg6: memref<2048x128xf32, #tpu.memory_space<vmem>>) attributes {dimension_semantics = [#tpu.dimension_semantics<arbitrary>], iteration_bounds = array<i64: 16>, scalar_prefetch = 0 : i64, scratch_operands = 0 : i64, tpu.core_type = #tpu.core_type<tc>, window_params = [{transform_indices = @transform_0, window_bounds = array<i64: 2048, 3>}, {transform_indices = @transform_1, window_bounds = array<i64: 2048, 64>}, {pipeline_mode = #tpu.pipeline_mode<synchronous>, transform_indices = @transform_2, window_bounds = array<i64: 3, 64>}, {pipeline_mode = #tpu.pipeline_mode<synchronous>, transform_indices = @transform_3, window_bounds = array<i64: 64, 64>}, {pipeline_mode = #tpu.pipeline_mode<synchronous>, transform_indices = @transform_4, window_bounds = array<i64: 1, 64>}, {transform_indices = @transform_5, window_bounds = array<i64: 2048, 128>}]} {
    %get3A = arith.constant 0 : index
    %get3A_0 = arith.constant 0 : index
    %get3A_1 = vector.load %arg1[%get3A, %get3A_0] : memref<2048x3xf32, #tpu.memory_space<vmem>>, vector<2048x3xf32>
    %get3A_2 = arith.constant 0 : index
    %get3A_3 = arith.constant 0 : index
    %get3A_4 = vector.load %arg3[%get3A_2, %get3A_3] : memref<3x64xf32, #tpu.memory_space<vmem>>, vector<3x64xf32>
    %dot_general3A = arith.constant dense<0.000000e+00> : vector<2048x64xf32>
    %dot_general3A_5 = tpu.matmul %get3A_1, %get3A_4, %dot_general3A {dimension_numbers = #tpu.dot_dimension_numbers<[1], [0], [0], [1], [0, 0, 1, 1], [], []>, transpose_lhs_hint = false} : vector<2048x3xf32>, vector<3x64xf32>, vector<2048x64xf32> -> vector<2048x64xf32>
    %get3A_6 = arith.constant 0 : index
    %get3A_7 = arith.constant 0 : index
    %get3A_8 = vector.load %arg2[%get3A_6, %get3A_7] : memref<2048x64xf32, #tpu.memory_space<vmem>>, vector<2048x64xf32>
    %get3A_9 = arith.constant 0 : index
    %get3A_10 = arith.constant 0 : index
    %get3A_11 = vector.load %arg4[%get3A_9, %get3A_10] : memref<64x64xf32, #tpu.memory_space<vmem>>, vector<64x64xf32>
    %dot_general3A_12 = arith.constant dense<0.000000e+00> : vector<2048x64xf32>
    %dot_general3A_13 = tpu.matmul %get3A_8, %get3A_11, %dot_general3A_12 {dimension_numbers = #tpu.dot_dimension_numbers<[1], [0], [0], [1], [0, 0, 1, 1], [], []>, transpose_lhs_hint = false} : vector<2048x64xf32>, vector<64x64xf32>, vector<2048x64xf32> -> vector<2048x64xf32>
    %add3A = arith.addf %dot_general3A_5, %dot_general3A_13 : vector<2048x64xf32>
    %get3A_14 = arith.constant 0 : index
    %get3A_15 = arith.constant 0 : index
    %get3A_16 = vector.load %arg5[%get3A_14, %get3A_15] : memref<1x64xf32, #tpu.memory_space<vmem>>, vector<1x64xf32>
    %add3A_17 = vector.broadcast %get3A_16 : vector<1x64xf32> to vector<2048x64xf32>
    %add3A_18 = arith.addf %add3A, %add3A_17 : vector<2048x64xf32>
    %swap3A = arith.constant 0 : index
    %swap3A_19 = arith.constant 0 : index
    %swap3A_20 = vector.load %arg6[%swap3A, %swap3A_19] : memref<2048x128xf32, #tpu.memory_space<vmem>>, vector<2048x64xf32>
    tpu.vector_store %arg6[%swap3A, %swap3A_19], %add3A_18 {strides = array<i32>} : memref<2048x128xf32, #tpu.memory_space<vmem>>, vector<2048x64xf32>,
    %broadcast_in_dim3A = arith.constant 0.000000e+00 : f32
    %broadcast_in_dim3A_21 = vector.broadcast %broadcast_in_dim3A : f32 to vector<2048x64xf32>
    %swap3A_22 = arith.constant 0 : index
    %swap3A_23 = arith.constant 64 : index
    %swap3A_24 = vector.load %arg6[%swap3A_22, %swap3A_23] : memref<2048x128xf32, #tpu.memory_space<vmem>>, vector<2048x64xf32>
    tpu.vector_store %arg6[%swap3A_22, %swap3A_23], %broadcast_in_dim3A_21 {strides = array<i32>} : memref<2048x128xf32, #tpu.memory_space<vmem>>, vector<2048x64xf32>,
    return
  }
  func.func @transform_0(%arg0: i32) -> (i32, i32) {
    %c0_i32 = arith.constant 0 : i32
    %c0_i32_0 = arith.constant 0 : i32
    return %arg0, %c0_i32 : i32, i32
  }
  func.func @transform_1(%arg0: i32) -> (i32, i32) {
    %c0_i32 = arith.constant 0 : i32
    %c0_i32_0 = arith.constant 0 : i32
    return %arg0, %c0_i32 : i32, i32
  }
  func.func @transform_2(%arg0: i32) -> (i32, i32) {
    %c0_i32 = arith.constant 0 : i32
    %c0_i32_0 = arith.constant 0 : i32
    %c0_i32_1 = arith.constant 0 : i32
    return %c0_i32, %c0_i32_0 : i32, i32
  }
  func.func @transform_3(%arg0: i32) -> (i32, i32) {
    %c0_i32 = arith.constant 0 : i32
    %c0_i32_0 = arith.constant 0 : i32
    %c0_i32_1 = arith.constant 0 : i32
    return %c0_i32, %c0_i32_0 : i32, i32
  }
  func.func @transform_4(%arg0: i32) -> (i32, i32) {
    %c0_i32 = arith.constant 0 : i32
    %c0_i32_0 = arith.constant 0 : i32
    %c0_i32_1 = arith.constant 0 : i32
    return %c0_i32, %c0_i32_0 : i32, i32
  }
  func.func @transform_5(%arg0: i32) -> (i32, i32) {
    %c0_i32 = arith.constant 0 : i32
    %c0_i32_0 = arith.constant 0 : i32
    return %arg0, %c0_i32 : i32, i32
  }
}

module attributes {stable_mosaic.version = 14 : i64} {
  func.func @_dist_sel_body(%arg0: i32, %arg1: memref<256x3xf32, #tpu.memory_space<vmem>>, %arg2: memref<1x8192x3xf32, #tpu.memory_space<vmem>>, %arg3: memref<3x64xf32, #tpu.memory_space<vmem>>, %arg4: memref<256x8320xi32, #tpu.memory_space<vmem>>, %arg5: memref<256x64xf32, #tpu.memory_space<vmem>>) attributes {dimension_semantics = [#tpu.dimension_semantics<arbitrary>], iteration_bounds = array<i64: 32>, scalar_prefetch = 0 : i64, scratch_operands = 0 : i64, tpu.core_type = #tpu.core_type<tc>, window_params = [{transform_indices = @transform_0, window_bounds = array<i64: 256, 3>}, {transform_indices = @transform_1, window_bounds = array<i64: 1, 8192, 3>}, {pipeline_mode = #tpu.pipeline_mode<synchronous>, transform_indices = @transform_2, window_bounds = array<i64: 3, 64>}, {transform_indices = @transform_3, window_bounds = array<i64: 256, 8320>}, {transform_indices = @transform_4, window_bounds = array<i64: 256, 64>}]} {
    %get3A = arith.constant 0 : index
    %get3A_0 = arith.constant 0 : index
    %get3A_1 = vector.load %arg1[%get3A, %get3A_0] : memref<256x3xf32, #tpu.memory_space<vmem>>, vector<256x3xf32>
    %get3A_2 = arith.constant 0 : index
    %get3A_3 = arith.constant 0 : index
    %get3A_4 = arith.constant 0 : index
    %get3A_5 = vector.load %arg2[%get3A_2, %get3A_3, %get3A_4] : memref<1x8192x3xf32, #tpu.memory_space<vmem>>, vector<1x8192x3xf32>
    %get3A_6 = vector.shape_cast %get3A_5 : vector<1x8192x3xf32> to vector<8192x3xf32>
    %mul3A = arith.mulf %get3A_1, %get3A_1 : vector<256x3xf32>
    %reduce_sum3A = arith.constant dense<0.000000e+00> : vector<256xf32>
    %reduce_sum3A_7 = vector.multi_reduction <add>, %mul3A, %reduce_sum3A [1] : vector<256x3xf32> to vector<256xf32>
    %broadcast_in_dim3A = vector.shape_cast %reduce_sum3A_7 : vector<256xf32> to vector<256x1xf32>
    %mul3A_8 = arith.mulf %get3A_6, %get3A_6 : vector<8192x3xf32>
    %reduce_sum3A_9 = arith.constant dense<0.000000e+00> : vector<8192xf32>
    %reduce_sum3A_10 = vector.multi_reduction <add>, %mul3A_8, %reduce_sum3A_9 [1] : vector<8192x3xf32> to vector<8192xf32>
    %broadcast_in_dim3A_11 = vector.shape_cast %reduce_sum3A_10 : vector<8192xf32> to vector<1x8192xf32>
    %add3A = vector.broadcast %broadcast_in_dim3A : vector<256x1xf32> to vector<256x8192xf32>
    %add3A_12 = vector.broadcast %broadcast_in_dim3A_11 : vector<1x8192xf32> to vector<256x8192xf32>
    %add3A_13 = arith.addf %add3A, %add3A_12 : vector<256x8192xf32>
    %dot_general3A = arith.constant dense<0.000000e+00> : vector<256x8192xf32>
    %dot_general3A_14 = tpu.matmul %get3A_1, %get3A_6, %dot_general3A {dimension_numbers = #tpu.dot_dimension_numbers<[1], [1], [0], [0], [0, 0, 1, 0], [], []>, transpose_lhs_hint = false} : vector<256x3xf32>, vector<8192x3xf32>, vector<256x8192xf32> -> vector<256x8192xf32>
    %mul3A_15 = arith.constant 2.000000e+00 : f32
    %mul3A_16 = vector.broadcast %mul3A_15 : f32 to vector<256x8192xf32>
    %mul3A_17 = arith.mulf %mul3A_16, %dot_general3A_14 : vector<256x8192xf32>
    %sub3A = arith.subf %add3A_13, %mul3A_17 : vector<256x8192xf32>
    %bitcast_convert_type3A = tpu.bitcast %sub3A : vector<256x8192xf32> -> vector<256x8192xi32>
    %shift_right_arithmetic3A = arith.constant 31 : i32
    %shift_right_arithmetic3A_18 = vector.broadcast %shift_right_arithmetic3A : i32 to vector<256x8192xi32>
    %shift_right_arithmetic3A_19 = arith.shrsi %bitcast_convert_type3A, %shift_right_arithmetic3A_18 : vector<256x8192xi32>
    %and3A = arith.constant 2147483647 : i32
    %and3A_20 = vector.broadcast %and3A : i32 to vector<256x8192xi32>
    %and3A_21 = arith.andi %shift_right_arithmetic3A_19, %and3A_20 : vector<256x8192xi32>
    %xor3A = arith.xori %bitcast_convert_type3A, %and3A_21 : vector<256x8192xi32>
    %swap3A = arith.constant 0 : index
    %swap3A_22 = arith.constant 0 : index
    %swap3A_23 = vector.load %arg4[%swap3A, %swap3A_22] : memref<256x8320xi32, #tpu.memory_space<vmem>>, vector<256x8192xi32>
    tpu.vector_store %arg4[%swap3A, %swap3A_22], %xor3A {strides = array<i32>} : memref<256x8320xi32, #tpu.memory_space<vmem>>, vector<256x8192xi32>,
    %slice3A = vector.extract_strided_slice %sub3A {offsets = [0, 0], sizes = [256, 256], strides = [1, 1]} : vector<256x8192xf32> to vector<256x256xf32>
    %reduce_min3A = arith.constant dense<0x7F800000> : vector<256xf32>
    %reduce_min3A_24 = vector.multi_reduction <minimumf>, %slice3A, %reduce_min3A [1] : vector<256x256xf32> to vector<256xf32>
    %slice3A_25 = vector.extract_strided_slice %sub3A {offsets = [0, 256], sizes = [256, 256], strides = [1, 1]} : vector<256x8192xf32> to vector<256x256xf32>
    %reduce_min3A_26 = arith.constant dense<0x7F800000> : vector<256xf32>
    %reduce_min3A_27 = vector.multi_reduction <minimumf>, %slice3A_25, %reduce_min3A_26 [1] : vector<256x256xf32> to vector<256xf32>
    %max3A = arith.maximumf %reduce_min3A_24, %reduce_min3A_27 : vector<256xf32>
    %slice3A_28 = vector.extract_strided_slice %sub3A {offsets = [0, 512], sizes = [256, 256], strides = [1, 1]} : vector<256x8192xf32> to vector<256x256xf32>
    %reduce_min3A_29 = arith.constant dense<0x7F800000> : vector<256xf32>
    %reduce_min3A_30 = vector.multi_reduction <minimumf>, %slice3A_28, %reduce_min3A_29 [1] : vector<256x256xf32> to vector<256xf32>
    %max3A_31 = arith.maximumf %max3A, %reduce_min3A_30 : vector<256xf32>
    %slice3A_32 = vector.extract_strided_slice %sub3A {offsets = [0, 768], sizes = [256, 256], strides = [1, 1]} : vector<256x8192xf32> to vector<256x256xf32>
    %reduce_min3A_33 = arith.constant dense<0x7F800000> : vector<256xf32>
    %reduce_min3A_34 = vector.multi_reduction <minimumf>, %slice3A_32, %reduce_min3A_33 [1] : vector<256x256xf32> to vector<256xf32>
    %max3A_35 = arith.maximumf %max3A_31, %reduce_min3A_34 : vector<256xf32>
    %slice3A_36 = vector.extract_strided_slice %sub3A {offsets = [0, 1024], sizes = [256, 256], strides = [1, 1]} : vector<256x8192xf32> to vector<256x256xf32>
    %reduce_min3A_37 = arith.constant dense<0x7F800000> : vector<256xf32>
    %reduce_min3A_38 = vector.multi_reduction <minimumf>, %slice3A_36, %reduce_min3A_37 [1] : vector<256x256xf32> to vector<256xf32>
    %max3A_39 = arith.maximumf %max3A_35, %reduce_min3A_38 : vector<256xf32>
    %slice3A_40 = vector.extract_strided_slice %sub3A {offsets = [0, 1280], sizes = [256, 256], strides = [1, 1]} : vector<256x8192xf32> to vector<256x256xf32>
    %reduce_min3A_41 = arith.constant dense<0x7F800000> : vector<256xf32>
    %reduce_min3A_42 = vector.multi_reduction <minimumf>, %slice3A_40, %reduce_min3A_41 [1] : vector<256x256xf32> to vector<256xf32>
    %max3A_43 = arith.maximumf %max3A_39, %reduce_min3A_42 : vector<256xf32>
    %slice3A_44 = vector.extract_strided_slice %sub3A {offsets = [0, 1536], sizes = [256, 256], strides = [1, 1]} : vector<256x8192xf32> to vector<256x256xf32>
    %reduce_min3A_45 = arith.constant dense<0x7F800000> : vector<256xf32>
    %reduce_min3A_46 = vector.multi_reduction <minimumf>, %slice3A_44, %reduce_min3A_45 [1] : vector<256x256xf32> to vector<256xf32>
    %max3A_47 = arith.maximumf %max3A_43, %reduce_min3A_46 : vector<256xf32>
    %slice3A_48 = vector.extract_strided_slice %sub3A {offsets = [0, 1792], sizes = [256, 256], strides = [1, 1]} : vector<256x8192xf32> to vector<256x256xf32>
    %reduce_min3A_49 = arith.constant dense<0x7F800000> : vector<256xf32>
    %reduce_min3A_50 = vector.multi_reduction <minimumf>, %slice3A_48, %reduce_min3A_49 [1] : vector<256x256xf32> to vector<256xf32>
    %max3A_51 = arith.maximumf %max3A_47, %reduce_min3A_50 : vector<256xf32>
    %slice3A_52 = vector.extract_strided_slice %sub3A {offsets = [0, 2048], sizes = [256, 256], strides = [1, 1]} : vector<256x8192xf32> to vector<256x256xf32>
    %reduce_min3A_53 = arith.constant dense<0x7F800000> : vector<256xf32>
    %reduce_min3A_54 = vector.multi_reduction <minimumf>, %slice3A_52, %reduce_min3A_53 [1] : vector<256x256xf32> to vector<256xf32>
    %max3A_55 = arith.maximumf %max3A_51, %reduce_min3A_54 : vector<256xf32>
    %slice3A_56 = vector.extract_strided_slice %sub3A {offsets = [0, 2304], sizes = [256, 256], strides = [1, 1]} : vector<256x8192xf32> to vector<256x256xf32>
    %reduce_min3A_57 = arith.constant dense<0x7F800000> : vector<256xf32>
    %reduce_min3A_58 = vector.multi_reduction <minimumf>, %slice3A_56, %reduce_min3A_57 [1] : vector<256x256xf32> to vector<256xf32>
    %max3A_59 = arith.maximumf %max3A_55, %reduce_min3A_58 : vector<256xf32>
    %slice3A_60 = vector.extract_strided_slice %sub3A {offsets = [0, 2560], sizes = [256, 256], strides = [1, 1]} : vector<256x8192xf32> to vector<256x256xf32>
    %reduce_min3A_61 = arith.constant dense<0x7F800000> : vector<256xf32>
    %reduce_min3A_62 = vector.multi_reduction <minimumf>, %slice3A_60, %reduce_min3A_61 [1] : vector<256x256xf32> to vector<256xf32>
    %max3A_63 = arith.maximumf %max3A_59, %reduce_min3A_62 : vector<256xf32>
    %slice3A_64 = vector.extract_strided_slice %sub3A {offsets = [0, 2816], sizes = [256, 256], strides = [1, 1]} : vector<256x8192xf32> to vector<256x256xf32>
    %reduce_min3A_65 = arith.constant dense<0x7F800000> : vector<256xf32>
    %reduce_min3A_66 = vector.multi_reduction <minimumf>, %slice3A_64, %reduce_min3A_65 [1] : vector<256x256xf32> to vector<256xf32>
    %max3A_67 = arith.maximumf %max3A_63, %reduce_min3A_66 : vector<256xf32>
    %slice3A_68 = vector.extract_strided_slice %sub3A {offsets = [0, 3072], sizes = [256, 256], strides = [1, 1]} : vector<256x8192xf32> to vector<256x256xf32>
    %reduce_min3A_69 = arith.constant dense<0x7F800000> : vector<256xf32>
    %reduce_min3A_70 = vector.multi_reduction <minimumf>, %slice3A_68, %reduce_min3A_69 [1] : vector<256x256xf32> to vector<256xf32>
    %max3A_71 = arith.maximumf %max3A_67, %reduce_min3A_70 : vector<256xf32>
    %slice3A_72 = vector.extract_strided_slice %sub3A {offsets = [0, 3328], sizes = [256, 256], strides = [1, 1]} : vector<256x8192xf32> to vector<256x256xf32>
    %reduce_min3A_73 = arith.constant dense<0x7F800000> : vector<256xf32>
    %reduce_min3A_74 = vector.multi_reduction <minimumf>, %slice3A_72, %reduce_min3A_73 [1] : vector<256x256xf32> to vector<256xf32>
    %max3A_75 = arith.maximumf %max3A_71, %reduce_min3A_74 : vector<256xf32>
    %slice3A_76 = vector.extract_strided_slice %sub3A {offsets = [0, 3584], sizes = [256, 256], strides = [1, 1]} : vector<256x8192xf32> to vector<256x256xf32>
    %reduce_min3A_77 = arith.constant dense<0x7F800000> : vector<256xf32>
    %reduce_min3A_78 = vector.multi_reduction <minimumf>, %slice3A_76, %reduce_min3A_77 [1] : vector<256x256xf32> to vector<256xf32>
    %max3A_79 = arith.maximumf %max3A_75, %reduce_min3A_78 : vector<256xf32>
    %slice3A_80 = vector.extract_strided_slice %sub3A {offsets = [0, 3840], sizes = [256, 256], strides = [1, 1]} : vector<256x8192xf32> to vector<256x256xf32>
    %reduce_min3A_81 = arith.constant dense<0x7F800000> : vector<256xf32>
    %reduce_min3A_82 = vector.multi_reduction <minimumf>, %slice3A_80, %reduce_min3A_81 [1] : vector<256x256xf32> to vector<256xf32>
    %max3A_83 = arith.maximumf %max3A_79, %reduce_min3A_82 : vector<256xf32>
    %slice3A_84 = vector.extract_strided_slice %sub3A {offsets = [0, 4096], sizes = [256, 256], strides = [1, 1]} : vector<256x8192xf32> to vector<256x256xf32>
    %reduce_min3A_85 = arith.constant dense<0x7F800000> : vector<256xf32>
    %reduce_min3A_86 = vector.multi_reduction <minimumf>, %slice3A_84, %reduce_min3A_85 [1] : vector<256x256xf32> to vector<256xf32>
    %max3A_87 = arith.maximumf %max3A_83, %reduce_min3A_86 : vector<256xf32>
    %slice3A_88 = vector.extract_strided_slice %sub3A {offsets = [0, 4352], sizes = [256, 256], strides = [1, 1]} : vector<256x8192xf32> to vector<256x256xf32>
    %reduce_min3A_89 = arith.constant dense<0x7F800000> : vector<256xf32>
    %reduce_min3A_90 = vector.multi_reduction <minimumf>, %slice3A_88, %reduce_min3A_89 [1] : vector<256x256xf32> to vector<256xf32>
    %max3A_91 = arith.maximumf %max3A_87, %reduce_min3A_90 : vector<256xf32>
    %slice3A_92 = vector.extract_strided_slice %sub3A {offsets = [0, 4608], sizes = [256, 256], strides = [1, 1]} : vector<256x8192xf32> to vector<256x256xf32>
    %reduce_min3A_93 = arith.constant dense<0x7F800000> : vector<256xf32>
    %reduce_min3A_94 = vector.multi_reduction <minimumf>, %slice3A_92, %reduce_min3A_93 [1] : vector<256x256xf32> to vector<256xf32>
    %max3A_95 = arith.maximumf %max3A_91, %reduce_min3A_94 : vector<256xf32>
    %slice3A_96 = vector.extract_strided_slice %sub3A {offsets = [0, 4864], sizes = [256, 256], strides = [1, 1]} : vector<256x8192xf32> to vector<256x256xf32>
    %reduce_min3A_97 = arith.constant dense<0x7F800000> : vector<256xf32>
    %reduce_min3A_98 = vector.multi_reduction <minimumf>, %slice3A_96, %reduce_min3A_97 [1] : vector<256x256xf32> to vector<256xf32>
    %max3A_99 = arith.maximumf %max3A_95, %reduce_min3A_98 : vector<256xf32>
    %slice3A_100 = vector.extract_strided_slice %sub3A {offsets = [0, 5120], sizes = [256, 256], strides = [1, 1]} : vector<256x8192xf32> to vector<256x256xf32>
    %reduce_min3A_101 = arith.constant dense<0x7F800000> : vector<256xf32>
    %reduce_min3A_102 = vector.multi_reduction <minimumf>, %slice3A_100, %reduce_min3A_101 [1] : vector<256x256xf32> to vector<256xf32>
    %max3A_103 = arith.maximumf %max3A_99, %reduce_min3A_102 : vector<256xf32>
    %slice3A_104 = vector.extract_strided_slice %sub3A {offsets = [0, 5376], sizes = [256, 256], strides = [1, 1]} : vector<256x8192xf32> to vector<256x256xf32>
    %reduce_min3A_105 = arith.constant dense<0x7F800000> : vector<256xf32>
    %reduce_min3A_106 = vector.multi_reduction <minimumf>, %slice3A_104, %reduce_min3A_105 [1] : vector<256x256xf32> to vector<256xf32>
    %max3A_107 = arith.maximumf %max3A_103, %reduce_min3A_106 : vector<256xf32>
    %slice3A_108 = vector.extract_strided_slice %sub3A {offsets = [0, 5632], sizes = [256, 256], strides = [1, 1]} : vector<256x8192xf32> to vector<256x256xf32>
    %reduce_min3A_109 = arith.constant dense<0x7F800000> : vector<256xf32>
    %reduce_min3A_110 = vector.multi_reduction <minimumf>, %slice3A_108, %reduce_min3A_109 [1] : vector<256x256xf32> to vector<256xf32>
    %max3A_111 = arith.maximumf %max3A_107, %reduce_min3A_110 : vector<256xf32>
    %slice3A_112 = vector.extract_strided_slice %sub3A {offsets = [0, 5888], sizes = [256, 256], strides = [1, 1]} : vector<256x8192xf32> to vector<256x256xf32>
    %reduce_min3A_113 = arith.constant dense<0x7F800000> : vector<256xf32>
    %reduce_min3A_114 = vector.multi_reduction <minimumf>, %slice3A_112, %reduce_min3A_113 [1] : vector<256x256xf32> to vector<256xf32>
    %max3A_115 = arith.maximumf %max3A_111, %reduce_min3A_114 : vector<256xf32>
    %slice3A_116 = vector.extract_strided_slice %sub3A {offsets = [0, 6144], sizes = [256, 256], strides = [1, 1]} : vector<256x8192xf32> to vector<256x256xf32>
    %reduce_min3A_117 = arith.constant dense<0x7F800000> : vector<256xf32>
    %reduce_min3A_118 = vector.multi_reduction <minimumf>, %slice3A_116, %reduce_min3A_117 [1] : vector<256x256xf32> to vector<256xf32>
    %max3A_119 = arith.maximumf %max3A_115, %reduce_min3A_118 : vector<256xf32>
    %slice3A_120 = vector.extract_strided_slice %sub3A {offsets = [0, 6400], sizes = [256, 256], strides = [1, 1]} : vector<256x8192xf32> to vector<256x256xf32>
    %reduce_min3A_121 = arith.constant dense<0x7F800000> : vector<256xf32>
    %reduce_min3A_122 = vector.multi_reduction <minimumf>, %slice3A_120, %reduce_min3A_121 [1] : vector<256x256xf32> to vector<256xf32>
    %max3A_123 = arith.maximumf %max3A_119, %reduce_min3A_122 : vector<256xf32>
    %slice3A_124 = vector.extract_strided_slice %sub3A {offsets = [0, 6656], sizes = [256, 256], strides = [1, 1]} : vector<256x8192xf32> to vector<256x256xf32>
    %reduce_min3A_125 = arith.constant dense<0x7F800000> : vector<256xf32>
    %reduce_min3A_126 = vector.multi_reduction <minimumf>, %slice3A_124, %reduce_min3A_125 [1] : vector<256x256xf32> to vector<256xf32>
    %max3A_127 = arith.maximumf %max3A_123, %reduce_min3A_126 : vector<256xf32>
    %slice3A_128 = vector.extract_strided_slice %sub3A {offsets = [0, 6912], sizes = [256, 256], strides = [1, 1]} : vector<256x8192xf32> to vector<256x256xf32>
    %reduce_min3A_129 = arith.constant dense<0x7F800000> : vector<256xf32>
    %reduce_min3A_130 = vector.multi_reduction <minimumf>, %slice3A_128, %reduce_min3A_129 [1] : vector<256x256xf32> to vector<256xf32>
    %max3A_131 = arith.maximumf %max3A_127, %reduce_min3A_130 : vector<256xf32>
    %slice3A_132 = vector.extract_strided_slice %sub3A {offsets = [0, 7168], sizes = [256, 256], strides = [1, 1]} : vector<256x8192xf32> to vector<256x256xf32>
    %reduce_min3A_133 = arith.constant dense<0x7F800000> : vector<256xf32>
    %reduce_min3A_134 = vector.multi_reduction <minimumf>, %slice3A_132, %reduce_min3A_133 [1] : vector<256x256xf32> to vector<256xf32>
    %max3A_135 = arith.maximumf %max3A_131, %reduce_min3A_134 : vector<256xf32>
    %slice3A_136 = vector.extract_strided_slice %sub3A {offsets = [0, 7424], sizes = [256, 256], strides = [1, 1]} : vector<256x8192xf32> to vector<256x256xf32>
    %reduce_min3A_137 = arith.constant dense<0x7F800000> : vector<256xf32>
    %reduce_min3A_138 = vector.multi_reduction <minimumf>, %slice3A_136, %reduce_min3A_137 [1] : vector<256x256xf32> to vector<256xf32>
    %max3A_139 = arith.maximumf %max3A_135, %reduce_min3A_138 : vector<256xf32>
    %slice3A_140 = vector.extract_strided_slice %sub3A {offsets = [0, 7680], sizes = [256, 256], strides = [1, 1]} : vector<256x8192xf32> to vector<256x256xf32>
    %reduce_min3A_141 = arith.constant dense<0x7F800000> : vector<256xf32>
    %reduce_min3A_142 = vector.multi_reduction <minimumf>, %slice3A_140, %reduce_min3A_141 [1] : vector<256x256xf32> to vector<256xf32>
    %max3A_143 = arith.maximumf %max3A_139, %reduce_min3A_142 : vector<256xf32>
    %slice3A_144 = vector.extract_strided_slice %sub3A {offsets = [0, 7936], sizes = [256, 256], strides = [1, 1]} : vector<256x8192xf32> to vector<256x256xf32>
    %reduce_min3A_145 = arith.constant dense<0x7F800000> : vector<256xf32>
    %reduce_min3A_146 = vector.multi_reduction <minimumf>, %slice3A_144, %reduce_min3A_145 [1] : vector<256x256xf32> to vector<256xf32>
    %max3A_147 = arith.maximumf %max3A_143, %reduce_min3A_146 : vector<256xf32>
    %bitcast_convert_type3A_148 = tpu.bitcast %max3A_147 : vector<256xf32> -> vector<256xi32>
    %shift_right_arithmetic3A_149 = arith.constant 31 : i32
    %shift_right_arithmetic3A_150 = vector.broadcast %shift_right_arithmetic3A_149 : i32 to vector<256xi32>
    %shift_right_arithmetic3A_151 = arith.shrsi %bitcast_convert_type3A_148, %shift_right_arithmetic3A_150 : vector<256xi32>
    %and3A_152 = arith.constant 2147483647 : i32
    %and3A_153 = vector.broadcast %and3A_152 : i32 to vector<256xi32>
    %and3A_154 = arith.andi %shift_right_arithmetic3A_151, %and3A_153 : vector<256xi32>
    %xor3A_155 = arith.xori %bitcast_convert_type3A_148, %and3A_154 : vector<256xi32>
    %broadcast_in_dim3A_156 = vector.shape_cast %xor3A_155 : vector<256xi32> to vector<256x1xi32>
    %broadcast_in_dim3A_157 = vector.shape_cast %broadcast_in_dim3A_156 : vector<256x1xi32> to vector<256x1xi32>
    %broadcast_in_dim3A_158 = vector.broadcast %broadcast_in_dim3A_157 : vector<256x1xi32> to vector<256x16xi32>
    %swap3A_159 = arith.constant 0 : index
    %swap3A_160 = arith.constant 8192 : index
    %swap3A_161 = vector.load %arg4[%swap3A_159, %swap3A_160] : memref<256x8320xi32, #tpu.memory_space<vmem>>, vector<256x16xi32>
    tpu.vector_store %arg4[%swap3A_159, %swap3A_160], %broadcast_in_dim3A_158 {strides = array<i32>} : memref<256x8320xi32, #tpu.memory_space<vmem>>, vector<256x16xi32>,
    %broadcast_in_dim3A_162 = arith.constant 0 : i32
    %broadcast_in_dim3A_163 = vector.broadcast %broadcast_in_dim3A_162 : i32 to vector<256x112xi32>
    %swap3A_164 = arith.constant 0 : index
    %swap3A_165 = arith.constant 8208 : index
    %swap3A_166 = vector.load %arg4[%swap3A_164, %swap3A_165] : memref<256x8320xi32, #tpu.memory_space<vmem>>, vector<256x112xi32>
    tpu.vector_store %arg4[%swap3A_164, %swap3A_165], %broadcast_in_dim3A_163 {strides = array<i32>} : memref<256x8320xi32, #tpu.memory_space<vmem>>, vector<256x112xi32>,
    %get3A_167 = arith.constant 0 : index
    %get3A_168 = arith.constant 0 : index
    %get3A_169 = vector.load %arg3[%get3A_167, %get3A_168] : memref<3x64xf32, #tpu.memory_space<vmem>>, vector<3x64xf32>
    %dot_general3A_170 = arith.constant dense<0.000000e+00> : vector<256x64xf32>
    %dot_general3A_171 = tpu.matmul %get3A_1, %get3A_169, %dot_general3A_170 {dimension_numbers = #tpu.dot_dimension_numbers<[1], [0], [0], [1], [0, 0, 1, 1], [], []>, transpose_lhs_hint = false} : vector<256x3xf32>, vector<3x64xf32>, vector<256x64xf32> -> vector<256x64xf32>
    %swap3A_172 = arith.constant 0 : index
    %swap3A_173 = arith.constant 0 : index
    %swap3A_174 = vector.load %arg5[%swap3A_172, %swap3A_173] : memref<256x64xf32, #tpu.memory_space<vmem>>, vector<256x64xf32>
    tpu.vector_store %arg5[%swap3A_172, %swap3A_173], %dot_general3A_171 {strides = array<i32>} : memref<256x64xf32, #tpu.memory_space<vmem>>, vector<256x64xf32>,
    return
  }
  func.func @transform_0(%arg0: i32) -> (i32, i32) {
    %c0_i32 = arith.constant 0 : i32
    %c0_i32_0 = arith.constant 0 : i32
    return %arg0, %c0_i32 : i32, i32
  }
  func.func @transform_1(%arg0: i32) -> (i32, i32, i32) {
    %jit3A = arith.constant 8 : i32
    %div3A = arith.divsi %arg0, %jit3A : i32
    %sign3A = arith.constant 0 : i32
    %sign3A_0 = arith.cmpi sgt, %arg0, %sign3A : i32
    %sign3A_1 = arith.extui %sign3A_0 : i1 to i32
    %sign3A_2 = arith.constant 0 : i32
    %sign3A_3 = arith.cmpi slt, %arg0, %sign3A_2 : i32
    %sign3A_4 = arith.extui %sign3A_3 : i1 to i32
    %sign3A_5 = arith.subi %sign3A_1, %sign3A_4 : i32
    %sign3A_6 = arith.constant 0 : i32
    %sign3A_7 = arith.cmpi sgt, %jit3A, %sign3A_6 : i32
    %sign3A_8 = arith.extui %sign3A_7 : i1 to i32
    %sign3A_9 = arith.constant 0 : i32
    %sign3A_10 = arith.cmpi slt, %jit3A, %sign3A_9 : i32
    %sign3A_11 = arith.extui %sign3A_10 : i1 to i32
    %sign3A_12 = arith.subi %sign3A_8, %sign3A_11 : i32
    %ne3A = arith.cmpi ne, %sign3A_5, %sign3A_12 : i32
    %rem3A = arith.remsi %arg0, %jit3A : i32
    %ne3A_13 = arith.constant 0 : i32
    %ne3A_14 = arith.cmpi ne, %rem3A, %ne3A_13 : i32
    %and3A = arith.andi %ne3A, %ne3A_14 : i1
    %sub3A = arith.constant 1 : i32
    %sub3A_15 = arith.subi %div3A, %sub3A : i32
    %select_n3A = arith.select %and3A, %sub3A_15, %div3A : i32
    %c0_i32 = arith.constant 0 : i32
    %c0_i32_16 = arith.constant 0 : i32
    %c0_i32_17 = arith.constant 0 : i32
    return %select_n3A, %c0_i32, %c0_i32_16 : i32, i32, i32
  }
  func.func @transform_2(%arg0: i32) -> (i32, i32) {
    %c0_i32 = arith.constant 0 : i32
    %c0_i32_0 = arith.constant 0 : i32
    %c0_i32_1 = arith.constant 0 : i32
    return %c0_i32, %c0_i32_0 : i32, i32
  }
  func.func @transform_3(%arg0: i32) -> (i32, i32) {
    %c0_i32 = arith.constant 0 : i32
    %c0_i32_0 = arith.constant 0 : i32
    return %arg0, %c0_i32 : i32, i32
  }
  func.func @transform_4(%arg0: i32) -> (i32, i32) {
    %c0_i32 = arith.constant 0 : i32
    %c0_i32_0 = arith.constant 0 : i32
    return %arg0, %c0_i32 : i32, i32
  }
}

module attributes {stable_mosaic.version = 14 : i64} {
  func.func @_mlp_body(%arg0: i32, %arg1: memref<8192x128xf32, #tpu.memory_space<vmem>>, %arg2: memref<256x64xf32, #tpu.memory_space<vmem>>, %arg3: memref<64x64xf32, #tpu.memory_space<vmem>>, %arg4: memref<1x64xf32, #tpu.memory_space<vmem>>, %arg5: memref<64x128xf32, #tpu.memory_space<vmem>>, %arg6: memref<1x128xf32, #tpu.memory_space<vmem>>, %arg7: memref<128x128xf32, #tpu.memory_space<vmem>>, %arg8: memref<1x128xf32, #tpu.memory_space<vmem>>, %arg9: memref<256x128xf32, #tpu.memory_space<vmem>>) attributes {dimension_semantics = [#tpu.dimension_semantics<arbitrary>], iteration_bounds = array<i64: 32>, scalar_prefetch = 0 : i64, scratch_operands = 0 : i64, tpu.core_type = #tpu.core_type<tc>, window_params = [{transform_indices = @transform_0, window_bounds = array<i64: 8192, 128>}, {transform_indices = @transform_1, window_bounds = array<i64: 256, 64>}, {pipeline_mode = #tpu.pipeline_mode<synchronous>, transform_indices = @transform_2, window_bounds = array<i64: 64, 64>}, {pipeline_mode = #tpu.pipeline_mode<synchronous>, transform_indices = @transform_3, window_bounds = array<i64: 1, 64>}, {pipeline_mode = #tpu.pipeline_mode<synchronous>, transform_indices = @transform_4, window_bounds = array<i64: 64, 128>}, {pipeline_mode = #tpu.pipeline_mode<synchronous>, transform_indices = @transform_5, window_bounds = array<i64: 1, 128>}, {pipeline_mode = #tpu.pipeline_mode<synchronous>, transform_indices = @transform_6, window_bounds = array<i64: 128, 128>}, {pipeline_mode = #tpu.pipeline_mode<synchronous>, transform_indices = @transform_7, window_bounds = array<i64: 1, 128>}, {transform_indices = @transform_8, window_bounds = array<i64: 256, 128>}]} {
    %get3A = arith.constant 0 : index
    %get3A_0 = arith.constant 0 : index
    %get3A_1 = vector.load %arg1[%get3A, %get3A_0] : memref<8192x128xf32, #tpu.memory_space<vmem>>, vector<8192x64xf32>
    %reshape3A = vector.shape_cast %get3A_1 : vector<8192x64xf32> to vector<256x32x64xf32>
    %get3A_2 = arith.constant 0 : index
    %get3A_3 = arith.constant 0 : index
    %get3A_4 = vector.load %arg2[%get3A_2, %get3A_3] : memref<256x64xf32, #tpu.memory_space<vmem>>, vector<256x64xf32>
    %broadcast_in_dim3A = vector.shape_cast %get3A_4 : vector<256x64xf32> to vector<256x1x64xf32>
    %sub3A = vector.broadcast %broadcast_in_dim3A : vector<256x1x64xf32> to vector<256x32x64xf32>
    %sub3A_5 = arith.subf %reshape3A, %sub3A : vector<256x32x64xf32>
    %reshape3A_6 = vector.shape_cast %sub3A_5 : vector<256x32x64xf32> to vector<8192x64xf32>
    %max3A = arith.constant 0.000000e+00 : f32
    %max3A_7 = vector.broadcast %max3A : f32 to vector<8192x64xf32>
    %max3A_8 = arith.maximumf %reshape3A_6, %max3A_7 : vector<8192x64xf32>
    %get3A_9 = arith.constant 0 : index
    %get3A_10 = arith.constant 0 : index
    %get3A_11 = vector.load %arg3[%get3A_9, %get3A_10] : memref<64x64xf32, #tpu.memory_space<vmem>>, vector<64x64xf32>
    %dot_general3A = arith.constant dense<0.000000e+00> : vector<8192x64xf32>
    %dot_general3A_12 = tpu.matmul %max3A_8, %get3A_11, %dot_general3A {dimension_numbers = #tpu.dot_dimension_numbers<[1], [0], [0], [1], [0, 0, 1, 1], [], []>, transpose_lhs_hint = false} : vector<8192x64xf32>, vector<64x64xf32>, vector<8192x64xf32> -> vector<8192x64xf32>
    %get3A_13 = arith.constant 0 : index
    %get3A_14 = arith.constant 0 : index
    %get3A_15 = vector.load %arg4[%get3A_13, %get3A_14] : memref<1x64xf32, #tpu.memory_space<vmem>>, vector<1x64xf32>
    %add3A = vector.broadcast %get3A_15 : vector<1x64xf32> to vector<8192x64xf32>
    %add3A_16 = arith.addf %dot_general3A_12, %add3A : vector<8192x64xf32>
    %max3A_17 = arith.constant 0.000000e+00 : f32
    %max3A_18 = vector.broadcast %max3A_17 : f32 to vector<8192x64xf32>
    %max3A_19 = arith.maximumf %add3A_16, %max3A_18 : vector<8192x64xf32>
    %get3A_20 = arith.constant 0 : index
    %get3A_21 = arith.constant 0 : index
    %get3A_22 = vector.load %arg5[%get3A_20, %get3A_21] : memref<64x128xf32, #tpu.memory_space<vmem>>, vector<64x128xf32>
    %dot_general3A_23 = arith.constant dense<0.000000e+00> : vector<8192x128xf32>
    %dot_general3A_24 = tpu.matmul %max3A_19, %get3A_22, %dot_general3A_23 {dimension_numbers = #tpu.dot_dimension_numbers<[1], [0], [0], [1], [0, 0, 1, 1], [], []>, transpose_lhs_hint = false} : vector<8192x64xf32>, vector<64x128xf32>, vector<8192x128xf32> -> vector<8192x128xf32>
    %get3A_25 = arith.constant 0 : index
    %get3A_26 = arith.constant 0 : index
    %get3A_27 = vector.load %arg6[%get3A_25, %get3A_26] : memref<1x128xf32, #tpu.memory_space<vmem>>, vector<1x128xf32>
    %add3A_28 = vector.broadcast %get3A_27 : vector<1x128xf32> to vector<8192x128xf32>
    %add3A_29 = arith.addf %dot_general3A_24, %add3A_28 : vector<8192x128xf32>
    %max3A_30 = arith.constant 0.000000e+00 : f32
    %max3A_31 = vector.broadcast %max3A_30 : f32 to vector<8192x128xf32>
    %max3A_32 = arith.maximumf %add3A_29, %max3A_31 : vector<8192x128xf32>
    %reshape3A_33 = vector.shape_cast %max3A_32 : vector<8192x128xf32> to vector<256x32x128xf32>
    %reduce_max3A = arith.constant dense<0xFF800000> : vector<256x128xf32>
    %reduce_max3A_34 = vector.multi_reduction <maximumf>, %reshape3A_33, %reduce_max3A [1] : vector<256x32x128xf32> to vector<256x128xf32>
    %get3A_35 = arith.constant 0 : index
    %get3A_36 = arith.constant 0 : index
    %get3A_37 = vector.load %arg7[%get3A_35, %get3A_36] : memref<128x128xf32, #tpu.memory_space<vmem>>, vector<128x128xf32>
    %dot_general3A_38 = arith.constant dense<0.000000e+00> : vector<256x128xf32>
    %dot_general3A_39 = tpu.matmul %reduce_max3A_34, %get3A_37, %dot_general3A_38 {dimension_numbers = #tpu.dot_dimension_numbers<[1], [0], [0], [1], [0, 0, 1, 1], [], []>, transpose_lhs_hint = false} : vector<256x128xf32>, vector<128x128xf32>, vector<256x128xf32> -> vector<256x128xf32>
    %get3A_40 = arith.constant 0 : index
    %get3A_41 = arith.constant 0 : index
    %get3A_42 = vector.load %arg8[%get3A_40, %get3A_41] : memref<1x128xf32, #tpu.memory_space<vmem>>, vector<1x128xf32>
    %add3A_43 = vector.broadcast %get3A_42 : vector<1x128xf32> to vector<256x128xf32>
    %add3A_44 = arith.addf %dot_general3A_39, %add3A_43 : vector<256x128xf32>
    %max3A_45 = arith.constant 0.000000e+00 : f32
    %max3A_46 = vector.broadcast %max3A_45 : f32 to vector<256x128xf32>
    %max3A_47 = arith.maximumf %add3A_44, %max3A_46 : vector<256x128xf32>
    %swap3A = arith.constant 0 : index
    %swap3A_48 = arith.constant 0 : index
    %swap3A_49 = vector.load %arg9[%swap3A, %swap3A_48] : memref<256x128xf32, #tpu.memory_space<vmem>>, vector<256x128xf32>
    tpu.vector_store %arg9[%swap3A, %swap3A_48], %max3A_47 {strides = array<i32>} : memref<256x128xf32, #tpu.memory_space<vmem>>, vector<256x128xf32>,
    return
  }
  func.func @transform_0(%arg0: i32) -> (i32, i32) {
    %c0_i32 = arith.constant 0 : i32
    %c0_i32_0 = arith.constant 0 : i32
    return %arg0, %c0_i32 : i32, i32
  }
  func.func @transform_1(%arg0: i32) -> (i32, i32) {
    %c0_i32 = arith.constant 0 : i32
    %c0_i32_0 = arith.constant 0 : i32
    return %arg0, %c0_i32 : i32, i32
  }
  func.func @transform_2(%arg0: i32) -> (i32, i32) {
    %c0_i32 = arith.constant 0 : i32
    %c0_i32_0 = arith.constant 0 : i32
    %c0_i32_1 = arith.constant 0 : i32
    return %c0_i32, %c0_i32_0 : i32, i32
  }
  func.func @transform_3(%arg0: i32) -> (i32, i32) {
    %c0_i32 = arith.constant 0 : i32
    %c0_i32_0 = arith.constant 0 : i32
    %c0_i32_1 = arith.constant 0 : i32
    return %c0_i32, %c0_i32_0 : i32, i32
  }
  func.func @transform_4(%arg0: i32) -> (i32, i32) {
    %c0_i32 = arith.constant 0 : i32
    %c0_i32_0 = arith.constant 0 : i32
    %c0_i32_1 = arith.constant 0 : i32
    return %c0_i32, %c0_i32_0 : i32, i32
  }
  func.func @transform_5(%arg0: i32) -> (i32, i32) {
    %c0_i32 = arith.constant 0 : i32
    %c0_i32_0 = arith.constant 0 : i32
    %c0_i32_1 = arith.constant 0 : i32
    return %c0_i32, %c0_i32_0 : i32, i32
  }
  func.func @transform_6(%arg0: i32) -> (i32, i32) {
    %c0_i32 = arith.constant 0 : i32
    %c0_i32_0 = arith.constant 0 : i32
    %c0_i32_1 = arith.constant 0 : i32
    return %c0_i32, %c0_i32_0 : i32, i32
  }
  func.func @transform_7(%arg0: i32) -> (i32, i32) {
    %c0_i32 = arith.constant 0 : i32
    %c0_i32_0 = arith.constant 0 : i32
    %c0_i32_1 = arith.constant 0 : i32
    return %c0_i32, %c0_i32_0 : i32, i32
  }
  func.func @transform_8(%arg0: i32) -> (i32, i32) {
    %c0_i32 = arith.constant 0 : i32
    %c0_i32_0 = arith.constant 0 : i32
    return %arg0, %c0_i32 : i32, i32
  }
}

</mosaic_0001>

<sc_bundles>
// kernel: gather_offload_async_start
scs
__scs_entry_jumppad:
0x0: {  	(pc) =	sbr.rel $0x88, $3  }
0x1: {  	(tag) =	ssettag $0x0;
	lr =	simm.s32 $0x1  }
0x2: {  	[smem:$0x3F96] =	sst lr;
	_ =	strace $0xD0000000  }
0x3: {  	_ = 	snop  }
0x4: {  	_ = 	snop  }
0x5: {  	_ = 	snop  }
0x6: {  	_ = 	snop  }
0x7: {  	_ = 	snop  }
__scs_overlays_trampoline_lowered:
0x8: {  	[smem:$0x3FA5] =	sst s0  }
0x9: {  	[smem:$0x3FA6] =	sst s1  }
0xa: {  	[smem:$0x3FA7] =	sst s2  }
0xb: {  	[smem:$0x3FA8] =	sst s3  }
0xc: {  	[smem:$0x3FA9] =	sst s4  }
0xd: {  	[smem:$0x3FAA] =	sst s5  }
0xe: {  	[smem:$0x3FAB] =	sst s6  }
0xf: {  	[smem:$0x3FAC] =	sst s7  }
0x10: {  	[smem:$0x3FAD] =	sst s8  }
0x11: {  	[smem:$0x3FAE] =	sst s9;
	s0 =	simm.s32 @!p0 $0x0  }
0x12: {  	s1 =	sld [smem:$0x3F94];
	s0 =	simm.s32 @p0 $0x1  }
0x13: {  	[smem:$0x3FAF] =	sst s0;
	s0 =	simm.s32 @!p1 $0x0  }
0x14: {  	s2 =	sld [smem:$0x3F93];
	s0 =	simm.s32 @p1 $0x1  }
0x15: {  	[smem:$0x3FB0] =	sst s0;
	s0 =	simm.s32 @!p2 $0x0  }
0x16: {  	s3 =	sld [smem:$0x3FDB];
	s0 =	simm.s32 @p2 $0x1  }
0x17: {  	s4 =	simm.s32 $0x1BF5;
	[smem:$0x3FB2] =	sst s0  }
0x18: {  	s0 =	sld [smem:$0x3F95];
	_ =	swait.ge [sflag:s4], $0x0  }
0x19: {  	s7 =	sld [smem:$0x3F96]  }
0x1a: {  	s8 =	sadd.s32 $0xFFFFE003, lr  }
0x1b: {  	s9 =	sadd.s32 $0xFFFFFEF7, lr;
	s5 =	simm.s32 $0xFFFFFFFF;
	p2 =	slt.u32 s8, $0xFFFFF086  }
0x1c: {  	p1 =	slt.u32 s9, $0xF7A;
	s5 =	simm.s32 @!p2 $0x0  }
0x1d: {  	s5 =	simm.s32 @p1 $0x1;
	p0 =	seq.s32 s7, s2  }
0x1e: {  	s7 =	smul.u32 @!p0 $0xF7A, s2;
	p2 =	seq.s32 @!p0 s5, $0x0  }
0x1f: {  	s9 =	smul.u32 $0xF7A, s1;
	s8 =	simm.s32 @!p0 $0x1BF5;
	p2 =	por !p2, p0  }
0x20: {  	[sflag:s8] =	ssyncset.s32 @!p0 $0xFFFFF086;
	s6 =	sadd.s32 @!p0 s3, s7;
	s7 =	simm.s32 @!p0 $0x108  }
0x21: {  	s3 =	sadd.s32 s3, s9;
	s6 =	sadd.s32 @!p0 $0x88, s6;
	s7 =	simm.s32 @p2 $0x1082  }
0x22: {  	[simem:s7], [sflag:s8] =	dma.local @!p0 [hbm:s6], $0xF7A  }
0x23: {  	s9 =	sor.u32 $0xD0000000, s2;
	s6 =	simm.s32 $0x108;
	_ =	swait.ge @!p0 [sflag:s8], $0x0  }
0x24: {  	s3 =	sadd.s32 $0x88, s3;
	s6 =	simm.s32 @!p1 $0x1082;
	[sflag:s4] =	ssyncset.s32 $0xFFFFF086  }
0x25: {  	[simem:s6], [sflag:s4] =	dma.local [hbm:s3], $0xF7A  }
0x26: {  	[smem:$0x3F96] =	sst s1;
	(tag) =	ssettag s2;
	_ =	strace s9  }
0x27: {  	s1 =	sld [smem:$0x3FA6]  }
0x28: {  	s2 =	sld [smem:$0x3FA7]  }
0x29: {  	s4 =	sld [smem:$0x3FA9]  }
0x2a: {  	p0 =	seq.s32 s5, $0x0;
	s5 =	sld [smem:$0x3FAA]  }
0x2b: {  	s6 =	sld [smem:$0x3FAB]  }
0x2c: {  	s7 =	sld [smem:$0x3FAC]  }
0x2d: {  	s3 =	simm.s32 $0x108;
	s8 =	sld [smem:$0x3FAD]  }
0x2e: {  	s3 =	simm.s32 @!p0 $0x1082;
	s9 =	sld [smem:$0x3FAE]  }
0x2f: {  	lr =	sadd.s32 s0, s3;
	s0 =	sld [smem:$0x3FA5]  }
0x30: {  	s3 =	sld [smem:$0x3FA8]  }
0x31: {  	[smem:$0x3FB1] =	sst s10  }
0x32: {  	s10 =	sld [smem:$0x3FAF];
	_ =	sdelay $0x3  }
0x33: {  	p0 =	seq.s32 s10, $0x1;
	s10 =	sld [smem:$0x3FB1];
	_ =	sdelay $0x3  }
0x34: {  	[smem:$0x3FB1] =	sst s10  }
0x35: {  	s10 =	sld [smem:$0x3FB0];
	_ =	sdelay $0x3  }
0x36: {  	p1 =	seq.s32 s10, $0x1;
	s10 =	sld [smem:$0x3FB1];
	_ =	sdelay $0x3  }
0x37: {  	[smem:$0x3FB1] =	sst s10  }
0x38: {  	s10 =	sld [smem:$0x3FB2]  }
0x39: {  	_ = 	snop;
	(pc) =	sbr.ind lr, $3  }
0x3a: {  	_ = 	snop  }
0x3b: {  	_ = 	snop  }
0x3c: {  	p2 =	seq.s32 s10, $0x1;
	s10 =	sld [smem:$0x3FB1]  }
0x3d: {  	_ =	shalt  }
0x3e: {  	_ =	shalt  }
0x3f: {  	_ =	shalt  }
0x40: {  	_ =	shalt  }
0x41: {  	_ =	shalt  }
0x42: {  	_ =	shalt  }
0x43: {  	_ =	shalt  }
0x44: {  	_ =	shalt  }
0x45: {  	_ =	shalt  }
0x46: {  	_ =	shalt  }
0x47: {  	_ =	shalt  }
0x48: {  	_ =	shalt  }
0x49: {  	_ =	shalt  }
0x4a: {  	_ =	shalt  }
0x4b: {  	_ =	shalt  }
0x4c: {  	_ =	shalt  }
0x4d: {  	_ =	shalt  }
0x4e: {  	_ =	shalt  }
0x4f: {  	_ =	shalt  }
0x50: {  	_ =	shalt  }
0x51: {  	_ =	shalt  }
0x52: {  	_ =	shalt  }
0x53: {  	_ =	shalt  }
0x54: {  	_ =	shalt  }
0x55: {  	_ =	shalt  }
0x56: {  	_ =	shalt  }
0x57: {  	_ =	shalt  }
0x58: {  	_ =	shalt  }
0x59: {  	_ =	shalt  }
0x5a: {  	_ =	shalt  }
0x5b: {  	_ =	shalt  }
0x5c: {  	_ =	shalt  }
0x5d: {  	_ =	shalt  }
0x5e: {  	_ =	shalt  }
0x5f: {  	_ =	shalt  }
0x60: {  	_ =	shalt  }
0x61: {  	_ =	shalt  }
0x62: {  	_ =	shalt  }
0x63: {  	_ =	shalt  }
0x64: {  	_ =	shalt  }
0x65: {  	_ =	shalt  }
0x66: {  	_ =	shalt  }
0x67: {  	_ =	shalt  }
0x68: {  	_ =	shalt  }
0x69: {  	_ =	shalt  }
0x6a: {  	_ =	shalt  }
0x6b: {  	_ =	shalt  }
0x6c: {  	_ =	shalt  }
0x6d: {  	_ =	shalt  }
0x6e: {  	_ =	shalt  }
0x6f: {  	_ =	shalt  }
0x70: {  	_ =	shalt  }
0x71: {  	_ =	shalt  }
0x72: {  	_ =	shalt  }
0x73: {  	_ =	shalt  }
0x74: {  	_ =	shalt  }
0x75: {  	_ =	shalt  }
0x76: {  	_ =	shalt  }
0x77: {  	_ =	shalt  }
0x78: {  	_ =	shalt  }
0x79: {  	_ =	shalt  }
0x7a: {  	_ =	shalt  }
0x7b: {  	_ =	shalt  }
0x7c: {  	_ =	shalt  }
0x7d: {  	_ =	shalt  }
0x7e: {  	_ =	shalt  }
0x7f: {  	_ =	shalt  }
0x80: {  	_ =	shalt  }
0x81: {  	_ =	shalt  }
0x82: {  	_ =	shalt  }
0x83: {  	_ =	shalt  }
0x84: {  	_ =	shalt  }
0x85: {  	_ =	shalt  }
0x86: {  	_ =	shalt  }
0x87: {  	_ =	shalt  }
.Lfunc_end0:
.L_simem_size_0:
called_computation_lowered:
.L_overlay_start_0:
0x88: {  	s2 =	sld [smem:$0x3FD9]  }
0x89: {  	s3 =	sld [smem:$0x3FFE];
	_ =	sdelay $0x1  }
0x8a: {  	s1 =	srdreg.scid  }
0x8b: {  	s0 =	sand.u32 $0x1, s1  }
0x8c: {  	s14 =	sshll.u32 s0, $0xA;
	s2 =	sadd.s32 s3, s2  }
0x8d: {  	s2 =	sadd.s32 s2, s14  }
0x8e: {  	[smem:$0x3FBD] =	sst s2  }
0x8f: {  	_ = 	snop  }
0x90: {  	s2 =	sld [smem:$0x3FD0];
	_ =	sdelay $0x2  }
0x91: {  	s15 =	simm.s32 $0xA;
	s4 =	simm.s32 $0x10  }
0x92: {  	[smem:s4], [sflag:s15] =	dma.local [hbm:s2], $0x1  }
0x93: {  	_ =	swait.eq [sflag:s15], $0x1  }
0x94: {  	[sflag:s15] =	ssyncset.done $0x0  }
0x95: {  	[sflag:s15] =	ssyncadd.s32 $0xFFFFFFFF  }
0x96: {  	s16 =	sld [smem:$0x12];
	(tm) =	ssettm $0x1  }
0x97: {  	s17 =	sld [smem:$0x3FFB];
	_ =	sdelay $0x3  }
0x98: {  	_ =	strace s17  }
0x99: {  	s3 =	sld [smem:$0x3FFC];
	_ =	sdelay $0x3  }
0x9a: {  	_ =	strace s3  }
0x9b: {  	s3 =	sld [smem:$0x3FFD];
	_ =	sdelay $0x3  }
0x9c: {  	_ =	strace s3  }
0x9d: {  	_ =	strace $0x8FFFFFFF  }
0x9e: {  	s18 =	sld [smem:$0x3FDB];
	_ =	sdelay $0x1  }
0x9f: {  	s19 =	simm.s32 $_scs_section_size  }
0xa0: {  	s5 =	simm.s32 $_size__tile_overlayer_lowered;
	s6 =	simm.s32 $_tile_overlayer_lowered  }
0xa1: {  	s22 =	simm.s32 $0x1BFF;
	s21 =	sshll.u32 s6, $0x1;
	s3 =	sadd.s32 s19, s18  }
0xa2: {  	s7 =	simm.s32 $0x0;
	s20 =	sshll.u32 s5, $0x1;
	s5 =	sadd.s32 s21, s3  }
0xa3: {  	[timem:s7], [sflag:s22] =	dma.local [hbm:s5], s20  }
0xa4: {  	_ =	swait.ge [sflag:s22], s20  }
0xa5: {  	s4 =	ssub.s32 $0x0, s20;
	[sflag:s22] =	ssyncset.done $0x0  }
0xa6: {  	[sflag:s22] =	ssyncadd.s32 s4;
	_ =	sdelay $0x1  }
0xa7: {  	s23 =	simm.s32 $0x1B8B  }
0xa8: {  	_ =	swait.ge [sflag:s23], $0x1  }
0xa9: {  	[sflag:s23] =	ssyncset.done $0x0  }
0xaa: {  	s25 =	simm.s32 $0x1B8E;
	s24 =	sld [smem:$0x3FFE];
	[sflag:s23] =	ssyncadd.s32 $0xFFFFFFFF  }
0xab: {  	s26 =	simm.s32 $execute0_lowered;
	[smem:$0x3FD2] =	sst s25  }
0xac: {  	s5 =	sshll.u32 s26, $0x1;
	_ =	strace $0x80000046;
	[dreg:$0x1] =	wrdreg $0xFFFFFFFF  }
0xad: {  	s28 =	simm.s32 $_size_execute0_lowered;
	s3 =	sadd.s32 s3, s5;
	[dreg:$0x0] =	wrdreg $0x0  }
0xae: {  	s5 =	sshll.u32 s28, $0x1;
	[dreg:$0x2] =	wrdreg s3  }
0xaf: {  	[dreg:$0x3] =	wrdreg s5  }
0xb0: {  	[dreg:$0x4] =	wrdreg $0xC0  }
0xb1: {  	_ =	task [dreg:s7], $0x5FFFF  }
0xb2: {  	[dreg:$0x1] =	wrdreg $0xFFFFFFFF  }
0xb3: {  	[dreg:$0x0] =	wrdreg $0x60  }
0xb4: {  	[dreg:$0x2] =	wrdreg s24  }
0xb5: {  	[dreg:$0x3] =	wrdreg s16  }
0xb6: {  	[dreg:$0x4] =	wrdreg $0x9  }
0xb7: {  	_ =	task.clear_ibuf [dreg:s7], $0x5FFFF;
	_ =	strace $0x90000046  }
0xb8: {  	s29 =	simm.s32 $0x9;
	_ =	strace $0x80000048  }
0xb9: {  	_ =	swait.ge [sflag:s29], $0x1  }
0xba: {  	[sflag:s29] =	ssyncadd.s32 $0xFFFFFFFF  }
0xbb: {  	_ =	strace $0x90000048  }
0xbc: {  	_ =	sfence  }
0xbd: {  	s30 =	sld [smem:$0x0];
	_ =	sdelay $0x2  }
0xbe: {  	s31 =	sshll.u32 s1, $0xD;
	s1 =	sshrl.u32 s1, $0x2  }
0xbf: {  	s3 =	sand.u32 $0x4000, s31;
	s1 =	sadd.s32 s1, s30  }
0xc0: {  	s0 =	sor.u32 s3, s0;
	s1 =	sshll.u32 s1, $0x11  }
0xc1: {  	s0 =	sor.u32 s1, s0  }
0xc2: {  	s0 =	sadd.s32 $0x8F2B, s0  }
0xc3: {  	[sflag:s0] =	ssyncadd.remote.s32 $0x1  }
0xc4: {  	_ =	sfence.sel $0xFFFF  }
0xc5: {  	[dreg:$0x0] =	wrdreg $0xFFFFFFFF;
	(pc) =	sbr.abs _section_cstart, $3  }
0xc6: {  	[dreg:$0x1] =	wrdreg $0xFFFFFFFF  }
0xc7: {  	_ =	task.clear_ibuf [dreg:s7], $0x2FFFF;
	_ =	strace $0x9FFFFFFF  }
0xc8: {  	(tm) =	ssettm $0x7FFFFFFF  }
0xc9: {  	_ =	shalt  }
tec
execute0_lowered:
.L_overlay_start_1:
0x0: {  	(tag) =	ssettag $0x1  }
0x1: {  	s7 =	rddreg [dreg:$0x0]  }
0x2: {  	s2 =	rddreg [dreg:$0x1]  }
0x3: {  	s0 =	rddreg [dreg:$0x2]  }
0x4: {  	s1 =	srdreg.scid;
	_ =	strace $0x80000047;
	s4 =	simm.s32 $0x1  }
0x5: {  	s9 =	simm.s32 $0x3;
	s12 =	simm.s32 $0x0;
	s5 =	sshll.u32 s1, $0x4  }
.Ltmp0:
0x6: {  	s1 =	stileid.u32;
	s5 =	sand.u32 $0x10, s5;
	(pc) =	sbr.rel .LBB2_1-.Ltmp0, $4  }
0x7: {  	s10 =	simm.s32 $0x0;
	s3 =	sadd.s32 $0x2E00, s7;
	s6 =	sor.u32 s1, s5  }
0x8: {  	[sflag:s4] =	ssyncpa.u1 $0x0;
	s5 =	simm.s32 $0x2;
	s6 =	sshll.u32 s6, $0x8  }
0x9: {  	s7 =	sadd.s32 $0x82E00, s7;
	[sflag:s5] =	ssyncpa.u1 $0x0;
	s8 =	sadd.s32 $0x100, s6  }
0xa: {  	vm0 =	vmmov $0xff;
	vm1 =	vcmask $0x3F20;
	[sflag:s9] =	ssyncpa.u1 $0x0;
	s9 =	simm.s32 $0x100;
	s11 =	smov.u32 s6  }
.LBB2_9:
0xb: {  	p0 =	seq.s32 s10, $0x2  }
.Ltmp1:
0xc: {  	_ = 	snop;
	(pc) =	sbr.rel @p0 .LBB2_11-.Ltmp1, $1  }
0xd: {  	_ =	sdelay $0x3  }
.LBB2_10:
0xe: {  	s12 =	sadd.s32 $0x100, s11  }
0xf: {  	s13 =	smov.u32 s6;
	p0 =	slt.s32 s12, s8  }
0x10: {  	s13 =	smov.u32 @p0 s12  }
0x11: {  	s10 =	sadd.s32 $0x1, s10;
	s12 =	smov.u32 s11;
	s11 =	smov.u32 s13  }
.LBB2_1:
0x12: {  	p0 =	sne.s32 s10, $0x0  }
.Ltmp2:
0x13: {  	_ = 	snop;
	(pc) =	sbr.rel @!p0 .LBB2_2-.Ltmp2, $1  }
0x14: {  	_ =	sdelay $0x3  }
0x15: {  	s13 =	sand.u32 $0x1, s10  }
0x16: {  	p0 =	seq.s32 s13, $0x0  }
.Ltmp3:
0x17: {  	_ = 	snop;
	(pc) =	sbr.rel @p0 .LBB2_9-.Ltmp3, $1  }
0x18: {  	_ =	sdelay $0x3  }
0x19: {  	_ =	swait.ge [sflag:s5], $0x100  }
0x1a: {  	[sflag:s5] =	ssyncset.done $0x0  }
0x1b: {  	s13 =	simm.s32 $0x0;
	[sflag:s5] =	ssyncadd.s32 $0xFFFFFF00  }
0x1c: {  	v0 =	vld.msk [tilespmem:s13+$0x100 ss:$0x1], $0xffff;
	_ =	sdelay $0x4  }
0x1d: {  	v1 =	vshll.u32 v0, $0x5  }
0x1e: {  	vm2 =	veq.s32 v0, $0x80000000;
	v0 =	vshll.u32 v0, $0x14;
	v1 =	vand.u32 $0xFFF80, v1  }
0x1f: {  	v0 =	vand.u32 $0x300000, v0;
	v1 =	vsel vm2, $0xFFFFFF80, v1  }
0x20: {  	v0 =	vsel vm2, $0xFFF00000, v0;
	v2 =	vand.u32 $0xFFFFFC00, v1  }
0x21: {  	v1 =	vand.u32 $0x380, v1;
	v0 =	vadd.s32 v0, v2  }
0x22: {  	v0 =	vor.u32 v1, v0  }
0x23: {  	v0 =	vshrl.u32 v0, $0x3;
	_ =	sdelay $0x3  }
0x24: {  	s13 =	simm.s32 $0x8200  }
0x25: {  	[tilespmem:s13], [sflag:$0x1] =	stream.indirect_vreg.gather [hbm:s3], $0x80, v0, vm0, $0x38;
	[tilespmem:$0x10200] =	vst v63  }
0x26: {  	s14 =	simm.s32 $0x8600;
	s31 =	simm.s32 $0x10  }
0x27: {  	[tilespmem:s14], [sflag:$0x1] =	stream.indirect_vreg.gather [hbm:s3], $0x80, v0, vm1, $0x38;
	[tilespmem:$0x10200] =	vst v63  }
0x28: {  	s14 =	simm.s32 $0x80;
	v0 =	vld.msk [tilespmem:s31+$0x100 ss:$0x1], $0xffff  }
.LBB2_5:
0x29: {  	p0 =	sne.s32 s14, $0x3C0;
	_ =	sdelay $0x4  }
0x2a: {  	v1 =	vshll.u32 v0, $0x5  }
0x2b: {  	vm2 =	veq.s32 v0, $0x80000000;
	v0 =	vshll.u32 v0, $0x14;
	v1 =	vand.u32 $0xFFF80, v1  }
0x2c: {  	v0 =	vand.u32 $0x300000, v0;
	v1 =	vsel vm2, $0xFFFFFF80, v1  }
0x2d: {  	v0 =	vsel vm2, $0xFFF00000, v0;
	v2 =	vand.u32 $0xFFFFFC00, v1  }
0x2e: {  	v1 =	vand.u32 $0x380, v1;
	v0 =	vadd.s32 v0, v2  }
0x2f: {  	v0 =	vor.u32 v1, v0  }
0x30: {  	v0 =	vshrl.u32 v0, $0x3;
	_ =	sdelay $0x3  }
.Ltmp4:
0x31: {  	s13 =	sadd.s32 $0x800, s13;
	(pc) =	sbr.rel @p0 .LBB2_5-.Ltmp4, $4  }
0x32: {  	[tilespmem:s13], [sflag:$0x1] =	stream.indirect_vreg.gather [hbm:s3], $0x80, v0, vm0, $0x38;
	[tilespmem:$0x10200] =	vst v63  }
0x33: {  	s15 =	sshra.s32 s14, $0x2;
	s16 =	sadd.s32 $0x400, s13  }
0x34: {  	[tilespmem:s16], [sflag:$0x1] =	stream.indirect_vreg.gather [hbm:s3], $0x80, v0, vm1, $0x38;
	[tilespmem:$0x10200] =	vst v63  }
0x35: {  	s14 =	sadd.s32 $0x40, s14;
	v0 =	vld.msk [tilespmem:s15+$0x100 ss:$0x1], $0xffff  }
0x36: {  	_ =	sdelay $0x3  }
0x37: {  	v1 =	vshll.u32 v0, $0x5  }
0x38: {  	vm2 =	veq.s32 v0, $0x80000000;
	v63 =	vshll.u32 v0, $0x14;
	v1 =	vand.u32 $0xFFF80, v1  }
0x39: {  	v0 =	vand.u32 $0x300000, v63;
	v1 =	vsel vm2, $0xFFFFFF80, v1  }
0x3a: {  	v0 =	vsel vm2, $0xFFF00000, v0;
	v2 =	vand.u32 $0xFFFFFC00, v1  }
0x3b: {  	v1 =	vand.u32 $0x380, v1;
	v0 =	vadd.s32 v0, v2  }
0x3c: {  	v0 =	vor.u32 v1, v0  }
0x3d: {  	v0 =	vshrl.u32 v0, $0x3;
	_ =	sdelay $0x3  }
0x3e: {  	s13 =	sadd.s32 $0x800, s13  }
0x3f: {  	[tilespmem:s13], [sflag:$0x1] =	stream.indirect_vreg.gather [hbm:s3], $0x80, v0, vm0, $0x38;
	[tilespmem:$0x10200] =	vst v63  }
0x40: {  	s13 =	sadd.s32 $0x400, s13  }
0x41: {  	[tilespmem:s13], [sflag:$0x1] =	stream.indirect_vreg.gather [hbm:s3], $0x80, v0, vm1, $0x38;
	[tilespmem:$0x10200] =	vst v63  }
0x42: {  	s12 =	sshll.u32 s12, $0x4;
	s14 =	simm.s32 $0x80;
	_ =	swait.ge [sflag:s4], $0x8000  }
0x43: {  	s15 =	simm.s32 $0x8600;
	s12 =	sadd.s32 s12, s7;
	[sflag:s4] =	ssyncset.done $0x0  }
0x44: {  	s16 =	sadd.s32 $0x0, s12;
	s13 =	simm.s32 $0x8200;
	[sflag:s4] =	ssyncadd.s32 $0xFFFF8000  }
.LBB2_7:
0x45: {  	[hbm:s16] =	stream.linear.scatter [tilespmem:s13], [sflag:$0x3], $0x400, $0x38;
	[tilespmem:$0x10200] =	vst v63  }
0x46: {  	s16 =	smov.u32 s14;
	s13 =	smov.u32 s15;
	p0 =	sne.s32 s14, $0xF80  }
.Ltmp5:
0x47: {  	s14 =	sadd.s32 $0x80, s14;
	(pc) =	sbr.rel @p0 .LBB2_7-.Ltmp5, $2  }
0x48: {  	_ =	sdelay $0x2  }
0x49: {  	s15 =	sadd.s32 $0x400, s15;
	s16 =	sadd.s32 s16, s12  }
.Ltmp6:
0x4a: {  	(pc) =	sbr.rel .LBB2_9-.Ltmp6, $2  }
0x4b: {  	_ =	sdelay $0x2  }
0x4c: {  	[hbm:s16] =	stream.linear.scatter [tilespmem:s13], [sflag:$0x3], $0x400, $0x38;
	[tilespmem:$0x10200] =	vst v63  }
.LBB2_2:
.Ltmp7:
0x4d: {  	(pc) =	sbr.rel .LBB2_10-.Ltmp7, $4  }
0x4e: {  	_ = 	snop  }
0x4f: {  	s12 =	sshrl.u32 s11, $0x3  }
0x50: {  	s13 =	sand.u32 $0x7, s11;
	s12 =	sadd.s32 s2, s12  }
0x51: {  	[tilespmem:s9], [sflag:$0x2] =	stream.linear.gather [hbm4b:s12+s13], $0x100, $0x38;
	[tilespmem:$0x10200] =	vst v63  }
.LBB2_11:
0x52: {  	s2 =	simm.s32 $0x3  }
0x53: {  	_ =	swait.ge [sflag:s2], $0x8000  }
0x54: {  	[sflag:s2] =	ssyncset.done $0x0  }
0x55: {  	[sflag:s2] =	ssyncadd.s32 $0xFFFF8000  }
0x56: {  	_ =	sfence.sel $0x180000  }
0x57: {  	s3 =	simm.s32 $0x2;
	[bflag:$0x0] =	sbarrier.arrive $0xFFFF  }
0x58: {  	[sflag:s3] =	ssyncpa.u1 $0x1  }
0x59: {  	s31 =	simm.s32 $0x1;
	[sflag:s2] =	ssyncpa.u1 $0x1  }
0x5a: {  	[sflag:s31] =	ssyncpa.u1 $0x1  }
0x5b: {  	p0 =	sne.s32 s1, $0x0;
	_ =	strace $0x90000047  }
0x5c: {  	s0 =	sadd.s32 @!p0 $0x100000, s0;
	[bflag:$0x2] =	sbarrier.arrive $0xFFFF  }
0x5d: {  	[sflag:s0] =	ssyncadd.tile.s32 @!p0 $0x1;
	_ =	shalt  }
.Lfunc_end2:
_tile_overlayer_lowered:
.L_overlay_start_2:
0x5e: {  	(tag) =	ssettag $0x2  }
0x5f: {  	s0 =	rddreg [dreg:$0x0];
	s2 =	stileid.u32  }
0x60: {  	s1 =	rddreg [dreg:$0x1];
	p0 =	sne.s32 s2, $0x0  }
0x61: {  	s3 =	rddreg [dreg:$0x2];
	[bflag:$0x3] =	sbarrier.arrive $0xFFFF;
	s2 =	simm.s32 @!p0 $0x1C01  }
0x62: {  	[timem:s3], [sflag:s2] =	dma.local @!p0 [hbm:s0], s1  }
0x63: {  	s0 =	simm.s32 @!p0 $0x1  }
0x64: {  	_ =	swait.ge @!p0 [sflag:s0], s1  }
0x65: {  	s1 =	ssub.s32 @!p0 $0x0, s1;
	[sflag:s0] =	ssyncset.done @!p0 $0x0  }
0x66: {  	[sflag:s0] =	ssyncadd.s32 @!p0 s1  }
0x67: {  	[bflag:$0x3] =	sbarrier.arrive $0xFFFF  }
0x68: {  	_ =	shalt  }

// kernel: kernel.6.cloned.1.call-start
scs
__scs_entry_jumppad:
0x0: {  	(pc) =	sbr.rel $0x88, $3  }
0x1: {  	(tag) =	ssettag $0x0;
	lr =	simm.s32 $0x1  }
0x2: {  	[smem:$0x3F96] =	sst lr;
	_ =	strace $0xD0000000  }
0x3: {  	_ = 	snop  }
0x4: {  	_ = 	snop  }
0x5: {  	_ = 	snop  }
0x6: {  	_ = 	snop  }
0x7: {  	_ = 	snop  }
__scs_overlays_trampoline_lowered:
0x8: {  	[smem:$0x3FA5] =	sst s0  }
0x9: {  	[smem:$0x3FA6] =	sst s1  }
0xa: {  	[smem:$0x3FA7] =	sst s2  }
0xb: {  	[smem:$0x3FA8] =	sst s3  }
0xc: {  	[smem:$0x3FA9] =	sst s4  }
0xd: {  	[smem:$0x3FAA] =	sst s5  }
0xe: {  	[smem:$0x3FAB] =	sst s6  }
0xf: {  	[smem:$0x3FAC] =	sst s7  }
0x10: {  	[smem:$0x3FAD] =	sst s8  }
0x11: {  	[smem:$0x3FAE] =	sst s9;
	s0 =	simm.s32 @!p0 $0x0  }
0x12: {  	s1 =	sld [smem:$0x3F94];
	s0 =	simm.s32 @p0 $0x1  }
0x13: {  	[smem:$0x3FAF] =	sst s0;
	s0 =	simm.s32 @!p1 $0x0  }
0x14: {  	s2 =	sld [smem:$0x3F93];
	s0 =	simm.s32 @p1 $0x1  }
0x15: {  	[smem:$0x3FB0] =	sst s0;
	s0 =	simm.s32 @!p2 $0x0  }
0x16: {  	s3 =	sld [smem:$0x3FDB];
	s0 =	simm.s32 @p2 $0x1  }
0x17: {  	s4 =	simm.s32 $0x1BF5;
	[smem:$0x3FB2] =	sst s0  }
0x18: {  	s0 =	sld [smem:$0x3F95];
	_ =	swait.ge [sflag:s4], $0x0  }
0x19: {  	s7 =	sld [smem:$0x3F96]  }
0x1a: {  	s8 =	sadd.s32 $0xFFFFE003, lr  }
0x1b: {  	s9 =	sadd.s32 $0xFFFFFEF7, lr;
	s5 =	simm.s32 $0xFFFFFFFF;
	p2 =	slt.u32 s8, $0xFFFFF086  }
0x1c: {  	p1 =	slt.u32 s9, $0xF7A;
	s5 =	simm.s32 @!p2 $0x0  }
0x1d: {  	s5 =	simm.s32 @p1 $0x1;
	p0 =	seq.s32 s7, s2  }
0x1e: {  	s7 =	smul.u32 @!p0 $0xF7A, s2;
	p2 =	seq.s32 @!p0 s5, $0x0  }
0x1f: {  	s9 =	smul.u32 $0xF7A, s1;
	s8 =	simm.s32 @!p0 $0x1BF5;
	p2 =	por !p2, p0  }
0x20: {  	[sflag:s8] =	ssyncset.s32 @!p0 $0xFFFFF086;
	s6 =	sadd.s32 @!p0 s3, s7;
	s7 =	simm.s32 @!p0 $0x108  }
0x21: {  	s3 =	sadd.s32 s3, s9;
	s6 =	sadd.s32 @!p0 $0x88, s6;
	s7 =	simm.s32 @p2 $0x1082  }
0x22: {  	[simem:s7], [sflag:s8] =	dma.local @!p0 [hbm:s6], $0xF7A  }
0x23: {  	s9 =	sor.u32 $0xD0000000, s2;
	s6 =	simm.s32 $0x108;
	_ =	swait.ge @!p0 [sflag:s8], $0x0  }
0x24: {  	s3 =	sadd.s32 $0x88, s3;
	s6 =	simm.s32 @!p1 $0x1082;
	[sflag:s4] =	ssyncset.s32 $0xFFFFF086  }
0x25: {  	[simem:s6], [sflag:s4] =	dma.local [hbm:s3], $0xF7A  }
0x26: {  	[smem:$0x3F96] =	sst s1;
	(tag) =	ssettag s2;
	_ =	strace s9  }
0x27: {  	s1 =	sld [smem:$0x3FA6]  }
0x28: {  	s2 =	sld [smem:$0x3FA7]  }
0x29: {  	s4 =	sld [smem:$0x3FA9]  }
0x2a: {  	p0 =	seq.s32 s5, $0x0;
	s5 =	sld [smem:$0x3FAA]  }
0x2b: {  	s6 =	sld [smem:$0x3FAB]  }
0x2c: {  	s7 =	sld [smem:$0x3FAC]  }
0x2d: {  	s3 =	simm.s32 $0x108;
	s8 =	sld [smem:$0x3FAD]  }
0x2e: {  	s3 =	simm.s32 @!p0 $0x1082;
	s9 =	sld [smem:$0x3FAE]  }
0x2f: {  	lr =	sadd.s32 s0, s3;
	s0 =	sld [smem:$0x3FA5]  }
0x30: {  	s3 =	sld [smem:$0x3FA8]  }
0x31: {  	[smem:$0x3FB1] =	sst s10  }
0x32: {  	s10 =	sld [smem:$0x3FAF];
	_ =	sdelay $0x3  }
0x33: {  	p0 =	seq.s32 s10, $0x1;
	s10 =	sld [smem:$0x3FB1];
	_ =	sdelay $0x3  }
0x34: {  	[smem:$0x3FB1] =	sst s10  }
0x35: {  	s10 =	sld [smem:$0x3FB0];
	_ =	sdelay $0x3  }
0x36: {  	p1 =	seq.s32 s10, $0x1;
	s10 =	sld [smem:$0x3FB1];
	_ =	sdelay $0x3  }
0x37: {  	[smem:$0x3FB1] =	sst s10  }
0x38: {  	s10 =	sld [smem:$0x3FB2]  }
0x39: {  	_ = 	snop;
	(pc) =	sbr.ind lr, $3  }
0x3a: {  	_ = 	snop  }
0x3b: {  	_ = 	snop  }
0x3c: {  	p2 =	seq.s32 s10, $0x1;
	s10 =	sld [smem:$0x3FB1]  }
0x3d: {  	_ =	shalt  }
0x3e: {  	_ =	shalt  }
0x3f: {  	_ =	shalt  }
0x40: {  	_ =	shalt  }
0x41: {  	_ =	shalt  }
0x42: {  	_ =	shalt  }
0x43: {  	_ =	shalt  }
0x44: {  	_ =	shalt  }
0x45: {  	_ =	shalt  }
0x46: {  	_ =	shalt  }
0x47: {  	_ =	shalt  }
0x48: {  	_ =	shalt  }
0x49: {  	_ =	shalt  }
0x4a: {  	_ =	shalt  }
0x4b: {  	_ =	shalt  }
0x4c: {  	_ =	shalt  }
0x4d: {  	_ =	shalt  }
0x4e: {  	_ =	shalt  }
0x4f: {  	_ =	shalt  }
0x50: {  	_ =	shalt  }
0x51: {  	_ =	shalt  }
0x52: {  	_ =	shalt  }
0x53: {  	_ =	shalt  }
0x54: {  	_ =	shalt  }
0x55: {  	_ =	shalt  }
0x56: {  	_ =	shalt  }
0x57: {  	_ =	shalt  }
0x58: {  	_ =	shalt  }
0x59: {  	_ =	shalt  }
0x5a: {  	_ =	shalt  }
0x5b: {  	_ =	shalt  }
0x5c: {  	_ =	shalt  }
0x5d: {  	_ =	shalt  }
0x5e: {  	_ =	shalt  }
0x5f: {  	_ =	shalt  }
0x60: {  	_ =	shalt  }
0x61: {  	_ =	shalt  }
0x62: {  	_ =	shalt  }
0x63: {  	_ =	shalt  }
0x64: {  	_ =	shalt  }
0x65: {  	_ =	shalt  }
0x66: {  	_ =	shalt  }
0x67: {  	_ =	shalt  }
0x68: {  	_ =	shalt  }
0x69: {  	_ =	shalt  }
0x6a: {  	_ =	shalt  }
0x6b: {  	_ =	shalt  }
0x6c: {  	_ =	shalt  }
0x6d: {  	_ =	shalt  }
0x6e: {  	_ =	shalt  }
0x6f: {  	_ =	shalt  }
0x70: {  	_ =	shalt  }
0x71: {  	_ =	shalt  }
0x72: {  	_ =	shalt  }
0x73: {  	_ =	shalt  }
0x74: {  	_ =	shalt  }
0x75: {  	_ =	shalt  }
0x76: {  	_ =	shalt  }
0x77: {  	_ =	shalt  }
0x78: {  	_ =	shalt  }
0x79: {  	_ =	shalt  }
0x7a: {  	_ =	shalt  }
0x7b: {  	_ =	shalt  }
0x7c: {  	_ =	shalt  }
0x7d: {  	_ =	shalt  }
0x7e: {  	_ =	shalt  }
0x7f: {  	_ =	shalt  }
0x80: {  	_ =	shalt  }
0x81: {  	_ =	shalt  }
0x82: {  	_ =	shalt  }
0x83: {  	_ =	shalt  }
0x84: {  	_ =	shalt  }
0x85: {  	_ =	shalt  }
0x86: {  	_ =	shalt  }
0x87: {  	_ =	shalt  }
.Lfunc_end0:
.L_simem_size_0:
called_computation.1_lowered:
.L_overlay_start_0:
0x88: {  	s2 =	sld [smem:$0x3FD9]  }
0x89: {  	s3 =	sld [smem:$0x3FFE];
	_ =	sdelay $0x1  }
0x8a: {  	s1 =	srdreg.scid  }
0x8b: {  	s0 =	sand.u32 $0x1, s1  }
0x8c: {  	s16 =	sshll.u32 s0, $0xA;
	s2 =	sadd.s32 s3, s2  }
0x8d: {  	s2 =	sadd.s32 s2, s16  }
0x8e: {  	[smem:$0x3FBD] =	sst s2  }
0x8f: {  	_ = 	snop  }
0x90: {  	(tm) =	ssettm $0x1  }
0x91: {  	s17 =	sld [smem:$0x3FFB];
	_ =	sdelay $0x3  }
0x92: {  	_ =	strace s17  }
0x93: {  	s2 =	sld [smem:$0x3FFC];
	_ =	sdelay $0x3  }
0x94: {  	_ =	strace s2  }
0x95: {  	s2 =	sld [smem:$0x3FFD];
	_ =	sdelay $0x3  }
0x96: {  	_ =	strace s2  }
0x97: {  	_ =	strace $0x8FFFFFFF  }
0x98: {  	s18 =	sld [smem:$0x3FDB];
	_ =	sdelay $0x1  }
0x99: {  	s19 =	simm.s32 $_scs_section_size  }
0x9a: {  	s4 =	simm.s32 $_size__tile_overlayer_lowered;
	s5 =	simm.s32 $_tile_overlayer_lowered  }
0x9b: {  	s22 =	simm.s32 $0x1BFF;
	s21 =	sshll.u32 s5, $0x1;
	s2 =	sadd.s32 s19, s18  }
0x9c: {  	s6 =	simm.s32 $0x0;
	s20 =	sshll.u32 s4, $0x1;
	s4 =	sadd.s32 s21, s2  }
0x9d: {  	[timem:s6], [sflag:s22] =	dma.local [hbm:s4], s20  }
0x9e: {  	_ =	swait.ge [sflag:s22], s20  }
0x9f: {  	s3 =	ssub.s32 $0x0, s20;
	[sflag:s22] =	ssyncset.done $0x0  }
0xa0: {  	[sflag:s22] =	ssyncadd.s32 s3;
	_ =	sdelay $0x1  }
0xa1: {  	s23 =	simm.s32 $0x1B8B  }
0xa2: {  	_ =	swait.ge [sflag:s23], $0x1  }
0xa3: {  	[sflag:s23] =	ssyncset.done $0x0  }
0xa4: {  	s25 =	simm.s32 $0x1B8E;
	s24 =	sld [smem:$0x3FFE];
	[sflag:s23] =	ssyncadd.s32 $0xFFFFFFFF  }
0xa5: {  	s26 =	simm.s32 $execute0_lowered;
	[smem:$0x3FD2] =	sst s25  }
0xa6: {  	s4 =	sshll.u32 s26, $0x1;
	_ =	strace $0x80000049;
	[dreg:$0x1] =	wrdreg $0xFFFFFFFF  }
0xa7: {  	s28 =	simm.s32 $_size_execute0_lowered;
	s2 =	sadd.s32 s2, s4;
	[dreg:$0x0] =	wrdreg $0x0  }
0xa8: {  	s4 =	sshll.u32 s28, $0x1;
	[dreg:$0x2] =	wrdreg s2  }
0xa9: {  	[dreg:$0x3] =	wrdreg s4  }
0xaa: {  	[dreg:$0x4] =	wrdreg $0xC0  }
0xab: {  	_ =	task [dreg:s6], $0x5FFFF  }
0xac: {  	[dreg:$0x1] =	wrdreg $0xFFFFFFFF  }
0xad: {  	[dreg:$0x0] =	wrdreg $0x60  }
0xae: {  	[dreg:$0x2] =	wrdreg s24  }
0xaf: {  	[dreg:$0x3] =	wrdreg $0x9  }
0xb0: {  	_ =	task.clear_ibuf [dreg:s6], $0x4FFFF;
	_ =	strace $0x90000049  }
0xb1: {  	s29 =	simm.s32 $0x9;
	_ =	strace $0x8000004B  }
0xb2: {  	_ =	swait.ge [sflag:s29], $0x1  }
0xb3: {  	[sflag:s29] =	ssyncadd.s32 $0xFFFFFFFF  }
0xb4: {  	_ =	strace $0x9000004B  }
0xb5: {  	_ =	sfence  }
0xb6: {  	s30 =	sld [smem:$0x0];
	_ =	sdelay $0x2  }
0xb7: {  	s31 =	sshll.u32 s1, $0xD;
	s1 =	sshrl.u32 s1, $0x2  }
0xb8: {  	s3 =	sand.u32 $0x4000, s31;
	s1 =	sadd.s32 s1, s30  }
0xb9: {  	s0 =	sor.u32 s3, s0;
	s1 =	sshll.u32 s1, $0x11  }
0xba: {  	s0 =	sor.u32 s1, s0  }
0xbb: {  	s0 =	sadd.s32 $0x8F2B, s0  }
0xbc: {  	[sflag:s0] =	ssyncadd.remote.s32 $0x1  }
0xbd: {  	_ =	sfence.sel $0xFFFF  }
0xbe: {  	[dreg:$0x0] =	wrdreg $0xFFFFFFFF;
	(pc) =	sbr.abs _section_cstart, $3  }
0xbf: {  	[dreg:$0x1] =	wrdreg $0xFFFFFFFF  }
0xc0: {  	_ =	task.clear_ibuf [dreg:s6], $0x2FFFF;
	_ =	strace $0x9FFFFFFF  }
0xc1: {  	(tm) =	ssettm $0x7FFFFFFF  }
tec
execute0_lowered:
.L_overlay_start_1:
0x0: {  	(tag) =	ssettag $0x1  }
0x1: {  	s0 =	rddreg [dreg:$0x0]  }
0x2: {  	s2 =	simm.s32 $0x0;
	s1 =	srdreg.scid;
	s9 =	stileid.u32  }
0x3: {  	s10 =	simm.s32 $0x80;
	s11 =	simm.s32 $0x400;
	s12 =	simm.s32 $0x1  }
0x4: {  	s13 =	simm.s32 $0x2080;
	s14 =	simm.s32 $0x4100;
	s15 =	simm.s32 $0x4980  }
0x5: {  	s16 =	simm.s32 $0x20;
	s17 =	simm.s32 $0x5200;
	s18 =	simm.s32 $0x5280  }
0x6: {  	s19 =	simm.s32 $0x2;
	s20 =	simm.s32 $0x3;
	s21 =	simm.s32 $0x5230  }
0x7: {  	[smem:$0x7FF] =	sst s2;
	s1 =	sand.u32 $0x1, s1;
	s5 =	sshll.u32 s9, $0x9  }
0x8: {  	s3 =	sadd.s32 $0x122E00, s0;
	s4 =	sadd.s32 $0xA2E00, s0;
	s6 =	sshll.u32 s1, $0x8  }
0x9: {  	s29 =	sshll.u32 s9, $0xB;
	s26 =	ssub.s32 $0x2, s1;
	s5 =	sor.u32 s6, s5  }
0xa: {  	s6 =	sadd.s32 $0x942E00, s0;
	s7 =	sshrl.u32 s26, $0x1;
	s28 =	sshrl.u32 s5, $0x3  }
.Ltmp0:
0xb: {  	s8 =	sshll.u32 s5, $0x9;
	s0 =	ssub.s32 s26, s7;
	(pc) =	sbr.rel .LBB2_1-.Ltmp0, $4  }
0xc: {  	s1 =	smul.u32 $0x2080, s28;
	s8 =	sadd.s32 s8, s6;
	s0 =	smax.u32 s0, $0x1  }
0xd: {  	_ =	strace $0x8000004A;
	s31 =	sadd.s32 $0x1FE00, s8;
	[dreg:$0x4] =	wrdreg s0  }
0xe: {  	v0 =	vlaneseq.u32;
	v2 =	vimm.s32 $0x7FFFFFFF;
	s30 =	sand.u32 $0x6000, s29;
	s1 =	sadd.s32 s3, s1;
	[dreg:$0x3] =	wrdreg s31  }
0xf: {  	s22 =	simm.s32 $0x6280;
	v4 =	vimm.s32 $0x10;
	v3 =	vor.u32 $0x800, v0;
	v1 =	vor.u32 s30, v0;
	s26 =	simm.s32 $0x0;
	[dreg:$0x2] =	wrdreg s1  }
.LBB2_53:
0x10: {  	s0 =	simm.s32 $0x4  }
0x11: {  	_ =	swait.ge [sflag:s0], $0x1000  }
0x12: {  	[sflag:s0] =	ssyncset.done $0x0  }
0x13: {  	s29 =	simm.s32 $0x5;
	s28 =	rddreg [dreg:$0x3];
	[sflag:s0] =	ssyncadd.s32 $0xFFFFF000  }
0x14: {  	[hbm4b:s28+s2] =	stream.linear.scatter [tilespmem:s22], [sflag:$0x6], $0x1000, $0x38;
	[tilespmem:$0x7280] =	vst v63  }
0x15: {  	_ =	swait.ge [sflag:s29], $0x1000  }
0x16: {  	[sflag:s29] =	ssyncset.done $0x0  }
0x17: {  	s30 =	simm.s32 $0x6;
	[sflag:s29] =	ssyncadd.s32 $0xFFFFF000  }
0x18: {  	_ =	swait.ge [sflag:s30], $0x1000  }
0x19: {  	[sflag:s30] =	ssyncset.done $0x0  }
0x1a: {  	[sflag:s30] =	ssyncadd.s32 $0xFFFFF000  }
0x1b: {  	_ =	swait.ge [sflag:s12], $0x2080  }
0x1c: {  	s26 =	sadd.s32 $0x1, s26;
	s31 =	rddreg [dreg:$0x4]  }
0x1d: {  	p0 =	sne.s32 s26, s31  }
.Ltmp1:
0x1e: {  	_ = 	snop;
	(pc) =	sbr.rel @!p0 .LBB2_54-.Ltmp1, $3  }
0x1f: {  	_ =	sdelay $0x1  }
0x20: {  	[sflag:s12] =	ssyncset.done $0x0  }
0x21: {  	[sflag:s12] =	ssyncadd.s32 $0xFFFFDF80  }
.LBB2_1:
0x22: {  	s0 =	simm.s32 $0x40;
	s1 =	simm.s32 $0x0  }
.LBB2_2:
0x23: {  	p0 =	sne.s32 s0, $0x2000;
	[tilespmem:s1+$0x4100] =	vst v2;
	s1 =	smov.u32 s0;
	s0 =	sadd.s32 $0x40, s0  }
.Ltmp2:
0x24: {  	(pc) =	sbr.rel @p0 .LBB2_2-.Ltmp2, $2  }
0x25: {  	_ =	sdelay $0x2  }
0x26: {  	s1 =	sshra.s32 s1, $0x2  }
.Ltmp3:
0x27: {  	(pc) =	sbr.rel .LBB2_4-.Ltmp3, $3  }
0x28: {  	_ =	sdelay $0x1  }
0x29: {  	[tilespmem:s1+$0x4100] =	vst v2;
	s28 =	simm.s32 $0x0;
	s0 =	rddreg [dreg:$0x2]  }
0x2a: {  	[tilespmem:s28], [sflag:$0x1] =	stream.strided.gather [hbm4b:s0+s10], $0x2080, s11, s10, $0x38;
	[tilespmem:$0x7280] =	vst v63  }
.LBB2_48:
0x2b: {  	_ = 	snop  }
.LBB2_51:
0x2c: {  	v13, v14, _ =	vpop @p1 (xrf1)  }
0x2d: {  	v12 =	vperm.xlane v12, v9;
	v13 =	vxor.u32 @p1 $0x80000000, v13  }
0x2e: {  	v8 =	vpsel p1, v13, v8  }
0x2f: {  	v10 =	vperm.xlane v10, v9;
	vm0 =	vgt.s32 v8, v12  }
0x30: {  	v6 =	vpsel p1, v14, v6;
	v8 =	vsel vm0, v12, v8  }
0x31: {  	v6 =	vsel vm0, v10, v6;
	v8 =	vxor.u32 $0x80000000, v8  }
0x32: {  	(xrf1) =	vsort.ascd.msk.u32 $0xffff, v8, v6;
	_ =	sdelay $0xd  }
0x33: {  	v6, v8, _ =	vpop (xrf1)  }
0x34: {  	v6 =	vxor.u32 $0x80000000, v6  }
0x35: {  	v10 =	vxor.u32 @p1 $0x80000000, v11;
	v6 =	vperm.xlane v6, v9  }
0x36: {  	v5 =	vpsel p1, v10, v5  }
0x37: {  	v8 =	vperm.xlane v8, v9;
	vm15 =	vgt.s32 v5, v6  }
0x38: {  	v63 =	vsel vm15, v6, v5  }
0x39: {  	v5 =	vsel vm15, v5, v6;
	v6 =	vsel vm15, v8, v7;
	v9 =	vxor.u32 $0x80000000, v63  }
0x3a: {  	v7 =	vsel vm15, v7, v8;
	v5 =	vxor.u32 $0x80000000, v5;
	(xrf1) =	vsort.ascd.msk.u32 $0xffff, v9, v6  }
0x3b: {  	(xrf1) =	vsort.ascd.msk.u32 $0xffff, v5, v7;
	_ =	sdelay $0xc  }
0x3c: {  	v5, v7, _ =	vpop (xrf1)  }
0x3d: {  	v5, v6, _ =	vpop (xrf1)  }
.LBB2_52:
0x3e: {  	[tilespmem:$0x5230] =	vst v7  }
0x3f: {  	[tilespmem:$0x5240] =	vst v6;
	s0 =	sshll.u32 s29, $0xC  }
0x40: {  	_ =	swait.ge [sflag:s20], $0x1000;
	s0 =	sadd.s32 $0xFFFFF000, s0  }
0x41: {  	[sflag:s20] =	ssyncset.done $0x0;
	s0 =	sshrl.u32 s0, $0x3  }
0x42: {  	[sflag:s20] =	ssyncadd.s32 $0xFFFFF000;
	s0 =	sadd.s32 s6, s0  }
0x43: {  	[hbm4b:s0+s2] =	stream.linear.scatter [tilespmem:s18], [sflag:$0x5], $0x1000, $0x38;
	[tilespmem:$0x7280] =	vst v63  }
0x44: {  	s0 =	simm.s32 @!p0 $0x6  }
0x45: {  	_ =	swait.ge @!p0 [sflag:s0], $0x1000  }
0x46: {  	s28 =	sadd.s32 $0x1, s28;
	[sflag:s0] =	ssyncset.done @!p0 $0x0  }
0x47: {  	[sflag:s0] =	ssyncadd.s32 @!p0 $0xFFFFF000;
	p0 =	sne.s32 s28, $0x80  }
.Ltmp4:
0x48: {  	_ = 	snop;
	(pc) =	sbr.rel @!p0 .LBB2_53-.Ltmp4, $2  }
0x49: {  	_ =	sdelay $0x2  }
0x4a: {  	[tilespmem:s22], [sflag:$0x4] =	stream.indirect.gather [hbm4b:s4+s16], $0x80, s21, s16, $0xb8;
	[tilespmem:$0x7280] =	vst v63  }
.LBB2_4:
0x4b: {  	s0 =	sshll.u32 s28, $0x1  }
0x4c: {  	s29 =	sor.u32 s5, s0  }
0x4d: {  	s0 =	sshrl.u32 s29, $0x3  }
0x4e: {  	s1 =	sshll.u32 s28, $0x8;
	s0 =	smul.u32 $0x10400, s0  }
0x4f: {  	s1 =	sand.u32 $0x300, s1  }
0x50: {  	s0 =	sor.u32 s0, s1  }
0x51: {  	_ =	swait.ge [sflag:s12], $0x2080;
	s0 =	sor.u32 $0x80, s0  }
0x52: {  	[sflag:s12] =	ssyncset.done $0x0;
	s0 =	sshrl.u32 s0, $0x3  }
0x53: {  	[sflag:s12] =	ssyncadd.s32 $0xFFFFDF80;
	s0 =	sadd.s32 s3, s0  }
0x54: {  	[tilespmem:s13], [sflag:$0x2] =	stream.strided.gather [hbm4b:s0+s10], $0x2080, s11, s10, $0x38;
	[tilespmem:$0x7280] =	vst v63  }
0x55: {  	s1 =	simm.s32 $0x40;
	v5 =	vld [tilespmem:$0x2000]  }
0x56: {  	v6 =	vld [tilespmem:s1+$0xFFFFFFC0];
	_ =	sdelay $0x2  }
0x57: {  	v7 =	vld [tilespmem:s1+$0x0]  }
0x58: {  	v8 =	vimm.s32 $0x0  }
0x59: {  	v9 =	vor.u32 v0, v8;
	vm0 =	vgt.s32 v6, v5  }
0x5a: {  	v9 =	vsel vm0, v3, v9;
	v10 =	vsel vm0, $0x0, v4  }
0x5b: {  	v8 =	vadd.s32 v8, v10  }
0x5c: {  	vm13 =	vgt.s32 v7, v5;
	v10 =	vor.u32 v0, v8  }
0x5d: {  	v10 =	vsel vm13, v3, v10  }
0x5e: {  	s24 =	simm.s32 $0x0;
	s30 =	simm.s32 $0xC0  }
0x5f: {  	v11 =	vor.u32 s24, v1;
	[tilespmem:v9+s14+$0x0] =	vst.idx.msk $0xffff, v6;
	v6 =	vld [tilespmem:s30+$0xFFFFFFC0]  }
0x60: {  	[tilespmem:v9+s15+$0x0] =	vst.idx.msk $0xffff, v11  }
0x61: {  	v9 =	vld [tilespmem:s1+$0xFFFFFFD0]  }
0x62: {  	v11 =	vsel vm13, $0x0, v4;
	[tilespmem:v10+s14+$0x0] =	vst.idx.msk $0xffff, v7;
	v7 =	vor.u32 s1, v1  }
0x63: {  	[tilespmem:v10+s15+$0x0] =	vst.idx.msk $0xffff, v7;
	v7 =	vadd.s32 v8, v11;
	v11 =	vld [tilespmem:s30+$0x0]  }
0x64: {  	v8 =	vld [tilespmem:s1+$0x10];
	v12 =	vor.u32 v0, v7;
	vm14 =	vgt.s32 v6, v5  }
0x65: {  	v10 =	vimm.s32 $0x200;
	v12 =	vsel vm14, v3, v12  }
0x66: {  	v13 =	vor.u32 v0, v10;
	v15 =	vsel vm14, $0x0, v4;
	vm1 =	vgt.s32 v9, v5  }
0x67: {  	v7 =	vadd.s32 v7, v15;
	v13 =	vsel vm1, v3, v13;
	v14 =	vsel vm1, $0x0, v4  }
0x68: {  	v15 =	vor.u32 v0, v7;
	v10 =	vadd.s32 v10, v14;
	vm4 =	vgt.s32 v11, v5  }
0x69: {  	s31 =	simm.s32 $0x140;
	s7 =	simm.s32 $0x80;
	v14 =	vor.u32 v0, v10;
	vm15 =	vgt.s32 v8, v5;
	v15 =	vsel vm4, v3, v15  }
0x6a: {  	v17 =	vor.u32 s7, v1;
	v14 =	vsel vm15, v3, v14;
	[tilespmem:v12+s14+$0x0] =	vst.idx.msk $0xffff, v6;
	v6 =	vld [tilespmem:s31+$0xFFFFFFC0]  }
0x6b: {  	s25 =	simm.s32 $0x10;
	v18 =	vld [tilespmem:s31+$0x0];
	[tilespmem:v12+s15+$0x0] =	vst.idx.msk $0xffff, v17  }
0x6c: {  	v16 =	vsel vm4, $0x0, v4;
	[tilespmem:v13+s14+$0x0] =	vst.idx.msk $0xffff, v9;
	v9 =	vor.u32 s25, v1  }
0x6d: {  	s8 =	simm.s32 $0x100;
	v7 =	vadd.s32 v7, v16;
	[tilespmem:v13+s15+$0x0] =	vst.idx.msk $0xffff, v9;
	v9 =	vld [tilespmem:s30+$0xFFFFFFD0]  }
0x6e: {  	v21 =	vor.u32 s8, v1;
	v12 =	vsel vm15, $0x0, v4;
	v13 =	vor.u32 v0, v7;
	[tilespmem:v15+s14+$0x0] =	vst.idx.msk $0xffff, v11  }
0x6f: {  	s7 =	simm.s32 $0x50;
	v16 =	vor.u32 s30, v1;
	[tilespmem:v14+s14+$0x0] =	vst.idx.msk $0xffff, v8;
	v8 =	vadd.s32 v10, v12;
	vm5 =	vgt.s32 v6, v5;
	v10 =	vld [tilespmem:s1+$0xFFFFFFE0]  }
0x70: {  	vm6 =	vgt.s32 v18, v5;
	v12 =	vor.u32 s7, v1;
	[tilespmem:v15+s15+$0x0] =	vst.idx.msk $0xffff, v16;
	v11 =	vsel vm5, v3, v13  }
0x71: {  	v13 =	vsel vm5, $0x0, v4;
	[tilespmem:v14+s15+$0x0] =	vst.idx.msk $0xffff, v12;
	v12 =	vimm.s32 $0x400;
	v14 =	vsel vm6, $0x0, v4;
	v17 =	vld [tilespmem:s30+$0x10]  }
0x72: {  	v7 =	vadd.s32 v7, v13;
	v15 =	vld [tilespmem:s1+$0x20];
	v13 =	vor.u32 v0, v8;
	vm7 =	vgt.s32 v9, v5  }
0x73: {  	s0 =	simm.s32 $0x1C0;
	v16 =	vor.u32 v0, v7;
	v14 =	vadd.s32 v7, v14;
	v13 =	vsel vm7, v3, v13  }
0x74: {  	v23 =	vld [tilespmem:s0+$0xFFFFFFC0];
	v7 =	vor.u32 v0, v12;
	v19 =	vsel vm6, v3, v16;
	vm8 =	vgt.s32 v10, v5  }
0x75: {  	v16 =	vsel vm7, $0x0, v4;
	v20 =	vsel vm8, v3, v7;
	v7 =	vsel vm8, $0x0, v4;
	[tilespmem:v11+s14+$0x0] =	vst.idx.msk $0xffff, v6  }
0x76: {  	v6 =	vadd.s32 v8, v16;
	vm10 =	vgt.s32 v17, v5;
	v8 =	vadd.s32 v12, v7  }
0x77: {  	v12 =	vor.u32 v0, v6;
	vm9 =	vgt.s32 v15, v5;
	[tilespmem:v11+s15+$0x0] =	vst.idx.msk $0xffff, v21  }
0x78: {  	s9 =	simm.s32 $0x90;
	v25 =	vimm.s32 $0x600;
	v7 =	vld [tilespmem:s0+$0x0];
	v11 =	vor.u32 v0, v8;
	v16 =	vsel vm10, v3, v12;
	[tilespmem:v13+s14+$0x0] =	vst.idx.msk $0xffff, v9  }
0x79: {  	vm11 =	vgt.s32 v23, v5;
	v24 =	vld [tilespmem:s31+$0xFFFFFFD0];
	v9 =	vor.u32 s9, v1;
	v11 =	vsel vm9, v3, v11;
	[tilespmem:v19+s14+$0x0] =	vst.idx.msk $0xffff, v18  }
0x7a: {  	s23 =	simm.s32 $0x20;
	v21 =	vsel vm9, $0x0, v4;
	v18 =	vor.u32 v0, v25;
	[tilespmem:v13+s15+$0x0] =	vst.idx.msk $0xffff, v9;
	v9 =	vsel vm10, $0x0, v4  }
0x7b: {  	v13 =	vor.u32 v0, v14;
	[tilespmem:v20+s14+$0x0] =	vst.idx.msk $0xffff, v10;
	v12 =	vadd.s32 v6, v9;
	v6 =	vor.u32 s23, v1  }
0x7c: {  	s24 =	simm.s32 $0x60;
	v22 =	vsel vm11, $0x0, v4;
	v13 =	vsel vm11, v3, v13;
	v10 =	vld [tilespmem:s30+$0xFFFFFFE0];
	v9 =	vadd.s32 v8, v21;
	[tilespmem:v20+s15+$0x0] =	vst.idx.msk $0xffff, v6  }
0x7d: {  	v21 =	vor.u32 s24, v1;
	vm12 =	vgt.s32 v7, v5;
	v6 =	vadd.s32 v14, v22;
	[tilespmem:v16+s14+$0x0] =	vst.idx.msk $0xffff, v17;
	v14 =	vld [tilespmem:s1+$0xFFFFFFF0]  }
0x7e: {  	s25 =	simm.s32 $0xD0;
	v8 =	vor.u32 v0, v12;
	v17 =	vsel vm12, $0x0, v4;
	vm13 =	vgt.s32 v24, v5;
	[tilespmem:v11+s14+$0x0] =	vst.idx.msk $0xffff, v15  }
0x7f: {  	v22 =	vor.u32 v0, v6;
	v20 =	vsel vm13, v3, v8;
	v8 =	vor.u32 s25, v1;
	[tilespmem:v11+s15+$0x0] =	vst.idx.msk $0xffff, v21  }
0x80: {  	v6 =	vadd.s32 v6, v17;
	v15 =	vor.u32 v0, v9;
	[tilespmem:v16+s15+$0x0] =	vst.idx.msk $0xffff, v8;
	v16 =	vld [tilespmem:s1+$0x30]  }
0x81: {  	v17 =	vor.u32 s31, v1;
	v11 =	vsel vm12, v3, v22;
	vm14 =	vgt.s32 v10, v5  }
0x82: {  	s8 =	simm.s32 $0x180;
	s7 =	simm.s32 $0x1C0;
	v21 =	vsel vm13, $0x0, v4;
	[tilespmem:v19+s15+$0x0] =	vst.idx.msk $0xffff, v17;
	v8 =	vld [tilespmem:s30+$0x20];
	v15 =	vsel vm14, v3, v15;
	vm15 =	vgt.s32 v14, v5  }
0x83: {  	s9 =	simm.s32 $0x110;
	s23 =	simm.s32 $0x6;
	s24 =	simm.s32 $0x240;
	v22 =	vor.u32 s8, v1;
	[tilespmem:v13+s14+$0x0] =	vst.idx.msk $0xffff, v23;
	v17 =	vld [tilespmem:s31+$0x10];
	v19 =	vsel vm14, $0x0, v4;
	v26 =	vsel vm15, $0x0, v4  }
0x84: {  	s25 =	simm.s32 $0x70;
	s8 =	simm.s32 $0x140;
	v23 =	vsel vm15, v3, v18;
	[tilespmem:v20+s14+$0x0] =	vst.idx.msk $0xffff, v24;
	v24 =	vor.u32 s9, v1;
	s9 =	simm.s32 $0xC0;
	v18 =	vadd.s32 v25, v26  }
.LBB2_5:
0x85: {  	s23 =	sadd.s32 $0x2, s23;
	[tilespmem:v20+s15+$0x0] =	vst.idx.msk $0xffff, v24;
	vm0 =	vgt.s32 v16, v5;
	v20 =	vor.u32 v0, v18;
	v24 =	vor.u32 s25, v1  }
0x86: {  	v12 =	vadd.s32 v12, v21;
	v9 =	vadd.s32 v9, v19;
	s25 =	sadd.s32 $0xFFFFFFF0, s1;
	s1 =	smov.u32 s30;
	v25 =	vld [tilespmem:s24+$0xFFFFFFC0];
	p0 =	slt.u32 s23, $0x7E;
	v19 =	vsel vm0, v3, v20  }
0x87: {  	s30 =	smov.u32 s31;
	s31 =	smov.u32 s0;
	v20 =	vor.u32 v0, v12;
	[tilespmem:v15+s14+$0x0] =	vst.idx.msk $0xffff, v10;
	vm1 =	vgt.s32 v8, v5;
	v10 =	vor.u32 s25, v1  }
0x88: {  	v26 =	vld [tilespmem:s24+$0x0];
	[tilespmem:v13+s15+$0x0] =	vst.idx.msk $0xffff, v22;
	vm2 =	vgt.s32 v17, v5;
	v13 =	vor.u32 v0, v9;
	v21 =	vsel vm1, $0x0, v4  }
0x89: {  	v27 =	vld [tilespmem:s7+$0xFFFFFFD0];
	v28 =	vsel vm2, v3, v20;
	v20 =	vsel vm2, $0x0, v4;
	v22 =	vsel vm1, v3, v13;
	[tilespmem:v23+s14+$0x0] =	vst.idx.msk $0xffff, v14  }
0x8a: {  	s25 =	sadd.s32 $0xFFFFFFE0, s1;
	v13 =	vor.u32 v0, v6;
	v14 =	vsel vm0, $0x0, v4;
	v12 =	vadd.s32 v12, v20;
	[tilespmem:v23+s15+$0x0] =	vst.idx.msk $0xffff, v10  }
0x8b: {  	v20 =	vor.u32 s25, v1;
	v18 =	vadd.s32 v18, v14;
	vm0 =	vgt.s32 v25, v5;
	v10 =	vld [tilespmem:s8+$0xFFFFFFE0];
	[tilespmem:v19+s14+$0x0] =	vst.idx.msk $0xffff, v16  }
0x8c: {  	v9 =	vadd.s32 v9, v21;
	s25 =	sadd.s32 $0x20, s1;
	v13 =	vsel vm0, v3, v13;
	v14 =	vsel vm0, $0x0, v4;
	[tilespmem:v19+s15+$0x0] =	vst.idx.msk $0xffff, v24  }
0x8d: {  	v16 =	vor.u32 v0, v12;
	vm0 =	vgt.s32 v26, v5;
	[tilespmem:v15+s15+$0x0] =	vst.idx.msk $0xffff, v20;
	v15 =	vor.u32 s25, v1  }
0x8e: {  	s0 =	sadd.s32 $0x80, s0;
	v6 =	vadd.s32 v6, v14;
	s25 =	sadd.s32 $0x10, s30;
	v19 =	vsel vm0, $0x0, v4;
	vm1 =	vgt.s32 v27, v5;
	[tilespmem:v28+s14+$0x0] =	vst.idx.msk $0xffff, v17;
	v14 =	vld [tilespmem:s9+$0xFFFFFFF0]  }
0x8f: {  	v17 =	vor.u32 v0, v6;
	v23 =	vor.u32 s25, v1;
	v6 =	vadd.s32 v6, v19;
	[tilespmem:v22+s14+$0x0] =	vst.idx.msk $0xffff, v8  }
0x90: {  	s25 =	sadd.s32 $0xFFFFFFC0, s0;
	v17 =	vsel vm0, v3, v17;
	v20 =	vsel vm1, v3, v16;
	v21 =	vsel vm1, $0x0, v4;
	[tilespmem:v22+s15+$0x0] =	vst.idx.msk $0xffff, v15  }
.Ltmp5:
0x91: {  	v24 =	vor.u32 v0, v9;
	v22 =	vor.u32 s25, v1;
	vm0 =	vgt.s32 v10, v5;
	[tilespmem:v11+s14+$0x0] =	vst.idx.msk $0xffff, v7;
	v16 =	vld [tilespmem:s9+$0x30];
	s9 =	smov.u32 s8;
	s8 =	smov.u32 s7;
	(pc) =	sbr.rel @p0 .LBB2_5-.Ltmp5, $4  }
0x92: {  	v8 =	vor.u32 s31, v1;
	v15 =	vsel vm0, v3, v24;
	v19 =	vsel vm0, $0x0, v4;
	v7 =	vmovc v26;
	s7 =	smov.u32 s24;
	[tilespmem:v28+s15+$0x0] =	vst.idx.msk $0xffff, v23  }
0x93: {  	v23 =	vor.u32 v0, v18;
	[tilespmem:v11+s15+$0x0] =	vst.idx.msk $0xffff, v8;
	v8 =	vld [tilespmem:s9+$0x20];
	vm0 =	vgt.s32 v14, v5;
	v11 =	vmov v17  }
0x94: {  	s25 =	sadd.s32 $0xFFFFFFD0, s31;
	[tilespmem:v13+s14+$0x0] =	vst.idx.msk $0xffff, v25;
	v17 =	vld [tilespmem:s8+$0x10];
	v23 =	vsel vm0, v3, v23;
	v25 =	vsel vm0, $0x0, v4  }
0x95: {  	s24 =	sadd.s32 $0x80, s24;
	v24 =	vor.u32 s25, v1;
	s25 =	sadd.s32 $0x30, s1;
	[tilespmem:v20+s14+$0x0] =	vst.idx.msk $0xffff, v27;
	v18 =	vadd.s32 v18, v25  }
0x96: {  	_ =	sdelay $0x3  }
0x97: {  	[tilespmem:v13+s15+$0x0] =	vst.idx.msk $0xffff, v22  }
0x98: {  	v22 =	vld [tilespmem:s7+$0xFFFFFFD0]  }
0x99: {  	vm1 =	vgt.s32 v16, v5;
	v12 =	vadd.s32 v12, v21;
	[tilespmem:v11+s14+$0x0] =	vst.idx.msk $0xffff, v7;
	v7 =	vor.u32 s0, v1  }
0x9a: {  	v21 =	vor.u32 v0, v12;
	[tilespmem:v11+s15+$0x0] =	vst.idx.msk $0xffff, v7;
	vm0 =	vgt.s32 v17, v5  }
0x9b: {  	v26 =	vor.u32 v0, v18;
	v27 =	vld [tilespmem:s7+$0x10];
	v11 =	vsel vm0, v3, v21;
	v7 =	vsel vm0, $0x0, v4  }
0x9c: {  	s1 =	sadd.s32 $0xFFFFFFF0, s1;
	[tilespmem:v15+s14+$0x0] =	vst.idx.msk $0xffff, v10;
	v13 =	vsel vm1, v3, v26;
	v7 =	vadd.s32 v12, v7  }
0x9d: {  	[tilespmem:v23+s14+$0x0] =	vst.idx.msk $0xffff, v14;
	v10 =	vor.u32 s1, v1;
	v12 =	vor.u32 v0, v7;
	vm4 =	vgt.s32 v22, v5  }
0x9e: {  	[tilespmem:v23+s15+$0x0] =	vst.idx.msk $0xffff, v10;
	v10 =	vsel vm4, v3, v12;
	v28 =	vsel vm4, $0x0, v4  }
0x9f: {  	[tilespmem:v20+s15+$0x0] =	vst.idx.msk $0xffff, v24;
	s23 =	sadd.s32 $0x10, s31;
	v33 =	vor.u32 s25, v1;
	v7 =	vadd.s32 v7, v28  }
0xa0: {  	v29 =	vor.u32 s23, v1;
	v30 =	vld [tilespmem:s8+$0xFFFFFFE0];
	vm5 =	vgt.s32 v27, v5;
	[tilespmem:v11+s14+$0x0] =	vst.idx.msk $0xffff, v17;
	v31 =	vor.u32 v0, v7  }
0xa1: {  	s24 =	sadd.s32 $0xFFFFFFE0, s30;
	v9 =	vadd.s32 v9, v19;
	v6 =	vxor.u32 $0x80000000, v6;
	[tilespmem:v11+s15+$0x0] =	vst.idx.msk $0xffff, v29;
	v11 =	vsel vm5, v3, v31  }
0xa2: {  	s25 =	sadd.s32 $0xFFFFFFD0, s0;
	v32 =	vor.u32 s24, v1;
	v35 =	vor.u32 v0, v9;
	vm2 =	vgt.s32 v8, v5;
	[tilespmem:v13+s14+$0x0] =	vst.idx.msk $0xffff, v16;
	v34 =	vld [tilespmem:s8+$0x20]  }
0xa3: {  	v37 =	vor.u32 s25, v1;
	v38 =	vsel vm1, $0x0, v4;
	v36 =	vsel vm2, $0x0, v4;
	[tilespmem:v10+s14+$0x0] =	vst.idx.msk $0xffff, v22  }
0xa4: {  	s23 =	sadd.s32 $0x10, s0;
	(xrf0) =	vmax.scan.msk.u32 $0xffff, v6;
	v9 =	vadd.s32 v9, v36;
	v16 =	vsel vm2, v3, v35;
	[tilespmem:v10+s15+$0x0] =	vst.idx.msk $0xffff, v37  }
0xa5: {  	[tilespmem:v15+s15+$0x0] =	vst.idx.msk $0xffff, v32;
	v42 =	vor.u32 s23, v1;
	v40 =	vor.u32 v0, v9;
	vm6 =	vgt.s32 v30, v5;
	v19 =	vld [tilespmem:s7+$0xFFFFFFE0]  }
0xa6: {  	v41 =	vsel vm6, $0x0, v4;
	v10 =	vadd.s32 v18, v38;
	v18 =	vsel vm6, v3, v40;
	[tilespmem:v11+s14+$0x0] =	vst.idx.msk $0xffff, v27  }
0xa7: {  	v39 =	vld [tilespmem:s9+$0xFFFFFFF0];
	v9 =	vadd.s32 v9, v41;
	vm7 =	vgt.s32 v34, v5;
	[tilespmem:v11+s15+$0x0] =	vst.idx.msk $0xffff, v42  }
0xa8: {  	s24 =	sadd.s32 $0x20, s30;
	[tilespmem:v13+s15+$0x0] =	vst.idx.msk $0xffff, v33;
	v11 =	vor.u32 v0, v9;
	v43 =	vsel vm7, $0x0, v4;
	v44 =	vld [tilespmem:s7+$0x20]  }
0xa9: {  	s25 =	sadd.s32 $0xFFFFFFE0, s31;
	v6 =	vor.u32 s24, v1;
	[tilespmem:v16+s14+$0x0] =	vst.idx.msk $0xffff, v8;
	v8 =	vsel vm7, v3, v11;
	v9 =	vadd.s32 v9, v43  }
0xaa: {  	v46 =	vor.u32 s25, v1;
	v48, _, _ =	vpop (xrf0);
	[tilespmem:v16+s15+$0x0] =	vst.idx.msk $0xffff, v6;
	vm9 =	vgt.s32 v19, v5;
	v11 =	vor.u32 v0, v9  }
0xab: {  	(v2sf) =	vpush v48, $0xF;
	v16 =	vld [tilespmem:s9+$0x30];
	[tilespmem:v18+s14+$0x0] =	vst.idx.msk $0xffff, v30;
	v11 =	vsel vm9, v3, v11;
	v45 =	vsel vm9, $0x0, v4  }
0xac: {  	[tilespmem:v18+s15+$0x0] =	vst.idx.msk $0xffff, v46;
	v9 =	vadd.s32 v9, v45  }
0xad: {  	vm8 =	vgt.s32 v39, v5;
	s9 =	sadd.s32 $0x20, s31;
	v18 =	vld [tilespmem:s8+$0xFFFFFFF0];
	vm10 =	vgt.s32 v44, v5;
	v12 =	vor.u32 v0, v9  }
0xae: {  	v6 =	vor.u32 v0, v10;
	v47 =	vor.u32 s9, v1;
	[tilespmem:v8+s14+$0x0] =	vst.idx.msk $0xffff, v34;
	v12 =	vsel vm10, v3, v12  }
0xaf: {  	s23 =	sadd.s32 $0xFFFFFFE0, s0;
	v49 =	vsel vm8, $0x0, v4;
	v6 =	vsel vm8, v3, v6;
	[tilespmem:v8+s15+$0x0] =	vst.idx.msk $0xffff, v47  }
0xb0: {  	v50 =	vor.u32 s23, v1;
	vm11 =	vgt.s32 v16, v5;
	v8 =	vadd.s32 v10, v49;
	v10 =	vld [tilespmem:s8+$0x30];
	[tilespmem:v11+s14+$0x0] =	vst.idx.msk $0xffff, v19  }
0xb1: {  	v52 =	vsel vm11, $0x0, v4;
	[tilespmem:v11+s15+$0x0] =	vst.idx.msk $0xffff, v50  }
0xb2: {  	s24 =	sadd.s32 $0x20, s0;
	v51 =	vor.u32 v0, v8;
	v8 =	vadd.s32 v8, v52;
	vm12 =	vgt.s32 v18, v5;
	v53 =	vld [tilespmem:s7+$0xFFFFFFF0]  }
0xb3: {  	v54 =	vor.u32 s24, v1;
	v56 =	vor.u32 v0, v8;
	v11 =	vsel vm11, v3, v51;
	[tilespmem:v12+s14+$0x0] =	vst.idx.msk $0xffff, v44  }
0xb4: {  	s25 =	sadd.s32 $0xFFFFFFF0, s30;
	v57 =	vsel vm12, $0x0, v4;
	v58 =	vsel vm12, v3, v56;
	[tilespmem:v12+s15+$0x0] =	vst.idx.msk $0xffff, v54  }
0xb5: {  	v55 =	vor.u32 s25, v1;
	[tilespmem:v6+s14+$0x0] =	vst.idx.msk $0xffff, v39;
	v8 =	vadd.s32 v8, v57;
	vm13 =	vgt.s32 v10, v5;
	v14 =	vld [tilespmem:s7+$0x30]  }
0xb6: {  	[tilespmem:v6+s15+$0x0] =	vst.idx.msk $0xffff, v55;
	v6 =	vor.u32 v0, v8;
	v59 =	vsel vm13, $0x0, v4  }
0xb7: {  	v6 =	vsel vm13, v3, v6;
	v8 =	vadd.s32 v8, v59;
	vm14 =	vgt.s32 v53, v5  }
0xb8: {  	s9 =	sadd.s32 $0x30, s30;
	[tilespmem:v11+s14+$0x0] =	vst.idx.msk $0xffff, v16;
	v61 =	vor.u32 v0, v8;
	v62 =	vsel vm14, $0x0, v4  }
0xb9: {  	s23 =	sadd.s32 $0xFFFFFFF0, s31;
	v60 =	vor.u32 s9, v1;
	[tilespmem:v58+s14+$0x0] =	vst.idx.msk $0xffff, v18;
	v63 =	vsel vm14, v3, v61;
	v8 =	vadd.s32 v8, v62  }
0xba: {  	s24 =	sadd.s32 $0x30, s31;
	s30 =	spop (v2sf);
	[tilespmem:v11+s15+$0x0] =	vst.idx.msk $0xffff, v60;
	v11 =	vor.u32 s23, v1;
	vm15 =	vgt.s32 v14, v5;
	v5 =	vor.u32 v0, v8  }
0xbb: {  	s25 =	sadd.s32 $0xFFFFFFF0, s0;
	s31 =	sadd.s32 $0x30, s0;
	s0 =	sshra.s32 s30, $0x4;
	[tilespmem:v58+s15+$0x0] =	vst.idx.msk $0xffff, v11;
	v5 =	vsel vm15, v3, v5  }
0xbc: {  	p0 =	sgt.s32 s0, $0xFFFFFFFF;
	v11 =	vor.u32 s24, v1;
	[tilespmem:v6+s14+$0x0] =	vst.idx.msk $0xffff, v10  }
.Ltmp6:
0xbd: {  	[tilespmem:v6+s15+$0x0] =	vst.idx.msk $0xffff, v11;
	(pc) =	sbr.rel @!p0 .LBB2_8-.Ltmp6, $4  }
0xbe: {  	v10 =	vor.u32 s25, v1;
	v6 =	vsel vm5, $0x0, v4;
	[tilespmem:v63+s14+$0x0] =	vst.idx.msk $0xffff, v53  }
0xbf: {  	v11 =	vadd.s32 v7, v6;
	v6 =	vsel vm10, $0x0, v4;
	[tilespmem:v63+s15+$0x0] =	vst.idx.msk $0xffff, v10  }
0xc0: {  	v7 =	vsel vm15, $0x0, v4;
	v10 =	vadd.s32 v9, v6;
	v6 =	vor.u32 s31, v1;
	[tilespmem:v5+s14+$0x0] =	vst.idx.msk $0xffff, v14  }
0xc1: {  	v9 =	vadd.s32 v8, v7;
	v8 =	vimm.s32 $0x7FFFFFFF;
	[tilespmem:v5+s15+$0x0] =	vst.idx.msk $0xffff, v6;
	v6 =	vlaneseq.u32  }
.Ltmp7:
0xc2: {  	(pc) =	sbr.rel .LBB2_10-.Ltmp7, $2  }
0xc3: {  	_ =	sdelay $0x2  }
0xc4: {  	v5 =	vimm.s32 $0x7FFFFFFF;
	v7 =	vlaneseq.u32  }
.LBB2_8:
0xc5: {  	s8 =	simm.s32 $0x0;
	s1 =	simm.s32 $0x4100;
	s7 =	simm.s32 $0x4980;
	v7 =	vlaneseq.u32;
	v5 =	vimm.s32 $0x7FFFFFFF  }
.LBB2_9:
0xc6: {  	v12 =	vld [tilespmem:s1+$0x0]  }
0xc7: {  	v13 =	vld [tilespmem:s7+$0x0];
	_ =	sdelay $0x3  }
0xc8: {  	v12 =	vxor.u32 $0x80000000, v12  }
0xc9: {  	(xrf1) =	vsort.ascd.msk.u32 $0xffff, v12, v13;
	_ =	sdelay $0xc  }
0xca: {  	v61 =	vmul.u32 $0xFFFFFFFF, v0  }
0xcb: {  	v13, v14, _ =	vpop (xrf1)  }
0xcc: {  	v12 =	vadd.s32 $0xF, v61;
	v13 =	vxor.u32 $0x80000000, v13  }
0xcd: {  	v13 =	vperm.xlane v13, v12;
	_ =	sdelay $0x1  }
0xce: {  	v14 =	vperm.xlane v14, v12;
	vm0 =	vgt.s32 v8, v13  }
0xcf: {  	v8 =	vsel vm0, v13, v8  }
0xd0: {  	v6 =	vsel vm0, v14, v6;
	v8 =	vxor.u32 $0x80000000, v8  }
0xd1: {  	(xrf1) =	vsort.ascd.msk.u32 $0xffff, v8, v6;
	_ =	sdelay $0xd  }
0xd2: {  	v6, v8, _ =	vpop (xrf1)  }
0xd3: {  	v6 =	vxor.u32 $0x80000000, v6  }
0xd4: {  	v6 =	vperm.xlane v6, v12;
	_ =	sdelay $0x1  }
0xd5: {  	v8 =	vperm.xlane v8, v12;
	vm15 =	vgt.s32 v5, v6  }
0xd6: {  	v62 =	vsel vm15, v6, v5  }
0xd7: {  	v63 =	vsel vm15, v8, v7;
	v5 =	vsel vm15, v5, v6;
	v6 =	vxor.u32 $0x80000000, v62  }
0xd8: {  	v7 =	vsel vm15, v7, v8;
	v5 =	vxor.u32 $0x80000000, v5;
	(xrf1) =	vsort.ascd.msk.u32 $0xffff, v6, v63  }
0xd9: {  	(xrf1) =	vsort.ascd.msk.u32 $0xffff, v5, v7;
	_ =	sdelay $0x8  }
0xda: {  	s9 =	sxor.u32 s8, s0  }
0xdb: {  	p0 =	sne.s32 s9, $0xF8000000  }
.Ltmp8:
0xdc: {  	_ = 	snop;
	(pc) =	sbr.rel @p0 .LBB2_9-.Ltmp8, $4  }
0xdd: {  	_ = 	snop  }
0xde: {  	v5, v7, _ =	vpop (xrf1)  }
0xdf: {  	v8, v6, _ =	vpop (xrf1)  }
0xe0: {  	[tilespmem:s1+$0x0] =	vst v2;
	s8 =	sadd.s32 $0x1, s8;
	s1 =	sadd.s32 $0x10, s1;
	s7 =	sadd.s32 $0x10, s7;
	v5 =	vxor.u32 $0x80000000, v5;
	v8 =	vxor.u32 $0x80000000, v8  }
.LBB2_10:
0xe1: {  	v11 =	vxor.u32 $0x80000000, v11  }
0xe2: {  	(xrf0) =	vmax.scan.msk.u32 $0xffff, v11;
	_ =	sdelay $0x5  }
0xe3: {  	v11, _, _ =	vpop (xrf0)  }
0xe4: {  	(v2sf) =	vpush v11, $0xF;
	_ =	sdelay $0xe  }
0xe5: {  	s0 =	spop (v2sf)  }
0xe6: {  	s0 =	sadd.s32 $0x7FFFFE00, s0  }
0xe7: {  	s0 =	sshra.s32 s0, $0x4  }
0xe8: {  	p0 =	slt.s32 s0, $0x0  }
.Ltmp9:
0xe9: {  	_ = 	snop;
	(pc) =	sbr.rel @p0 .LBB2_16-.Ltmp9, $1  }
0xea: {  	_ =	sdelay $0x3  }
0xeb: {  	s1 =	simm.s32 $0x0  }
0xec: {  	s7 =	sand.u32 $0xFFFFFFF0, s1  }
0xed: {  	v11 =	vld [tilespmem:s7+$0x4300]  }
0xee: {  	v12 =	vld [tilespmem:s7+$0x4B80];
	_ =	sdelay $0x3  }
0xef: {  	v11 =	vxor.u32 $0x80000000, v11  }
0xf0: {  	(xrf1) =	vsort.ascd.msk.u32 $0xffff, v11, v12;
	_ =	sdelay $0x8  }
0xf1: {  	s0 =	sadd.s32 $0x1, s0  }
0xf2: {  	p1 =	sne.s32 s0, $0x1  }
.Ltmp10:
0xf3: {  	_ = 	snop;
	(pc) =	sbr.rel @!p1 .LBB2_12-.Ltmp10, $4  }
0xf4: {  	_ = 	snop  }
0xf5: {  	v11 =	vmul.u32 $0xFFFFFFFF, v0  }
0xf6: {  	v13, v12, _ =	vpop (xrf1)  }
0xf7: {  	p0 =	por $0x0, $0x0;
	s1 =	sadd.s32 $0xFFFFFFFF, s0;
	[tilespmem:s7+$0x4300] =	vst v2;
	v11 =	vadd.s32 $0xF, v11;
	v14 =	vxor.u32 $0x80000000, v13  }
0xf8: {  	v13 =	vperm.xlane v14, v11;
	_ =	sdelay $0x1  }
0xf9: {  	v12 =	vperm.xlane v12, v11;
	vm0 =	vgt.s32 v8, v13  }
0xfa: {  	v13 =	vsel vm0, v13, v8  }
0xfb: {  	v12 =	vsel vm0, v12, v6;
	v13 =	vxor.u32 $0x80000000, v13  }
0xfc: {  	(xrf1) =	vsort.ascd.msk.u32 $0xffff, v13, v12;
	_ =	sdelay $0x5  }
0xfd: {  	s0 =	simm.s32 $0x10  }
0xfe: {  	s7 =	sand.u32 $0xFFFFFFF0, s0  }
0xff: {  	v12 =	vld [tilespmem:s7+$0x4300]  }
0x100: {  	v15 =	vld [tilespmem:s7+$0x4B80];
	_ =	sdelay $0x3  }
0x101: {  	v12 =	vxor.u32 $0x80000000, v12  }
0x102: {  	v13, v14, _ =	vpop (xrf1);
	(xrf1) =	vsort.ascd.msk.u32 $0xffff, v12, v15;
	_ =	sdelay $0x3  }
0x103: {  	v13 =	vxor.u32 $0x80000000, v13  }
0x104: {  	v13 =	vperm.xlane v13, v11;
	_ =	sdelay $0x1  }
0x105: {  	v14 =	vperm.xlane v14, v11;
	vm15 =	vgt.s32 v5, v13  }
0x106: {  	v16 =	vsel vm15, v13, v5  }
0x107: {  	v12 =	vsel vm15, v14, v7;
	v15 =	vxor.u32 $0x80000000, v16  }
0x108: {  	(xrf1) =	vsort.ascd.msk.u32 $0xffff, v15, v12;
	v12 =	vsel vm15, v5, v13;
	_ =	sdelay $0x2  }
0x109: {  	v7 =	vsel vm15, v7, v14;
	v13 =	vxor.u32 $0x80000000, v12  }
0x10a: {  	v14, v12, _ =	vpop (xrf1);
	(xrf1) =	vsort.ascd.msk.u32 $0xffff, v13, v7;
	_ =	sdelay $0x7  }
0x10b: {  	p1 =	sne.s32 s1, $0x1  }
.Ltmp11:
0x10c: {  	_ = 	snop;
	(pc) =	sbr.rel @!p1 .LBB2_15-.Ltmp11, $2  }
0x10d: {  	_ =	sdelay $0x2  }
0x10e: {  	s1 =	sadd.s32 $0xFFFFFFFF, s1;
	p0 =	por $0x1, $0x1;
	[tilespmem:s7+$0x4300] =	vst v2;
	v14 =	vxor.u32 $0x80000000, v14;
	v13, v7, _ =	vpop (xrf1)  }
.LBB2_14:
0x10f: {  	p1 =	sne.s32 s1, $0x1;
	s1 =	sadd.s32 $0xFFFFFFFF, s1;
	v14 =	vperm.xlane v14, v11;
	v13 =	vxor.u32 $0x80000000, v13;
	v16, v15, _ =	vpop (xrf1)  }
0x110: {  	v16 =	vxor.u32 $0x80000000, v16  }
0x111: {  	v12 =	vperm.xlane v12, v11;
	vm0 =	vgt.s32 v16, v14  }
0x112: {  	v14 =	vsel vm0, v14, v16  }
0x113: {  	v12 =	vsel vm0, v12, v15;
	v14 =	vxor.u32 $0x80000000, v14  }
0x114: {  	(xrf1) =	vsort.ascd.msk.u32 $0xffff, v14, v12;
	_ =	sdelay $0xb  }
0x115: {  	s0 =	sadd.s32 $0x10, s0  }
0x116: {  	s7 =	sand.u32 $0xFFFFFFF0, s0  }
0x117: {  	v12 =	vld [tilespmem:s7+$0x4300];
	v14, v15, _ =	vpop (xrf1)  }
0x118: {  	v16 =	vld [tilespmem:s7+$0x4B80];
	[tilespmem:s7+$0x4300] =	vst v2;
	v14 =	vxor.u32 $0x80000000, v14  }
0x119: {  	v14 =	vperm.xlane v14, v11;
	_ =	sdelay $0x1  }
0x11a: {  	v15 =	vperm.xlane v15, v11;
	vm0 =	vgt.s32 v13, v14  }
0x11b: {  	v12 =	vxor.u32 $0x80000000, v12;
	v17 =	vsel vm0, v14, v13;
	v13 =	vsel vm0, v13, v14  }
0x11c: {  	(xrf1) =	vsort.ascd.msk.u32 $0xffff, v12, v16;
	v12 =	vsel vm0, v15, v7;
	v14 =	vxor.u32 $0x80000000, v17;
	v13 =	vxor.u32 $0x80000000, v13  }
0x11d: {  	v7 =	vsel vm0, v7, v15;
	(xrf1) =	vsort.ascd.msk.u32 $0xffff, v14, v12  }
0x11e: {  	(xrf1) =	vsort.ascd.msk.u32 $0xffff, v13, v7;
	_ =	sdelay $0x8  }
.Ltmp12:
0x11f: {  	(pc) =	sbr.rel @p1 .LBB2_14-.Ltmp12, $3  }
0x120: {  	_ =	sdelay $0x1  }
0x121: {  	v15, v12, _ =	vpop (xrf1)  }
0x122: {  	v14 =	vxor.u32 $0x80000000, v15;
	v13, v7, _ =	vpop (xrf1)  }
.LBB2_15:
0x123: {  	v15, v16, _ =	vpop @p0 (xrf1)  }
0x124: {  	v14 =	vperm.xlane v14, v11;
	v15 =	vxor.u32 @p0 $0x80000000, v15  }
0x125: {  	v8 =	vpsel p0, v15, v8  }
0x126: {  	v12 =	vperm.xlane v12, v11;
	vm0 =	vgt.s32 v8, v14  }
0x127: {  	v6 =	vpsel p0, v16, v6;
	v8 =	vsel vm0, v14, v8  }
0x128: {  	v6 =	vsel vm0, v12, v6;
	v8 =	vxor.u32 $0x80000000, v8  }
0x129: {  	(xrf1) =	vsort.ascd.msk.u32 $0xffff, v8, v6;
	_ =	sdelay $0xd  }
0x12a: {  	v6, v8, _ =	vpop (xrf1)  }
0x12b: {  	v6 =	vxor.u32 $0x80000000, v6  }
0x12c: {  	v12 =	vxor.u32 @p0 $0x80000000, v13;
	v6 =	vperm.xlane v6, v11  }
0x12d: {  	v5 =	vpsel p0, v12, v5  }
0x12e: {  	v8 =	vperm.xlane v8, v11;
	vm15 =	vgt.s32 v5, v6  }
0x12f: {  	v11 =	vsel vm15, v6, v5  }
0x130: {  	v5 =	vsel vm15, v5, v6;
	v6 =	vsel vm15, v8, v7;
	v11 =	vxor.u32 $0x80000000, v11  }
0x131: {  	v7 =	vsel vm15, v7, v8;
	v5 =	vxor.u32 $0x80000000, v5;
	(xrf1) =	vsort.ascd.msk.u32 $0xffff, v11, v6  }
0x132: {  	(xrf1) =	vsort.ascd.msk.u32 $0xffff, v5, v7;
	_ =	sdelay $0xc  }
0x133: {  	v5, v7, _ =	vpop (xrf1)  }
0x134: {  	v8, v6, _ =	vpop (xrf1)  }
0x135: {  	v5 =	vxor.u32 $0x80000000, v5;
	v8 =	vxor.u32 $0x80000000, v8  }
.LBB2_16:
0x136: {  	v10 =	vxor.u32 $0x80000000, v10  }
0x137: {  	(xrf0) =	vmax.scan.msk.u32 $0xffff, v10;
	_ =	sdelay $0x5  }
0x138: {  	v10, _, _ =	vpop (xrf0)  }
0x139: {  	(v2sf) =	vpush v10, $0xF;
	_ =	sdelay $0xe  }
0x13a: {  	s0 =	spop (v2sf)  }
0x13b: {  	s0 =	sadd.s32 $0x7FFFFC00, s0  }
0x13c: {  	s0 =	sshra.s32 s0, $0x4  }
0x13d: {  	p0 =	slt.s32 s0, $0x0  }
.Ltmp13:
0x13e: {  	_ = 	snop;
	(pc) =	sbr.rel @p0 .LBB2_22-.Ltmp13, $1  }
0x13f: {  	_ =	sdelay $0x3  }
0x140: {  	s1 =	simm.s32 $0x0  }
0x141: {  	s7 =	sand.u32 $0xFFFFFFF0, s1  }
0x142: {  	v10 =	vld [tilespmem:s7+$0x4500]  }
0x143: {  	v11 =	vld [tilespmem:s7+$0x4D80];
	_ =	sdelay $0x3  }
0x144: {  	v10 =	vxor.u32 $0x80000000, v10  }
0x145: {  	(xrf1) =	vsort.ascd.msk.u32 $0xffff, v10, v11;
	_ =	sdelay $0x8  }
0x146: {  	s0 =	sadd.s32 $0x1, s0  }
0x147: {  	p1 =	sne.s32 s0, $0x1  }
.Ltmp14:
0x148: {  	_ = 	snop;
	(pc) =	sbr.rel @!p1 .LBB2_18-.Ltmp14, $4  }
0x149: {  	_ = 	snop  }
0x14a: {  	v10 =	vmul.u32 $0xFFFFFFFF, v0  }
0x14b: {  	v12, v11, _ =	vpop (xrf1)  }
0x14c: {  	p0 =	por $0x0, $0x0;
	s1 =	sadd.s32 $0xFFFFFFFF, s0;
	[tilespmem:s7+$0x4500] =	vst v2;
	v10 =	vadd.s32 $0xF, v10;
	v13 =	vxor.u32 $0x80000000, v12  }
0x14d: {  	v12 =	vperm.xlane v13, v10;
	_ =	sdelay $0x1  }
0x14e: {  	v11 =	vperm.xlane v11, v10;
	vm0 =	vgt.s32 v8, v12  }
0x14f: {  	v12 =	vsel vm0, v12, v8  }
0x150: {  	v11 =	vsel vm0, v11, v6;
	v12 =	vxor.u32 $0x80000000, v12  }
0x151: {  	(xrf1) =	vsort.ascd.msk.u32 $0xffff, v12, v11;
	_ =	sdelay $0x5  }
0x152: {  	s0 =	simm.s32 $0x10  }
0x153: {  	s7 =	sand.u32 $0xFFFFFFF0, s0  }
0x154: {  	v11 =	vld [tilespmem:s7+$0x4500]  }
0x155: {  	v14 =	vld [tilespmem:s7+$0x4D80];
	_ =	sdelay $0x3  }
0x156: {  	v11 =	vxor.u32 $0x80000000, v11  }
0x157: {  	v12, v13, _ =	vpop (xrf1);
	(xrf1) =	vsort.ascd.msk.u32 $0xffff, v11, v14;
	_ =	sdelay $0x3  }
0x158: {  	v12 =	vxor.u32 $0x80000000, v12  }
0x159: {  	v12 =	vperm.xlane v12, v10;
	_ =	sdelay $0x1  }
0x15a: {  	v13 =	vperm.xlane v13, v10;
	vm15 =	vgt.s32 v5, v12  }
0x15b: {  	v15 =	vsel vm15, v12, v5  }
0x15c: {  	v11 =	vsel vm15, v13, v7;
	v14 =	vxor.u32 $0x80000000, v15  }
0x15d: {  	(xrf1) =	vsort.ascd.msk.u32 $0xffff, v14, v11;
	v11 =	vsel vm15, v5, v12;
	_ =	sdelay $0x2  }
0x15e: {  	v7 =	vsel vm15, v7, v13;
	v12 =	vxor.u32 $0x80000000, v11  }
0x15f: {  	v13, v11, _ =	vpop (xrf1);
	(xrf1) =	vsort.ascd.msk.u32 $0xffff, v12, v7;
	_ =	sdelay $0x7  }
0x160: {  	p1 =	sne.s32 s1, $0x1  }
.Ltmp15:
0x161: {  	_ = 	snop;
	(pc) =	sbr.rel @!p1 .LBB2_21-.Ltmp15, $2  }
0x162: {  	_ =	sdelay $0x2  }
0x163: {  	s1 =	sadd.s32 $0xFFFFFFFF, s1;
	p0 =	por $0x1, $0x1;
	[tilespmem:s7+$0x4500] =	vst v2;
	v13 =	vxor.u32 $0x80000000, v13;
	v12, v7, _ =	vpop (xrf1)  }
.LBB2_20:
0x164: {  	p1 =	sne.s32 s1, $0x1;
	s1 =	sadd.s32 $0xFFFFFFFF, s1;
	v13 =	vperm.xlane v13, v10;
	v12 =	vxor.u32 $0x80000000, v12;
	v15, v14, _ =	vpop (xrf1)  }
0x165: {  	v15 =	vxor.u32 $0x80000000, v15  }
0x166: {  	v11 =	vperm.xlane v11, v10;
	vm0 =	vgt.s32 v15, v13  }
0x167: {  	v13 =	vsel vm0, v13, v15  }
0x168: {  	v11 =	vsel vm0, v11, v14;
	v13 =	vxor.u32 $0x80000000, v13  }
0x169: {  	(xrf1) =	vsort.ascd.msk.u32 $0xffff, v13, v11;
	_ =	sdelay $0xb  }
0x16a: {  	s0 =	sadd.s32 $0x10, s0  }
0x16b: {  	s7 =	sand.u32 $0xFFFFFFF0, s0  }
0x16c: {  	v11 =	vld [tilespmem:s7+$0x4500];
	v13, v14, _ =	vpop (xrf1)  }
0x16d: {  	v15 =	vld [tilespmem:s7+$0x4D80];
	[tilespmem:s7+$0x4500] =	vst v2;
	v13 =	vxor.u32 $0x80000000, v13  }
0x16e: {  	v13 =	vperm.xlane v13, v10;
	_ =	sdelay $0x1  }
0x16f: {  	v14 =	vperm.xlane v14, v10;
	vm0 =	vgt.s32 v12, v13  }
0x170: {  	v11 =	vxor.u32 $0x80000000, v11;
	v16 =	vsel vm0, v13, v12;
	v12 =	vsel vm0, v12, v13  }
0x171: {  	(xrf1) =	vsort.ascd.msk.u32 $0xffff, v11, v15;
	v11 =	vsel vm0, v14, v7;
	v13 =	vxor.u32 $0x80000000, v16;
	v12 =	vxor.u32 $0x80000000, v12  }
0x172: {  	v7 =	vsel vm0, v7, v14;
	(xrf1) =	vsort.ascd.msk.u32 $0xffff, v13, v11  }
0x173: {  	(xrf1) =	vsort.ascd.msk.u32 $0xffff, v12, v7;
	_ =	sdelay $0x8  }
.Ltmp16:
0x174: {  	(pc) =	sbr.rel @p1 .LBB2_20-.Ltmp16, $3  }
0x175: {  	_ =	sdelay $0x1  }
0x176: {  	v14, v11, _ =	vpop (xrf1)  }
0x177: {  	v13 =	vxor.u32 $0x80000000, v14;
	v12, v7, _ =	vpop (xrf1)  }
.LBB2_21:
0x178: {  	v14, v15, _ =	vpop @p0 (xrf1)  }
0x179: {  	v13 =	vperm.xlane v13, v10;
	v14 =	vxor.u32 @p0 $0x80000000, v14  }
0x17a: {  	v8 =	vpsel p0, v14, v8  }
0x17b: {  	v11 =	vperm.xlane v11, v10;
	vm0 =	vgt.s32 v8, v13  }
0x17c: {  	v6 =	vpsel p0, v15, v6;
	v8 =	vsel vm0, v13, v8  }
0x17d: {  	v6 =	vsel vm0, v11, v6;
	v8 =	vxor.u32 $0x80000000, v8  }
0x17e: {  	(xrf1) =	vsort.ascd.msk.u32 $0xffff, v8, v6;
	_ =	sdelay $0xd  }
0x17f: {  	v6, v8, _ =	vpop (xrf1)  }
0x180: {  	v6 =	vxor.u32 $0x80000000, v6  }
0x181: {  	v11 =	vxor.u32 @p0 $0x80000000, v12;
	v6 =	vperm.xlane v6, v10  }
0x182: {  	v5 =	vpsel p0, v11, v5  }
0x183: {  	v8 =	vperm.xlane v8, v10;
	vm15 =	vgt.s32 v5, v6  }
0x184: {  	v10 =	vsel vm15, v6, v5  }
0x185: {  	v5 =	vsel vm15, v5, v6;
	v6 =	vsel vm15, v8, v7;
	v10 =	vxor.u32 $0x80000000, v10  }
0x186: {  	v7 =	vsel vm15, v7, v8;
	v5 =	vxor.u32 $0x80000000, v5;
	(xrf1) =	vsort.ascd.msk.u32 $0xffff, v10, v6  }
0x187: {  	(xrf1) =	vsort.ascd.msk.u32 $0xffff, v5, v7;
	_ =	sdelay $0xc  }
0x188: {  	v5, v7, _ =	vpop (xrf1)  }
0x189: {  	v8, v6, _ =	vpop (xrf1)  }
0x18a: {  	v5 =	vxor.u32 $0x80000000, v5;
	v8 =	vxor.u32 $0x80000000, v8  }
.LBB2_22:
0x18b: {  	v9 =	vxor.u32 $0x80000000, v9  }
0x18c: {  	(xrf0) =	vmax.scan.msk.u32 $0xffff, v9;
	_ =	sdelay $0x5  }
0x18d: {  	v9, _, _ =	vpop (xrf0)  }
0x18e: {  	(v2sf) =	vpush v9, $0xF;
	_ =	sdelay $0xe  }
0x18f: {  	s0 =	spop (v2sf)  }
0x190: {  	s0 =	sadd.s32 $0x7FFFFA00, s0  }
0x191: {  	s0 =	sshra.s32 s0, $0x4  }
0x192: {  	p0 =	slt.s32 s0, $0x0  }
.Ltmp17:
0x193: {  	_ = 	snop;
	(pc) =	sbr.rel @p0 .LBB2_28-.Ltmp17, $1  }
0x194: {  	_ =	sdelay $0x3  }
0x195: {  	s1 =	simm.s32 $0x0  }
0x196: {  	s7 =	sand.u32 $0xFFFFFFF0, s1  }
0x197: {  	v9 =	vld [tilespmem:s7+$0x4700]  }
0x198: {  	v10 =	vld [tilespmem:s7+$0x4F80];
	_ =	sdelay $0x3  }
0x199: {  	v9 =	vxor.u32 $0x80000000, v9  }
0x19a: {  	(xrf1) =	vsort.ascd.msk.u32 $0xffff, v9, v10;
	_ =	sdelay $0x8  }
0x19b: {  	s0 =	sadd.s32 $0x1, s0  }
0x19c: {  	p1 =	sne.s32 s0, $0x1  }
.Ltmp18:
0x19d: {  	_ = 	snop;
	(pc) =	sbr.rel @!p1 .LBB2_24-.Ltmp18, $4  }
0x19e: {  	_ = 	snop  }
0x19f: {  	v9 =	vmul.u32 $0xFFFFFFFF, v0  }
0x1a0: {  	v11, v10, _ =	vpop (xrf1)  }
0x1a1: {  	p0 =	por $0x0, $0x0;
	s1 =	sadd.s32 $0xFFFFFFFF, s0;
	[tilespmem:s7+$0x4700] =	vst v2;
	v9 =	vadd.s32 $0xF, v9;
	v12 =	vxor.u32 $0x80000000, v11  }
0x1a2: {  	v11 =	vperm.xlane v12, v9;
	_ =	sdelay $0x1  }
0x1a3: {  	v10 =	vperm.xlane v10, v9;
	vm0 =	vgt.s32 v8, v11  }
0x1a4: {  	v11 =	vsel vm0, v11, v8  }
0x1a5: {  	v10 =	vsel vm0, v10, v6;
	v11 =	vxor.u32 $0x80000000, v11  }
0x1a6: {  	(xrf1) =	vsort.ascd.msk.u32 $0xffff, v11, v10;
	_ =	sdelay $0x5  }
0x1a7: {  	s0 =	simm.s32 $0x10  }
0x1a8: {  	s7 =	sand.u32 $0xFFFFFFF0, s0  }
0x1a9: {  	v10 =	vld [tilespmem:s7+$0x4700]  }
0x1aa: {  	v13 =	vld [tilespmem:s7+$0x4F80];
	_ =	sdelay $0x3  }
0x1ab: {  	v10 =	vxor.u32 $0x80000000, v10  }
0x1ac: {  	v11, v12, _ =	vpop (xrf1);
	(xrf1) =	vsort.ascd.msk.u32 $0xffff, v10, v13;
	_ =	sdelay $0x3  }
0x1ad: {  	v11 =	vxor.u32 $0x80000000, v11  }
0x1ae: {  	v11 =	vperm.xlane v11, v9;
	_ =	sdelay $0x1  }
0x1af: {  	v12 =	vperm.xlane v12, v9;
	vm15 =	vgt.s32 v5, v11  }
0x1b0: {  	v14 =	vsel vm15, v11, v5  }
0x1b1: {  	v10 =	vsel vm15, v12, v7;
	v13 =	vxor.u32 $0x80000000, v14  }
0x1b2: {  	(xrf1) =	vsort.ascd.msk.u32 $0xffff, v13, v10;
	v10 =	vsel vm15, v5, v11;
	_ =	sdelay $0x2  }
0x1b3: {  	v7 =	vsel vm15, v7, v12;
	v11 =	vxor.u32 $0x80000000, v10  }
0x1b4: {  	v12, v10, _ =	vpop (xrf1);
	(xrf1) =	vsort.ascd.msk.u32 $0xffff, v11, v7;
	_ =	sdelay $0x7  }
0x1b5: {  	p1 =	sne.s32 s1, $0x1  }
.Ltmp19:
0x1b6: {  	_ = 	snop;
	(pc) =	sbr.rel @!p1 .LBB2_27-.Ltmp19, $2  }
0x1b7: {  	_ =	sdelay $0x2  }
0x1b8: {  	s1 =	sadd.s32 $0xFFFFFFFF, s1;
	p0 =	por $0x1, $0x1;
	[tilespmem:s7+$0x4700] =	vst v2;
	v12 =	vxor.u32 $0x80000000, v12;
	v11, v7, _ =	vpop (xrf1)  }
.LBB2_26:
0x1b9: {  	p1 =	sne.s32 s1, $0x1;
	s1 =	sadd.s32 $0xFFFFFFFF, s1;
	v12 =	vperm.xlane v12, v9;
	v11 =	vxor.u32 $0x80000000, v11;
	v14, v13, _ =	vpop (xrf1)  }
0x1ba: {  	v14 =	vxor.u32 $0x80000000, v14  }
0x1bb: {  	v10 =	vperm.xlane v10, v9;
	vm0 =	vgt.s32 v14, v12  }
0x1bc: {  	v12 =	vsel vm0, v12, v14  }
0x1bd: {  	v10 =	vsel vm0, v10, v13;
	v12 =	vxor.u32 $0x80000000, v12  }
0x1be: {  	(xrf1) =	vsort.ascd.msk.u32 $0xffff, v12, v10;
	_ =	sdelay $0xb  }
0x1bf: {  	s0 =	sadd.s32 $0x10, s0  }
0x1c0: {  	s7 =	sand.u32 $0xFFFFFFF0, s0  }
0x1c1: {  	v10 =	vld [tilespmem:s7+$0x4700];
	v12, v13, _ =	vpop (xrf1)  }
0x1c2: {  	v14 =	vld [tilespmem:s7+$0x4F80];
	[tilespmem:s7+$0x4700] =	vst v2;
	v12 =	vxor.u32 $0x80000000, v12  }
0x1c3: {  	v12 =	vperm.xlane v12, v9;
	_ =	sdelay $0x1  }
0x1c4: {  	v13 =	vperm.xlane v13, v9;
	vm0 =	vgt.s32 v11, v12  }
0x1c5: {  	v10 =	vxor.u32 $0x80000000, v10;
	v15 =	vsel vm0, v12, v11;
	v11 =	vsel vm0, v11, v12  }
0x1c6: {  	(xrf1) =	vsort.ascd.msk.u32 $0xffff, v10, v14;
	v10 =	vsel vm0, v13, v7;
	v12 =	vxor.u32 $0x80000000, v15;
	v11 =	vxor.u32 $0x80000000, v11  }
0x1c7: {  	v7 =	vsel vm0, v7, v13;
	(xrf1) =	vsort.ascd.msk.u32 $0xffff, v12, v10  }
0x1c8: {  	(xrf1) =	vsort.ascd.msk.u32 $0xffff, v11, v7;
	_ =	sdelay $0x8  }
.Ltmp20:
0x1c9: {  	(pc) =	sbr.rel @p1 .LBB2_26-.Ltmp20, $3  }
0x1ca: {  	_ =	sdelay $0x1  }
0x1cb: {  	v13, v10, _ =	vpop (xrf1)  }
0x1cc: {  	v12 =	vxor.u32 $0x80000000, v13;
	v11, v7, _ =	vpop (xrf1)  }
.LBB2_27:
0x1cd: {  	v13, v14, _ =	vpop @p0 (xrf1)  }
0x1ce: {  	v12 =	vperm.xlane v12, v9;
	v13 =	vxor.u32 @p0 $0x80000000, v13  }
0x1cf: {  	v8 =	vpsel p0, v13, v8  }
0x1d0: {  	v10 =	vperm.xlane v10, v9;
	vm0 =	vgt.s32 v8, v12  }
0x1d1: {  	v6 =	vpsel p0, v14, v6;
	v8 =	vsel vm0, v12, v8  }
0x1d2: {  	v6 =	vsel vm0, v10, v6;
	v8 =	vxor.u32 $0x80000000, v8  }
0x1d3: {  	(xrf1) =	vsort.ascd.msk.u32 $0xffff, v8, v6;
	_ =	sdelay $0xd  }
0x1d4: {  	v6, v8, _ =	vpop (xrf1)  }
0x1d5: {  	v6 =	vxor.u32 $0x80000000, v6  }
0x1d6: {  	v10 =	vxor.u32 @p0 $0x80000000, v11;
	v6 =	vperm.xlane v6, v9  }
0x1d7: {  	v5 =	vpsel p0, v10, v5  }
0x1d8: {  	v8 =	vperm.xlane v8, v9;
	vm15 =	vgt.s32 v5, v6  }
0x1d9: {  	v63 =	vsel vm15, v6, v5  }
0x1da: {  	v5 =	vsel vm15, v5, v6;
	v6 =	vsel vm15, v8, v7;
	v9 =	vxor.u32 $0x80000000, v63  }
0x1db: {  	v7 =	vsel vm15, v7, v8;
	v5 =	vxor.u32 $0x80000000, v5;
	(xrf1) =	vsort.ascd.msk.u32 $0xffff, v9, v6  }
0x1dc: {  	(xrf1) =	vsort.ascd.msk.u32 $0xffff, v5, v7;
	_ =	sdelay $0xc  }
0x1dd: {  	v5, v7, _ =	vpop (xrf1)  }
0x1de: {  	v5, v6, _ =	vpop (xrf1)  }
.LBB2_28:
0x1df: {  	[tilespmem:$0x5200] =	vst v7;
	p0 =	seq.s32 s28, $0x0  }
0x1e0: {  	[tilespmem:$0x5210] =	vst v6;
	s0 =	simm.s32 @!p0 $0x4  }
0x1e1: {  	s1 =	sshll.u32 @!p0 s29, $0xC;
	_ =	swait.ge @!p0 [sflag:s0], $0x1000  }
0x1e2: {  	s1 =	sadd.s32 @!p0 $0xFFFFF000, s1;
	[sflag:s0] =	ssyncset.done @!p0 $0x0  }
0x1e3: {  	[sflag:s0] =	ssyncadd.s32 @!p0 $0xFFFFF000;
	s0 =	sshrl.u32 @!p0 s1, $0x3  }
0x1e4: {  	s7 =	simm.s32 @!p0 $0x6280;
	s1 =	simm.s32 @!p0 $0x0;
	s0 =	sadd.s32 @!p0 s6, s0  }
0x1e5: {  	[hbm4b:s0+s1] =	stream.linear.scatter @!p0 [tilespmem:s7], [sflag:$0x6], $0x1000, $0x38;
	[tilespmem:$0x7280] =	vst v63  }
0x1e6: {  	s0 =	simm.s32 @!p0 $0x5  }
0x1e7: {  	s29 =	sor.u32 $0x1, s29;
	_ =	swait.ge @!p0 [sflag:s0], $0x1000  }
0x1e8: {  	s8 =	smin.u32 s29, $0x1FFE;
	[sflag:s0] =	ssyncset.done @!p0 $0x0  }
0x1e9: {  	[sflag:s0] =	ssyncadd.s32 @!p0 $0xFFFFF000;
	s0 =	sadd.s32 $0x1, s8  }
0x1ea: {  	[tilespmem:s18], [sflag:$0x3] =	stream.indirect.gather [hbm4b:s4+s16], $0x80, s17, s16, $0xb8;
	[tilespmem:$0x7280] =	vst v63  }
0x1eb: {  	s9 =	sshrl.u32 s0, $0x3  }
0x1ec: {  	s0 =	sshll.u32 s0, $0x7;
	s1 =	smul.u32 $0x10400, s9  }
0x1ed: {  	s0 =	sand.u32 $0x380, s0  }
0x1ee: {  	_ =	swait.ge [sflag:s19], $0x2080;
	s0 =	sor.u32 s0, s1  }
0x1ef: {  	[sflag:s19] =	ssyncset.done $0x0;
	s0 =	sshrl.u32 s0, $0x3  }
0x1f0: {  	[sflag:s19] =	ssyncadd.s32 $0xFFFFDF80;
	s0 =	sadd.s32 s3, s0  }
0x1f1: {  	[tilespmem:s2], [sflag:$0x1] =	stream.strided.gather [hbm4b:s0+s10], $0x2080, s11, s10, $0x38;
	[tilespmem:$0x7280] =	vst v63  }
0x1f2: {  	s8 =	simm.s32 $0x20F0;
	v5 =	vld [tilespmem:$0x4080]  }
0x1f3: {  	v6 =	vld [tilespmem:s8+$0xFFFFFF90];
	_ =	sdelay $0x2  }
0x1f4: {  	v7 =	vld [tilespmem:s8+$0xFFFFFFD0]  }
0x1f5: {  	v8 =	vimm.s32 $0x0  }
0x1f6: {  	v9 =	vor.u32 v0, v8;
	vm0 =	vgt.s32 v6, v5  }
0x1f7: {  	v9 =	vsel vm0, v3, v9;
	v10 =	vsel vm0, $0x0, v4  }
0x1f8: {  	v8 =	vadd.s32 v8, v10  }
0x1f9: {  	vm13 =	vgt.s32 v7, v5;
	v10 =	vor.u32 v0, v8  }
0x1fa: {  	v10 =	vsel vm13, v3, v10  }
0x1fb: {  	s23 =	simm.s32 $0x0;
	s0 =	simm.s32 $0x2170  }
0x1fc: {  	v11 =	vor.u32 s23, v1;
	[tilespmem:v9+s14+$0x0] =	vst.idx.msk $0xffff, v6;
	v6 =	vld [tilespmem:s0+$0xFFFFFF90]  }
0x1fd: {  	[tilespmem:v9+s15+$0x0] =	vst.idx.msk $0xffff, v11  }
0x1fe: {  	s9 =	simm.s32 $0x40;
	v9 =	vld [tilespmem:s8+$0xFFFFFFA0]  }
0x1ff: {  	v11 =	vsel vm13, $0x0, v4;
	[tilespmem:v10+s14+$0x0] =	vst.idx.msk $0xffff, v7;
	v7 =	vor.u32 s9, v1  }
0x200: {  	[tilespmem:v10+s15+$0x0] =	vst.idx.msk $0xffff, v7;
	v7 =	vadd.s32 v8, v11;
	v11 =	vld [tilespmem:s0+$0xFFFFFFD0]  }
0x201: {  	v8 =	vld [tilespmem:s8+$0xFFFFFFE0];
	v12 =	vor.u32 v0, v7;
	vm14 =	vgt.s32 v6, v5  }
0x202: {  	v10 =	vimm.s32 $0x200;
	v12 =	vsel vm14, v3, v12  }
0x203: {  	v13 =	vor.u32 v0, v10;
	v15 =	vsel vm14, $0x0, v4;
	vm1 =	vgt.s32 v9, v5  }
0x204: {  	v7 =	vadd.s32 v7, v15;
	v13 =	vsel vm1, v3, v13;
	v14 =	vsel vm1, $0x0, v4  }
0x205: {  	s31 =	simm.s32 $0x21F0;
	v15 =	vor.u32 v0, v7;
	v10 =	vadd.s32 v10, v14;
	vm4 =	vgt.s32 v11, v5  }
0x206: {  	s25 =	simm.s32 $0x80;
	v18 =	vld [tilespmem:s31+$0xFFFFFFD0];
	v14 =	vor.u32 v0, v10;
	vm15 =	vgt.s32 v8, v5;
	v15 =	vsel vm4, v3, v15  }
0x207: {  	v17 =	vor.u32 s25, v1;
	v14 =	vsel vm15, v3, v14;
	[tilespmem:v12+s14+$0x0] =	vst.idx.msk $0xffff, v6;
	v6 =	vld [tilespmem:s31+$0xFFFFFF90]  }
0x208: {  	s24 =	simm.s32 $0x10;
	[tilespmem:v12+s15+$0x0] =	vst.idx.msk $0xffff, v17  }
0x209: {  	v16 =	vsel vm4, $0x0, v4;
	[tilespmem:v13+s14+$0x0] =	vst.idx.msk $0xffff, v9;
	v9 =	vor.u32 s24, v1  }
0x20a: {  	v7 =	vadd.s32 v7, v16;
	[tilespmem:v13+s15+$0x0] =	vst.idx.msk $0xffff, v9;
	v9 =	vld [tilespmem:s0+$0xFFFFFFA0]  }
0x20b: {  	s30 =	simm.s32 $0xC0;
	vm6 =	vgt.s32 v18, v5;
	v12 =	vsel vm15, $0x0, v4;
	v13 =	vor.u32 v0, v7;
	[tilespmem:v15+s14+$0x0] =	vst.idx.msk $0xffff, v11  }
0x20c: {  	s23 =	simm.s32 $0x50;
	v16 =	vor.u32 s30, v1;
	s24 =	simm.s32 $0x100;
	[tilespmem:v14+s14+$0x0] =	vst.idx.msk $0xffff, v8;
	v8 =	vadd.s32 v10, v12;
	vm5 =	vgt.s32 v6, v5;
	v10 =	vld [tilespmem:s8+$0xFFFFFFB0]  }
0x20d: {  	v21 =	vor.u32 s24, v1;
	v12 =	vor.u32 s23, v1;
	[tilespmem:v15+s15+$0x0] =	vst.idx.msk $0xffff, v16;
	v11 =	vsel vm5, v3, v13  }
0x20e: {  	v13 =	vsel vm5, $0x0, v4;
	[tilespmem:v14+s15+$0x0] =	vst.idx.msk $0xffff, v12;
	v12 =	vimm.s32 $0x400;
	v14 =	vsel vm6, $0x0, v4;
	v17 =	vld [tilespmem:s0+$0xFFFFFFE0]  }
0x20f: {  	v7 =	vadd.s32 v7, v13;
	v15 =	vld [tilespmem:s8+$0xFFFFFFF0];
	v13 =	vor.u32 v0, v8;
	vm7 =	vgt.s32 v9, v5  }
0x210: {  	s1 =	simm.s32 $0x2270;
	v16 =	vor.u32 v0, v7;
	v14 =	vadd.s32 v7, v14;
	v13 =	vsel vm7, v3, v13  }
0x211: {  	v23 =	vld [tilespmem:s1+$0xFFFFFF90];
	v7 =	vor.u32 v0, v12;
	v19 =	vsel vm6, v3, v16;
	vm8 =	vgt.s32 v10, v5  }
0x212: {  	v16 =	vsel vm7, $0x0, v4;
	v20 =	vsel vm8, v3, v7;
	v7 =	vsel vm8, $0x0, v4;
	[tilespmem:v11+s14+$0x0] =	vst.idx.msk $0xffff, v6  }
0x213: {  	v6 =	vadd.s32 v8, v16;
	vm10 =	vgt.s32 v17, v5;
	v8 =	vadd.s32 v12, v7  }
0x214: {  	v12 =	vor.u32 v0, v6;
	vm9 =	vgt.s32 v15, v5;
	[tilespmem:v11+s15+$0x0] =	vst.idx.msk $0xffff, v21  }
0x215: {  	v25 =	vimm.s32 $0x600;
	s25 =	simm.s32 $0x90;
	v7 =	vld [tilespmem:s1+$0xFFFFFFD0];
	v11 =	vor.u32 v0, v8;
	v16 =	vsel vm10, v3, v12;
	[tilespmem:v13+s14+$0x0] =	vst.idx.msk $0xffff, v9  }
0x216: {  	vm11 =	vgt.s32 v23, v5;
	v24 =	vld [tilespmem:s31+$0xFFFFFFA0];
	v9 =	vor.u32 s25, v1;
	v11 =	vsel vm9, v3, v11;
	[tilespmem:v19+s14+$0x0] =	vst.idx.msk $0xffff, v18  }
0x217: {  	s23 =	simm.s32 $0x20;
	v21 =	vsel vm9, $0x0, v4;
	v18 =	vor.u32 v0, v25;
	[tilespmem:v13+s15+$0x0] =	vst.idx.msk $0xffff, v9;
	v9 =	vsel vm10, $0x0, v4  }
0x218: {  	v13 =	vor.u32 v0, v14;
	[tilespmem:v20+s14+$0x0] =	vst.idx.msk $0xffff, v10;
	v12 =	vadd.s32 v6, v9;
	v6 =	vor.u32 s23, v1  }
0x219: {  	v22 =	vsel vm11, $0x0, v4;
	s24 =	simm.s32 $0x60;
	v13 =	vsel vm11, v3, v13;
	v10 =	vld [tilespmem:s0+$0xFFFFFFB0];
	v9 =	vadd.s32 v8, v21;
	[tilespmem:v20+s15+$0x0] =	vst.idx.msk $0xffff, v6  }
0x21a: {  	v21 =	vor.u32 s24, v1;
	vm12 =	vgt.s32 v7, v5;
	v6 =	vadd.s32 v14, v22;
	[tilespmem:v16+s14+$0x0] =	vst.idx.msk $0xffff, v17;
	v14 =	vld [tilespmem:s8+$0xFFFFFFC0]  }
0x21b: {  	s23 =	simm.s32 $0xD0;
	v8 =	vor.u32 v0, v12;
	v17 =	vsel vm12, $0x0, v4;
	vm13 =	vgt.s32 v24, v5;
	[tilespmem:v11+s14+$0x0] =	vst.idx.msk $0xffff, v15  }
0x21c: {  	v22 =	vor.u32 v0, v6;
	v20 =	vsel vm13, v3, v8;
	v8 =	vor.u32 s23, v1;
	[tilespmem:v11+s15+$0x0] =	vst.idx.msk $0xffff, v21  }
0x21d: {  	s7 =	simm.s32 $0x140;
	v6 =	vadd.s32 v6, v17;
	v15 =	vor.u32 v0, v9;
	[tilespmem:v16+s15+$0x0] =	vst.idx.msk $0xffff, v8;
	v16 =	vld [tilespmem:s8+$0x0]  }
0x21e: {  	v17 =	vor.u32 s7, v1;
	v11 =	vsel vm12, v3, v22;
	vm14 =	vgt.s32 v10, v5  }
0x21f: {  	s25 =	simm.s32 $0x180;
	v21 =	vsel vm13, $0x0, v4;
	[tilespmem:v19+s15+$0x0] =	vst.idx.msk $0xffff, v17;
	v8 =	vld [tilespmem:s0+$0xFFFFFFF0];
	v15 =	vsel vm14, v3, v15;
	vm15 =	vgt.s32 v14, v5  }
0x220: {  	s24 =	simm.s32 $0x22F0;
	v22 =	vor.u32 s25, v1;
	s25 =	simm.s32 $0x110;
	[tilespmem:v13+s14+$0x0] =	vst.idx.msk $0xffff, v23;
	v17 =	vld [tilespmem:s31+$0xFFFFFFE0];
	v19 =	vsel vm14, $0x0, v4;
	v26 =	vsel vm15, $0x0, v4  }
0x221: {  	s23 =	simm.s32 $0x6;
	s8 =	simm.s32 $0x1C0;
	v23 =	vsel vm15, v3, v18;
	[tilespmem:v20+s14+$0x0] =	vst.idx.msk $0xffff, v24;
	v24 =	vor.u32 s25, v1;
	s25 =	simm.s32 $0x70;
	v18 =	vadd.s32 v25, v26  }
.LBB2_29:
0x222: {  	s23 =	sadd.s32 $0x2, s23;
	[tilespmem:v20+s15+$0x0] =	vst.idx.msk $0xffff, v24;
	vm0 =	vgt.s32 v16, v5;
	v20 =	vor.u32 v0, v18;
	v24 =	vor.u32 s25, v1  }
0x223: {  	v12 =	vadd.s32 v12, v21;
	v9 =	vadd.s32 v9, v19;
	s25 =	sadd.s32 $0xFFFFFFF0, s9;
	s9 =	smov.u32 s30;
	v25 =	vld [tilespmem:s24+$0xFFFFFF90];
	p1 =	slt.u32 s23, $0x7E;
	v19 =	vsel vm0, v3, v20  }
0x224: {  	s30 =	smov.u32 s7;
	s7 =	smov.u32 s8;
	v20 =	vor.u32 v0, v12;
	[tilespmem:v15+s14+$0x0] =	vst.idx.msk $0xffff, v10;
	vm1 =	vgt.s32 v8, v5;
	v10 =	vor.u32 s25, v1  }
0x225: {  	v26 =	vld [tilespmem:s24+$0xFFFFFFD0];
	[tilespmem:v13+s15+$0x0] =	vst.idx.msk $0xffff, v22;
	vm2 =	vgt.s32 v17, v5;
	v13 =	vor.u32 v0, v9;
	v21 =	vsel vm1, $0x0, v4  }
0x226: {  	v27 =	vld [tilespmem:s1+$0xFFFFFFA0];
	v28 =	vsel vm2, v3, v20;
	v20 =	vsel vm2, $0x0, v4;
	v22 =	vsel vm1, v3, v13;
	[tilespmem:v23+s14+$0x0] =	vst.idx.msk $0xffff, v14  }
0x227: {  	s25 =	sadd.s32 $0xFFFFFFE0, s9;
	v13 =	vor.u32 v0, v6;
	v14 =	vsel vm0, $0x0, v4;
	v12 =	vadd.s32 v12, v20;
	[tilespmem:v23+s15+$0x0] =	vst.idx.msk $0xffff, v10  }
0x228: {  	v20 =	vor.u32 s25, v1;
	v18 =	vadd.s32 v18, v14;
	vm0 =	vgt.s32 v25, v5;
	v10 =	vld [tilespmem:s31+$0xFFFFFFB0];
	[tilespmem:v19+s14+$0x0] =	vst.idx.msk $0xffff, v16  }
0x229: {  	v9 =	vadd.s32 v9, v21;
	s25 =	sadd.s32 $0x20, s9;
	v13 =	vsel vm0, v3, v13;
	v14 =	vsel vm0, $0x0, v4;
	[tilespmem:v19+s15+$0x0] =	vst.idx.msk $0xffff, v24  }
0x22a: {  	v16 =	vor.u32 v0, v12;
	vm0 =	vgt.s32 v26, v5;
	[tilespmem:v15+s15+$0x0] =	vst.idx.msk $0xffff, v20;
	v15 =	vor.u32 s25, v1  }
0x22b: {  	s8 =	sadd.s32 $0x80, s8;
	v6 =	vadd.s32 v6, v14;
	s25 =	sadd.s32 $0x10, s30;
	v19 =	vsel vm0, $0x0, v4;
	vm1 =	vgt.s32 v27, v5;
	[tilespmem:v28+s14+$0x0] =	vst.idx.msk $0xffff, v17;
	v14 =	vld [tilespmem:s0+$0xFFFFFFC0]  }
0x22c: {  	v17 =	vor.u32 v0, v6;
	v23 =	vor.u32 s25, v1;
	v6 =	vadd.s32 v6, v19;
	[tilespmem:v22+s14+$0x0] =	vst.idx.msk $0xffff, v8  }
0x22d: {  	s25 =	sadd.s32 $0xFFFFFFC0, s8;
	v17 =	vsel vm0, v3, v17;
	v20 =	vsel vm1, v3, v16;
	v21 =	vsel vm1, $0x0, v4;
	[tilespmem:v22+s15+$0x0] =	vst.idx.msk $0xffff, v15  }
.Ltmp21:
0x22e: {  	v24 =	vor.u32 v0, v9;
	v22 =	vor.u32 s25, v1;
	vm0 =	vgt.s32 v10, v5;
	[tilespmem:v11+s14+$0x0] =	vst.idx.msk $0xffff, v7;
	v16 =	vld [tilespmem:s0+$0x0];
	s0 =	smov.u32 s31;
	s31 =	smov.u32 s1;
	(pc) =	sbr.rel @p1 .LBB2_29-.Ltmp21, $4  }
0x22f: {  	v8 =	vor.u32 s7, v1;
	v15 =	vsel vm0, v3, v24;
	v19 =	vsel vm0, $0x0, v4;
	v7 =	vmovc v26;
	s1 =	smov.u32 s24;
	[tilespmem:v28+s15+$0x0] =	vst.idx.msk $0xffff, v23  }
0x230: {  	v23 =	vor.u32 v0, v18;
	[tilespmem:v11+s15+$0x0] =	vst.idx.msk $0xffff, v8;
	v8 =	vld [tilespmem:s0+$0xFFFFFFF0];
	vm0 =	vgt.s32 v14, v5;
	v11 =	vmov v17  }
0x231: {  	s25 =	sadd.s32 $0xFFFFFFD0, s7;
	[tilespmem:v13+s14+$0x0] =	vst.idx.msk $0xffff, v25;
	v17 =	vld [tilespmem:s31+$0xFFFFFFE0];
	v23 =	vsel vm0, v3, v23;
	v25 =	vsel vm0, $0x0, v4  }
0x232: {  	s24 =	sadd.s32 $0x80, s24;
	v24 =	vor.u32 s25, v1;
	s25 =	sadd.s32 $0x30, s9;
	[tilespmem:v20+s14+$0x0] =	vst.idx.msk $0xffff, v27;
	v18 =	vadd.s32 v18, v25  }
0x233: {  	_ =	sdelay $0x3  }
0x234: {  	[tilespmem:v13+s15+$0x0] =	vst.idx.msk $0xffff, v22  }
0x235: {  	v22 =	vld [tilespmem:s1+$0xFFFFFFA0]  }
0x236: {  	vm1 =	vgt.s32 v16, v5;
	v12 =	vadd.s32 v12, v21;
	[tilespmem:v11+s14+$0x0] =	vst.idx.msk $0xffff, v7;
	v7 =	vor.u32 s8, v1  }
0x237: {  	v21 =	vor.u32 v0, v12;
	[tilespmem:v11+s15+$0x0] =	vst.idx.msk $0xffff, v7;
	vm0 =	vgt.s32 v17, v5  }
0x238: {  	v26 =	vor.u32 v0, v18;
	v27 =	vld [tilespmem:s1+$0xFFFFFFE0];
	v11 =	vsel vm0, v3, v21;
	v7 =	vsel vm0, $0x0, v4  }
0x239: {  	s9 =	sadd.s32 $0xFFFFFFF0, s9;
	[tilespmem:v15+s14+$0x0] =	vst.idx.msk $0xffff, v10;
	v13 =	vsel vm1, v3, v26;
	v7 =	vadd.s32 v12, v7  }
0x23a: {  	[tilespmem:v23+s14+$0x0] =	vst.idx.msk $0xffff, v14;
	v10 =	vor.u32 s9, v1;
	v12 =	vor.u32 v0, v7;
	vm4 =	vgt.s32 v22, v5  }
0x23b: {  	[tilespmem:v23+s15+$0x0] =	vst.idx.msk $0xffff, v10;
	v10 =	vsel vm4, v3, v12;
	v28 =	vsel vm4, $0x0, v4  }
0x23c: {  	[tilespmem:v20+s15+$0x0] =	vst.idx.msk $0xffff, v24;
	s23 =	sadd.s32 $0x10, s7;
	v33 =	vor.u32 s25, v1;
	v7 =	vadd.s32 v7, v28  }
0x23d: {  	v29 =	vor.u32 s23, v1;
	v30 =	vld [tilespmem:s31+$0xFFFFFFB0];
	vm5 =	vgt.s32 v27, v5;
	[tilespmem:v11+s14+$0x0] =	vst.idx.msk $0xffff, v17;
	v31 =	vor.u32 v0, v7  }
0x23e: {  	s24 =	sadd.s32 $0xFFFFFFE0, s30;
	v9 =	vadd.s32 v9, v19;
	v6 =	vxor.u32 $0x80000000, v6;
	[tilespmem:v11+s15+$0x0] =	vst.idx.msk $0xffff, v29;
	v11 =	vsel vm5, v3, v31  }
0x23f: {  	s25 =	sadd.s32 $0xFFFFFFD0, s8;
	v32 =	vor.u32 s24, v1;
	v35 =	vor.u32 v0, v9;
	vm2 =	vgt.s32 v8, v5;
	[tilespmem:v13+s14+$0x0] =	vst.idx.msk $0xffff, v16;
	v34 =	vld [tilespmem:s31+$0xFFFFFFF0]  }
0x240: {  	v37 =	vor.u32 s25, v1;
	v38 =	vsel vm1, $0x0, v4;
	v36 =	vsel vm2, $0x0, v4;
	[tilespmem:v10+s14+$0x0] =	vst.idx.msk $0xffff, v22  }
0x241: {  	s23 =	sadd.s32 $0x10, s8;
	(xrf0) =	vmax.scan.msk.u32 $0xffff, v6;
	v9 =	vadd.s32 v9, v36;
	v16 =	vsel vm2, v3, v35;
	[tilespmem:v10+s15+$0x0] =	vst.idx.msk $0xffff, v37  }
0x242: {  	[tilespmem:v15+s15+$0x0] =	vst.idx.msk $0xffff, v32;
	v42 =	vor.u32 s23, v1;
	v40 =	vor.u32 v0, v9;
	vm6 =	vgt.s32 v30, v5;
	v19 =	vld [tilespmem:s1+$0xFFFFFFB0]  }
0x243: {  	v41 =	vsel vm6, $0x0, v4;
	v10 =	vadd.s32 v18, v38;
	v18 =	vsel vm6, v3, v40;
	[tilespmem:v11+s14+$0x0] =	vst.idx.msk $0xffff, v27  }
0x244: {  	v39 =	vld [tilespmem:s0+$0xFFFFFFC0];
	v9 =	vadd.s32 v9, v41;
	vm7 =	vgt.s32 v34, v5;
	[tilespmem:v11+s15+$0x0] =	vst.idx.msk $0xffff, v42  }
0x245: {  	s24 =	sadd.s32 $0x20, s30;
	[tilespmem:v13+s15+$0x0] =	vst.idx.msk $0xffff, v33;
	v11 =	vor.u32 v0, v9;
	v43 =	vsel vm7, $0x0, v4;
	v44 =	vld [tilespmem:s1+$0xFFFFFFF0]  }
0x246: {  	s25 =	sadd.s32 $0xFFFFFFE0, s7;
	v6 =	vor.u32 s24, v1;
	[tilespmem:v16+s14+$0x0] =	vst.idx.msk $0xffff, v8;
	v8 =	vsel vm7, v3, v11;
	v9 =	vadd.s32 v9, v43  }
0x247: {  	v46 =	vor.u32 s25, v1;
	v48, _, _ =	vpop (xrf0);
	[tilespmem:v16+s15+$0x0] =	vst.idx.msk $0xffff, v6;
	vm9 =	vgt.s32 v19, v5;
	v11 =	vor.u32 v0, v9  }
0x248: {  	(v2sf) =	vpush v48, $0xF;
	v16 =	vld [tilespmem:s0+$0x0];
	[tilespmem:v18+s14+$0x0] =	vst.idx.msk $0xffff, v30;
	v11 =	vsel vm9, v3, v11;
	v45 =	vsel vm9, $0x0, v4  }
0x249: {  	[tilespmem:v18+s15+$0x0] =	vst.idx.msk $0xffff, v46;
	v9 =	vadd.s32 v9, v45  }
0x24a: {  	s23 =	sadd.s32 $0x20, s7;
	vm8 =	vgt.s32 v39, v5;
	v18 =	vld [tilespmem:s31+$0xFFFFFFC0];
	vm10 =	vgt.s32 v44, v5;
	v12 =	vor.u32 v0, v9  }
0x24b: {  	v47 =	vor.u32 s23, v1;
	v6 =	vor.u32 v0, v10;
	[tilespmem:v8+s14+$0x0] =	vst.idx.msk $0xffff, v34;
	v12 =	vsel vm10, v3, v12  }
0x24c: {  	s24 =	sadd.s32 $0xFFFFFFE0, s8;
	v49 =	vsel vm8, $0x0, v4;
	v6 =	vsel vm8, v3, v6;
	[tilespmem:v8+s15+$0x0] =	vst.idx.msk $0xffff, v47  }
0x24d: {  	v50 =	vor.u32 s24, v1;
	vm11 =	vgt.s32 v16, v5;
	v8 =	vadd.s32 v10, v49;
	v10 =	vld [tilespmem:s31+$0x0];
	[tilespmem:v11+s14+$0x0] =	vst.idx.msk $0xffff, v19  }
0x24e: {  	v52 =	vsel vm11, $0x0, v4;
	[tilespmem:v11+s15+$0x0] =	vst.idx.msk $0xffff, v50  }
0x24f: {  	s25 =	sadd.s32 $0x20, s8;
	v51 =	vor.u32 v0, v8;
	v8 =	vadd.s32 v8, v52;
	vm12 =	vgt.s32 v18, v5;
	v53 =	vld [tilespmem:s1+$0xFFFFFFC0]  }
0x250: {  	v54 =	vor.u32 s25, v1;
	v56 =	vor.u32 v0, v8;
	v11 =	vsel vm11, v3, v51;
	[tilespmem:v12+s14+$0x0] =	vst.idx.msk $0xffff, v44  }
0x251: {  	s31 =	sadd.s32 $0xFFFFFFF0, s30;
	v57 =	vsel vm12, $0x0, v4;
	v58 =	vsel vm12, v3, v56;
	[tilespmem:v12+s15+$0x0] =	vst.idx.msk $0xffff, v54  }
0x252: {  	[tilespmem:v6+s14+$0x0] =	vst.idx.msk $0xffff, v39;
	v55 =	vor.u32 s31, v1;
	v8 =	vadd.s32 v8, v57;
	vm13 =	vgt.s32 v10, v5;
	v14 =	vld [tilespmem:s1+$0x0]  }
0x253: {  	[tilespmem:v6+s15+$0x0] =	vst.idx.msk $0xffff, v55;
	v6 =	vor.u32 v0, v8;
	v59 =	vsel vm13, $0x0, v4  }
0x254: {  	v6 =	vsel vm13, v3, v6;
	v8 =	vadd.s32 v8, v59;
	vm14 =	vgt.s32 v53, v5  }
0x255: {  	s9 =	sadd.s32 $0x30, s30;
	[tilespmem:v11+s14+$0x0] =	vst.idx.msk $0xffff, v16;
	v61 =	vor.u32 v0, v8;
	v62 =	vsel vm14, $0x0, v4  }
0x256: {  	v60 =	vor.u32 s9, v1;
	s23 =	sadd.s32 $0xFFFFFFF0, s7;
	[tilespmem:v58+s14+$0x0] =	vst.idx.msk $0xffff, v18;
	v63 =	vsel vm14, v3, v61;
	v8 =	vadd.s32 v8, v62  }
0x257: {  	s30 =	spop (v2sf);
	[tilespmem:v11+s15+$0x0] =	vst.idx.msk $0xffff, v60;
	v11 =	vor.u32 s23, v1;
	vm15 =	vgt.s32 v14, v5;
	v5 =	vor.u32 v0, v8  }
0x258: {  	s24 =	sadd.s32 $0x30, s7;
	s0 =	sshra.s32 s30, $0x4;
	[tilespmem:v58+s15+$0x0] =	vst.idx.msk $0xffff, v11;
	v5 =	vsel vm15, v3, v5  }
0x259: {  	p1 =	sgt.s32 s0, $0xFFFFFFFF;
	v11 =	vor.u32 s24, v1;
	[tilespmem:v6+s14+$0x0] =	vst.idx.msk $0xffff, v10  }
.Ltmp22:
0x25a: {  	s25 =	sadd.s32 $0xFFFFFFF0, s8;
	[tilespmem:v6+s15+$0x0] =	vst.idx.msk $0xffff, v11;
	(pc) =	sbr.rel @!p1 .LBB2_32-.Ltmp22, $4  }
0x25b: {  	v10 =	vor.u32 s25, v1;
	v6 =	vsel vm5, $0x0, v4;
	[tilespmem:v63+s14+$0x0] =	vst.idx.msk $0xffff, v53  }
0x25c: {  	s31 =	sadd.s32 $0x30, s8;
	v11 =	vadd.s32 v7, v6;
	v6 =	vsel vm10, $0x0, v4;
	[tilespmem:v63+s15+$0x0] =	vst.idx.msk $0xffff, v10  }
0x25d: {  	v7 =	vsel vm15, $0x0, v4;
	v10 =	vadd.s32 v9, v6;
	v6 =	vor.u32 s31, v1;
	[tilespmem:v5+s14+$0x0] =	vst.idx.msk $0xffff, v14  }
0x25e: {  	v9 =	vadd.s32 v8, v7;
	v8 =	vimm.s32 $0x7FFFFFFF;
	[tilespmem:v5+s15+$0x0] =	vst.idx.msk $0xffff, v6;
	v6 =	vlaneseq.u32  }
.Ltmp23:
0x25f: {  	(pc) =	sbr.rel .LBB2_34-.Ltmp23, $2  }
0x260: {  	_ =	sdelay $0x2  }
0x261: {  	v5 =	vimm.s32 $0x7FFFFFFF;
	v7 =	vlaneseq.u32  }
.LBB2_32:
0x262: {  	s8 =	simm.s32 $0x0;
	s1 =	simm.s32 $0x4100;
	s7 =	simm.s32 $0x4980;
	v7 =	vlaneseq.u32;
	v5 =	vimm.s32 $0x7FFFFFFF  }
.LBB2_33:
0x263: {  	v12 =	vld [tilespmem:s1+$0x0]  }
0x264: {  	v13 =	vld [tilespmem:s7+$0x0];
	_ =	sdelay $0x3  }
0x265: {  	v12 =	vxor.u32 $0x80000000, v12  }
0x266: {  	(xrf1) =	vsort.ascd.msk.u32 $0xffff, v12, v13;
	_ =	sdelay $0xc  }
0x267: {  	v61 =	vmul.u32 $0xFFFFFFFF, v0  }
0x268: {  	v13, v14, _ =	vpop (xrf1)  }
0x269: {  	v12 =	vadd.s32 $0xF, v61;
	v13 =	vxor.u32 $0x80000000, v13  }
0x26a: {  	v13 =	vperm.xlane v13, v12;
	_ =	sdelay $0x1  }
0x26b: {  	v14 =	vperm.xlane v14, v12;
	vm0 =	vgt.s32 v8, v13  }
0x26c: {  	v8 =	vsel vm0, v13, v8  }
0x26d: {  	v6 =	vsel vm0, v14, v6;
	v8 =	vxor.u32 $0x80000000, v8  }
0x26e: {  	(xrf1) =	vsort.ascd.msk.u32 $0xffff, v8, v6;
	_ =	sdelay $0xd  }
0x26f: {  	v6, v8, _ =	vpop (xrf1)  }
0x270: {  	v6 =	vxor.u32 $0x80000000, v6  }
0x271: {  	v6 =	vperm.xlane v6, v12;
	_ =	sdelay $0x1  }
0x272: {  	v8 =	vperm.xlane v8, v12;
	vm15 =	vgt.s32 v5, v6  }
0x273: {  	v62 =	vsel vm15, v6, v5  }
0x274: {  	v63 =	vsel vm15, v8, v7;
	v5 =	vsel vm15, v5, v6;
	v6 =	vxor.u32 $0x80000000, v62  }
0x275: {  	v7 =	vsel vm15, v7, v8;
	v5 =	vxor.u32 $0x80000000, v5;
	(xrf1) =	vsort.ascd.msk.u32 $0xffff, v6, v63  }
0x276: {  	(xrf1) =	vsort.ascd.msk.u32 $0xffff, v5, v7;
	_ =	sdelay $0x8  }
0x277: {  	s9 =	sxor.u32 s8, s0  }
0x278: {  	p1 =	sne.s32 s9, $0xF8000000  }
.Ltmp24:
0x279: {  	_ = 	snop;
	(pc) =	sbr.rel @p1 .LBB2_33-.Ltmp24, $4  }
0x27a: {  	_ = 	snop  }
0x27b: {  	v5, v7, _ =	vpop (xrf1)  }
0x27c: {  	v8, v6, _ =	vpop (xrf1)  }
0x27d: {  	[tilespmem:s1+$0x0] =	vst v2;
	s8 =	sadd.s32 $0x1, s8;
	s1 =	sadd.s32 $0x10, s1;
	s7 =	sadd.s32 $0x10, s7;
	v5 =	vxor.u32 $0x80000000, v5;
	v8 =	vxor.u32 $0x80000000, v8  }
.LBB2_34:
0x27e: {  	v11 =	vxor.u32 $0x80000000, v11  }
0x27f: {  	(xrf0) =	vmax.scan.msk.u32 $0xffff, v11;
	_ =	sdelay $0x5  }
0x280: {  	v11, _, _ =	vpop (xrf0)  }
0x281: {  	(v2sf) =	vpush v11, $0xF;
	_ =	sdelay $0xe  }
0x282: {  	s0 =	spop (v2sf)  }
0x283: {  	s0 =	sadd.s32 $0x7FFFFE00, s0  }
0x284: {  	s0 =	sshra.s32 s0, $0x4  }
0x285: {  	p1 =	slt.s32 s0, $0x0  }
.Ltmp25:
0x286: {  	_ = 	snop;
	(pc) =	sbr.rel @p1 .LBB2_40-.Ltmp25, $1  }
0x287: {  	_ =	sdelay $0x3  }
0x288: {  	s1 =	simm.s32 $0x0  }
0x289: {  	s7 =	sand.u32 $0xFFFFFFF0, s1  }
0x28a: {  	v11 =	vld [tilespmem:s7+$0x4300]  }
0x28b: {  	v12 =	vld [tilespmem:s7+$0x4B80];
	_ =	sdelay $0x3  }
0x28c: {  	v11 =	vxor.u32 $0x80000000, v11  }
0x28d: {  	(xrf1) =	vsort.ascd.msk.u32 $0xffff, v11, v12;
	_ =	sdelay $0x8  }
0x28e: {  	s0 =	sadd.s32 $0x1, s0  }
0x28f: {  	p2 =	sne.s32 s0, $0x1  }
.Ltmp26:
0x290: {  	_ = 	snop;
	(pc) =	sbr.rel @!p2 .LBB2_36-.Ltmp26, $4  }
0x291: {  	_ = 	snop  }
0x292: {  	v11 =	vmul.u32 $0xFFFFFFFF, v0  }
0x293: {  	v13, v12, _ =	vpop (xrf1)  }
0x294: {  	p1 =	por $0x0, $0x0;
	s1 =	sadd.s32 $0xFFFFFFFF, s0;
	[tilespmem:s7+$0x4300] =	vst v2;
	v11 =	vadd.s32 $0xF, v11;
	v14 =	vxor.u32 $0x80000000, v13  }
0x295: {  	v13 =	vperm.xlane v14, v11;
	_ =	sdelay $0x1  }
0x296: {  	v12 =	vperm.xlane v12, v11;
	vm0 =	vgt.s32 v8, v13  }
0x297: {  	v13 =	vsel vm0, v13, v8  }
0x298: {  	v12 =	vsel vm0, v12, v6;
	v13 =	vxor.u32 $0x80000000, v13  }
0x299: {  	(xrf1) =	vsort.ascd.msk.u32 $0xffff, v13, v12;
	_ =	sdelay $0x5  }
0x29a: {  	s0 =	simm.s32 $0x10  }
0x29b: {  	s7 =	sand.u32 $0xFFFFFFF0, s0  }
0x29c: {  	v12 =	vld [tilespmem:s7+$0x4300]  }
0x29d: {  	v15 =	vld [tilespmem:s7+$0x4B80];
	_ =	sdelay $0x3  }
0x29e: {  	v12 =	vxor.u32 $0x80000000, v12  }
0x29f: {  	v13, v14, _ =	vpop (xrf1);
	(xrf1) =	vsort.ascd.msk.u32 $0xffff, v12, v15;
	_ =	sdelay $0x3  }
0x2a0: {  	v13 =	vxor.u32 $0x80000000, v13  }
0x2a1: {  	v13 =	vperm.xlane v13, v11;
	_ =	sdelay $0x1  }
0x2a2: {  	v14 =	vperm.xlane v14, v11;
	vm15 =	vgt.s32 v5, v13  }
0x2a3: {  	v16 =	vsel vm15, v13, v5  }
0x2a4: {  	v12 =	vsel vm15, v14, v7;
	v15 =	vxor.u32 $0x80000000, v16  }
0x2a5: {  	(xrf1) =	vsort.ascd.msk.u32 $0xffff, v15, v12;
	v12 =	vsel vm15, v5, v13;
	_ =	sdelay $0x2  }
0x2a6: {  	v7 =	vsel vm15, v7, v14;
	v13 =	vxor.u32 $0x80000000, v12  }
0x2a7: {  	v14, v12, _ =	vpop (xrf1);
	(xrf1) =	vsort.ascd.msk.u32 $0xffff, v13, v7;
	_ =	sdelay $0x7  }
0x2a8: {  	p2 =	sne.s32 s1, $0x1  }
.Ltmp27:
0x2a9: {  	_ = 	snop;
	(pc) =	sbr.rel @!p2 .LBB2_39-.Ltmp27, $2  }
0x2aa: {  	_ =	sdelay $0x2  }
0x2ab: {  	s1 =	sadd.s32 $0xFFFFFFFF, s1;
	p1 =	por $0x1, $0x1;
	[tilespmem:s7+$0x4300] =	vst v2;
	v14 =	vxor.u32 $0x80000000, v14;
	v13, v7, _ =	vpop (xrf1)  }
.LBB2_38:
0x2ac: {  	p2 =	sne.s32 s1, $0x1;
	s1 =	sadd.s32 $0xFFFFFFFF, s1;
	v14 =	vperm.xlane v14, v11;
	v13 =	vxor.u32 $0x80000000, v13;
	v16, v15, _ =	vpop (xrf1)  }
0x2ad: {  	v16 =	vxor.u32 $0x80000000, v16  }
0x2ae: {  	v12 =	vperm.xlane v12, v11;
	vm0 =	vgt.s32 v16, v14  }
0x2af: {  	v14 =	vsel vm0, v14, v16  }
0x2b0: {  	v12 =	vsel vm0, v12, v15;
	v14 =	vxor.u32 $0x80000000, v14  }
0x2b1: {  	(xrf1) =	vsort.ascd.msk.u32 $0xffff, v14, v12;
	_ =	sdelay $0xb  }
0x2b2: {  	s0 =	sadd.s32 $0x10, s0  }
0x2b3: {  	s7 =	sand.u32 $0xFFFFFFF0, s0  }
0x2b4: {  	v12 =	vld [tilespmem:s7+$0x4300];
	v14, v15, _ =	vpop (xrf1)  }
0x2b5: {  	v16 =	vld [tilespmem:s7+$0x4B80];
	[tilespmem:s7+$0x4300] =	vst v2;
	v14 =	vxor.u32 $0x80000000, v14  }
0x2b6: {  	v14 =	vperm.xlane v14, v11;
	_ =	sdelay $0x1  }
0x2b7: {  	v15 =	vperm.xlane v15, v11;
	vm0 =	vgt.s32 v13, v14  }
0x2b8: {  	v12 =	vxor.u32 $0x80000000, v12;
	v17 =	vsel vm0, v14, v13;
	v13 =	vsel vm0, v13, v14  }
0x2b9: {  	(xrf1) =	vsort.ascd.msk.u32 $0xffff, v12, v16;
	v12 =	vsel vm0, v15, v7;
	v14 =	vxor.u32 $0x80000000, v17;
	v13 =	vxor.u32 $0x80000000, v13  }
0x2ba: {  	v7 =	vsel vm0, v7, v15;
	(xrf1) =	vsort.ascd.msk.u32 $0xffff, v14, v12  }
0x2bb: {  	(xrf1) =	vsort.ascd.msk.u32 $0xffff, v13, v7;
	_ =	sdelay $0x8  }
.Ltmp28:
0x2bc: {  	(pc) =	sbr.rel @p2 .LBB2_38-.Ltmp28, $3  }
0x2bd: {  	_ =	sdelay $0x1  }
0x2be: {  	v15, v12, _ =	vpop (xrf1)  }
0x2bf: {  	v14 =	vxor.u32 $0x80000000, v15;
	v13, v7, _ =	vpop (xrf1)  }
.LBB2_39:
0x2c0: {  	v15, v16, _ =	vpop @p1 (xrf1)  }
0x2c1: {  	v14 =	vperm.xlane v14, v11;
	v15 =	vxor.u32 @p1 $0x80000000, v15  }
0x2c2: {  	v8 =	vpsel p1, v15, v8  }
0x2c3: {  	v12 =	vperm.xlane v12, v11;
	vm0 =	vgt.s32 v8, v14  }
0x2c4: {  	v6 =	vpsel p1, v16, v6;
	v8 =	vsel vm0, v14, v8  }
0x2c5: {  	v6 =	vsel vm0, v12, v6;
	v8 =	vxor.u32 $0x80000000, v8  }
0x2c6: {  	(xrf1) =	vsort.ascd.msk.u32 $0xffff, v8, v6;
	_ =	sdelay $0xd  }
0x2c7: {  	v6, v8, _ =	vpop (xrf1)  }
0x2c8: {  	v6 =	vxor.u32 $0x80000000, v6  }
0x2c9: {  	v12 =	vxor.u32 @p1 $0x80000000, v13;
	v6 =	vperm.xlane v6, v11  }
0x2ca: {  	v5 =	vpsel p1, v12, v5  }
0x2cb: {  	v8 =	vperm.xlane v8, v11;
	vm15 =	vgt.s32 v5, v6  }
0x2cc: {  	v11 =	vsel vm15, v6, v5  }
0x2cd: {  	v5 =	vsel vm15, v5, v6;
	v6 =	vsel vm15, v8, v7;
	v11 =	vxor.u32 $0x80000000, v11  }
0x2ce: {  	v7 =	vsel vm15, v7, v8;
	v5 =	vxor.u32 $0x80000000, v5;
	(xrf1) =	vsort.ascd.msk.u32 $0xffff, v11, v6  }
0x2cf: {  	(xrf1) =	vsort.ascd.msk.u32 $0xffff, v5, v7;
	_ =	sdelay $0xc  }
0x2d0: {  	v5, v7, _ =	vpop (xrf1)  }
0x2d1: {  	v8, v6, _ =	vpop (xrf1)  }
0x2d2: {  	v5 =	vxor.u32 $0x80000000, v5;
	v8 =	vxor.u32 $0x80000000, v8  }
.LBB2_40:
0x2d3: {  	v10 =	vxor.u32 $0x80000000, v10  }
0x2d4: {  	(xrf0) =	vmax.scan.msk.u32 $0xffff, v10;
	_ =	sdelay $0x5  }
0x2d5: {  	v10, _, _ =	vpop (xrf0)  }
0x2d6: {  	(v2sf) =	vpush v10, $0xF;
	_ =	sdelay $0xe  }
0x2d7: {  	s0 =	spop (v2sf)  }
0x2d8: {  	s0 =	sadd.s32 $0x7FFFFC00, s0  }
0x2d9: {  	s0 =	sshra.s32 s0, $0x4  }
0x2da: {  	p1 =	slt.s32 s0, $0x0  }
.Ltmp29:
0x2db: {  	_ = 	snop;
	(pc) =	sbr.rel @p1 .LBB2_46-.Ltmp29, $1  }
0x2dc: {  	_ =	sdelay $0x3  }
0x2dd: {  	s1 =	simm.s32 $0x0  }
0x2de: {  	s7 =	sand.u32 $0xFFFFFFF0, s1  }
0x2df: {  	v10 =	vld [tilespmem:s7+$0x4500]  }
0x2e0: {  	v11 =	vld [tilespmem:s7+$0x4D80];
	_ =	sdelay $0x3  }
0x2e1: {  	v10 =	vxor.u32 $0x80000000, v10  }
0x2e2: {  	(xrf1) =	vsort.ascd.msk.u32 $0xffff, v10, v11;
	_ =	sdelay $0x8  }
0x2e3: {  	s0 =	sadd.s32 $0x1, s0  }
0x2e4: {  	p2 =	sne.s32 s0, $0x1  }
.Ltmp30:
0x2e5: {  	_ = 	snop;
	(pc) =	sbr.rel @!p2 .LBB2_42-.Ltmp30, $4  }
0x2e6: {  	_ = 	snop  }
0x2e7: {  	v10 =	vmul.u32 $0xFFFFFFFF, v0  }
0x2e8: {  	v12, v11, _ =	vpop (xrf1)  }
0x2e9: {  	p1 =	por $0x0, $0x0;
	s1 =	sadd.s32 $0xFFFFFFFF, s0;
	[tilespmem:s7+$0x4500] =	vst v2;
	v10 =	vadd.s32 $0xF, v10;
	v13 =	vxor.u32 $0x80000000, v12  }
0x2ea: {  	v12 =	vperm.xlane v13, v10;
	_ =	sdelay $0x1  }
0x2eb: {  	v11 =	vperm.xlane v11, v10;
	vm0 =	vgt.s32 v8, v12  }
0x2ec: {  	v12 =	vsel vm0, v12, v8  }
0x2ed: {  	v11 =	vsel vm0, v11, v6;
	v12 =	vxor.u32 $0x80000000, v12  }
0x2ee: {  	(xrf1) =	vsort.ascd.msk.u32 $0xffff, v12, v11;
	_ =	sdelay $0x5  }
0x2ef: {  	s0 =	simm.s32 $0x10  }
0x2f0: {  	s7 =	sand.u32 $0xFFFFFFF0, s0  }
0x2f1: {  	v11 =	vld [tilespmem:s7+$0x4500]  }
0x2f2: {  	v14 =	vld [tilespmem:s7+$0x4D80];
	_ =	sdelay $0x3  }
0x2f3: {  	v11 =	vxor.u32 $0x80000000, v11  }
0x2f4: {  	v12, v13, _ =	vpop (xrf1);
	(xrf1) =	vsort.ascd.msk.u32 $0xffff, v11, v14;
	_ =	sdelay $0x3  }
0x2f5: {  	v12 =	vxor.u32 $0x80000000, v12  }
0x2f6: {  	v12 =	vperm.xlane v12, v10;
	_ =	sdelay $0x1  }
0x2f7: {  	v13 =	vperm.xlane v13, v10;
	vm15 =	vgt.s32 v5, v12  }
0x2f8: {  	v15 =	vsel vm15, v12, v5  }
0x2f9: {  	v11 =	vsel vm15, v13, v7;
	v14 =	vxor.u32 $0x80000000, v15  }
0x2fa: {  	(xrf1) =	vsort.ascd.msk.u32 $0xffff, v14, v11;
	v11 =	vsel vm15, v5, v12;
	_ =	sdelay $0x2  }
0x2fb: {  	v7 =	vsel vm15, v7, v13;
	v12 =	vxor.u32 $0x80000000, v11  }
0x2fc: {  	v13, v11, _ =	vpop (xrf1);
	(xrf1) =	vsort.ascd.msk.u32 $0xffff, v12, v7;
	_ =	sdelay $0x7  }
0x2fd: {  	p2 =	sne.s32 s1, $0x1  }
.Ltmp31:
0x2fe: {  	_ = 	snop;
	(pc) =	sbr.rel @!p2 .LBB2_45-.Ltmp31, $2  }
0x2ff: {  	_ =	sdelay $0x2  }
0x300: {  	s1 =	sadd.s32 $0xFFFFFFFF, s1;
	p1 =	por $0x1, $0x1;
	[tilespmem:s7+$0x4500] =	vst v2;
	v13 =	vxor.u32 $0x80000000, v13;
	v12, v7, _ =	vpop (xrf1)  }
.LBB2_44:
0x301: {  	p2 =	sne.s32 s1, $0x1;
	s1 =	sadd.s32 $0xFFFFFFFF, s1;
	v13 =	vperm.xlane v13, v10;
	v12 =	vxor.u32 $0x80000000, v12;
	v15, v14, _ =	vpop (xrf1)  }
0x302: {  	v15 =	vxor.u32 $0x80000000, v15  }
0x303: {  	v11 =	vperm.xlane v11, v10;
	vm0 =	vgt.s32 v15, v13  }
0x304: {  	v13 =	vsel vm0, v13, v15  }
0x305: {  	v11 =	vsel vm0, v11, v14;
	v13 =	vxor.u32 $0x80000000, v13  }
0x306: {  	(xrf1) =	vsort.ascd.msk.u32 $0xffff, v13, v11;
	_ =	sdelay $0xb  }
0x307: {  	s0 =	sadd.s32 $0x10, s0  }
0x308: {  	s7 =	sand.u32 $0xFFFFFFF0, s0  }
0x309: {  	v11 =	vld [tilespmem:s7+$0x4500];
	v13, v14, _ =	vpop (xrf1)  }
0x30a: {  	v15 =	vld [tilespmem:s7+$0x4D80];
	[tilespmem:s7+$0x4500] =	vst v2;
	v13 =	vxor.u32 $0x80000000, v13  }
0x30b: {  	v13 =	vperm.xlane v13, v10;
	_ =	sdelay $0x1  }
0x30c: {  	v14 =	vperm.xlane v14, v10;
	vm0 =	vgt.s32 v12, v13  }
0x30d: {  	v11 =	vxor.u32 $0x80000000, v11;
	v16 =	vsel vm0, v13, v12;
	v12 =	vsel vm0, v12, v13  }
0x30e: {  	(xrf1) =	vsort.ascd.msk.u32 $0xffff, v11, v15;
	v11 =	vsel vm0, v14, v7;
	v13 =	vxor.u32 $0x80000000, v16;
	v12 =	vxor.u32 $0x80000000, v12  }
0x30f: {  	v7 =	vsel vm0, v7, v14;
	(xrf1) =	vsort.ascd.msk.u32 $0xffff, v13, v11  }
0x310: {  	(xrf1) =	vsort.ascd.msk.u32 $0xffff, v12, v7;
	_ =	sdelay $0x8  }
.Ltmp32:
0x311: {  	(pc) =	sbr.rel @p2 .LBB2_44-.Ltmp32, $3  }
0x312: {  	_ =	sdelay $0x1  }
0x313: {  	v14, v11, _ =	vpop (xrf1)  }
0x314: {  	v13 =	vxor.u32 $0x80000000, v14;
	v12, v7, _ =	vpop (xrf1)  }
.LBB2_45:
0x315: {  	v14, v15, _ =	vpop @p1 (xrf1)  }
0x316: {  	v13 =	vperm.xlane v13, v10;
	v14 =	vxor.u32 @p1 $0x80000000, v14  }
0x317: {  	v8 =	vpsel p1, v14, v8  }
0x318: {  	v11 =	vperm.xlane v11, v10;
	vm0 =	vgt.s32 v8, v13  }
0x319: {  	v6 =	vpsel p1, v15, v6;
	v8 =	vsel vm0, v13, v8  }
0x31a: {  	v6 =	vsel vm0, v11, v6;
	v8 =	vxor.u32 $0x80000000, v8  }
0x31b: {  	(xrf1) =	vsort.ascd.msk.u32 $0xffff, v8, v6;
	_ =	sdelay $0xd  }
0x31c: {  	v6, v8, _ =	vpop (xrf1)  }
0x31d: {  	v6 =	vxor.u32 $0x80000000, v6  }
0x31e: {  	v11 =	vxor.u32 @p1 $0x80000000, v12;
	v6 =	vperm.xlane v6, v10  }
0x31f: {  	v5 =	vpsel p1, v11, v5  }
0x320: {  	v8 =	vperm.xlane v8, v10;
	vm15 =	vgt.s32 v5, v6  }
0x321: {  	v10 =	vsel vm15, v6, v5  }
0x322: {  	v5 =	vsel vm15, v5, v6;
	v6 =	vsel vm15, v8, v7;
	v10 =	vxor.u32 $0x80000000, v10  }
0x323: {  	v7 =	vsel vm15, v7, v8;
	v5 =	vxor.u32 $0x80000000, v5;
	(xrf1) =	vsort.ascd.msk.u32 $0xffff, v10, v6  }
0x324: {  	(xrf1) =	vsort.ascd.msk.u32 $0xffff, v5, v7;
	_ =	sdelay $0xc  }
0x325: {  	v5, v7, _ =	vpop (xrf1)  }
0x326: {  	v8, v6, _ =	vpop (xrf1)  }
0x327: {  	v5 =	vxor.u32 $0x80000000, v5;
	v8 =	vxor.u32 $0x80000000, v8  }
.LBB2_46:
0x328: {  	v9 =	vxor.u32 $0x80000000, v9  }
0x329: {  	(xrf0) =	vmax.scan.msk.u32 $0xffff, v9;
	_ =	sdelay $0x5  }
0x32a: {  	v9, _, _ =	vpop (xrf0)  }
0x32b: {  	(v2sf) =	vpush v9, $0xF;
	_ =	sdelay $0xe  }
0x32c: {  	s0 =	spop (v2sf)  }
0x32d: {  	s0 =	sadd.s32 $0x7FFFFA00, s0  }
0x32e: {  	s0 =	sshra.s32 s0, $0x4  }
0x32f: {  	p1 =	slt.s32 s0, $0x0  }
.Ltmp33:
0x330: {  	_ = 	snop;
	(pc) =	sbr.rel @p1 .LBB2_52-.Ltmp33, $1  }
0x331: {  	_ =	sdelay $0x3  }
0x332: {  	s1 =	simm.s32 $0x0  }
0x333: {  	s7 =	sand.u32 $0xFFFFFFF0, s1  }
0x334: {  	v9 =	vld [tilespmem:s7+$0x4700]  }
0x335: {  	v10 =	vld [tilespmem:s7+$0x4F80];
	_ =	sdelay $0x3  }
0x336: {  	v9 =	vxor.u32 $0x80000000, v9  }
0x337: {  	(xrf1) =	vsort.ascd.msk.u32 $0xffff, v9, v10;
	_ =	sdelay $0x8  }
0x338: {  	s0 =	sadd.s32 $0x1, s0  }
0x339: {  	p2 =	sne.s32 s0, $0x1  }
.Ltmp34:
0x33a: {  	_ = 	snop;
	(pc) =	sbr.rel @!p2 .LBB2_48-.Ltmp34, $4  }
0x33b: {  	_ = 	snop  }
0x33c: {  	v9 =	vmul.u32 $0xFFFFFFFF, v0  }
0x33d: {  	v11, v10, _ =	vpop (xrf1)  }
0x33e: {  	p1 =	por $0x0, $0x0;
	s1 =	sadd.s32 $0xFFFFFFFF, s0;
	[tilespmem:s7+$0x4700] =	vst v2;
	v9 =	vadd.s32 $0xF, v9;
	v12 =	vxor.u32 $0x80000000, v11  }
0x33f: {  	v11 =	vperm.xlane v12, v9;
	_ =	sdelay $0x1  }
0x340: {  	v10 =	vperm.xlane v10, v9;
	vm0 =	vgt.s32 v8, v11  }
0x341: {  	v11 =	vsel vm0, v11, v8  }
0x342: {  	v10 =	vsel vm0, v10, v6;
	v11 =	vxor.u32 $0x80000000, v11  }
0x343: {  	(xrf1) =	vsort.ascd.msk.u32 $0xffff, v11, v10;
	_ =	sdelay $0x5  }
0x344: {  	s0 =	simm.s32 $0x10  }
0x345: {  	s7 =	sand.u32 $0xFFFFFFF0, s0  }
0x346: {  	v10 =	vld [tilespmem:s7+$0x4700]  }
0x347: {  	v13 =	vld [tilespmem:s7+$0x4F80];
	_ =	sdelay $0x3  }
0x348: {  	v10 =	vxor.u32 $0x80000000, v10  }
0x349: {  	v11, v12, _ =	vpop (xrf1);
	(xrf1) =	vsort.ascd.msk.u32 $0xffff, v10, v13;
	_ =	sdelay $0x3  }
0x34a: {  	v11 =	vxor.u32 $0x80000000, v11  }
0x34b: {  	v11 =	vperm.xlane v11, v9;
	_ =	sdelay $0x1  }
0x34c: {  	v12 =	vperm.xlane v12, v9;
	vm15 =	vgt.s32 v5, v11  }
0x34d: {  	v14 =	vsel vm15, v11, v5  }
0x34e: {  	v10 =	vsel vm15, v12, v7;
	v13 =	vxor.u32 $0x80000000, v14  }
0x34f: {  	(xrf1) =	vsort.ascd.msk.u32 $0xffff, v13, v10;
	v10 =	vsel vm15, v5, v11;
	_ =	sdelay $0x2  }
0x350: {  	v7 =	vsel vm15, v7, v12;
	v11 =	vxor.u32 $0x80000000, v10  }
0x351: {  	v12, v10, _ =	vpop (xrf1);
	(xrf1) =	vsort.ascd.msk.u32 $0xffff, v11, v7;
	_ =	sdelay $0x7  }
0x352: {  	p2 =	sne.s32 s1, $0x1  }
.Ltmp35:
0x353: {  	_ = 	snop;
	(pc) =	sbr.rel @!p2 .LBB2_51-.Ltmp35, $2  }
0x354: {  	_ =	sdelay $0x2  }
0x355: {  	s1 =	sadd.s32 $0xFFFFFFFF, s1;
	p1 =	por $0x1, $0x1;
	[tilespmem:s7+$0x4700] =	vst v2;
	v12 =	vxor.u32 $0x80000000, v12;
	v11, v7, _ =	vpop (xrf1)  }
.LBB2_50:
0x356: {  	p2 =	sne.s32 s1, $0x1;
	s1 =	sadd.s32 $0xFFFFFFFF, s1;
	v12 =	vperm.xlane v12, v9;
	v11 =	vxor.u32 $0x80000000, v11;
	v14, v13, _ =	vpop (xrf1)  }
0x357: {  	v14 =	vxor.u32 $0x80000000, v14  }
0x358: {  	v10 =	vperm.xlane v10, v9;
	vm0 =	vgt.s32 v14, v12  }
0x359: {  	v12 =	vsel vm0, v12, v14  }
0x35a: {  	v10 =	vsel vm0, v10, v13;
	v12 =	vxor.u32 $0x80000000, v12  }
0x35b: {  	(xrf1) =	vsort.ascd.msk.u32 $0xffff, v12, v10;
	_ =	sdelay $0xb  }
0x35c: {  	s0 =	sadd.s32 $0x10, s0  }
0x35d: {  	s7 =	sand.u32 $0xFFFFFFF0, s0  }
0x35e: {  	v10 =	vld [tilespmem:s7+$0x4700];
	v12, v13, _ =	vpop (xrf1)  }
0x35f: {  	v14 =	vld [tilespmem:s7+$0x4F80];
	[tilespmem:s7+$0x4700] =	vst v2;
	v12 =	vxor.u32 $0x80000000, v12  }
0x360: {  	v12 =	vperm.xlane v12, v9;
	_ =	sdelay $0x1  }
0x361: {  	v13 =	vperm.xlane v13, v9;
	vm0 =	vgt.s32 v11, v12  }
0x362: {  	v10 =	vxor.u32 $0x80000000, v10;
	v15 =	vsel vm0, v12, v11;
	v11 =	vsel vm0, v11, v12  }
0x363: {  	(xrf1) =	vsort.ascd.msk.u32 $0xffff, v10, v14;
	v10 =	vsel vm0, v13, v7;
	v12 =	vxor.u32 $0x80000000, v15;
	v11 =	vxor.u32 $0x80000000, v11  }
0x364: {  	v7 =	vsel vm0, v7, v13;
	(xrf1) =	vsort.ascd.msk.u32 $0xffff, v12, v10  }
0x365: {  	(xrf1) =	vsort.ascd.msk.u32 $0xffff, v11, v7;
	_ =	sdelay $0x8  }
.Ltmp36:
0x366: {  	(pc) =	sbr.rel @p2 .LBB2_50-.Ltmp36, $3  }
0x367: {  	_ =	sdelay $0x1  }
0x368: {  	v13, v10, _ =	vpop (xrf1)  }
0x369: {  	v12 =	vxor.u32 $0x80000000, v13;
	v11, v7, _ =	vpop (xrf1)  }
.Ltmp37:
0x36a: {  	_ = 	snop;
	(pc) =	sbr.rel .LBB2_51-.Ltmp37, $1  }
0x36b: {  	_ =	sdelay $0x3  }
.LBB2_12:
.Ltmp38:
0x36c: {  	(pc) =	sbr.rel .LBB2_15-.Ltmp38, $2  }
0x36d: {  	_ =	sdelay $0x2  }
0x36e: {  	_ = 	snop  }
.LBB2_18:
.Ltmp39:
0x36f: {  	(pc) =	sbr.rel .LBB2_21-.Ltmp39, $2  }
0x370: {  	_ =	sdelay $0x2  }
0x371: {  	_ = 	snop  }
.LBB2_24:
.Ltmp40:
0x372: {  	(pc) =	sbr.rel .LBB2_27-.Ltmp40, $2  }
0x373: {  	_ =	sdelay $0x2  }
0x374: {  	_ = 	snop  }
.LBB2_36:
.Ltmp41:
0x375: {  	(pc) =	sbr.rel .LBB2_39-.Ltmp41, $2  }
0x376: {  	_ =	sdelay $0x2  }
0x377: {  	_ = 	snop  }
.LBB2_42:
.Ltmp42:
0x378: {  	(pc) =	sbr.rel .LBB2_45-.Ltmp42, $2  }
0x379: {  	_ =	sdelay $0x2  }
0x37a: {  	_ = 	snop  }
.LBB2_54:
0x37b: {  	_ =	sfence.sel $0x180000  }
0x37c: {  	[bflag:$0x0] =	sbarrier.arrive $0xFFFF  }
0x37d: {  	_ =	strace $0x9000004A  }
0x37e: {  	s0 =	stileid.u32;
	[bflag:$0x2] =	sbarrier.arrive $0xFFFF  }
0x37f: {  	p0 =	sne.s32 s0, $0x0;
	s0 =	rddreg [dreg:$0x1]  }
0x380: {  	s0 =	sadd.s32 @!p0 $0x100000, s0  }
0x381: {  	[sflag:s0] =	ssyncadd.tile.s32 @!p0 $0x1;
	_ =	shalt  }
.Lfunc_end2:
_tile_overlayer_lowered:
.L_overlay_start_2:
0x382: {  	(tag) =	ssettag $0x2  }
0x383: {  	s0 =	rddreg [dreg:$0x0];
	s2 =	stileid.u32  }
0x384: {  	s1 =	rddreg [dreg:$0x1];
	p0 =	sne.s32 s2, $0x0  }
0x385: {  	s3 =	rddreg [dreg:$0x2];
	[bflag:$0x3] =	sbarrier.arrive $0xFFFF;
	s2 =	simm.s32 @!p0 $0x1C07  }
0x386: {  	[timem:s3], [sflag:s2] =	dma.local @!p0 [hbm:s0], s1  }
0x387: {  	s0 =	simm.s32 @!p0 $0x7  }
0x388: {  	_ =	swait.ge @!p0 [sflag:s0], s1  }
0x389: {  	s1 =	ssub.s32 @!p0 $0x0, s1;
	[sflag:s0] =	ssyncset.done @!p0 $0x0  }
0x38a: {  	[sflag:s0] =	ssyncadd.s32 @!p0 s1  }
0x38b: {  	[bflag:$0x3] =	sbarrier.arrive $0xFFFF  }
0x38c: {  	_ =	shalt  }

</sc_bundles>
